<compile_context>
chip_gen: v7x
topology: tpu7x:2x2x1
jax: 0.10.2.dev20260603
libtpu: 0.0.44.dev20260713+nightly
codegen_flags: <defaults>
</compile_context>

<pallas_src>
import functools

import jax
import jax.numpy as jnp
from jax import lax
from jax.experimental import pallas as pl
from jax.experimental.pallas import tpu as pltpu
from jax.experimental.pallas import tpu_sc as plsc

D = 16
NC = 2
NS = 16
NW = NC * NS
C = 128
CR = C // 8

_BCAST_DNUMS = lax.GatherDimensionNumbers(
    offset_dims=(), collapsed_slice_dims=(0,), start_index_map=(0,))

_MESH = plsc.VectorSubcoreMesh(core_axis_name="c", subcore_axis_name="s")


def _wid():
    return lax.axis_index("s") * NC + lax.axis_index("c")


def _pack_slices(c):
    return c >> 3, pl.ds((c & 7) * D, D)


def _build_pack_kernel(n_total):
    npw = n_total // NW
    g_cnt = npw // C
    g_half = g_cnt // 2

    @functools.partial(
        pl.kernel,
        out_type=(jax.ShapeDtypeStruct((n_total // 8, 128), jnp.float32),
                  jax.ShapeDtypeStruct((n_total // 8, 128), jnp.float32)),
        mesh=_MESH,
        compiler_params=pltpu.CompilerParams(use_tc_tiling_on_sc=False),
        scratch_types=[
            pltpu.VMEM((2, 3, C), jnp.int32),
            pltpu.VMEM((2, 2 * C, D), jnp.float32),
            pltpu.VMEM((2, C, D), jnp.float32),
            pltpu.VMEM((2, CR, 128), jnp.float32),
            pltpu.VMEM((2, CR, 128), jnp.float32),
            pltpu.SemaphoreType.DMA,
            pltpu.SemaphoreType.DMA,
            pltpu.SemaphoreType.DMA,
            pltpu.SemaphoreType.DMA,
            pltpu.SemaphoreType.DMA,
            pltpu.SemaphoreType.DMA,
        ],
    )
    def pack_kernel(pos_hbm, al0_hbm, al1_hbm, atab_hbm, btab_hbm,
                    asum_hbm, bpack_hbm,
                    idx_v, arows_v, brows_v, apack_v, bpack_v,
                    sem_i0, sem_i1, sem_g0, sem_g1, sem_o0, sem_o1):
        base0 = _wid() * npw
        sem_i = (sem_i0, sem_i1)
        sem_g = (sem_g0, sem_g1)
        sem_o = (sem_o0, sem_o1)

        def idx_descs(slot, base):
            return (
                pltpu.make_async_copy(pos_hbm.at[pl.ds(base, C)],
                                      idx_v.at[slot, 0], sem_i[slot]),
                pltpu.make_async_copy(al0_hbm.at[pl.ds(base, C)],
                                      idx_v.at[slot, 1], sem_i[slot]),
                pltpu.make_async_copy(al1_hbm.at[pl.ds(base, C)],
                                      idx_v.at[slot, 2], sem_i[slot]),
            )

        def gather_descs(slot):
            return (
                pltpu.make_async_copy(btab_hbm.at[idx_v.at[slot, 0]],
                                      brows_v.at[slot], sem_g[slot]),
                pltpu.make_async_copy(atab_hbm.at[idx_v.at[slot, 1]],
                                      arows_v.at[slot, pl.ds(0, C)],
                                      sem_g[slot]),
                pltpu.make_async_copy(atab_hbm.at[idx_v.at[slot, 2]],
                                      arows_v.at[slot, pl.ds(C, C)],
                                      sem_g[slot]),
            )

        def out_descs(slot, base):
            return (
                pltpu.make_async_copy(apack_v.at[slot],
                                      asum_hbm.at[pl.ds(base >> 3, CR)],
                                      sem_o[slot]),
                pltpu.make_async_copy(bpack_v.at[slot],
                                      bpack_hbm.at[pl.ds(base >> 3, CR)],
                                      sem_o[slot]),
            )

        def prefetch(slot, base):
            for d in idx_descs(slot, base):
                d.start()
            for d in idx_descs(slot, base):
                d.wait()
            for d in gather_descs(slot):
                d.start()

        def compute(slot):
            @plsc.parallel_loop(0, C, 1, unroll=4)
            def _(c):
                cb, cs = _pack_slices(c)
                apack_v[slot, cb, cs] = (arows_v[slot, c, :] +
                                         arows_v[slot, C + c, :])
                bpack_v[slot, cb, cs] = brows_v[slot, c, :]

        prefetch(0, base0)

        def body(gg, carry):
            b0 = base0 + (2 * gg) * C
            b1 = b0 + C

            prefetch(1, b1)
            for d in gather_descs(0):
                d.wait()

            @pl.when(gg > 0)
            def _():
                for d in out_descs(0, b0):
                    d.wait()

            compute(0)
            for d in out_descs(0, b0):
                d.start()

            @pl.when(gg + 1 < g_half)
            def _():
                prefetch(0, b0 + 2 * C)

            for d in gather_descs(1):
                d.wait()

            @pl.when(gg > 0)
            def _():
                for d in out_descs(1, b1):
                    d.wait()

            compute(1)
            for d in out_descs(1, b1):
                d.start()
            return carry

        lax.fori_loop(0, g_half, body, 0)
        last = base0 + (g_cnt - 2) * C
        for d in out_descs(0, last):
            d.wait()
        for d in out_descs(1, last + C):
            d.wait()

    return pack_kernel


def _build_matvec_kernel(n_total):
    npw = n_total // NW
    g_cnt = npw // C
    g_half = g_cnt // 2

    @functools.partial(
        pl.kernel,
        out_type=jax.ShapeDtypeStruct((n_total // 8, 128), jnp.float32),
        mesh=_MESH,
        scratch_types=[
            pltpu.VMEM((2, C), jnp.int32),
            pltpu.VMEM((2, C, D * D), jnp.float32),
            pltpu.VMEM((2, CR, 128), jnp.float32),
            pltpu.VMEM((2, CR, 128), jnp.float32),
            pltpu.VMEM((2, CR, 128), jnp.float32),
            pltpu.SemaphoreType.DMA,
            pltpu.SemaphoreType.DMA,
            pltpu.SemaphoreType.DMA,
            pltpu.SemaphoreType.DMA,
            pltpu.SemaphoreType.DMA,
            pltpu.SemaphoreType.DMA,
        ],
    )
    def matvec_kernel(pos_hbm, ktab_hbm, asum_hbm, bpack_hbm, out_hbm,
                      pos_v, krows_v, apack_v, bpack_v, outv,
                      sem_i0, sem_i1, sem_g0, sem_g1, sem_o0, sem_o1):
        base0 = _wid() * npw

        def _rows(base):
            return pl.ds(pl.multiple_of(base >> 3, 8), CR)
        sem_i = (sem_i0, sem_i1)
        sem_g = (sem_g0, sem_g1)
        sem_o = (sem_o0, sem_o1)

        def idx_desc(slot, base):
            return pltpu.make_async_copy(pos_hbm.at[pl.ds(base, C)],
                                         pos_v.at[slot], sem_i[slot])

        def lin_descs(slot, base):
            return (
                pltpu.make_async_copy(asum_hbm.at[_rows(base)],
                                      apack_v.at[slot], sem_g[slot]),
                pltpu.make_async_copy(bpack_hbm.at[_rows(base)],
                                      bpack_v.at[slot], sem_g[slot]),
            )

        def ktab_desc(slot):
            return pltpu.make_async_copy(ktab_hbm.at[pos_v.at[slot]],
                                         krows_v.at[slot], sem_g[slot])

        def out_desc(slot, base):
            return pltpu.make_async_copy(outv.at[slot],
                                         out_hbm.at[_rows(base)],
                                         sem_o[slot])

        def prefetch(slot, base):
            for d in lin_descs(slot, base):
                d.start()
            idx_desc(slot, base).start()
            idx_desc(slot, base).wait()
            ktab_desc(slot).start()

        def gathers_wait(slot, base):
            ktab_desc(slot).wait()
            for d in lin_descs(slot, base):
                d.wait()

        def compute(slot):
            @plsc.parallel_loop(0, C, 1, unroll=2)
            def _(c):
                cb, cs = _pack_slices(c)
                a = apack_v[slot, cb, cs]
                acc = bpack_v[slot, cb, cs]
                for d1 in range(D):
                    bc = lax.gather(
                        a, jnp.full((16, 1), d1, jnp.int32), _BCAST_DNUMS,
                        slice_sizes=(1,),
                        mode=lax.GatherScatterMode.PROMISE_IN_BOUNDS)
                    acc = acc + bc * krows_v[slot, c, pl.ds(d1 * D, D)]
                outv[slot, cb, cs] = acc

        prefetch(0, base0)

        def body(gg, carry):
            b0 = base0 + (2 * gg) * C
            b1 = b0 + C

            prefetch(1, b1)
            gathers_wait(0, b0)

            @pl.when(gg > 0)
            def _():
                out_desc(0, b0).wait()

            compute(0)
            out_desc(0, b0).start()

            @pl.when(gg + 1 < g_half)
            def _():
                prefetch(0, b0 + 2 * C)

            gathers_wait(1, b1)

            @pl.when(gg > 0)
            def _():
                out_desc(1, b1).wait()

            compute(1)
            out_desc(1, b1).start()
            return carry

        lax.fori_loop(0, g_half, body, 0)
        last = base0 + (g_cnt - 2) * C
        out_desc(0, last).wait()
        out_desc(1, last + C).wait()

    return matvec_kernel


def _build_transpose_kernel(n_total):
    rows = n_total // 8
    q_cnt = n_total // C
    qpw = q_cnt // NW

    @functools.partial(
        pl.kernel,
        out_type=jax.ShapeDtypeStruct((rows, 128), jnp.float32),
        mesh=_MESH,
        compiler_params=pltpu.CompilerParams(use_tc_tiling_on_sc=False,
                                             needs_layout_passes=False),
        scratch_types=[
            pltpu.VMEM((2, CR, 128), jnp.float32),
            pltpu.VMEM((D, C), jnp.float32),
            pltpu.VMEM((D, C), jnp.float32),
            pltpu.SemaphoreType.DMA,
            pltpu.SemaphoreType.DMA,
            pltpu.SemaphoreType.DMA,
            pltpu.SemaphoreType.DMA,
        ],
    )
    def transpose_kernel(in_hbm, out_hbm, inb_v, outb0_v, outb1_v,
                         sem_i0, sem_i1, sem_o0, sem_o1):
        q0 = _wid() * qpw
        sem_i = (sem_i0, sem_i1)
        sem_o = (sem_o0, sem_o1)
        outb = (outb0_v, outb1_v)

        def in_desc(slot, q):
            r = pl.multiple_of(q * CR, 8)
            return pltpu.make_async_copy(in_hbm.at[pl.ds(r, CR)],
                                         inb_v.at[slot], sem_i[slot])

        def out_descs(slot, q):
            p = q >> 3
            bt = q & 7
            return tuple(
                pltpu.make_async_copy(
                    outb[slot].at[pl.ds(dt * 8, 8)],
                    out_hbm.at[pl.ds(
                        pl.multiple_of((p * 2 + dt) * 64 + bt * 8, 8), 8)],
                    sem_o[slot])
                for dt in range(2))

        def compute(slot):
            @plsc.parallel_loop(0, C, 1, unroll=4)
            def _(t):
                lg = t >> 4
                d = t & 15
                flat = lax.iota(jnp.int32, 16) * D + (lg * 16 * D + d)
                v = plsc.load_gather(inb_v.at[slot], [flat >> 7, flat & 127])
                outb[slot][d, pl.ds(lg * 16, 16)] = v

        in_desc(0, q0).start()

        def body(gg, carry):
            qa = q0 + 2 * gg
            qb = qa + 1

            in_desc(1, qb).start()
            in_desc(0, qa).wait()

            @pl.when(gg > 0)
            def _():
                for dsc in out_descs(0, qa):
                    dsc.wait()

            compute(0)
            for dsc in out_descs(0, qa):
                dsc.start()

            @pl.when(gg + 1 < qpw // 2)
            def _():
                in_desc(0, qa + 2).start()

            in_desc(1, qb).wait()

            @pl.when(gg > 0)
            def _():
                for dsc in out_descs(1, qb):
                    dsc.wait()

            compute(1)
            for dsc in out_descs(1, qb):
                dsc.start()
            return carry

        lax.fori_loop(0, qpw // 2, body, 0)
        for dsc in out_descs(0, q0 + qpw - 2):
            dsc.wait()
        for dsc in out_descs(1, q0 + qpw - 1):
            dsc.wait()

    return transpose_kernel


def kernel(alleles, positions, allele_table, kernel_table, bias_table):
    b, p, _ = alleles.shape
    n = b * p
    pos_flat = positions.T.reshape(n)
    al0 = alleles[:, :, 0].T.reshape(n)
    al1 = alleles[:, :, 1].T.reshape(n)
    asum_p, bias_p = _build_pack_kernel(n)(pos_flat, al0, al1, allele_table,
                                           bias_table)
    out_p = _build_matvec_kernel(n)(pos_flat, kernel_table, asum_p, bias_p)
    out_r = _build_transpose_kernel(n)(out_p)
    out5 = out_r.reshape(p, 2, b // 128, 8, 128)
    return out5.transpose(2, 4, 0, 1, 3).reshape(b, p, D)

# --- scband reference (transcript-rebuilt; emitter-appended) ---
"""Pipeline reference for scband-allele-embedding-16363825398339 (READ-ONLY COPY).

The authoritative reference and input builder live on the scoring server;
editing this copy changes nothing except your own understanding.
"""

import jax, jax.numpy as jnp
import numpy as np

NALLELES = 1000
NPOSITIONS = 100000
D = 16
B = 1024
P = 200
PLOIDY = 2


def setup_inputs(seed: int = 0) -> dict:
    key = jax.random.key(seed)
    k1, k2, k3, k4, k5 = jax.random.split(key, 5)
    alleles = jax.random.randint(k1, (B, P, PLOIDY), 0, NALLELES, dtype=jnp.int64 if jax.config.read('jax_enable_x64') else jnp.int32)
    positions = jax.random.randint(k2, (B, P), 0, NPOSITIONS, dtype=jnp.int64 if jax.config.read('jax_enable_x64') else jnp.int32)
    allele_table = jax.random.uniform(k3, (NALLELES, D), dtype=jnp.float32, minval=-0.05, maxval=0.05)
    kernel_table = jax.random.uniform(k4, (NPOSITIONS, D * D), dtype=jnp.float32, minval=-0.05, maxval=0.05)
    bias_table = jax.random.normal(k5, (NPOSITIONS, D), dtype=jnp.float32) * 0.01
    return {"alleles": alleles, "positions": positions, "allele_table": allele_table, "kernel_table": kernel_table, "bias_table": bias_table}


def reference(alleles, positions, allele_table, kernel_table, bias_table):
    # allele embedding lookup: [B, P, PLOIDY, D]
    a = jnp.take(allele_table, alleles, axis=0)
    # sum over ploidy axis: [B, P, D]
    a = jnp.sum(a, axis=-2)
    # expand for batched matmul: [B, P, 1, D]
    a = a[..., None, :]
    # per-position kernel lookup: [B, P, D*D] -> [B, P, D, D]
    kernel = jnp.take(kernel_table, positions, axis=0)
    kernel = kernel.reshape(kernel.shape[0], kernel.shape[1], D, D)
    # per-position bias lookup: [B, P, D]
    bias = jnp.take(bias_table, positions, axis=0)
    # [B, P, 1, D] @ [B, P, D, D] -> [B, P, 1, D]
    kdota = jnp.matmul(a, kernel)
    kdota = kdota.reshape(kdota.shape[0], kdota.shape[1], kdota.shape[-1])
    values = kdota + bias
    # activation is None in this config
    return values

if __name__ == "__main__":
    import jax
    _d = setup_inputs()
    print(jax.jit(kernel)(*tuple(_d.values())))

</pallas_src>

<mosaic_0001>
#map = affine_map<(d0, d1) -> (0)>
#map1 = affine_map<(d0, d1) -> (0, 0)>
module attributes {stable_mosaic.version = 14 : i64} {
  func.func @matvec_kernel(%arg0: i32, %arg1: i32, %arg2: memref<204800xi32, #tpu.memory_space<hbm>>, %arg3: memref<100000x256xf32, #tpu.memory_space<hbm>>, %arg4: memref<25600x128xf32, #tpu.memory_space<hbm>>, %arg5: memref<25600x128xf32, #tpu.memory_space<hbm>>, %arg6: memref<25600x128xf32, #tpu.memory_space<hbm>>, %arg7: memref<2x128xi32, #tpu.memory_space<vmem>>, %arg8: memref<2x128x256xf32, #tpu.memory_space<vmem>>, %arg9: memref<2x16x128xf32, #tpu.memory_space<vmem>>, %arg10: memref<2x16x128xf32, #tpu.memory_space<vmem>>, %arg11: memref<2x16x128xf32, #tpu.memory_space<vmem>>, %arg12: memref<!tpu.dma_semaphore, #tpu.memory_space<semaphore_mem>>, %arg13: memref<!tpu.dma_semaphore, #tpu.memory_space<semaphore_mem>>, %arg14: memref<!tpu.dma_semaphore, #tpu.memory_space<semaphore_mem>>, %arg15: memref<!tpu.dma_semaphore, #tpu.memory_space<semaphore_mem>>, %arg16: memref<!tpu.dma_semaphore, #tpu.memory_space<semaphore_mem>>, %arg17: memref<!tpu.dma_semaphore, #tpu.memory_space<semaphore_mem>>) attributes {dimension_semantics = [#tpu.dimension_semantics<core_parallel>, #tpu.dimension_semantics<subcore_parallel>], iteration_bounds = array<i64: 2, 16>, scalar_prefetch = 0 : i64, scratch_operands = 11 : i64, tpu.core_type = #tpu.core_type<sc_vector_subcore>, window_params = [{transform_indices = #map}, {transform_indices = #map1}, {transform_indices = #map1}, {transform_indices = #map1}, {transform_indices = #map1}]} {
    %mul3A = arith.constant 2 : i32
    %mul3A_0 = arith.muli %arg1, %mul3A : i32
    %add3A = arith.addi %mul3A_0, %arg0 : i32
    %mul3A_1 = arith.constant 6400 : i32
    %mul3A_2 = arith.muli %add3A, %mul3A_1 : i32
    %shift_right_arithmetic3A = arith.constant 3 : i32
    %shift_right_arithmetic3A_3 = arith.shrsi %mul3A_2, %shift_right_arithmetic3A : i32
    %multiple_of3A = tpu.assume_multiple %shift_right_arithmetic3A_3, 8 : i32
    %shift_right_arithmetic3A_4 = arith.constant 3 : i32
    %shift_right_arithmetic3A_5 = arith.shrsi %mul3A_2, %shift_right_arithmetic3A_4 : i32
    %multiple_of3A_6 = tpu.assume_multiple %shift_right_arithmetic3A_5, 8 : i32
    %dma_start3A = arith.constant 0 : i32
    %dma_start3A_7 = arith.constant 0 : i32
    %dma_start3A_8 = arith.constant 0 : i32
    %dma_start3A_9 = tpu.memref_slice %arg9[%dma_start3A, %dma_start3A_7, %dma_start3A_8] : memref<2x16x128xf32, #tpu.memory_space<vmem>> -> memref<1x16x128xf32, #tpu.memory_space<vmem>>
    %dma_start3A_10 = tpu.memref_squeeze %dma_start3A_9 : memref<1x16x128xf32, #tpu.memory_space<vmem>> -> memref<16x128xf32, #tpu.memory_space<vmem>>
    %dma_start3A_11 = arith.constant 0 : i32
    %dma_start3A_12 = tpu.memref_slice %arg4[%multiple_of3A, %dma_start3A_11] : memref<25600x128xf32, #tpu.memory_space<hbm>> -> memref<16x128xf32, #tpu.memory_space<hbm>>
    %dma_start3A_13 = arith.constant 0 : i32
    %dma_start3A_14 = arith.constant 0 : i32
    %dma_start3A_15 = tpu.memref_slice %arg9[%dma_start3A, %dma_start3A_13, %dma_start3A_14] : memref<2x16x128xf32, #tpu.memory_space<vmem>> -> memref<1x16x128xf32, #tpu.memory_space<vmem>>
    %dma_start3A_16 = tpu.memref_squeeze %dma_start3A_15 : memref<1x16x128xf32, #tpu.memory_space<vmem>> -> memref<16x128xf32, #tpu.memory_space<vmem>>
    %dma_start3A_17 = arith.constant 0 : i32
    %dma_start3A_18 = tpu.memref_slice %arg4[%multiple_of3A, %dma_start3A_17] : memref<25600x128xf32, #tpu.memory_space<hbm>> -> memref<16x128xf32, #tpu.memory_space<hbm>>
    tpu.enqueue_dma source(%dma_start3A_18 : memref<16x128xf32, #tpu.memory_space<hbm>>) target(%dma_start3A_16 : memref<16x128xf32, #tpu.memory_space<vmem>>) target_semaphore(%arg14 : memref<!tpu.dma_semaphore, #tpu.memory_space<semaphore_mem>>)
    %dma_start3A_19 = arith.constant 0 : i32
    %dma_start3A_20 = arith.constant 0 : i32
    %dma_start3A_21 = arith.constant 0 : i32
    %dma_start3A_22 = tpu.memref_slice %arg10[%dma_start3A_19, %dma_start3A_20, %dma_start3A_21] : memref<2x16x128xf32, #tpu.memory_space<vmem>> -> memref<1x16x128xf32, #tpu.memory_space<vmem>>
    %dma_start3A_23 = tpu.memref_squeeze %dma_start3A_22 : memref<1x16x128xf32, #tpu.memory_space<vmem>> -> memref<16x128xf32, #tpu.memory_space<vmem>>
    %dma_start3A_24 = arith.constant 0 : i32
    %dma_start3A_25 = tpu.memref_slice %arg5[%multiple_of3A_6, %dma_start3A_24] : memref<25600x128xf32, #tpu.memory_space<hbm>> -> memref<16x128xf32, #tpu.memory_space<hbm>>
    %dma_start3A_26 = arith.constant 0 : i32
    %dma_start3A_27 = arith.constant 0 : i32
    %dma_start3A_28 = tpu.memref_slice %arg10[%dma_start3A_19, %dma_start3A_26, %dma_start3A_27] : memref<2x16x128xf32, #tpu.memory_space<vmem>> -> memref<1x16x128xf32, #tpu.memory_space<vmem>>
    %dma_start3A_29 = tpu.memref_squeeze %dma_start3A_28 : memref<1x16x128xf32, #tpu.memory_space<vmem>> -> memref<16x128xf32, #tpu.memory_space<vmem>>
    %dma_start3A_30 = arith.constant 0 : i32
    %dma_start3A_31 = tpu.memref_slice %arg5[%multiple_of3A_6, %dma_start3A_30] : memref<25600x128xf32, #tpu.memory_space<hbm>> -> memref<16x128xf32, #tpu.memory_space<hbm>>
    tpu.enqueue_dma source(%dma_start3A_31 : memref<16x128xf32, #tpu.memory_space<hbm>>) target(%dma_start3A_29 : memref<16x128xf32, #tpu.memory_space<vmem>>) target_semaphore(%arg14 : memref<!tpu.dma_semaphore, #tpu.memory_space<semaphore_mem>>)
    %dma_start3A_32 = arith.constant 0 : i32
    %dma_start3A_33 = arith.constant 0 : i32
    %dma_start3A_34 = tpu.memref_slice %arg7[%dma_start3A_32, %dma_start3A_33] : memref<2x128xi32, #tpu.memory_space<vmem>> -> memref<1x128xi32, #tpu.memory_space<vmem>>
    %dma_start3A_35 = tpu.memref_squeeze %dma_start3A_34 : memref<1x128xi32, #tpu.memory_space<vmem>> -> memref<128xi32, #tpu.memory_space<vmem>>
    %dma_start3A_36 = tpu.memref_slice %arg2[%mul3A_2] : memref<204800xi32, #tpu.memory_space<hbm>> -> memref<128xi32, #tpu.memory_space<hbm>>
    %dma_start3A_37 = arith.constant 0 : i32
    %dma_start3A_38 = tpu.memref_slice %arg7[%dma_start3A_32, %dma_start3A_37] : memref<2x128xi32, #tpu.memory_space<vmem>> -> memref<1x128xi32, #tpu.memory_space<vmem>>
    %dma_start3A_39 = tpu.memref_squeeze %dma_start3A_38 : memref<1x128xi32, #tpu.memory_space<vmem>> -> memref<128xi32, #tpu.memory_space<vmem>>
    %dma_start3A_40 = tpu.memref_slice %arg2[%mul3A_2] : memref<204800xi32, #tpu.memory_space<hbm>> -> memref<128xi32, #tpu.memory_space<hbm>>
    tpu.enqueue_dma source(%dma_start3A_40 : memref<128xi32, #tpu.memory_space<hbm>>) target(%dma_start3A_39 : memref<128xi32, #tpu.memory_space<vmem>>) target_semaphore(%arg12 : memref<!tpu.dma_semaphore, #tpu.memory_space<semaphore_mem>>)
    %dma_wait3A = arith.constant 0 : i32
    %dma_wait3A_41 = arith.constant 0 : i32
    %dma_wait3A_42 = tpu.memref_slice %arg7[%dma_wait3A, %dma_wait3A_41] : memref<2x128xi32, #tpu.memory_space<vmem>> -> memref<1x128xi32, #tpu.memory_space<vmem>>
    %dma_wait3A_43 = tpu.memref_squeeze %dma_wait3A_42 : memref<1x128xi32, #tpu.memory_space<vmem>> -> memref<128xi32, #tpu.memory_space<vmem>>
    %dma_wait3A_44 = tpu.memref_slice %arg2[%mul3A_2] : memref<204800xi32, #tpu.memory_space<hbm>> -> memref<128xi32, #tpu.memory_space<hbm>>
    %dma_wait3A_45 = arith.constant 0 : i32
    %dma_wait3A_46 = tpu.memref_slice %arg7[%dma_wait3A, %dma_wait3A_45] : memref<2x128xi32, #tpu.memory_space<vmem>> -> memref<1x128xi32, #tpu.memory_space<vmem>>
    %dma_wait3A_47 = tpu.memref_squeeze %dma_wait3A_46 : memref<1x128xi32, #tpu.memory_space<vmem>> -> memref<128xi32, #tpu.memory_space<vmem>>
    %dma_wait3A_48 = tpu.memref_slice %arg2[%mul3A_2] : memref<204800xi32, #tpu.memory_space<hbm>> -> memref<128xi32, #tpu.memory_space<hbm>>
    tpu.wait_dma2 semaphore(%arg12 : memref<!tpu.dma_semaphore, #tpu.memory_space<semaphore_mem>>) src(%dma_wait3A_48 : memref<128xi32, #tpu.memory_space<hbm>>) dst(%dma_wait3A_47 : memref<128xi32, #tpu.memory_space<vmem>>)
    %dma_start3A_49 = arith.constant 0 : i32
    %dma_start3A_50 = arith.constant 0 : i32
    %dma_start3A_51 = arith.constant 0 : i32
    %dma_start3A_52 = arith.constant 0 : i32
    %dma_start3A_53 = tpu.memref_slice %arg8[%dma_start3A_50, %dma_start3A_51, %dma_start3A_52] : memref<2x128x256xf32, #tpu.memory_space<vmem>> -> memref<1x128x256xf32, #tpu.memory_space<vmem>>
    %dma_start3A_54 = tpu.memref_squeeze %dma_start3A_53 : memref<1x128x256xf32, #tpu.memory_space<vmem>> -> memref<128x256xf32, #tpu.memory_space<vmem>>
    %dma_start3A_55 = arith.constant 0 : i32
    %dma_start3A_56 = tpu.memref_slice %arg7[%dma_start3A_49, %dma_start3A_55] : memref<2x128xi32, #tpu.memory_space<vmem>> -> memref<1x128xi32, #tpu.memory_space<vmem>>
    %dma_start3A_57 = tpu.memref_squeeze %dma_start3A_56 : memref<1x128xi32, #tpu.memory_space<vmem>> -> memref<128xi32, #tpu.memory_space<vmem>>
    %dma_start3A_58 = arith.constant 0 : i32
    %dma_start3A_59 = arith.constant 0 : i32
    %dma_start3A_60 = tpu.memref_slice %arg3[%dma_start3A_58, %dma_start3A_59] : memref<100000x256xf32, #tpu.memory_space<hbm>> -> memref<100000x256xf32, #tpu.memory_space<hbm>>
    tpu.enqueue_indirect_dma source(%dma_start3A_60 : memref<100000x256xf32, #tpu.memory_space<hbm>>) target(%dma_start3A_54 : memref<128x256xf32, #tpu.memory_space<vmem>>) offsets(%dma_start3A_57 : memref<128xi32, #tpu.memory_space<vmem>>) semaphore(%arg14 : memref<!tpu.dma_semaphore, #tpu.memory_space<semaphore_mem>>)
    %scan3A = arith.constant 0 : i32
    %scan3A_61 = arith.constant 0 : i32
    %scan3A_62 = arith.constant 25 : i32
    %scan3A_63 = arith.addi %scan3A_61, %scan3A_62 : i32
    %scan3A_64 = arith.constant 1 : i32
    scf.for %scan3A_102 = %scan3A_61 to %scan3A_63 step %scan3A_64  : i32 {
      %mul3A_103 = arith.constant 2 : i32
      %mul3A_104 = arith.muli %mul3A_103, %scan3A_102 : i32
      %mul3A_105 = arith.constant 128 : i32
      %mul3A_106 = arith.muli %mul3A_104, %mul3A_105 : i32
      %add3A_107 = arith.addi %mul3A_2, %mul3A_106 : i32
      %add3A_108 = arith.constant 128 : i32
      %add3A_109 = arith.addi %add3A_107, %add3A_108 : i32
      %shift_right_arithmetic3A_110 = arith.constant 3 : i32
      %shift_right_arithmetic3A_111 = arith.shrsi %add3A_109, %shift_right_arithmetic3A_110 : i32
      %multiple_of3A_112 = tpu.assume_multiple %shift_right_arithmetic3A_111, 8 : i32
      %shift_right_arithmetic3A_113 = arith.constant 3 : i32
      %shift_right_arithmetic3A_114 = arith.shrsi %add3A_109, %shift_right_arithmetic3A_113 : i32
      %multiple_of3A_115 = tpu.assume_multiple %shift_right_arithmetic3A_114, 8 : i32
      %dma_start3A_116 = arith.constant 1 : i32
      %dma_start3A_117 = arith.constant 0 : i32
      %dma_start3A_118 = arith.constant 0 : i32
      %dma_start3A_119 = tpu.memref_slice %arg9[%dma_start3A_116, %dma_start3A_117, %dma_start3A_118] : memref<2x16x128xf32, #tpu.memory_space<vmem>> -> memref<1x16x128xf32, #tpu.memory_space<vmem>>
      %dma_start3A_120 = tpu.memref_squeeze %dma_start3A_119 : memref<1x16x128xf32, #tpu.memory_space<vmem>> -> memref<16x128xf32, #tpu.memory_space<vmem>>
      %dma_start3A_121 = arith.constant 0 : i32
      %dma_start3A_122 = tpu.memref_slice %arg4[%multiple_of3A_112, %dma_start3A_121] : memref<25600x128xf32, #tpu.memory_space<hbm>> -> memref<16x128xf32, #tpu.memory_space<hbm>>
      %dma_start3A_123 = arith.constant 0 : i32
      %dma_start3A_124 = arith.constant 0 : i32
      %dma_start3A_125 = tpu.memref_slice %arg9[%dma_start3A_116, %dma_start3A_123, %dma_start3A_124] : memref<2x16x128xf32, #tpu.memory_space<vmem>> -> memref<1x16x128xf32, #tpu.memory_space<vmem>>
      %dma_start3A_126 = tpu.memref_squeeze %dma_start3A_125 : memref<1x16x128xf32, #tpu.memory_space<vmem>> -> memref<16x128xf32, #tpu.memory_space<vmem>>
      %dma_start3A_127 = arith.constant 0 : i32
      %dma_start3A_128 = tpu.memref_slice %arg4[%multiple_of3A_112, %dma_start3A_127] : memref<25600x128xf32, #tpu.memory_space<hbm>> -> memref<16x128xf32, #tpu.memory_space<hbm>>
      tpu.enqueue_dma source(%dma_start3A_128 : memref<16x128xf32, #tpu.memory_space<hbm>>) target(%dma_start3A_126 : memref<16x128xf32, #tpu.memory_space<vmem>>) target_semaphore(%arg15 : memref<!tpu.dma_semaphore, #tpu.memory_space<semaphore_mem>>)
      %dma_start3A_129 = arith.constant 1 : i32
      %dma_start3A_130 = arith.constant 0 : i32
      %dma_start3A_131 = arith.constant 0 : i32
      %dma_start3A_132 = tpu.memref_slice %arg10[%dma_start3A_129, %dma_start3A_130, %dma_start3A_131] : memref<2x16x128xf32, #tpu.memory_space<vmem>> -> memref<1x16x128xf32, #tpu.memory_space<vmem>>
      %dma_start3A_133 = tpu.memref_squeeze %dma_start3A_132 : memref<1x16x128xf32, #tpu.memory_space<vmem>> -> memref<16x128xf32, #tpu.memory_space<vmem>>
      %dma_start3A_134 = arith.constant 0 : i32
      %dma_start3A_135 = tpu.memref_slice %arg5[%multiple_of3A_115, %dma_start3A_134] : memref<25600x128xf32, #tpu.memory_space<hbm>> -> memref<16x128xf32, #tpu.memory_space<hbm>>
      %dma_start3A_136 = arith.constant 0 : i32
      %dma_start3A_137 = arith.constant 0 : i32
      %dma_start3A_138 = tpu.memref_slice %arg10[%dma_start3A_129, %dma_start3A_136, %dma_start3A_137] : memref<2x16x128xf32, #tpu.memory_space<vmem>> -> memref<1x16x128xf32, #tpu.memory_space<vmem>>
      %dma_start3A_139 = tpu.memref_squeeze %dma_start3A_138 : memref<1x16x128xf32, #tpu.memory_space<vmem>> -> memref<16x128xf32, #tpu.memory_space<vmem>>
      %dma_start3A_140 = arith.constant 0 : i32
      %dma_start3A_141 = tpu.memref_slice %arg5[%multiple_of3A_115, %dma_start3A_140] : memref<25600x128xf32, #tpu.memory_space<hbm>> -> memref<16x128xf32, #tpu.memory_space<hbm>>
      tpu.enqueue_dma source(%dma_start3A_141 : memref<16x128xf32, #tpu.memory_space<hbm>>) target(%dma_start3A_139 : memref<16x128xf32, #tpu.memory_space<vmem>>) target_semaphore(%arg15 : memref<!tpu.dma_semaphore, #tpu.memory_space<semaphore_mem>>)
      %dma_start3A_142 = arith.constant 1 : i32
      %dma_start3A_143 = arith.constant 0 : i32
      %dma_start3A_144 = tpu.memref_slice %arg7[%dma_start3A_142, %dma_start3A_143] : memref<2x128xi32, #tpu.memory_space<vmem>> -> memref<1x128xi32, #tpu.memory_space<vmem>>
      %dma_start3A_145 = tpu.memref_squeeze %dma_start3A_144 : memref<1x128xi32, #tpu.memory_space<vmem>> -> memref<128xi32, #tpu.memory_space<vmem>>
      %dma_start3A_146 = tpu.memref_slice %arg2[%add3A_109] : memref<204800xi32, #tpu.memory_space<hbm>> -> memref<128xi32, #tpu.memory_space<hbm>>
      %dma_start3A_147 = arith.constant 0 : i32
      %dma_start3A_148 = tpu.memref_slice %arg7[%dma_start3A_142, %dma_start3A_147] : memref<2x128xi32, #tpu.memory_space<vmem>> -> memref<1x128xi32, #tpu.memory_space<vmem>>
      %dma_start3A_149 = tpu.memref_squeeze %dma_start3A_148 : memref<1x128xi32, #tpu.memory_space<vmem>> -> memref<128xi32, #tpu.memory_space<vmem>>
      %dma_start3A_150 = tpu.memref_slice %arg2[%add3A_109] : memref<204800xi32, #tpu.memory_space<hbm>> -> memref<128xi32, #tpu.memory_space<hbm>>
      tpu.enqueue_dma source(%dma_start3A_150 : memref<128xi32, #tpu.memory_space<hbm>>) target(%dma_start3A_149 : memref<128xi32, #tpu.memory_space<vmem>>) target_semaphore(%arg13 : memref<!tpu.dma_semaphore, #tpu.memory_space<semaphore_mem>>)
      %dma_wait3A_151 = arith.constant 1 : i32
      %dma_wait3A_152 = arith.constant 0 : i32
      %dma_wait3A_153 = tpu.memref_slice %arg7[%dma_wait3A_151, %dma_wait3A_152] : memref<2x128xi32, #tpu.memory_space<vmem>> -> memref<1x128xi32, #tpu.memory_space<vmem>>
      %dma_wait3A_154 = tpu.memref_squeeze %dma_wait3A_153 : memref<1x128xi32, #tpu.memory_space<vmem>> -> memref<128xi32, #tpu.memory_space<vmem>>
      %dma_wait3A_155 = tpu.memref_slice %arg2[%add3A_109] : memref<204800xi32, #tpu.memory_space<hbm>> -> memref<128xi32, #tpu.memory_space<hbm>>
      %dma_wait3A_156 = arith.constant 0 : i32
      %dma_wait3A_157 = tpu.memref_slice %arg7[%dma_wait3A_151, %dma_wait3A_156] : memref<2x128xi32, #tpu.memory_space<vmem>> -> memref<1x128xi32, #tpu.memory_space<vmem>>
      %dma_wait3A_158 = tpu.memref_squeeze %dma_wait3A_157 : memref<1x128xi32, #tpu.memory_space<vmem>> -> memref<128xi32, #tpu.memory_space<vmem>>
      %dma_wait3A_159 = tpu.memref_slice %arg2[%add3A_109] : memref<204800xi32, #tpu.memory_space<hbm>> -> memref<128xi32, #tpu.memory_space<hbm>>
      tpu.wait_dma2 semaphore(%arg13 : memref<!tpu.dma_semaphore, #tpu.memory_space<semaphore_mem>>) src(%dma_wait3A_159 : memref<128xi32, #tpu.memory_space<hbm>>) dst(%dma_wait3A_158 : memref<128xi32, #tpu.memory_space<vmem>>)
      %dma_start3A_160 = arith.constant 1 : i32
      %dma_start3A_161 = arith.constant 1 : i32
      %dma_start3A_162 = arith.constant 0 : i32
      %dma_start3A_163 = arith.constant 0 : i32
      %dma_start3A_164 = tpu.memref_slice %arg8[%dma_start3A_161, %dma_start3A_162, %dma_start3A_163] : memref<2x128x256xf32, #tpu.memory_space<vmem>> -> memref<1x128x256xf32, #tpu.memory_space<vmem>>
      %dma_start3A_165 = tpu.memref_squeeze %dma_start3A_164 : memref<1x128x256xf32, #tpu.memory_space<vmem>> -> memref<128x256xf32, #tpu.memory_space<vmem>>
      %dma_start3A_166 = arith.constant 0 : i32
      %dma_start3A_167 = tpu.memref_slice %arg7[%dma_start3A_160, %dma_start3A_166] : memref<2x128xi32, #tpu.memory_space<vmem>> -> memref<1x128xi32, #tpu.memory_space<vmem>>
      %dma_start3A_168 = tpu.memref_squeeze %dma_start3A_167 : memref<1x128xi32, #tpu.memory_space<vmem>> -> memref<128xi32, #tpu.memory_space<vmem>>
      %dma_start3A_169 = arith.constant 0 : i32
      %dma_start3A_170 = arith.constant 0 : i32
      %dma_start3A_171 = tpu.memref_slice %arg3[%dma_start3A_169, %dma_start3A_170] : memref<100000x256xf32, #tpu.memory_space<hbm>> -> memref<100000x256xf32, #tpu.memory_space<hbm>>
      tpu.enqueue_indirect_dma source(%dma_start3A_171 : memref<100000x256xf32, #tpu.memory_space<hbm>>) target(%dma_start3A_165 : memref<128x256xf32, #tpu.memory_space<vmem>>) offsets(%dma_start3A_168 : memref<128xi32, #tpu.memory_space<vmem>>) semaphore(%arg15 : memref<!tpu.dma_semaphore, #tpu.memory_space<semaphore_mem>>)
      %dma_wait3A_172 = arith.constant 0 : i32
      %dma_wait3A_173 = arith.constant 0 : i32
      %dma_wait3A_174 = arith.constant 0 : i32
      %dma_wait3A_175 = arith.constant 0 : i32
      %dma_wait3A_176 = tpu.memref_slice %arg8[%dma_wait3A_173, %dma_wait3A_174, %dma_wait3A_175] : memref<2x128x256xf32, #tpu.memory_space<vmem>> -> memref<1x128x256xf32, #tpu.memory_space<vmem>>
      %dma_wait3A_177 = tpu.memref_squeeze %dma_wait3A_176 : memref<1x128x256xf32, #tpu.memory_space<vmem>> -> memref<128x256xf32, #tpu.memory_space<vmem>>
      %dma_wait3A_178 = arith.constant 0 : i32
      %dma_wait3A_179 = tpu.memref_slice %arg7[%dma_wait3A_172, %dma_wait3A_178] : memref<2x128xi32, #tpu.memory_space<vmem>> -> memref<1x128xi32, #tpu.memory_space<vmem>>
      %dma_wait3A_180 = tpu.memref_squeeze %dma_wait3A_179 : memref<1x128xi32, #tpu.memory_space<vmem>> -> memref<128xi32, #tpu.memory_space<vmem>>
      %dma_wait3A_181 = arith.constant 0 : i32
      %dma_wait3A_182 = arith.constant 0 : i32
      %dma_wait3A_183 = tpu.memref_slice %arg3[%dma_wait3A_181, %dma_wait3A_182] : memref<100000x256xf32, #tpu.memory_space<hbm>> -> memref<100000x256xf32, #tpu.memory_space<hbm>>
      tpu.wait_indirect_dma semaphore(%arg14 : memref<!tpu.dma_semaphore, #tpu.memory_space<semaphore_mem>>) src(%dma_wait3A_183 : memref<100000x256xf32, #tpu.memory_space<hbm>>) dst(%dma_wait3A_177 : memref<128x256xf32, #tpu.memory_space<vmem>>)
      %shift_right_arithmetic3A_184 = arith.constant 3 : i32
      %shift_right_arithmetic3A_185 = arith.shrsi %add3A_107, %shift_right_arithmetic3A_184 : i32
      %multiple_of3A_186 = tpu.assume_multiple %shift_right_arithmetic3A_185, 8 : i32
      %shift_right_arithmetic3A_187 = arith.constant 3 : i32
      %shift_right_arithmetic3A_188 = arith.shrsi %add3A_107, %shift_right_arithmetic3A_187 : i32
      %multiple_of3A_189 = tpu.assume_multiple %shift_right_arithmetic3A_188, 8 : i32
      %dma_wait3A_190 = arith.constant 0 : i32
      %dma_wait3A_191 = arith.constant 0 : i32
      %dma_wait3A_192 = arith.constant 0 : i32
      %dma_wait3A_193 = tpu.memref_slice %arg9[%dma_wait3A_190, %dma_wait3A_191, %dma_wait3A_192] : memref<2x16x128xf32, #tpu.memory_space<vmem>> -> memref<1x16x128xf32, #tpu.memory_space<vmem>>
      %dma_wait3A_194 = tpu.memref_squeeze %dma_wait3A_193 : memref<1x16x128xf32, #tpu.memory_space<vmem>> -> memref<16x128xf32, #tpu.memory_space<vmem>>
      %dma_wait3A_195 = arith.constant 0 : i32
      %dma_wait3A_196 = tpu.memref_slice %arg4[%multiple_of3A_186, %dma_wait3A_195] : memref<25600x128xf32, #tpu.memory_space<hbm>> -> memref<16x128xf32, #tpu.memory_space<hbm>>
      %dma_wait3A_197 = arith.constant 0 : i32
      %dma_wait3A_198 = arith.constant 0 : i32
      %dma_wait3A_199 = tpu.memref_slice %arg9[%dma_wait3A_190, %dma_wait3A_197, %dma_wait3A_198] : memref<2x16x128xf32, #tpu.memory_space<vmem>> -> memref<1x16x128xf32, #tpu.memory_space<vmem>>
      %dma_wait3A_200 = tpu.memref_squeeze %dma_wait3A_199 : memref<1x16x128xf32, #tpu.memory_space<vmem>> -> memref<16x128xf32, #tpu.memory_space<vmem>>
      %dma_wait3A_201 = arith.constant 0 : i32
      %dma_wait3A_202 = tpu.memref_slice %arg4[%multiple_of3A_186, %dma_wait3A_201] : memref<25600x128xf32, #tpu.memory_space<hbm>> -> memref<16x128xf32, #tpu.memory_space<hbm>>
      tpu.wait_dma2 semaphore(%arg14 : memref<!tpu.dma_semaphore, #tpu.memory_space<semaphore_mem>>) src(%dma_wait3A_202 : memref<16x128xf32, #tpu.memory_space<hbm>>) dst(%dma_wait3A_200 : memref<16x128xf32, #tpu.memory_space<vmem>>)
      %dma_wait3A_203 = arith.constant 0 : i32
      %dma_wait3A_204 = arith.constant 0 : i32
      %dma_wait3A_205 = arith.constant 0 : i32
      %dma_wait3A_206 = tpu.memref_slice %arg10[%dma_wait3A_203, %dma_wait3A_204, %dma_wait3A_205] : memref<2x16x128xf32, #tpu.memory_space<vmem>> -> memref<1x16x128xf32, #tpu.memory_space<vmem>>
      %dma_wait3A_207 = tpu.memref_squeeze %dma_wait3A_206 : memref<1x16x128xf32, #tpu.memory_space<vmem>> -> memref<16x128xf32, #tpu.memory_space<vmem>>
      %dma_wait3A_208 = arith.constant 0 : i32
      %dma_wait3A_209 = tpu.memref_slice %arg5[%multiple_of3A_189, %dma_wait3A_208] : memref<25600x128xf32, #tpu.memory_space<hbm>> -> memref<16x128xf32, #tpu.memory_space<hbm>>
      %dma_wait3A_210 = arith.constant 0 : i32
      %dma_wait3A_211 = arith.constant 0 : i32
      %dma_wait3A_212 = tpu.memref_slice %arg10[%dma_wait3A_203, %dma_wait3A_210, %dma_wait3A_211] : memref<2x16x128xf32, #tpu.memory_space<vmem>> -> memref<1x16x128xf32, #tpu.memory_space<vmem>>
      %dma_wait3A_213 = tpu.memref_squeeze %dma_wait3A_212 : memref<1x16x128xf32, #tpu.memory_space<vmem>> -> memref<16x128xf32, #tpu.memory_space<vmem>>
      %dma_wait3A_214 = arith.constant 0 : i32
      %dma_wait3A_215 = tpu.memref_slice %arg5[%multiple_of3A_189, %dma_wait3A_214] : memref<25600x128xf32, #tpu.memory_space<hbm>> -> memref<16x128xf32, #tpu.memory_space<hbm>>
      tpu.wait_dma2 semaphore(%arg14 : memref<!tpu.dma_semaphore, #tpu.memory_space<semaphore_mem>>) src(%dma_wait3A_215 : memref<16x128xf32, #tpu.memory_space<hbm>>) dst(%dma_wait3A_213 : memref<16x128xf32, #tpu.memory_space<vmem>>)
      %gt3A = arith.constant 0 : i32
      %gt3A_216 = arith.cmpi sgt, %scan3A_102, %gt3A : i32
      %convert_element_type3A = arith.extui %gt3A_216 : i1 to i32
      %cond3A = arith.constant 0 : i32
      %cond3A_217 = arith.cmpi ne, %convert_element_type3A, %cond3A : i32
      scf.if %cond3A_217 {
        %shift_right_arithmetic3A_310 = arith.constant 3 : i32
        %shift_right_arithmetic3A_311 = arith.shrsi %add3A_107, %shift_right_arithmetic3A_310 : i32
        %multiple_of3A_312 = tpu.assume_multiple %shift_right_arithmetic3A_311, 8 : i32
        %dma_wait3A_313 = arith.constant 0 : i32
        %dma_wait3A_314 = arith.constant 0 : i32
        %dma_wait3A_315 = arith.constant 0 : i32
        %dma_wait3A_316 = tpu.memref_slice %arg11[%dma_wait3A_313, %dma_wait3A_314, %dma_wait3A_315] : memref<2x16x128xf32, #tpu.memory_space<vmem>> -> memref<1x16x128xf32, #tpu.memory_space<vmem>>
        %dma_wait3A_317 = tpu.memref_squeeze %dma_wait3A_316 : memref<1x16x128xf32, #tpu.memory_space<vmem>> -> memref<16x128xf32, #tpu.memory_space<vmem>>
        %dma_wait3A_318 = arith.constant 0 : i32
        %dma_wait3A_319 = tpu.memref_slice %arg6[%multiple_of3A_312, %dma_wait3A_318] : memref<25600x128xf32, #tpu.memory_space<hbm>> -> memref<16x128xf32, #tpu.memory_space<hbm>>
        %dma_wait3A_320 = arith.constant 0 : i32
        %dma_wait3A_321 = tpu.memref_slice %arg6[%multiple_of3A_312, %dma_wait3A_320] : memref<25600x128xf32, #tpu.memory_space<hbm>> -> memref<16x128xf32, #tpu.memory_space<hbm>>
        %dma_wait3A_322 = arith.constant 0 : i32
        %dma_wait3A_323 = arith.constant 0 : i32
        %dma_wait3A_324 = tpu.memref_slice %arg11[%dma_wait3A_313, %dma_wait3A_322, %dma_wait3A_323] : memref<2x16x128xf32, #tpu.memory_space<vmem>> -> memref<1x16x128xf32, #tpu.memory_space<vmem>>
        %dma_wait3A_325 = tpu.memref_squeeze %dma_wait3A_324 : memref<1x16x128xf32, #tpu.memory_space<vmem>> -> memref<16x128xf32, #tpu.memory_space<vmem>>
        tpu.wait_dma2 semaphore(%arg16 : memref<!tpu.dma_semaphore, #tpu.memory_space<semaphore_mem>>) src(%dma_wait3A_325 : memref<16x128xf32, #tpu.memory_space<vmem>>) dst(%dma_wait3A_321 : memref<16x128xf32, #tpu.memory_space<hbm>>)
      } else {
      }
      %parallel_loop3A = arith.constant 0 : i32
      %parallel_loop3A_218 = arith.constant 128 : i32
      %parallel_loop3A_219 = arith.constant 1 : i32
      scf.for %parallel_loop3A_310 = %parallel_loop3A to %parallel_loop3A_218 step %parallel_loop3A_219  : i32 {
        %parallel_loop3A_311 = arith.constant 3 : i32
        %parallel_loop3A_312 = arith.shrsi %parallel_loop3A_310, %parallel_loop3A_311 : i32
        %parallel_loop3A_313 = arith.constant 7 : i32
        %parallel_loop3A_314 = arith.andi %parallel_loop3A_310, %parallel_loop3A_313 : i32
        %parallel_loop3A_315 = arith.constant 16 : i32
        %parallel_loop3A_316 = arith.muli %parallel_loop3A_314, %parallel_loop3A_315 : i32
        %parallel_loop3A_317 = arith.constant 0 : i32
        %parallel_loop3A_318 = arith.index_cast %parallel_loop3A_317 : i32 to index
        %parallel_loop3A_319 = arith.index_cast %parallel_loop3A_312 : i32 to index
        %parallel_loop3A_320 = arith.index_cast %parallel_loop3A_316 : i32 to index
        %parallel_loop3A_321 = tpu.vector_load %arg9[%parallel_loop3A_318, %parallel_loop3A_319, %parallel_loop3A_320] {strides = array<i32>} : memref<2x16x128xf32, #tpu.memory_space<vmem>>, vector<1x1x16xf32>,
        %parallel_loop3A_322 = vector.shape_cast %parallel_loop3A_321 : vector<1x1x16xf32> to vector<16xf32>
        %parallel_loop3A_323 = arith.constant 0 : i32
        %parallel_loop3A_324 = arith.index_cast %parallel_loop3A_323 : i32 to index
        %parallel_loop3A_325 = arith.index_cast %parallel_loop3A_312 : i32 to index
        %parallel_loop3A_326 = arith.index_cast %parallel_loop3A_316 : i32 to index
        %parallel_loop3A_327 = tpu.vector_load %arg10[%parallel_loop3A_324, %parallel_loop3A_325, %parallel_loop3A_326] {strides = array<i32>} : memref<2x16x128xf32, #tpu.memory_space<vmem>>, vector<1x1x16xf32>,
        %parallel_loop3A_328 = vector.shape_cast %parallel_loop3A_327 : vector<1x1x16xf32> to vector<16xf32>
        %parallel_loop3A_329 = arith.constant 0 : i32
        %parallel_loop3A_330 = vector.broadcast %parallel_loop3A_329 : i32 to vector<16x1xi32>
        %parallel_loop3A_331 = vector.shape_cast %parallel_loop3A_330 : vector<16x1xi32> to vector<16xi32>
        %parallel_loop3A_332 = tpu.dynamic_gather %parallel_loop3A_322[%parallel_loop3A_331] in [0] : vector<16xf32>, vector<16xi32> -> vector<16xf32>
        %parallel_loop3A_333 = arith.constant 0 : i32
        %parallel_loop3A_334 = arith.index_cast %parallel_loop3A_333 : i32 to index
        %parallel_loop3A_335 = arith.index_cast %parallel_loop3A_310 : i32 to index
        %parallel_loop3A_336 = arith.constant 0 : index
        %parallel_loop3A_337 = tpu.vector_load %arg8[%parallel_loop3A_334, %parallel_loop3A_335, %parallel_loop3A_336] {strides = array<i32>} : memref<2x128x256xf32, #tpu.memory_space<vmem>>, vector<1x1x16xf32>,
        %parallel_loop3A_338 = vector.shape_cast %parallel_loop3A_337 : vector<1x1x16xf32> to vector<16xf32>
        %parallel_loop3A_339 = arith.mulf %parallel_loop3A_332, %parallel_loop3A_338 : vector<16xf32>
        %parallel_loop3A_340 = arith.addf %parallel_loop3A_328, %parallel_loop3A_339 : vector<16xf32>
        %parallel_loop3A_341 = arith.constant 1 : i32
        %parallel_loop3A_342 = vector.broadcast %parallel_loop3A_341 : i32 to vector<16x1xi32>
        %parallel_loop3A_343 = vector.shape_cast %parallel_loop3A_342 : vector<16x1xi32> to vector<16xi32>
        %parallel_loop3A_344 = tpu.dynamic_gather %parallel_loop3A_322[%parallel_loop3A_343] in [0] : vector<16xf32>, vector<16xi32> -> vector<16xf32>
        %parallel_loop3A_345 = arith.constant 0 : i32
        %parallel_loop3A_346 = arith.index_cast %parallel_loop3A_345 : i32 to index
        %parallel_loop3A_347 = arith.index_cast %parallel_loop3A_310 : i32 to index
        %parallel_loop3A_348 = arith.constant 16 : index
        %parallel_loop3A_349 = tpu.vector_load %arg8[%parallel_loop3A_346, %parallel_loop3A_347, %parallel_loop3A_348] {strides = array<i32>} : memref<2x128x256xf32, #tpu.memory_space<vmem>>, vector<1x1x16xf32>,
        %parallel_loop3A_350 = vector.shape_cast %parallel_loop3A_349 : vector<1x1x16xf32> to vector<16xf32>
        %parallel_loop3A_351 = arith.mulf %parallel_loop3A_344, %parallel_loop3A_350 : vector<16xf32>
        %parallel_loop3A_352 = arith.addf %parallel_loop3A_340, %parallel_loop3A_351 : vector<16xf32>
        %parallel_loop3A_353 = arith.constant 2 : i32
        %parallel_loop3A_354 = vector.broadcast %parallel_loop3A_353 : i32 to vector<16x1xi32>
        %parallel_loop3A_355 = vector.shape_cast %parallel_loop3A_354 : vector<16x1xi32> to vector<16xi32>
        %parallel_loop3A_356 = tpu.dynamic_gather %parallel_loop3A_322[%parallel_loop3A_355] in [0] : vector<16xf32>, vector<16xi32> -> vector<16xf32>
        %parallel_loop3A_357 = arith.constant 0 : i32
        %parallel_loop3A_358 = arith.index_cast %parallel_loop3A_357 : i32 to index
        %parallel_loop3A_359 = arith.index_cast %parallel_loop3A_310 : i32 to index
        %parallel_loop3A_360 = arith.constant 32 : index
        %parallel_loop3A_361 = tpu.vector_load %arg8[%parallel_loop3A_358, %parallel_loop3A_359, %parallel_loop3A_360] {strides = array<i32>} : memref<2x128x256xf32, #tpu.memory_space<vmem>>, vector<1x1x16xf32>,
        %parallel_loop3A_362 = vector.shape_cast %parallel_loop3A_361 : vector<1x1x16xf32> to vector<16xf32>
        %parallel_loop3A_363 = arith.mulf %parallel_loop3A_356, %parallel_loop3A_362 : vector<16xf32>
        %parallel_loop3A_364 = arith.addf %parallel_loop3A_352, %parallel_loop3A_363 : vector<16xf32>
        %parallel_loop3A_365 = arith.constant 3 : i32
        %parallel_loop3A_366 = vector.broadcast %parallel_loop3A_365 : i32 to vector<16x1xi32>
        %parallel_loop3A_367 = vector.shape_cast %parallel_loop3A_366 : vector<16x1xi32> to vector<16xi32>
        %parallel_loop3A_368 = tpu.dynamic_gather %parallel_loop3A_322[%parallel_loop3A_367] in [0] : vector<16xf32>, vector<16xi32> -> vector<16xf32>
        %parallel_loop3A_369 = arith.constant 0 : i32
        %parallel_loop3A_370 = arith.index_cast %parallel_loop3A_369 : i32 to index
        %parallel_loop3A_371 = arith.index_cast %parallel_loop3A_310 : i32 to index
        %parallel_loop3A_372 = arith.constant 48 : index
        %parallel_loop3A_373 = tpu.vector_load %arg8[%parallel_loop3A_370, %parallel_loop3A_371, %parallel_loop3A_372] {strides = array<i32>} : memref<2x128x256xf32, #tpu.memory_space<vmem>>, vector<1x1x16xf32>,
        %parallel_loop3A_374 = vector.shape_cast %parallel_loop3A_373 : vector<1x1x16xf32> to vector<16xf32>
        %parallel_loop3A_375 = arith.mulf %parallel_loop3A_368, %parallel_loop3A_374 : vector<16xf32>
        %parallel_loop3A_376 = arith.addf %parallel_loop3A_364, %parallel_loop3A_375 : vector<16xf32>
        %parallel_loop3A_377 = arith.constant 4 : i32
        %parallel_loop3A_378 = vector.broadcast %parallel_loop3A_377 : i32 to vector<16x1xi32>
        %parallel_loop3A_379 = vector.shape_cast %parallel_loop3A_378 : vector<16x1xi32> to vector<16xi32>
        %parallel_loop3A_380 = tpu.dynamic_gather %parallel_loop3A_322[%parallel_loop3A_379] in [0] : vector<16xf32>, vector<16xi32> -> vector<16xf32>
        %parallel_loop3A_381 = arith.constant 0 : i32
        %parallel_loop3A_382 = arith.index_cast %parallel_loop3A_381 : i32 to index
        %parallel_loop3A_383 = arith.index_cast %parallel_loop3A_310 : i32 to index
        %parallel_loop3A_384 = arith.constant 64 : index
        %parallel_loop3A_385 = tpu.vector_load %arg8[%parallel_loop3A_382, %parallel_loop3A_383, %parallel_loop3A_384] {strides = array<i32>} : memref<2x128x256xf32, #tpu.memory_space<vmem>>, vector<1x1x16xf32>,
        %parallel_loop3A_386 = vector.shape_cast %parallel_loop3A_385 : vector<1x1x16xf32> to vector<16xf32>
        %parallel_loop3A_387 = arith.mulf %parallel_loop3A_380, %parallel_loop3A_386 : vector<16xf32>
        %parallel_loop3A_388 = arith.addf %parallel_loop3A_376, %parallel_loop3A_387 : vector<16xf32>
        %parallel_loop3A_389 = arith.constant 5 : i32
        %parallel_loop3A_390 = vector.broadcast %parallel_loop3A_389 : i32 to vector<16x1xi32>
        %parallel_loop3A_391 = vector.shape_cast %parallel_loop3A_390 : vector<16x1xi32> to vector<16xi32>
        %parallel_loop3A_392 = tpu.dynamic_gather %parallel_loop3A_322[%parallel_loop3A_391] in [0] : vector<16xf32>, vector<16xi32> -> vector<16xf32>
        %parallel_loop3A_393 = arith.constant 0 : i32
        %parallel_loop3A_394 = arith.index_cast %parallel_loop3A_393 : i32 to index
        %parallel_loop3A_395 = arith.index_cast %parallel_loop3A_310 : i32 to index
        %parallel_loop3A_396 = arith.constant 80 : index
        %parallel_loop3A_397 = tpu.vector_load %arg8[%parallel_loop3A_394, %parallel_loop3A_395, %parallel_loop3A_396] {strides = array<i32>} : memref<2x128x256xf32, #tpu.memory_space<vmem>>, vector<1x1x16xf32>,
        %parallel_loop3A_398 = vector.shape_cast %parallel_loop3A_397 : vector<1x1x16xf32> to vector<16xf32>
        %parallel_loop3A_399 = arith.mulf %parallel_loop3A_392, %parallel_loop3A_398 : vector<16xf32>
        %parallel_loop3A_400 = arith.addf %parallel_loop3A_388, %parallel_loop3A_399 : vector<16xf32>
        %parallel_loop3A_401 = arith.constant 6 : i32
        %parallel_loop3A_402 = vector.broadcast %parallel_loop3A_401 : i32 to vector<16x1xi32>
        %parallel_loop3A_403 = vector.shape_cast %parallel_loop3A_402 : vector<16x1xi32> to vector<16xi32>
        %parallel_loop3A_404 = tpu.dynamic_gather %parallel_loop3A_322[%parallel_loop3A_403] in [0] : vector<16xf32>, vector<16xi32> -> vector<16xf32>
        %parallel_loop3A_405 = arith.constant 0 : i32
        %parallel_loop3A_406 = arith.index_cast %parallel_loop3A_405 : i32 to index
        %parallel_loop3A_407 = arith.index_cast %parallel_loop3A_310 : i32 to index
        %parallel_loop3A_408 = arith.constant 96 : index
        %parallel_loop3A_409 = tpu.vector_load %arg8[%parallel_loop3A_406, %parallel_loop3A_407, %parallel_loop3A_408] {strides = array<i32>} : memref<2x128x256xf32, #tpu.memory_space<vmem>>, vector<1x1x16xf32>,
        %parallel_loop3A_410 = vector.shape_cast %parallel_loop3A_409 : vector<1x1x16xf32> to vector<16xf32>
        %parallel_loop3A_411 = arith.mulf %parallel_loop3A_404, %parallel_loop3A_410 : vector<16xf32>
        %parallel_loop3A_412 = arith.addf %parallel_loop3A_400, %parallel_loop3A_411 : vector<16xf32>
        %parallel_loop3A_413 = arith.constant 7 : i32
        %parallel_loop3A_414 = vector.broadcast %parallel_loop3A_413 : i32 to vector<16x1xi32>
        %parallel_loop3A_415 = vector.shape_cast %parallel_loop3A_414 : vector<16x1xi32> to vector<16xi32>
        %parallel_loop3A_416 = tpu.dynamic_gather %parallel_loop3A_322[%parallel_loop3A_415] in [0] : vector<16xf32>, vector<16xi32> -> vector<16xf32>
        %parallel_loop3A_417 = arith.constant 0 : i32
        %parallel_loop3A_418 = arith.index_cast %parallel_loop3A_417 : i32 to index
        %parallel_loop3A_419 = arith.index_cast %parallel_loop3A_310 : i32 to index
        %parallel_loop3A_420 = arith.constant 112 : index
        %parallel_loop3A_421 = tpu.vector_load %arg8[%parallel_loop3A_418, %parallel_loop3A_419, %parallel_loop3A_420] {strides = array<i32>} : memref<2x128x256xf32, #tpu.memory_space<vmem>>, vector<1x1x16xf32>,
        %parallel_loop3A_422 = vector.shape_cast %parallel_loop3A_421 : vector<1x1x16xf32> to vector<16xf32>
        %parallel_loop3A_423 = arith.mulf %parallel_loop3A_416, %parallel_loop3A_422 : vector<16xf32>
        %parallel_loop3A_424 = arith.addf %parallel_loop3A_412, %parallel_loop3A_423 : vector<16xf32>
        %parallel_loop3A_425 = arith.constant 8 : i32
        %parallel_loop3A_426 = vector.broadcast %parallel_loop3A_425 : i32 to vector<16x1xi32>
        %parallel_loop3A_427 = vector.shape_cast %parallel_loop3A_426 : vector<16x1xi32> to vector<16xi32>
        %parallel_loop3A_428 = tpu.dynamic_gather %parallel_loop3A_322[%parallel_loop3A_427] in [0] : vector<16xf32>, vector<16xi32> -> vector<16xf32>
        %parallel_loop3A_429 = arith.constant 0 : i32
        %parallel_loop3A_430 = arith.index_cast %parallel_loop3A_429 : i32 to index
        %parallel_loop3A_431 = arith.index_cast %parallel_loop3A_310 : i32 to index
        %parallel_loop3A_432 = arith.constant 128 : index
        %parallel_loop3A_433 = tpu.vector_load %arg8[%parallel_loop3A_430, %parallel_loop3A_431, %parallel_loop3A_432] {strides = array<i32>} : memref<2x128x256xf32, #tpu.memory_space<vmem>>, vector<1x1x16xf32>,
        %parallel_loop3A_434 = vector.shape_cast %parallel_loop3A_433 : vector<1x1x16xf32> to vector<16xf32>
        %parallel_loop3A_435 = arith.mulf %parallel_loop3A_428, %parallel_loop3A_434 : vector<16xf32>
        %parallel_loop3A_436 = arith.addf %parallel_loop3A_424, %parallel_loop3A_435 : vector<16xf32>
        %parallel_loop3A_437 = arith.constant 9 : i32
        %parallel_loop3A_438 = vector.broadcast %parallel_loop3A_437 : i32 to vector<16x1xi32>
        %parallel_loop3A_439 = vector.shape_cast %parallel_loop3A_438 : vector<16x1xi32> to vector<16xi32>
        %parallel_loop3A_440 = tpu.dynamic_gather %parallel_loop3A_322[%parallel_loop3A_439] in [0] : vector<16xf32>, vector<16xi32> -> vector<16xf32>
        %parallel_loop3A_441 = arith.constant 0 : i32
        %parallel_loop3A_442 = arith.index_cast %parallel_loop3A_441 : i32 to index
        %parallel_loop3A_443 = arith.index_cast %parallel_loop3A_310 : i32 to index
        %parallel_loop3A_444 = arith.constant 144 : index
        %parallel_loop3A_445 = tpu.vector_load %arg8[%parallel_loop3A_442, %parallel_loop3A_443, %parallel_loop3A_444] {strides = array<i32>} : memref<2x128x256xf32, #tpu.memory_space<vmem>>, vector<1x1x16xf32>,
        %parallel_loop3A_446 = vector.shape_cast %parallel_loop3A_445 : vector<1x1x16xf32> to vector<16xf32>
        %parallel_loop3A_447 = arith.mulf %parallel_loop3A_440, %parallel_loop3A_446 : vector<16xf32>
        %parallel_loop3A_448 = arith.addf %parallel_loop3A_436, %parallel_loop3A_447 : vector<16xf32>
        %parallel_loop3A_449 = arith.constant 10 : i32
        %parallel_loop3A_450 = vector.broadcast %parallel_loop3A_449 : i32 to vector<16x1xi32>
        %parallel_loop3A_451 = vector.shape_cast %parallel_loop3A_450 : vector<16x1xi32> to vector<16xi32>
        %parallel_loop3A_452 = tpu.dynamic_gather %parallel_loop3A_322[%parallel_loop3A_451] in [0] : vector<16xf32>, vector<16xi32> -> vector<16xf32>
        %parallel_loop3A_453 = arith.constant 0 : i32
        %parallel_loop3A_454 = arith.index_cast %parallel_loop3A_453 : i32 to index
        %parallel_loop3A_455 = arith.index_cast %parallel_loop3A_310 : i32 to index
        %parallel_loop3A_456 = arith.constant 160 : index
        %parallel_loop3A_457 = tpu.vector_load %arg8[%parallel_loop3A_454, %parallel_loop3A_455, %parallel_loop3A_456] {strides = array<i32>} : memref<2x128x256xf32, #tpu.memory_space<vmem>>, vector<1x1x16xf32>,
        %parallel_loop3A_458 = vector.shape_cast %parallel_loop3A_457 : vector<1x1x16xf32> to vector<16xf32>
        %parallel_loop3A_459 = arith.mulf %parallel_loop3A_452, %parallel_loop3A_458 : vector<16xf32>
        %parallel_loop3A_460 = arith.addf %parallel_loop3A_448, %parallel_loop3A_459 : vector<16xf32>
        %parallel_loop3A_461 = arith.constant 11 : i32
        %parallel_loop3A_462 = vector.broadcast %parallel_loop3A_461 : i32 to vector<16x1xi32>
        %parallel_loop3A_463 = vector.shape_cast %parallel_loop3A_462 : vector<16x1xi32> to vector<16xi32>
        %parallel_loop3A_464 = tpu.dynamic_gather %parallel_loop3A_322[%parallel_loop3A_463] in [0] : vector<16xf32>, vector<16xi32> -> vector<16xf32>
        %parallel_loop3A_465 = arith.constant 0 : i32
        %parallel_loop3A_466 = arith.index_cast %parallel_loop3A_465 : i32 to index
        %parallel_loop3A_467 = arith.index_cast %parallel_loop3A_310 : i32 to index
        %parallel_loop3A_468 = arith.constant 176 : index
        %parallel_loop3A_469 = tpu.vector_load %arg8[%parallel_loop3A_466, %parallel_loop3A_467, %parallel_loop3A_468] {strides = array<i32>} : memref<2x128x256xf32, #tpu.memory_space<vmem>>, vector<1x1x16xf32>,
        %parallel_loop3A_470 = vector.shape_cast %parallel_loop3A_469 : vector<1x1x16xf32> to vector<16xf32>
        %parallel_loop3A_471 = arith.mulf %parallel_loop3A_464, %parallel_loop3A_470 : vector<16xf32>
        %parallel_loop3A_472 = arith.addf %parallel_loop3A_460, %parallel_loop3A_471 : vector<16xf32>
        %parallel_loop3A_473 = arith.constant 12 : i32
        %parallel_loop3A_474 = vector.broadcast %parallel_loop3A_473 : i32 to vector<16x1xi32>
        %parallel_loop3A_475 = vector.shape_cast %parallel_loop3A_474 : vector<16x1xi32> to vector<16xi32>
        %parallel_loop3A_476 = tpu.dynamic_gather %parallel_loop3A_322[%parallel_loop3A_475] in [0] : vector<16xf32>, vector<16xi32> -> vector<16xf32>
        %parallel_loop3A_477 = arith.constant 0 : i32
        %parallel_loop3A_478 = arith.index_cast %parallel_loop3A_477 : i32 to index
        %parallel_loop3A_479 = arith.index_cast %parallel_loop3A_310 : i32 to index
        %parallel_loop3A_480 = arith.constant 192 : index
        %parallel_loop3A_481 = tpu.vector_load %arg8[%parallel_loop3A_478, %parallel_loop3A_479, %parallel_loop3A_480] {strides = array<i32>} : memref<2x128x256xf32, #tpu.memory_space<vmem>>, vector<1x1x16xf32>,
        %parallel_loop3A_482 = vector.shape_cast %parallel_loop3A_481 : vector<1x1x16xf32> to vector<16xf32>
        %parallel_loop3A_483 = arith.mulf %parallel_loop3A_476, %parallel_loop3A_482 : vector<16xf32>
        %parallel_loop3A_484 = arith.addf %parallel_loop3A_472, %parallel_loop3A_483 : vector<16xf32>
        %parallel_loop3A_485 = arith.constant 13 : i32
        %parallel_loop3A_486 = vector.broadcast %parallel_loop3A_485 : i32 to vector<16x1xi32>
        %parallel_loop3A_487 = vector.shape_cast %parallel_loop3A_486 : vector<16x1xi32> to vector<16xi32>
        %parallel_loop3A_488 = tpu.dynamic_gather %parallel_loop3A_322[%parallel_loop3A_487] in [0] : vector<16xf32>, vector<16xi32> -> vector<16xf32>
        %parallel_loop3A_489 = arith.constant 0 : i32
        %parallel_loop3A_490 = arith.index_cast %parallel_loop3A_489 : i32 to index
        %parallel_loop3A_491 = arith.index_cast %parallel_loop3A_310 : i32 to index
        %parallel_loop3A_492 = arith.constant 208 : index
        %parallel_loop3A_493 = tpu.vector_load %arg8[%parallel_loop3A_490, %parallel_loop3A_491, %parallel_loop3A_492] {strides = array<i32>} : memref<2x128x256xf32, #tpu.memory_space<vmem>>, vector<1x1x16xf32>,
        %parallel_loop3A_494 = vector.shape_cast %parallel_loop3A_493 : vector<1x1x16xf32> to vector<16xf32>
        %parallel_loop3A_495 = arith.mulf %parallel_loop3A_488, %parallel_loop3A_494 : vector<16xf32>
        %parallel_loop3A_496 = arith.addf %parallel_loop3A_484, %parallel_loop3A_495 : vector<16xf32>
        %parallel_loop3A_497 = arith.constant 14 : i32
        %parallel_loop3A_498 = vector.broadcast %parallel_loop3A_497 : i32 to vector<16x1xi32>
        %parallel_loop3A_499 = vector.shape_cast %parallel_loop3A_498 : vector<16x1xi32> to vector<16xi32>
        %parallel_loop3A_500 = tpu.dynamic_gather %parallel_loop3A_322[%parallel_loop3A_499] in [0] : vector<16xf32>, vector<16xi32> -> vector<16xf32>
        %parallel_loop3A_501 = arith.constant 0 : i32
        %parallel_loop3A_502 = arith.index_cast %parallel_loop3A_501 : i32 to index
        %parallel_loop3A_503 = arith.index_cast %parallel_loop3A_310 : i32 to index
        %parallel_loop3A_504 = arith.constant 224 : index
        %parallel_loop3A_505 = tpu.vector_load %arg8[%parallel_loop3A_502, %parallel_loop3A_503, %parallel_loop3A_504] {strides = array<i32>} : memref<2x128x256xf32, #tpu.memory_space<vmem>>, vector<1x1x16xf32>,
        %parallel_loop3A_506 = vector.shape_cast %parallel_loop3A_505 : vector<1x1x16xf32> to vector<16xf32>
        %parallel_loop3A_507 = arith.mulf %parallel_loop3A_500, %parallel_loop3A_506 : vector<16xf32>
        %parallel_loop3A_508 = arith.addf %parallel_loop3A_496, %parallel_loop3A_507 : vector<16xf32>
        %parallel_loop3A_509 = arith.constant 15 : i32
        %parallel_loop3A_510 = vector.broadcast %parallel_loop3A_509 : i32 to vector<16x1xi32>
        %parallel_loop3A_511 = vector.shape_cast %parallel_loop3A_510 : vector<16x1xi32> to vector<16xi32>
        %parallel_loop3A_512 = tpu.dynamic_gather %parallel_loop3A_322[%parallel_loop3A_511] in [0] : vector<16xf32>, vector<16xi32> -> vector<16xf32>
        %parallel_loop3A_513 = arith.constant 0 : i32
        %parallel_loop3A_514 = arith.index_cast %parallel_loop3A_513 : i32 to index
        %parallel_loop3A_515 = arith.index_cast %parallel_loop3A_310 : i32 to index
        %parallel_loop3A_516 = arith.constant 240 : index
        %parallel_loop3A_517 = tpu.vector_load %arg8[%parallel_loop3A_514, %parallel_loop3A_515, %parallel_loop3A_516] {strides = array<i32>} : memref<2x128x256xf32, #tpu.memory_space<vmem>>, vector<1x1x16xf32>,
        %parallel_loop3A_518 = vector.shape_cast %parallel_loop3A_517 : vector<1x1x16xf32> to vector<16xf32>
        %parallel_loop3A_519 = arith.mulf %parallel_loop3A_512, %parallel_loop3A_518 : vector<16xf32>
        %parallel_loop3A_520 = arith.addf %parallel_loop3A_508, %parallel_loop3A_519 : vector<16xf32>
        %parallel_loop3A_521 = arith.constant 0 : i32
        %parallel_loop3A_522 = arith.index_cast %parallel_loop3A_521 : i32 to index
        %parallel_loop3A_523 = arith.index_cast %parallel_loop3A_312 : i32 to index
        %parallel_loop3A_524 = arith.index_cast %parallel_loop3A_316 : i32 to index
        %parallel_loop3A_525 = tpu.vector_load %arg11[%parallel_loop3A_522, %parallel_loop3A_523, %parallel_loop3A_524] {strides = array<i32>} : memref<2x16x128xf32, #tpu.memory_space<vmem>>, vector<1x1x16xf32>,
        %parallel_loop3A_526 = vector.shape_cast %parallel_loop3A_525 : vector<1x1x16xf32> to vector<16xf32>
        %parallel_loop3A_527 = vector.shape_cast %parallel_loop3A_520 : vector<16xf32> to vector<1x1x16xf32>
        tpu.vector_store %arg11[%parallel_loop3A_522, %parallel_loop3A_523, %parallel_loop3A_524], %parallel_loop3A_527 {strides = array<i32>} : memref<2x16x128xf32, #tpu.memory_space<vmem>>, vector<1x1x16xf32>,
      } {sc.loop_unroll_factor = 2 : i64, sc.parallel_access}
      %shift_right_arithmetic3A_220 = arith.constant 3 : i32
      %shift_right_arithmetic3A_221 = arith.shrsi %add3A_107, %shift_right_arithmetic3A_220 : i32
      %multiple_of3A_222 = tpu.assume_multiple %shift_right_arithmetic3A_221, 8 : i32
      %dma_start3A_223 = arith.constant 0 : i32
      %dma_start3A_224 = arith.constant 0 : i32
      %dma_start3A_225 = arith.constant 0 : i32
      %dma_start3A_226 = tpu.memref_slice %arg11[%dma_start3A_223, %dma_start3A_224, %dma_start3A_225] : memref<2x16x128xf32, #tpu.memory_space<vmem>> -> memref<1x16x128xf32, #tpu.memory_space<vmem>>
      %dma_start3A_227 = tpu.memref_squeeze %dma_start3A_226 : memref<1x16x128xf32, #tpu.memory_space<vmem>> -> memref<16x128xf32, #tpu.memory_space<vmem>>
      %dma_start3A_228 = arith.constant 0 : i32
      %dma_start3A_229 = tpu.memref_slice %arg6[%multiple_of3A_222, %dma_start3A_228] : memref<25600x128xf32, #tpu.memory_space<hbm>> -> memref<16x128xf32, #tpu.memory_space<hbm>>
      %dma_start3A_230 = arith.constant 0 : i32
      %dma_start3A_231 = tpu.memref_slice %arg6[%multiple_of3A_222, %dma_start3A_230] : memref<25600x128xf32, #tpu.memory_space<hbm>> -> memref<16x128xf32, #tpu.memory_space<hbm>>
      %dma_start3A_232 = arith.constant 0 : i32
      %dma_start3A_233 = arith.constant 0 : i32
      %dma_start3A_234 = tpu.memref_slice %arg11[%dma_start3A_223, %dma_start3A_232, %dma_start3A_233] : memref<2x16x128xf32, #tpu.memory_space<vmem>> -> memref<1x16x128xf32, #tpu.memory_space<vmem>>
      %dma_start3A_235 = tpu.memref_squeeze %dma_start3A_234 : memref<1x16x128xf32, #tpu.memory_space<vmem>> -> memref<16x128xf32, #tpu.memory_space<vmem>>
      tpu.enqueue_dma source(%dma_start3A_235 : memref<16x128xf32, #tpu.memory_space<vmem>>) target(%dma_start3A_231 : memref<16x128xf32, #tpu.memory_space<hbm>>) target_semaphore(%arg16 : memref<!tpu.dma_semaphore, #tpu.memory_space<semaphore_mem>>)
      %add3A_236 = arith.constant 1 : i32
      %add3A_237 = arith.addi %scan3A_102, %add3A_236 : i32
      %lt3A = arith.constant 25 : i32
      %lt3A_238 = arith.cmpi slt, %add3A_237, %lt3A : i32
      %convert_element_type3A_239 = arith.extui %lt3A_238 : i1 to i32
      %cond3A_240 = arith.constant 0 : i32
      %cond3A_241 = arith.cmpi ne, %convert_element_type3A_239, %cond3A_240 : i32
      scf.if %cond3A_241 {
        %add3A_310 = arith.constant 256 : i32
        %add3A_311 = arith.addi %add3A_107, %add3A_310 : i32
        %shift_right_arithmetic3A_312 = arith.constant 3 : i32
        %shift_right_arithmetic3A_313 = arith.shrsi %add3A_311, %shift_right_arithmetic3A_312 : i32
        %multiple_of3A_314 = tpu.assume_multiple %shift_right_arithmetic3A_313, 8 : i32
        %shift_right_arithmetic3A_315 = arith.constant 3 : i32
        %shift_right_arithmetic3A_316 = arith.shrsi %add3A_311, %shift_right_arithmetic3A_315 : i32
        %multiple_of3A_317 = tpu.assume_multiple %shift_right_arithmetic3A_316, 8 : i32
        %dma_start3A_318 = arith.constant 0 : i32
        %dma_start3A_319 = arith.constant 0 : i32
        %dma_start3A_320 = arith.constant 0 : i32
        %dma_start3A_321 = tpu.memref_slice %arg9[%dma_start3A_318, %dma_start3A_319, %dma_start3A_320] : memref<2x16x128xf32, #tpu.memory_space<vmem>> -> memref<1x16x128xf32, #tpu.memory_space<vmem>>
        %dma_start3A_322 = tpu.memref_squeeze %dma_start3A_321 : memref<1x16x128xf32, #tpu.memory_space<vmem>> -> memref<16x128xf32, #tpu.memory_space<vmem>>
        %dma_start3A_323 = arith.constant 0 : i32
        %dma_start3A_324 = tpu.memref_slice %arg4[%multiple_of3A_314, %dma_start3A_323] : memref<25600x128xf32, #tpu.memory_space<hbm>> -> memref<16x128xf32, #tpu.memory_space<hbm>>
        %dma_start3A_325 = arith.constant 0 : i32
        %dma_start3A_326 = arith.constant 0 : i32
        %dma_start3A_327 = tpu.memref_slice %arg9[%dma_start3A_318, %dma_start3A_325, %dma_start3A_326] : memref<2x16x128xf32, #tpu.memory_space<vmem>> -> memref<1x16x128xf32, #tpu.memory_space<vmem>>
        %dma_start3A_328 = tpu.memref_squeeze %dma_start3A_327 : memref<1x16x128xf32, #tpu.memory_space<vmem>> -> memref<16x128xf32, #tpu.memory_space<vmem>>
        %dma_start3A_329 = arith.constant 0 : i32
        %dma_start3A_330 = tpu.memref_slice %arg4[%multiple_of3A_314, %dma_start3A_329] : memref<25600x128xf32, #tpu.memory_space<hbm>> -> memref<16x128xf32, #tpu.memory_space<hbm>>
        tpu.enqueue_dma source(%dma_start3A_330 : memref<16x128xf32, #tpu.memory_space<hbm>>) target(%dma_start3A_328 : memref<16x128xf32, #tpu.memory_space<vmem>>) target_semaphore(%arg14 : memref<!tpu.dma_semaphore, #tpu.memory_space<semaphore_mem>>)
        %dma_start3A_331 = arith.constant 0 : i32
        %dma_start3A_332 = arith.constant 0 : i32
        %dma_start3A_333 = arith.constant 0 : i32
        %dma_start3A_334 = tpu.memref_slice %arg10[%dma_start3A_331, %dma_start3A_332, %dma_start3A_333] : memref<2x16x128xf32, #tpu.memory_space<vmem>> -> memref<1x16x128xf32, #tpu.memory_space<vmem>>
        %dma_start3A_335 = tpu.memref_squeeze %dma_start3A_334 : memref<1x16x128xf32, #tpu.memory_space<vmem>> -> memref<16x128xf32, #tpu.memory_space<vmem>>
        %dma_start3A_336 = arith.constant 0 : i32
        %dma_start3A_337 = tpu.memref_slice %arg5[%multiple_of3A_317, %dma_start3A_336] : memref<25600x128xf32, #tpu.memory_space<hbm>> -> memref<16x128xf32, #tpu.memory_space<hbm>>
        %dma_start3A_338 = arith.constant 0 : i32
        %dma_start3A_339 = arith.constant 0 : i32
        %dma_start3A_340 = tpu.memref_slice %arg10[%dma_start3A_331, %dma_start3A_338, %dma_start3A_339] : memref<2x16x128xf32, #tpu.memory_space<vmem>> -> memref<1x16x128xf32, #tpu.memory_space<vmem>>
        %dma_start3A_341 = tpu.memref_squeeze %dma_start3A_340 : memref<1x16x128xf32, #tpu.memory_space<vmem>> -> memref<16x128xf32, #tpu.memory_space<vmem>>
        %dma_start3A_342 = arith.constant 0 : i32
        %dma_start3A_343 = tpu.memref_slice %arg5[%multiple_of3A_317, %dma_start3A_342] : memref<25600x128xf32, #tpu.memory_space<hbm>> -> memref<16x128xf32, #tpu.memory_space<hbm>>
        tpu.enqueue_dma source(%dma_start3A_343 : memref<16x128xf32, #tpu.memory_space<hbm>>) target(%dma_start3A_341 : memref<16x128xf32, #tpu.memory_space<vmem>>) target_semaphore(%arg14 : memref<!tpu.dma_semaphore, #tpu.memory_space<semaphore_mem>>)
        %dma_start3A_344 = arith.constant 0 : i32
        %dma_start3A_345 = arith.constant 0 : i32
        %dma_start3A_346 = tpu.memref_slice %arg7[%dma_start3A_344, %dma_start3A_345] : memref<2x128xi32, #tpu.memory_space<vmem>> -> memref<1x128xi32, #tpu.memory_space<vmem>>
        %dma_start3A_347 = tpu.memref_squeeze %dma_start3A_346 : memref<1x128xi32, #tpu.memory_space<vmem>> -> memref<128xi32, #tpu.memory_space<vmem>>
        %dma_start3A_348 = tpu.memref_slice %arg2[%add3A_311] : memref<204800xi32, #tpu.memory_space<hbm>> -> memref<128xi32, #tpu.memory_space<hbm>>
        %dma_start3A_349 = arith.constant 0 : i32
        %dma_start3A_350 = tpu.memref_slice %arg7[%dma_start3A_344, %dma_start3A_349] : memref<2x128xi32, #tpu.memory_space<vmem>> -> memref<1x128xi32, #tpu.memory_space<vmem>>
        %dma_start3A_351 = tpu.memref_squeeze %dma_start3A_350 : memref<1x128xi32, #tpu.memory_space<vmem>> -> memref<128xi32, #tpu.memory_space<vmem>>
        %dma_start3A_352 = tpu.memref_slice %arg2[%add3A_311] : memref<204800xi32, #tpu.memory_space<hbm>> -> memref<128xi32, #tpu.memory_space<hbm>>
        tpu.enqueue_dma source(%dma_start3A_352 : memref<128xi32, #tpu.memory_space<hbm>>) target(%dma_start3A_351 : memref<128xi32, #tpu.memory_space<vmem>>) target_semaphore(%arg12 : memref<!tpu.dma_semaphore, #tpu.memory_space<semaphore_mem>>)
        %dma_wait3A_353 = arith.constant 0 : i32
        %dma_wait3A_354 = arith.constant 0 : i32
        %dma_wait3A_355 = tpu.memref_slice %arg7[%dma_wait3A_353, %dma_wait3A_354] : memref<2x128xi32, #tpu.memory_space<vmem>> -> memref<1x128xi32, #tpu.memory_space<vmem>>
        %dma_wait3A_356 = tpu.memref_squeeze %dma_wait3A_355 : memref<1x128xi32, #tpu.memory_space<vmem>> -> memref<128xi32, #tpu.memory_space<vmem>>
        %dma_wait3A_357 = tpu.memref_slice %arg2[%add3A_311] : memref<204800xi32, #tpu.memory_space<hbm>> -> memref<128xi32, #tpu.memory_space<hbm>>
        %dma_wait3A_358 = arith.constant 0 : i32
        %dma_wait3A_359 = tpu.memref_slice %arg7[%dma_wait3A_353, %dma_wait3A_358] : memref<2x128xi32, #tpu.memory_space<vmem>> -> memref<1x128xi32, #tpu.memory_space<vmem>>
        %dma_wait3A_360 = tpu.memref_squeeze %dma_wait3A_359 : memref<1x128xi32, #tpu.memory_space<vmem>> -> memref<128xi32, #tpu.memory_space<vmem>>
        %dma_wait3A_361 = tpu.memref_slice %arg2[%add3A_311] : memref<204800xi32, #tpu.memory_space<hbm>> -> memref<128xi32, #tpu.memory_space<hbm>>
        tpu.wait_dma2 semaphore(%arg12 : memref<!tpu.dma_semaphore, #tpu.memory_space<semaphore_mem>>) src(%dma_wait3A_361 : memref<128xi32, #tpu.memory_space<hbm>>) dst(%dma_wait3A_360 : memref<128xi32, #tpu.memory_space<vmem>>)
        %dma_start3A_362 = arith.constant 0 : i32
        %dma_start3A_363 = arith.constant 0 : i32
        %dma_start3A_364 = arith.constant 0 : i32
        %dma_start3A_365 = arith.constant 0 : i32
        %dma_start3A_366 = tpu.memref_slice %arg8[%dma_start3A_363, %dma_start3A_364, %dma_start3A_365] : memref<2x128x256xf32, #tpu.memory_space<vmem>> -> memref<1x128x256xf32, #tpu.memory_space<vmem>>
        %dma_start3A_367 = tpu.memref_squeeze %dma_start3A_366 : memref<1x128x256xf32, #tpu.memory_space<vmem>> -> memref<128x256xf32, #tpu.memory_space<vmem>>
        %dma_start3A_368 = arith.constant 0 : i32
        %dma_start3A_369 = tpu.memref_slice %arg7[%dma_start3A_362, %dma_start3A_368] : memref<2x128xi32, #tpu.memory_space<vmem>> -> memref<1x128xi32, #tpu.memory_space<vmem>>
        %dma_start3A_370 = tpu.memref_squeeze %dma_start3A_369 : memref<1x128xi32, #tpu.memory_space<vmem>> -> memref<128xi32, #tpu.memory_space<vmem>>
        %dma_start3A_371 = arith.constant 0 : i32
        %dma_start3A_372 = arith.constant 0 : i32
        %dma_start3A_373 = tpu.memref_slice %arg3[%dma_start3A_371, %dma_start3A_372] : memref<100000x256xf32, #tpu.memory_space<hbm>> -> memref<100000x256xf32, #tpu.memory_space<hbm>>
        tpu.enqueue_indirect_dma source(%dma_start3A_373 : memref<100000x256xf32, #tpu.memory_space<hbm>>) target(%dma_start3A_367 : memref<128x256xf32, #tpu.memory_space<vmem>>) offsets(%dma_start3A_370 : memref<128xi32, #tpu.memory_space<vmem>>) semaphore(%arg14 : memref<!tpu.dma_semaphore, #tpu.memory_space<semaphore_mem>>)
      } else {
      }
      %dma_wait3A_242 = arith.constant 1 : i32
      %dma_wait3A_243 = arith.constant 1 : i32
      %dma_wait3A_244 = arith.constant 0 : i32
      %dma_wait3A_245 = arith.constant 0 : i32
      %dma_wait3A_246 = tpu.memref_slice %arg8[%dma_wait3A_243, %dma_wait3A_244, %dma_wait3A_245] : memref<2x128x256xf32, #tpu.memory_space<vmem>> -> memref<1x128x256xf32, #tpu.memory_space<vmem>>
      %dma_wait3A_247 = tpu.memref_squeeze %dma_wait3A_246 : memref<1x128x256xf32, #tpu.memory_space<vmem>> -> memref<128x256xf32, #tpu.memory_space<vmem>>
      %dma_wait3A_248 = arith.constant 0 : i32
      %dma_wait3A_249 = tpu.memref_slice %arg7[%dma_wait3A_242, %dma_wait3A_248] : memref<2x128xi32, #tpu.memory_space<vmem>> -> memref<1x128xi32, #tpu.memory_space<vmem>>
      %dma_wait3A_250 = tpu.memref_squeeze %dma_wait3A_249 : memref<1x128xi32, #tpu.memory_space<vmem>> -> memref<128xi32, #tpu.memory_space<vmem>>
      %dma_wait3A_251 = arith.constant 0 : i32
      %dma_wait3A_252 = arith.constant 0 : i32
      %dma_wait3A_253 = tpu.memref_slice %arg3[%dma_wait3A_251, %dma_wait3A_252] : memref<100000x256xf32, #tpu.memory_space<hbm>> -> memref<100000x256xf32, #tpu.memory_space<hbm>>
      tpu.wait_indirect_dma semaphore(%arg15 : memref<!tpu.dma_semaphore, #tpu.memory_space<semaphore_mem>>) src(%dma_wait3A_253 : memref<100000x256xf32, #tpu.memory_space<hbm>>) dst(%dma_wait3A_247 : memref<128x256xf32, #tpu.memory_space<vmem>>)
      %shift_right_arithmetic3A_254 = arith.constant 3 : i32
      %shift_right_arithmetic3A_255 = arith.shrsi %add3A_109, %shift_right_arithmetic3A_254 : i32
      %multiple_of3A_256 = tpu.assume_multiple %shift_right_arithmetic3A_255, 8 : i32
      %shift_right_arithmetic3A_257 = arith.constant 3 : i32
      %shift_right_arithmetic3A_258 = arith.shrsi %add3A_109, %shift_right_arithmetic3A_257 : i32
      %multiple_of3A_259 = tpu.assume_multiple %shift_right_arithmetic3A_258, 8 : i32
      %dma_wait3A_260 = arith.constant 1 : i32
      %dma_wait3A_261 = arith.constant 0 : i32
      %dma_wait3A_262 = arith.constant 0 : i32
      %dma_wait3A_263 = tpu.memref_slice %arg9[%dma_wait3A_260, %dma_wait3A_261, %dma_wait3A_262] : memref<2x16x128xf32, #tpu.memory_space<vmem>> -> memref<1x16x128xf32, #tpu.memory_space<vmem>>
      %dma_wait3A_264 = tpu.memref_squeeze %dma_wait3A_263 : memref<1x16x128xf32, #tpu.memory_space<vmem>> -> memref<16x128xf32, #tpu.memory_space<vmem>>
      %dma_wait3A_265 = arith.constant 0 : i32
      %dma_wait3A_266 = tpu.memref_slice %arg4[%multiple_of3A_256, %dma_wait3A_265] : memref<25600x128xf32, #tpu.memory_space<hbm>> -> memref<16x128xf32, #tpu.memory_space<hbm>>
      %dma_wait3A_267 = arith.constant 0 : i32
      %dma_wait3A_268 = arith.constant 0 : i32
      %dma_wait3A_269 = tpu.memref_slice %arg9[%dma_wait3A_260, %dma_wait3A_267, %dma_wait3A_268] : memref<2x16x128xf32, #tpu.memory_space<vmem>> -> memref<1x16x128xf32, #tpu.memory_space<vmem>>
      %dma_wait3A_270 = tpu.memref_squeeze %dma_wait3A_269 : memref<1x16x128xf32, #tpu.memory_space<vmem>> -> memref<16x128xf32, #tpu.memory_space<vmem>>
      %dma_wait3A_271 = arith.constant 0 : i32
      %dma_wait3A_272 = tpu.memref_slice %arg4[%multiple_of3A_256, %dma_wait3A_271] : memref<25600x128xf32, #tpu.memory_space<hbm>> -> memref<16x128xf32, #tpu.memory_space<hbm>>
      tpu.wait_dma2 semaphore(%arg15 : memref<!tpu.dma_semaphore, #tpu.memory_space<semaphore_mem>>) src(%dma_wait3A_272 : memref<16x128xf32, #tpu.memory_space<hbm>>) dst(%dma_wait3A_270 : memref<16x128xf32, #tpu.memory_space<vmem>>)
      %dma_wait3A_273 = arith.constant 1 : i32
      %dma_wait3A_274 = arith.constant 0 : i32
      %dma_wait3A_275 = arith.constant 0 : i32
      %dma_wait3A_276 = tpu.memref_slice %arg10[%dma_wait3A_273, %dma_wait3A_274, %dma_wait3A_275] : memref<2x16x128xf32, #tpu.memory_space<vmem>> -> memref<1x16x128xf32, #tpu.memory_space<vmem>>
      %dma_wait3A_277 = tpu.memref_squeeze %dma_wait3A_276 : memref<1x16x128xf32, #tpu.memory_space<vmem>> -> memref<16x128xf32, #tpu.memory_space<vmem>>
      %dma_wait3A_278 = arith.constant 0 : i32
      %dma_wait3A_279 = tpu.memref_slice %arg5[%multiple_of3A_259, %dma_wait3A_278] : memref<25600x128xf32, #tpu.memory_space<hbm>> -> memref<16x128xf32, #tpu.memory_space<hbm>>
      %dma_wait3A_280 = arith.constant 0 : i32
      %dma_wait3A_281 = arith.constant 0 : i32
      %dma_wait3A_282 = tpu.memref_slice %arg10[%dma_wait3A_273, %dma_wait3A_280, %dma_wait3A_281] : memref<2x16x128xf32, #tpu.memory_space<vmem>> -> memref<1x16x128xf32, #tpu.memory_space<vmem>>
      %dma_wait3A_283 = tpu.memref_squeeze %dma_wait3A_282 : memref<1x16x128xf32, #tpu.memory_space<vmem>> -> memref<16x128xf32, #tpu.memory_space<vmem>>
      %dma_wait3A_284 = arith.constant 0 : i32
      %dma_wait3A_285 = tpu.memref_slice %arg5[%multiple_of3A_259, %dma_wait3A_284] : memref<25600x128xf32, #tpu.memory_space<hbm>> -> memref<16x128xf32, #tpu.memory_space<hbm>>
      tpu.wait_dma2 semaphore(%arg15 : memref<!tpu.dma_semaphore, #tpu.memory_space<semaphore_mem>>) src(%dma_wait3A_285 : memref<16x128xf32, #tpu.memory_space<hbm>>) dst(%dma_wait3A_283 : memref<16x128xf32, #tpu.memory_space<vmem>>)
      %gt3A_286 = arith.constant 0 : i32
      %gt3A_287 = arith.cmpi sgt, %scan3A_102, %gt3A_286 : i32
      %convert_element_type3A_288 = arith.extui %gt3A_287 : i1 to i32
      %cond3A_289 = arith.constant 0 : i32
      %cond3A_290 = arith.cmpi ne, %convert_element_type3A_288, %cond3A_289 : i32
      scf.if %cond3A_290 {
        %shift_right_arithmetic3A_310 = arith.constant 3 : i32
        %shift_right_arithmetic3A_311 = arith.shrsi %add3A_109, %shift_right_arithmetic3A_310 : i32
        %multiple_of3A_312 = tpu.assume_multiple %shift_right_arithmetic3A_311, 8 : i32
        %dma_wait3A_313 = arith.constant 1 : i32
        %dma_wait3A_314 = arith.constant 0 : i32
        %dma_wait3A_315 = arith.constant 0 : i32
        %dma_wait3A_316 = tpu.memref_slice %arg11[%dma_wait3A_313, %dma_wait3A_314, %dma_wait3A_315] : memref<2x16x128xf32, #tpu.memory_space<vmem>> -> memref<1x16x128xf32, #tpu.memory_space<vmem>>
        %dma_wait3A_317 = tpu.memref_squeeze %dma_wait3A_316 : memref<1x16x128xf32, #tpu.memory_space<vmem>> -> memref<16x128xf32, #tpu.memory_space<vmem>>
        %dma_wait3A_318 = arith.constant 0 : i32
        %dma_wait3A_319 = tpu.memref_slice %arg6[%multiple_of3A_312, %dma_wait3A_318] : memref<25600x128xf32, #tpu.memory_space<hbm>> -> memref<16x128xf32, #tpu.memory_space<hbm>>
        %dma_wait3A_320 = arith.constant 0 : i32
        %dma_wait3A_321 = tpu.memref_slice %arg6[%multiple_of3A_312, %dma_wait3A_320] : memref<25600x128xf32, #tpu.memory_space<hbm>> -> memref<16x128xf32, #tpu.memory_space<hbm>>
        %dma_wait3A_322 = arith.constant 0 : i32
        %dma_wait3A_323 = arith.constant 0 : i32
        %dma_wait3A_324 = tpu.memref_slice %arg11[%dma_wait3A_313, %dma_wait3A_322, %dma_wait3A_323] : memref<2x16x128xf32, #tpu.memory_space<vmem>> -> memref<1x16x128xf32, #tpu.memory_space<vmem>>
        %dma_wait3A_325 = tpu.memref_squeeze %dma_wait3A_324 : memref<1x16x128xf32, #tpu.memory_space<vmem>> -> memref<16x128xf32, #tpu.memory_space<vmem>>
        tpu.wait_dma2 semaphore(%arg17 : memref<!tpu.dma_semaphore, #tpu.memory_space<semaphore_mem>>) src(%dma_wait3A_325 : memref<16x128xf32, #tpu.memory_space<vmem>>) dst(%dma_wait3A_321 : memref<16x128xf32, #tpu.memory_space<hbm>>)
      } else {
      }
      %parallel_loop3A_291 = arith.constant 0 : i32
      %parallel_loop3A_292 = arith.constant 128 : i32
      %parallel_loop3A_293 = arith.constant 1 : i32
      scf.for %parallel_loop3A_310 = %parallel_loop3A_291 to %parallel_loop3A_292 step %parallel_loop3A_293  : i32 {
        %parallel_loop3A_311 = arith.constant 3 : i32
        %parallel_loop3A_312 = arith.shrsi %parallel_loop3A_310, %parallel_loop3A_311 : i32
        %parallel_loop3A_313 = arith.constant 7 : i32
        %parallel_loop3A_314 = arith.andi %parallel_loop3A_310, %parallel_loop3A_313 : i32
        %parallel_loop3A_315 = arith.constant 16 : i32
        %parallel_loop3A_316 = arith.muli %parallel_loop3A_314, %parallel_loop3A_315 : i32
        %parallel_loop3A_317 = arith.constant 1 : i32
        %parallel_loop3A_318 = arith.index_cast %parallel_loop3A_317 : i32 to index
        %parallel_loop3A_319 = arith.index_cast %parallel_loop3A_312 : i32 to index
        %parallel_loop3A_320 = arith.index_cast %parallel_loop3A_316 : i32 to index
        %parallel_loop3A_321 = tpu.vector_load %arg9[%parallel_loop3A_318, %parallel_loop3A_319, %parallel_loop3A_320] {strides = array<i32>} : memref<2x16x128xf32, #tpu.memory_space<vmem>>, vector<1x1x16xf32>,
        %parallel_loop3A_322 = vector.shape_cast %parallel_loop3A_321 : vector<1x1x16xf32> to vector<16xf32>
        %parallel_loop3A_323 = arith.constant 1 : i32
        %parallel_loop3A_324 = arith.index_cast %parallel_loop3A_323 : i32 to index
        %parallel_loop3A_325 = arith.index_cast %parallel_loop3A_312 : i32 to index
        %parallel_loop3A_326 = arith.index_cast %parallel_loop3A_316 : i32 to index
        %parallel_loop3A_327 = tpu.vector_load %arg10[%parallel_loop3A_324, %parallel_loop3A_325, %parallel_loop3A_326] {strides = array<i32>} : memref<2x16x128xf32, #tpu.memory_space<vmem>>, vector<1x1x16xf32>,
        %parallel_loop3A_328 = vector.shape_cast %parallel_loop3A_327 : vector<1x1x16xf32> to vector<16xf32>
        %parallel_loop3A_329 = arith.constant 0 : i32
        %parallel_loop3A_330 = vector.broadcast %parallel_loop3A_329 : i32 to vector<16x1xi32>
        %parallel_loop3A_331 = vector.shape_cast %parallel_loop3A_330 : vector<16x1xi32> to vector<16xi32>
        %parallel_loop3A_332 = tpu.dynamic_gather %parallel_loop3A_322[%parallel_loop3A_331] in [0] : vector<16xf32>, vector<16xi32> -> vector<16xf32>
        %parallel_loop3A_333 = arith.constant 1 : i32
        %parallel_loop3A_334 = arith.index_cast %parallel_loop3A_333 : i32 to index
        %parallel_loop3A_335 = arith.index_cast %parallel_loop3A_310 : i32 to index
        %parallel_loop3A_336 = arith.constant 0 : index
        %parallel_loop3A_337 = tpu.vector_load %arg8[%parallel_loop3A_334, %parallel_loop3A_335, %parallel_loop3A_336] {strides = array<i32>} : memref<2x128x256xf32, #tpu.memory_space<vmem>>, vector<1x1x16xf32>,
        %parallel_loop3A_338 = vector.shape_cast %parallel_loop3A_337 : vector<1x1x16xf32> to vector<16xf32>
        %parallel_loop3A_339 = arith.mulf %parallel_loop3A_332, %parallel_loop3A_338 : vector<16xf32>
        %parallel_loop3A_340 = arith.addf %parallel_loop3A_328, %parallel_loop3A_339 : vector<16xf32>
        %parallel_loop3A_341 = arith.constant 1 : i32
        %parallel_loop3A_342 = vector.broadcast %parallel_loop3A_341 : i32 to vector<16x1xi32>
        %parallel_loop3A_343 = vector.shape_cast %parallel_loop3A_342 : vector<16x1xi32> to vector<16xi32>
        %parallel_loop3A_344 = tpu.dynamic_gather %parallel_loop3A_322[%parallel_loop3A_343] in [0] : vector<16xf32>, vector<16xi32> -> vector<16xf32>
        %parallel_loop3A_345 = arith.constant 1 : i32
        %parallel_loop3A_346 = arith.index_cast %parallel_loop3A_345 : i32 to index
        %parallel_loop3A_347 = arith.index_cast %parallel_loop3A_310 : i32 to index
        %parallel_loop3A_348 = arith.constant 16 : index
        %parallel_loop3A_349 = tpu.vector_load %arg8[%parallel_loop3A_346, %parallel_loop3A_347, %parallel_loop3A_348] {strides = array<i32>} : memref<2x128x256xf32, #tpu.memory_space<vmem>>, vector<1x1x16xf32>,
        %parallel_loop3A_350 = vector.shape_cast %parallel_loop3A_349 : vector<1x1x16xf32> to vector<16xf32>
        %parallel_loop3A_351 = arith.mulf %parallel_loop3A_344, %parallel_loop3A_350 : vector<16xf32>
        %parallel_loop3A_352 = arith.addf %parallel_loop3A_340, %parallel_loop3A_351 : vector<16xf32>
        %parallel_loop3A_353 = arith.constant 2 : i32
        %parallel_loop3A_354 = vector.broadcast %parallel_loop3A_353 : i32 to vector<16x1xi32>
        %parallel_loop3A_355 = vector.shape_cast %parallel_loop3A_354 : vector<16x1xi32> to vector<16xi32>
        %parallel_loop3A_356 = tpu.dynamic_gather %parallel_loop3A_322[%parallel_loop3A_355] in [0] : vector<16xf32>, vector<16xi32> -> vector<16xf32>
        %parallel_loop3A_357 = arith.constant 1 : i32
        %parallel_loop3A_358 = arith.index_cast %parallel_loop3A_357 : i32 to index
        %parallel_loop3A_359 = arith.index_cast %parallel_loop3A_310 : i32 to index
        %parallel_loop3A_360 = arith.constant 32 : index
        %parallel_loop3A_361 = tpu.vector_load %arg8[%parallel_loop3A_358, %parallel_loop3A_359, %parallel_loop3A_360] {strides = array<i32>} : memref<2x128x256xf32, #tpu.memory_space<vmem>>, vector<1x1x16xf32>,
        %parallel_loop3A_362 = vector.shape_cast %parallel_loop3A_361 : vector<1x1x16xf32> to vector<16xf32>
        %parallel_loop3A_363 = arith.mulf %parallel_loop3A_356, %parallel_loop3A_362 : vector<16xf32>
        %parallel_loop3A_364 = arith.addf %parallel_loop3A_352, %parallel_loop3A_363 : vector<16xf32>
        %parallel_loop3A_365 = arith.constant 3 : i32
        %parallel_loop3A_366 = vector.broadcast %parallel_loop3A_365 : i32 to vector<16x1xi32>
        %parallel_loop3A_367 = vector.shape_cast %parallel_loop3A_366 : vector<16x1xi32> to vector<16xi32>
        %parallel_loop3A_368 = tpu.dynamic_gather %parallel_loop3A_322[%parallel_loop3A_367] in [0] : vector<16xf32>, vector<16xi32> -> vector<16xf32>
        %parallel_loop3A_369 = arith.constant 1 : i32
        %parallel_loop3A_370 = arith.index_cast %parallel_loop3A_369 : i32 to index
        %parallel_loop3A_371 = arith.index_cast %parallel_loop3A_310 : i32 to index
        %parallel_loop3A_372 = arith.constant 48 : index
        %parallel_loop3A_373 = tpu.vector_load %arg8[%parallel_loop3A_370, %parallel_loop3A_371, %parallel_loop3A_372] {strides = array<i32>} : memref<2x128x256xf32, #tpu.memory_space<vmem>>, vector<1x1x16xf32>,
        %parallel_loop3A_374 = vector.shape_cast %parallel_loop3A_373 : vector<1x1x16xf32> to vector<16xf32>
        %parallel_loop3A_375 = arith.mulf %parallel_loop3A_368, %parallel_loop3A_374 : vector<16xf32>
        %parallel_loop3A_376 = arith.addf %parallel_loop3A_364, %parallel_loop3A_375 : vector<16xf32>
        %parallel_loop3A_377 = arith.constant 4 : i32
        %parallel_loop3A_378 = vector.broadcast %parallel_loop3A_377 : i32 to vector<16x1xi32>
        %parallel_loop3A_379 = vector.shape_cast %parallel_loop3A_378 : vector<16x1xi32> to vector<16xi32>
        %parallel_loop3A_380 = tpu.dynamic_gather %parallel_loop3A_322[%parallel_loop3A_379] in [0] : vector<16xf32>, vector<16xi32> -> vector<16xf32>
        %parallel_loop3A_381 = arith.constant 1 : i32
        %parallel_loop3A_382 = arith.index_cast %parallel_loop3A_381 : i32 to index
        %parallel_loop3A_383 = arith.index_cast %parallel_loop3A_310 : i32 to index
        %parallel_loop3A_384 = arith.constant 64 : index
        %parallel_loop3A_385 = tpu.vector_load %arg8[%parallel_loop3A_382, %parallel_loop3A_383, %parallel_loop3A_384] {strides = array<i32>} : memref<2x128x256xf32, #tpu.memory_space<vmem>>, vector<1x1x16xf32>,
        %parallel_loop3A_386 = vector.shape_cast %parallel_loop3A_385 : vector<1x1x16xf32> to vector<16xf32>
        %parallel_loop3A_387 = arith.mulf %parallel_loop3A_380, %parallel_loop3A_386 : vector<16xf32>
        %parallel_loop3A_388 = arith.addf %parallel_loop3A_376, %parallel_loop3A_387 : vector<16xf32>
        %parallel_loop3A_389 = arith.constant 5 : i32
        %parallel_loop3A_390 = vector.broadcast %parallel_loop3A_389 : i32 to vector<16x1xi32>
        %parallel_loop3A_391 = vector.shape_cast %parallel_loop3A_390 : vector<16x1xi32> to vector<16xi32>
        %parallel_loop3A_392 = tpu.dynamic_gather %parallel_loop3A_322[%parallel_loop3A_391] in [0] : vector<16xf32>, vector<16xi32> -> vector<16xf32>
        %parallel_loop3A_393 = arith.constant 1 : i32
        %parallel_loop3A_394 = arith.index_cast %parallel_loop3A_393 : i32 to index
        %parallel_loop3A_395 = arith.index_cast %parallel_loop3A_310 : i32 to index
        %parallel_loop3A_396 = arith.constant 80 : index
        %parallel_loop3A_397 = tpu.vector_load %arg8[%parallel_loop3A_394, %parallel_loop3A_395, %parallel_loop3A_396] {strides = array<i32>} : memref<2x128x256xf32, #tpu.memory_space<vmem>>, vector<1x1x16xf32>,
        %parallel_loop3A_398 = vector.shape_cast %parallel_loop3A_397 : vector<1x1x16xf32> to vector<16xf32>
        %parallel_loop3A_399 = arith.mulf %parallel_loop3A_392, %parallel_loop3A_398 : vector<16xf32>
        %parallel_loop3A_400 = arith.addf %parallel_loop3A_388, %parallel_loop3A_399 : vector<16xf32>
        %parallel_loop3A_401 = arith.constant 6 : i32
        %parallel_loop3A_402 = vector.broadcast %parallel_loop3A_401 : i32 to vector<16x1xi32>
        %parallel_loop3A_403 = vector.shape_cast %parallel_loop3A_402 : vector<16x1xi32> to vector<16xi32>
        %parallel_loop3A_404 = tpu.dynamic_gather %parallel_loop3A_322[%parallel_loop3A_403] in [0] : vector<16xf32>, vector<16xi32> -> vector<16xf32>
        %parallel_loop3A_405 = arith.constant 1 : i32
        %parallel_loop3A_406 = arith.index_cast %parallel_loop3A_405 : i32 to index
        %parallel_loop3A_407 = arith.index_cast %parallel_loop3A_310 : i32 to index
        %parallel_loop3A_408 = arith.constant 96 : index
        %parallel_loop3A_409 = tpu.vector_load %arg8[%parallel_loop3A_406, %parallel_loop3A_407, %parallel_loop3A_408] {strides = array<i32>} : memref<2x128x256xf32, #tpu.memory_space<vmem>>, vector<1x1x16xf32>,
        %parallel_loop3A_410 = vector.shape_cast %parallel_loop3A_409 : vector<1x1x16xf32> to vector<16xf32>
        %parallel_loop3A_411 = arith.mulf %parallel_loop3A_404, %parallel_loop3A_410 : vector<16xf32>
        %parallel_loop3A_412 = arith.addf %parallel_loop3A_400, %parallel_loop3A_411 : vector<16xf32>
        %parallel_loop3A_413 = arith.constant 7 : i32
        %parallel_loop3A_414 = vector.broadcast %parallel_loop3A_413 : i32 to vector<16x1xi32>
        %parallel_loop3A_415 = vector.shape_cast %parallel_loop3A_414 : vector<16x1xi32> to vector<16xi32>
        %parallel_loop3A_416 = tpu.dynamic_gather %parallel_loop3A_322[%parallel_loop3A_415] in [0] : vector<16xf32>, vector<16xi32> -> vector<16xf32>
        %parallel_loop3A_417 = arith.constant 1 : i32
        %parallel_loop3A_418 = arith.index_cast %parallel_loop3A_417 : i32 to index
        %parallel_loop3A_419 = arith.index_cast %parallel_loop3A_310 : i32 to index
        %parallel_loop3A_420 = arith.constant 112 : index
        %parallel_loop3A_421 = tpu.vector_load %arg8[%parallel_loop3A_418, %parallel_loop3A_419, %parallel_loop3A_420] {strides = array<i32>} : memref<2x128x256xf32, #tpu.memory_space<vmem>>, vector<1x1x16xf32>,
        %parallel_loop3A_422 = vector.shape_cast %parallel_loop3A_421 : vector<1x1x16xf32> to vector<16xf32>
        %parallel_loop3A_423 = arith.mulf %parallel_loop3A_416, %parallel_loop3A_422 : vector<16xf32>
        %parallel_loop3A_424 = arith.addf %parallel_loop3A_412, %parallel_loop3A_423 : vector<16xf32>
        %parallel_loop3A_425 = arith.constant 8 : i32
        %parallel_loop3A_426 = vector.broadcast %parallel_loop3A_425 : i32 to vector<16x1xi32>
        %parallel_loop3A_427 = vector.shape_cast %parallel_loop3A_426 : vector<16x1xi32> to vector<16xi32>
        %parallel_loop3A_428 = tpu.dynamic_gather %parallel_loop3A_322[%parallel_loop3A_427] in [0] : vector<16xf32>, vector<16xi32> -> vector<16xf32>
        %parallel_loop3A_429 = arith.constant 1 : i32
        %parallel_loop3A_430 = arith.index_cast %parallel_loop3A_429 : i32 to index
        %parallel_loop3A_431 = arith.index_cast %parallel_loop3A_310 : i32 to index
        %parallel_loop3A_432 = arith.constant 128 : index
        %parallel_loop3A_433 = tpu.vector_load %arg8[%parallel_loop3A_430, %parallel_loop3A_431, %parallel_loop3A_432] {strides = array<i32>} : memref<2x128x256xf32, #tpu.memory_space<vmem>>, vector<1x1x16xf32>,
        %parallel_loop3A_434 = vector.shape_cast %parallel_loop3A_433 : vector<1x1x16xf32> to vector<16xf32>
        %parallel_loop3A_435 = arith.mulf %parallel_loop3A_428, %parallel_loop3A_434 : vector<16xf32>
        %parallel_loop3A_436 = arith.addf %parallel_loop3A_424, %parallel_loop3A_435 : vector<16xf32>
        %parallel_loop3A_437 = arith.constant 9 : i32
        %parallel_loop3A_438 = vector.broadcast %parallel_loop3A_437 : i32 to vector<16x1xi32>
        %parallel_loop3A_439 = vector.shape_cast %parallel_loop3A_438 : vector<16x1xi32> to vector<16xi32>
        %parallel_loop3A_440 = tpu.dynamic_gather %parallel_loop3A_322[%parallel_loop3A_439] in [0] : vector<16xf32>, vector<16xi32> -> vector<16xf32>
        %parallel_loop3A_441 = arith.constant 1 : i32
        %parallel_loop3A_442 = arith.index_cast %parallel_loop3A_441 : i32 to index
        %parallel_loop3A_443 = arith.index_cast %parallel_loop3A_310 : i32 to index
        %parallel_loop3A_444 = arith.constant 144 : index
        %parallel_loop3A_445 = tpu.vector_load %arg8[%parallel_loop3A_442, %parallel_loop3A_443, %parallel_loop3A_444] {strides = array<i32>} : memref<2x128x256xf32, #tpu.memory_space<vmem>>, vector<1x1x16xf32>,
        %parallel_loop3A_446 = vector.shape_cast %parallel_loop3A_445 : vector<1x1x16xf32> to vector<16xf32>
        %parallel_loop3A_447 = arith.mulf %parallel_loop3A_440, %parallel_loop3A_446 : vector<16xf32>
        %parallel_loop3A_448 = arith.addf %parallel_loop3A_436, %parallel_loop3A_447 : vector<16xf32>
        %parallel_loop3A_449 = arith.constant 10 : i32
        %parallel_loop3A_450 = vector.broadcast %parallel_loop3A_449 : i32 to vector<16x1xi32>
        %parallel_loop3A_451 = vector.shape_cast %parallel_loop3A_450 : vector<16x1xi32> to vector<16xi32>
        %parallel_loop3A_452 = tpu.dynamic_gather %parallel_loop3A_322[%parallel_loop3A_451] in [0] : vector<16xf32>, vector<16xi32> -> vector<16xf32>
        %parallel_loop3A_453 = arith.constant 1 : i32
        %parallel_loop3A_454 = arith.index_cast %parallel_loop3A_453 : i32 to index
        %parallel_loop3A_455 = arith.index_cast %parallel_loop3A_310 : i32 to index
        %parallel_loop3A_456 = arith.constant 160 : index
        %parallel_loop3A_457 = tpu.vector_load %arg8[%parallel_loop3A_454, %parallel_loop3A_455, %parallel_loop3A_456] {strides = array<i32>} : memref<2x128x256xf32, #tpu.memory_space<vmem>>, vector<1x1x16xf32>,
        %parallel_loop3A_458 = vector.shape_cast %parallel_loop3A_457 : vector<1x1x16xf32> to vector<16xf32>
        %parallel_loop3A_459 = arith.mulf %parallel_loop3A_452, %parallel_loop3A_458 : vector<16xf32>
        %parallel_loop3A_460 = arith.addf %parallel_loop3A_448, %parallel_loop3A_459 : vector<16xf32>
        %parallel_loop3A_461 = arith.constant 11 : i32
        %parallel_loop3A_462 = vector.broadcast %parallel_loop3A_461 : i32 to vector<16x1xi32>
        %parallel_loop3A_463 = vector.shape_cast %parallel_loop3A_462 : vector<16x1xi32> to vector<16xi32>
        %parallel_loop3A_464 = tpu.dynamic_gather %parallel_loop3A_322[%parallel_loop3A_463] in [0] : vector<16xf32>, vector<16xi32> -> vector<16xf32>
        %parallel_loop3A_465 = arith.constant 1 : i32
        %parallel_loop3A_466 = arith.index_cast %parallel_loop3A_465 : i32 to index
        %parallel_loop3A_467 = arith.index_cast %parallel_loop3A_310 : i32 to index
        %parallel_loop3A_468 = arith.constant 176 : index
        %parallel_loop3A_469 = tpu.vector_load %arg8[%parallel_loop3A_466, %parallel_loop3A_467, %parallel_loop3A_468] {strides = array<i32>} : memref<2x128x256xf32, #tpu.memory_space<vmem>>, vector<1x1x16xf32>,
        %parallel_loop3A_470 = vector.shape_cast %parallel_loop3A_469 : vector<1x1x16xf32> to vector<16xf32>
        %parallel_loop3A_471 = arith.mulf %parallel_loop3A_464, %parallel_loop3A_470 : vector<16xf32>
        %parallel_loop3A_472 = arith.addf %parallel_loop3A_460, %parallel_loop3A_471 : vector<16xf32>
        %parallel_loop3A_473 = arith.constant 12 : i32
        %parallel_loop3A_474 = vector.broadcast %parallel_loop3A_473 : i32 to vector<16x1xi32>
        %parallel_loop3A_475 = vector.shape_cast %parallel_loop3A_474 : vector<16x1xi32> to vector<16xi32>
        %parallel_loop3A_476 = tpu.dynamic_gather %parallel_loop3A_322[%parallel_loop3A_475] in [0] : vector<16xf32>, vector<16xi32> -> vector<16xf32>
        %parallel_loop3A_477 = arith.constant 1 : i32
        %parallel_loop3A_478 = arith.index_cast %parallel_loop3A_477 : i32 to index
        %parallel_loop3A_479 = arith.index_cast %parallel_loop3A_310 : i32 to index
        %parallel_loop3A_480 = arith.constant 192 : index
        %parallel_loop3A_481 = tpu.vector_load %arg8[%parallel_loop3A_478, %parallel_loop3A_479, %parallel_loop3A_480] {strides = array<i32>} : memref<2x128x256xf32, #tpu.memory_space<vmem>>, vector<1x1x16xf32>,
        %parallel_loop3A_482 = vector.shape_cast %parallel_loop3A_481 : vector<1x1x16xf32> to vector<16xf32>
        %parallel_loop3A_483 = arith.mulf %parallel_loop3A_476, %parallel_loop3A_482 : vector<16xf32>
        %parallel_loop3A_484 = arith.addf %parallel_loop3A_472, %parallel_loop3A_483 : vector<16xf32>
        %parallel_loop3A_485 = arith.constant 13 : i32
        %parallel_loop3A_486 = vector.broadcast %parallel_loop3A_485 : i32 to vector<16x1xi32>
        %parallel_loop3A_487 = vector.shape_cast %parallel_loop3A_486 : vector<16x1xi32> to vector<16xi32>
        %parallel_loop3A_488 = tpu.dynamic_gather %parallel_loop3A_322[%parallel_loop3A_487] in [0] : vector<16xf32>, vector<16xi32> -> vector<16xf32>
        %parallel_loop3A_489 = arith.constant 1 : i32
        %parallel_loop3A_490 = arith.index_cast %parallel_loop3A_489 : i32 to index
        %parallel_loop3A_491 = arith.index_cast %parallel_loop3A_310 : i32 to index
        %parallel_loop3A_492 = arith.constant 208 : index
        %parallel_loop3A_493 = tpu.vector_load %arg8[%parallel_loop3A_490, %parallel_loop3A_491, %parallel_loop3A_492] {strides = array<i32>} : memref<2x128x256xf32, #tpu.memory_space<vmem>>, vector<1x1x16xf32>,
        %parallel_loop3A_494 = vector.shape_cast %parallel_loop3A_493 : vector<1x1x16xf32> to vector<16xf32>
        %parallel_loop3A_495 = arith.mulf %parallel_loop3A_488, %parallel_loop3A_494 : vector<16xf32>
        %parallel_loop3A_496 = arith.addf %parallel_loop3A_484, %parallel_loop3A_495 : vector<16xf32>
        %parallel_loop3A_497 = arith.constant 14 : i32
        %parallel_loop3A_498 = vector.broadcast %parallel_loop3A_497 : i32 to vector<16x1xi32>
        %parallel_loop3A_499 = vector.shape_cast %parallel_loop3A_498 : vector<16x1xi32> to vector<16xi32>
        %parallel_loop3A_500 = tpu.dynamic_gather %parallel_loop3A_322[%parallel_loop3A_499] in [0] : vector<16xf32>, vector<16xi32> -> vector<16xf32>
        %parallel_loop3A_501 = arith.constant 1 : i32
        %parallel_loop3A_502 = arith.index_cast %parallel_loop3A_501 : i32 to index
        %parallel_loop3A_503 = arith.index_cast %parallel_loop3A_310 : i32 to index
        %parallel_loop3A_504 = arith.constant 224 : index
        %parallel_loop3A_505 = tpu.vector_load %arg8[%parallel_loop3A_502, %parallel_loop3A_503, %parallel_loop3A_504] {strides = array<i32>} : memref<2x128x256xf32, #tpu.memory_space<vmem>>, vector<1x1x16xf32>,
        %parallel_loop3A_506 = vector.shape_cast %parallel_loop3A_505 : vector<1x1x16xf32> to vector<16xf32>
        %parallel_loop3A_507 = arith.mulf %parallel_loop3A_500, %parallel_loop3A_506 : vector<16xf32>
        %parallel_loop3A_508 = arith.addf %parallel_loop3A_496, %parallel_loop3A_507 : vector<16xf32>
        %parallel_loop3A_509 = arith.constant 15 : i32
        %parallel_loop3A_510 = vector.broadcast %parallel_loop3A_509 : i32 to vector<16x1xi32>
        %parallel_loop3A_511 = vector.shape_cast %parallel_loop3A_510 : vector<16x1xi32> to vector<16xi32>
        %parallel_loop3A_512 = tpu.dynamic_gather %parallel_loop3A_322[%parallel_loop3A_511] in [0] : vector<16xf32>, vector<16xi32> -> vector<16xf32>
        %parallel_loop3A_513 = arith.constant 1 : i32
        %parallel_loop3A_514 = arith.index_cast %parallel_loop3A_513 : i32 to index
        %parallel_loop3A_515 = arith.index_cast %parallel_loop3A_310 : i32 to index
        %parallel_loop3A_516 = arith.constant 240 : index
        %parallel_loop3A_517 = tpu.vector_load %arg8[%parallel_loop3A_514, %parallel_loop3A_515, %parallel_loop3A_516] {strides = array<i32>} : memref<2x128x256xf32, #tpu.memory_space<vmem>>, vector<1x1x16xf32>,
        %parallel_loop3A_518 = vector.shape_cast %parallel_loop3A_517 : vector<1x1x16xf32> to vector<16xf32>
        %parallel_loop3A_519 = arith.mulf %parallel_loop3A_512, %parallel_loop3A_518 : vector<16xf32>
        %parallel_loop3A_520 = arith.addf %parallel_loop3A_508, %parallel_loop3A_519 : vector<16xf32>
        %parallel_loop3A_521 = arith.constant 1 : i32
        %parallel_loop3A_522 = arith.index_cast %parallel_loop3A_521 : i32 to index
        %parallel_loop3A_523 = arith.index_cast %parallel_loop3A_312 : i32 to index
        %parallel_loop3A_524 = arith.index_cast %parallel_loop3A_316 : i32 to index
        %parallel_loop3A_525 = tpu.vector_load %arg11[%parallel_loop3A_522, %parallel_loop3A_523, %parallel_loop3A_524] {strides = array<i32>} : memref<2x16x128xf32, #tpu.memory_space<vmem>>, vector<1x1x16xf32>,
        %parallel_loop3A_526 = vector.shape_cast %parallel_loop3A_525 : vector<1x1x16xf32> to vector<16xf32>
        %parallel_loop3A_527 = vector.shape_cast %parallel_loop3A_520 : vector<16xf32> to vector<1x1x16xf32>
        tpu.vector_store %arg11[%parallel_loop3A_522, %parallel_loop3A_523, %parallel_loop3A_524], %parallel_loop3A_527 {strides = array<i32>} : memref<2x16x128xf32, #tpu.memory_space<vmem>>, vector<1x1x16xf32>,
      } {sc.loop_unroll_factor = 2 : i64, sc.parallel_access}
      %shift_right_arithmetic3A_294 = arith.constant 3 : i32
      %shift_right_arithmetic3A_295 = arith.shrsi %add3A_109, %shift_right_arithmetic3A_294 : i32
      %multiple_of3A_296 = tpu.assume_multiple %shift_right_arithmetic3A_295, 8 : i32
      %dma_start3A_297 = arith.constant 1 : i32
      %dma_start3A_298 = arith.constant 0 : i32
      %dma_start3A_299 = arith.constant 0 : i32
      %dma_start3A_300 = tpu.memref_slice %arg11[%dma_start3A_297, %dma_start3A_298, %dma_start3A_299] : memref<2x16x128xf32, #tpu.memory_space<vmem>> -> memref<1x16x128xf32, #tpu.memory_space<vmem>>
      %dma_start3A_301 = tpu.memref_squeeze %dma_start3A_300 : memref<1x16x128xf32, #tpu.memory_space<vmem>> -> memref<16x128xf32, #tpu.memory_space<vmem>>
      %dma_start3A_302 = arith.constant 0 : i32
      %dma_start3A_303 = tpu.memref_slice %arg6[%multiple_of3A_296, %dma_start3A_302] : memref<25600x128xf32, #tpu.memory_space<hbm>> -> memref<16x128xf32, #tpu.memory_space<hbm>>
      %dma_start3A_304 = arith.constant 0 : i32
      %dma_start3A_305 = tpu.memref_slice %arg6[%multiple_of3A_296, %dma_start3A_304] : memref<25600x128xf32, #tpu.memory_space<hbm>> -> memref<16x128xf32, #tpu.memory_space<hbm>>
      %dma_start3A_306 = arith.constant 0 : i32
      %dma_start3A_307 = arith.constant 0 : i32
      %dma_start3A_308 = tpu.memref_slice %arg11[%dma_start3A_297, %dma_start3A_306, %dma_start3A_307] : memref<2x16x128xf32, #tpu.memory_space<vmem>> -> memref<1x16x128xf32, #tpu.memory_space<vmem>>
      %dma_start3A_309 = tpu.memref_squeeze %dma_start3A_308 : memref<1x16x128xf32, #tpu.memory_space<vmem>> -> memref<16x128xf32, #tpu.memory_space<vmem>>
      tpu.enqueue_dma source(%dma_start3A_309 : memref<16x128xf32, #tpu.memory_space<vmem>>) target(%dma_start3A_305 : memref<16x128xf32, #tpu.memory_space<hbm>>) target_semaphore(%arg17 : memref<!tpu.dma_semaphore, #tpu.memory_space<semaphore_mem>>)
    }
    %scan3A_65 = arith.constant 25 : i32
    %add3A_66 = arith.constant 6144 : i32
    %add3A_67 = arith.addi %mul3A_2, %add3A_66 : i32
    %shift_right_arithmetic3A_68 = arith.constant 3 : i32
    %shift_right_arithmetic3A_69 = arith.shrsi %add3A_67, %shift_right_arithmetic3A_68 : i32
    %multiple_of3A_70 = tpu.assume_multiple %shift_right_arithmetic3A_69, 8 : i32
    %dma_wait3A_71 = arith.constant 0 : i32
    %dma_wait3A_72 = arith.constant 0 : i32
    %dma_wait3A_73 = arith.constant 0 : i32
    %dma_wait3A_74 = tpu.memref_slice %arg11[%dma_wait3A_71, %dma_wait3A_72, %dma_wait3A_73] : memref<2x16x128xf32, #tpu.memory_space<vmem>> -> memref<1x16x128xf32, #tpu.memory_space<vmem>>
    %dma_wait3A_75 = tpu.memref_squeeze %dma_wait3A_74 : memref<1x16x128xf32, #tpu.memory_space<vmem>> -> memref<16x128xf32, #tpu.memory_space<vmem>>
    %dma_wait3A_76 = arith.constant 0 : i32
    %dma_wait3A_77 = tpu.memref_slice %arg6[%multiple_of3A_70, %dma_wait3A_76] : memref<25600x128xf32, #tpu.memory_space<hbm>> -> memref<16x128xf32, #tpu.memory_space<hbm>>
    %dma_wait3A_78 = arith.constant 0 : i32
    %dma_wait3A_79 = tpu.memref_slice %arg6[%multiple_of3A_70, %dma_wait3A_78] : memref<25600x128xf32, #tpu.memory_space<hbm>> -> memref<16x128xf32, #tpu.memory_space<hbm>>
    %dma_wait3A_80 = arith.constant 0 : i32
    %dma_wait3A_81 = arith.constant 0 : i32
    %dma_wait3A_82 = tpu.memref_slice %arg11[%dma_wait3A_71, %dma_wait3A_80, %dma_wait3A_81] : memref<2x16x128xf32, #tpu.memory_space<vmem>> -> memref<1x16x128xf32, #tpu.memory_space<vmem>>
    %dma_wait3A_83 = tpu.memref_squeeze %dma_wait3A_82 : memref<1x16x128xf32, #tpu.memory_space<vmem>> -> memref<16x128xf32, #tpu.memory_space<vmem>>
    tpu.wait_dma2 semaphore(%arg16 : memref<!tpu.dma_semaphore, #tpu.memory_space<semaphore_mem>>) src(%dma_wait3A_83 : memref<16x128xf32, #tpu.memory_space<vmem>>) dst(%dma_wait3A_79 : memref<16x128xf32, #tpu.memory_space<hbm>>)
    %add3A_84 = arith.constant 128 : i32
    %add3A_85 = arith.addi %add3A_67, %add3A_84 : i32
    %shift_right_arithmetic3A_86 = arith.constant 3 : i32
    %shift_right_arithmetic3A_87 = arith.shrsi %add3A_85, %shift_right_arithmetic3A_86 : i32
    %multiple_of3A_88 = tpu.assume_multiple %shift_right_arithmetic3A_87, 8 : i32
    %dma_wait3A_89 = arith.constant 1 : i32
    %dma_wait3A_90 = arith.constant 0 : i32
    %dma_wait3A_91 = arith.constant 0 : i32
    %dma_wait3A_92 = tpu.memref_slice %arg11[%dma_wait3A_89, %dma_wait3A_90, %dma_wait3A_91] : memref<2x16x128xf32, #tpu.memory_space<vmem>> -> memref<1x16x128xf32, #tpu.memory_space<vmem>>
    %dma_wait3A_93 = tpu.memref_squeeze %dma_wait3A_92 : memref<1x16x128xf32, #tpu.memory_space<vmem>> -> memref<16x128xf32, #tpu.memory_space<vmem>>
    %dma_wait3A_94 = arith.constant 0 : i32
    %dma_wait3A_95 = tpu.memref_slice %arg6[%multiple_of3A_88, %dma_wait3A_94] : memref<25600x128xf32, #tpu.memory_space<hbm>> -> memref<16x128xf32, #tpu.memory_space<hbm>>
    %dma_wait3A_96 = arith.constant 0 : i32
    %dma_wait3A_97 = tpu.memref_slice %arg6[%multiple_of3A_88, %dma_wait3A_96] : memref<25600x128xf32, #tpu.memory_space<hbm>> -> memref<16x128xf32, #tpu.memory_space<hbm>>
    %dma_wait3A_98 = arith.constant 0 : i32
    %dma_wait3A_99 = arith.constant 0 : i32
    %dma_wait3A_100 = tpu.memref_slice %arg11[%dma_wait3A_89, %dma_wait3A_98, %dma_wait3A_99] : memref<2x16x128xf32, #tpu.memory_space<vmem>> -> memref<1x16x128xf32, #tpu.memory_space<vmem>>
    %dma_wait3A_101 = tpu.memref_squeeze %dma_wait3A_100 : memref<1x16x128xf32, #tpu.memory_space<vmem>> -> memref<16x128xf32, #tpu.memory_space<vmem>>
    tpu.wait_dma2 semaphore(%arg17 : memref<!tpu.dma_semaphore, #tpu.memory_space<semaphore_mem>>) src(%dma_wait3A_101 : memref<16x128xf32, #tpu.memory_space<vmem>>) dst(%dma_wait3A_97 : memref<16x128xf32, #tpu.memory_space<hbm>>)
    return
  }
}

#map = affine_map<(d0, d1) -> (0)>
#map1 = affine_map<(d0, d1) -> (0, 0)>
module attributes {stable_mosaic.version = 14 : i64} {
  func.func @pack_kernel(%arg0: i32, %arg1: i32, %arg2: memref<204800xi32, #tpu.memory_space<hbm>>, %arg3: memref<204800xi32, #tpu.memory_space<hbm>>, %arg4: memref<204800xi32, #tpu.memory_space<hbm>>, %arg5: memref<1000x16xf32, #tpu.memory_space<hbm>>, %arg6: memref<100000x16xf32, #tpu.memory_space<hbm>>, %arg7: memref<25600x128xf32, #tpu.memory_space<hbm>>, %arg8: memref<25600x128xf32, #tpu.memory_space<hbm>>, %arg9: memref<2x3x128xi32, #tpu.memory_space<vmem>>, %arg10: memref<2x256x16xf32, #tpu.memory_space<vmem>>, %arg11: memref<2x128x16xf32, #tpu.memory_space<vmem>>, %arg12: memref<2x16x128xf32, #tpu.memory_space<vmem>>, %arg13: memref<2x16x128xf32, #tpu.memory_space<vmem>>, %arg14: memref<!tpu.dma_semaphore, #tpu.memory_space<semaphore_mem>>, %arg15: memref<!tpu.dma_semaphore, #tpu.memory_space<semaphore_mem>>, %arg16: memref<!tpu.dma_semaphore, #tpu.memory_space<semaphore_mem>>, %arg17: memref<!tpu.dma_semaphore, #tpu.memory_space<semaphore_mem>>, %arg18: memref<!tpu.dma_semaphore, #tpu.memory_space<semaphore_mem>>, %arg19: memref<!tpu.dma_semaphore, #tpu.memory_space<semaphore_mem>>) attributes {dimension_semantics = [#tpu.dimension_semantics<core_parallel>, #tpu.dimension_semantics<subcore_parallel>], iteration_bounds = array<i64: 2, 16>, scalar_prefetch = 0 : i64, scratch_operands = 11 : i64, tpu.core_type = #tpu.core_type<sc_vector_subcore>, window_params = [{transform_indices = #map}, {transform_indices = #map}, {transform_indices = #map}, {transform_indices = #map1}, {transform_indices = #map1}, {transform_indices = #map1}, {transform_indices = #map1}]} {
    %mul3A = arith.constant 2 : i32
    %mul3A_0 = arith.muli %arg1, %mul3A : i32
    %add3A = arith.addi %mul3A_0, %arg0 : i32
    %mul3A_1 = arith.constant 6400 : i32
    %mul3A_2 = arith.muli %add3A, %mul3A_1 : i32
    %dma_start3A = arith.constant 0 : i32
    %dma_start3A_3 = arith.constant 0 : i32
    %dma_start3A_4 = arith.constant 0 : i32
    %dma_start3A_5 = tpu.memref_slice %arg9[%dma_start3A, %dma_start3A_3, %dma_start3A_4] : memref<2x3x128xi32, #tpu.memory_space<vmem>> -> memref<1x1x128xi32, #tpu.memory_space<vmem>>
    %dma_start3A_6 = tpu.memref_squeeze %dma_start3A_5 : memref<1x1x128xi32, #tpu.memory_space<vmem>> -> memref<128xi32, #tpu.memory_space<vmem>>
    %dma_start3A_7 = tpu.memref_slice %arg2[%mul3A_2] : memref<204800xi32, #tpu.memory_space<hbm>> -> memref<128xi32, #tpu.memory_space<hbm>>
    %dma_start3A_8 = arith.constant 0 : i32
    %dma_start3A_9 = tpu.memref_slice %arg9[%dma_start3A, %dma_start3A_3, %dma_start3A_8] : memref<2x3x128xi32, #tpu.memory_space<vmem>> -> memref<1x1x128xi32, #tpu.memory_space<vmem>>
    %dma_start3A_10 = tpu.memref_squeeze %dma_start3A_9 : memref<1x1x128xi32, #tpu.memory_space<vmem>> -> memref<128xi32, #tpu.memory_space<vmem>>
    %dma_start3A_11 = tpu.memref_slice %arg2[%mul3A_2] : memref<204800xi32, #tpu.memory_space<hbm>> -> memref<128xi32, #tpu.memory_space<hbm>>
    tpu.enqueue_dma source(%dma_start3A_11 : memref<128xi32, #tpu.memory_space<hbm>>) target(%dma_start3A_10 : memref<128xi32, #tpu.memory_space<vmem>>) target_semaphore(%arg14 : memref<!tpu.dma_semaphore, #tpu.memory_space<semaphore_mem>>)
    %dma_start3A_12 = arith.constant 0 : i32
    %dma_start3A_13 = arith.constant 1 : i32
    %dma_start3A_14 = arith.constant 0 : i32
    %dma_start3A_15 = tpu.memref_slice %arg9[%dma_start3A_12, %dma_start3A_13, %dma_start3A_14] : memref<2x3x128xi32, #tpu.memory_space<vmem>> -> memref<1x1x128xi32, #tpu.memory_space<vmem>>
    %dma_start3A_16 = tpu.memref_squeeze %dma_start3A_15 : memref<1x1x128xi32, #tpu.memory_space<vmem>> -> memref<128xi32, #tpu.memory_space<vmem>>
    %dma_start3A_17 = tpu.memref_slice %arg3[%mul3A_2] : memref<204800xi32, #tpu.memory_space<hbm>> -> memref<128xi32, #tpu.memory_space<hbm>>
    %dma_start3A_18 = arith.constant 0 : i32
    %dma_start3A_19 = tpu.memref_slice %arg9[%dma_start3A_12, %dma_start3A_13, %dma_start3A_18] : memref<2x3x128xi32, #tpu.memory_space<vmem>> -> memref<1x1x128xi32, #tpu.memory_space<vmem>>
    %dma_start3A_20 = tpu.memref_squeeze %dma_start3A_19 : memref<1x1x128xi32, #tpu.memory_space<vmem>> -> memref<128xi32, #tpu.memory_space<vmem>>
    %dma_start3A_21 = tpu.memref_slice %arg3[%mul3A_2] : memref<204800xi32, #tpu.memory_space<hbm>> -> memref<128xi32, #tpu.memory_space<hbm>>
    tpu.enqueue_dma source(%dma_start3A_21 : memref<128xi32, #tpu.memory_space<hbm>>) target(%dma_start3A_20 : memref<128xi32, #tpu.memory_space<vmem>>) target_semaphore(%arg14 : memref<!tpu.dma_semaphore, #tpu.memory_space<semaphore_mem>>)
    %dma_start3A_22 = arith.constant 0 : i32
    %dma_start3A_23 = arith.constant 2 : i32
    %dma_start3A_24 = arith.constant 0 : i32
    %dma_start3A_25 = tpu.memref_slice %arg9[%dma_start3A_22, %dma_start3A_23, %dma_start3A_24] : memref<2x3x128xi32, #tpu.memory_space<vmem>> -> memref<1x1x128xi32, #tpu.memory_space<vmem>>
    %dma_start3A_26 = tpu.memref_squeeze %dma_start3A_25 : memref<1x1x128xi32, #tpu.memory_space<vmem>> -> memref<128xi32, #tpu.memory_space<vmem>>
    %dma_start3A_27 = tpu.memref_slice %arg4[%mul3A_2] : memref<204800xi32, #tpu.memory_space<hbm>> -> memref<128xi32, #tpu.memory_space<hbm>>
    %dma_start3A_28 = arith.constant 0 : i32
    %dma_start3A_29 = tpu.memref_slice %arg9[%dma_start3A_22, %dma_start3A_23, %dma_start3A_28] : memref<2x3x128xi32, #tpu.memory_space<vmem>> -> memref<1x1x128xi32, #tpu.memory_space<vmem>>
    %dma_start3A_30 = tpu.memref_squeeze %dma_start3A_29 : memref<1x1x128xi32, #tpu.memory_space<vmem>> -> memref<128xi32, #tpu.memory_space<vmem>>
    %dma_start3A_31 = tpu.memref_slice %arg4[%mul3A_2] : memref<204800xi32, #tpu.memory_space<hbm>> -> memref<128xi32, #tpu.memory_space<hbm>>
    tpu.enqueue_dma source(%dma_start3A_31 : memref<128xi32, #tpu.memory_space<hbm>>) target(%dma_start3A_30 : memref<128xi32, #tpu.memory_space<vmem>>) target_semaphore(%arg14 : memref<!tpu.dma_semaphore, #tpu.memory_space<semaphore_mem>>)
    %dma_wait3A = arith.constant 0 : i32
    %dma_wait3A_32 = arith.constant 0 : i32
    %dma_wait3A_33 = arith.constant 0 : i32
    %dma_wait3A_34 = tpu.memref_slice %arg9[%dma_wait3A, %dma_wait3A_32, %dma_wait3A_33] : memref<2x3x128xi32, #tpu.memory_space<vmem>> -> memref<1x1x128xi32, #tpu.memory_space<vmem>>
    %dma_wait3A_35 = tpu.memref_squeeze %dma_wait3A_34 : memref<1x1x128xi32, #tpu.memory_space<vmem>> -> memref<128xi32, #tpu.memory_space<vmem>>
    %dma_wait3A_36 = tpu.memref_slice %arg2[%mul3A_2] : memref<204800xi32, #tpu.memory_space<hbm>> -> memref<128xi32, #tpu.memory_space<hbm>>
    %dma_wait3A_37 = arith.constant 0 : i32
    %dma_wait3A_38 = tpu.memref_slice %arg9[%dma_wait3A, %dma_wait3A_32, %dma_wait3A_37] : memref<2x3x128xi32, #tpu.memory_space<vmem>> -> memref<1x1x128xi32, #tpu.memory_space<vmem>>
    %dma_wait3A_39 = tpu.memref_squeeze %dma_wait3A_38 : memref<1x1x128xi32, #tpu.memory_space<vmem>> -> memref<128xi32, #tpu.memory_space<vmem>>
    %dma_wait3A_40 = tpu.memref_slice %arg2[%mul3A_2] : memref<204800xi32, #tpu.memory_space<hbm>> -> memref<128xi32, #tpu.memory_space<hbm>>
    tpu.wait_dma2 semaphore(%arg14 : memref<!tpu.dma_semaphore, #tpu.memory_space<semaphore_mem>>) src(%dma_wait3A_40 : memref<128xi32, #tpu.memory_space<hbm>>) dst(%dma_wait3A_39 : memref<128xi32, #tpu.memory_space<vmem>>)
    %dma_wait3A_41 = arith.constant 0 : i32
    %dma_wait3A_42 = arith.constant 1 : i32
    %dma_wait3A_43 = arith.constant 0 : i32
    %dma_wait3A_44 = tpu.memref_slice %arg9[%dma_wait3A_41, %dma_wait3A_42, %dma_wait3A_43] : memref<2x3x128xi32, #tpu.memory_space<vmem>> -> memref<1x1x128xi32, #tpu.memory_space<vmem>>
    %dma_wait3A_45 = tpu.memref_squeeze %dma_wait3A_44 : memref<1x1x128xi32, #tpu.memory_space<vmem>> -> memref<128xi32, #tpu.memory_space<vmem>>
    %dma_wait3A_46 = tpu.memref_slice %arg3[%mul3A_2] : memref<204800xi32, #tpu.memory_space<hbm>> -> memref<128xi32, #tpu.memory_space<hbm>>
    %dma_wait3A_47 = arith.constant 0 : i32
    %dma_wait3A_48 = tpu.memref_slice %arg9[%dma_wait3A_41, %dma_wait3A_42, %dma_wait3A_47] : memref<2x3x128xi32, #tpu.memory_space<vmem>> -> memref<1x1x128xi32, #tpu.memory_space<vmem>>
    %dma_wait3A_49 = tpu.memref_squeeze %dma_wait3A_48 : memref<1x1x128xi32, #tpu.memory_space<vmem>> -> memref<128xi32, #tpu.memory_space<vmem>>
    %dma_wait3A_50 = tpu.memref_slice %arg3[%mul3A_2] : memref<204800xi32, #tpu.memory_space<hbm>> -> memref<128xi32, #tpu.memory_space<hbm>>
    tpu.wait_dma2 semaphore(%arg14 : memref<!tpu.dma_semaphore, #tpu.memory_space<semaphore_mem>>) src(%dma_wait3A_50 : memref<128xi32, #tpu.memory_space<hbm>>) dst(%dma_wait3A_49 : memref<128xi32, #tpu.memory_space<vmem>>)
    %dma_wait3A_51 = arith.constant 0 : i32
    %dma_wait3A_52 = arith.constant 2 : i32
    %dma_wait3A_53 = arith.constant 0 : i32
    %dma_wait3A_54 = tpu.memref_slice %arg9[%dma_wait3A_51, %dma_wait3A_52, %dma_wait3A_53] : memref<2x3x128xi32, #tpu.memory_space<vmem>> -> memref<1x1x128xi32, #tpu.memory_space<vmem>>
    %dma_wait3A_55 = tpu.memref_squeeze %dma_wait3A_54 : memref<1x1x128xi32, #tpu.memory_space<vmem>> -> memref<128xi32, #tpu.memory_space<vmem>>
    %dma_wait3A_56 = tpu.memref_slice %arg4[%mul3A_2] : memref<204800xi32, #tpu.memory_space<hbm>> -> memref<128xi32, #tpu.memory_space<hbm>>
    %dma_wait3A_57 = arith.constant 0 : i32
    %dma_wait3A_58 = tpu.memref_slice %arg9[%dma_wait3A_51, %dma_wait3A_52, %dma_wait3A_57] : memref<2x3x128xi32, #tpu.memory_space<vmem>> -> memref<1x1x128xi32, #tpu.memory_space<vmem>>
    %dma_wait3A_59 = tpu.memref_squeeze %dma_wait3A_58 : memref<1x1x128xi32, #tpu.memory_space<vmem>> -> memref<128xi32, #tpu.memory_space<vmem>>
    %dma_wait3A_60 = tpu.memref_slice %arg4[%mul3A_2] : memref<204800xi32, #tpu.memory_space<hbm>> -> memref<128xi32, #tpu.memory_space<hbm>>
    tpu.wait_dma2 semaphore(%arg14 : memref<!tpu.dma_semaphore, #tpu.memory_space<semaphore_mem>>) src(%dma_wait3A_60 : memref<128xi32, #tpu.memory_space<hbm>>) dst(%dma_wait3A_59 : memref<128xi32, #tpu.memory_space<vmem>>)
    %dma_start3A_61 = arith.constant 0 : i32
    %dma_start3A_62 = arith.constant 0 : i32
    %dma_start3A_63 = arith.constant 0 : i32
    %dma_start3A_64 = arith.constant 0 : i32
    %dma_start3A_65 = arith.constant 0 : i32
    %dma_start3A_66 = tpu.memref_slice %arg11[%dma_start3A_63, %dma_start3A_64, %dma_start3A_65] : memref<2x128x16xf32, #tpu.memory_space<vmem>> -> memref<1x128x16xf32, #tpu.memory_space<vmem>>
    %dma_start3A_67 = tpu.memref_squeeze %dma_start3A_66 : memref<1x128x16xf32, #tpu.memory_space<vmem>> -> memref<128x16xf32, #tpu.memory_space<vmem>>
    %dma_start3A_68 = arith.constant 0 : i32
    %dma_start3A_69 = tpu.memref_slice %arg9[%dma_start3A_61, %dma_start3A_62, %dma_start3A_68] : memref<2x3x128xi32, #tpu.memory_space<vmem>> -> memref<1x1x128xi32, #tpu.memory_space<vmem>>
    %dma_start3A_70 = tpu.memref_squeeze %dma_start3A_69 : memref<1x1x128xi32, #tpu.memory_space<vmem>> -> memref<128xi32, #tpu.memory_space<vmem>>
    %dma_start3A_71 = arith.constant 0 : i32
    %dma_start3A_72 = arith.constant 0 : i32
    %dma_start3A_73 = tpu.memref_slice %arg6[%dma_start3A_71, %dma_start3A_72] : memref<100000x16xf32, #tpu.memory_space<hbm>> -> memref<100000x16xf32, #tpu.memory_space<hbm>>
    tpu.enqueue_indirect_dma source(%dma_start3A_73 : memref<100000x16xf32, #tpu.memory_space<hbm>>) target(%dma_start3A_67 : memref<128x16xf32, #tpu.memory_space<vmem>>) offsets(%dma_start3A_70 : memref<128xi32, #tpu.memory_space<vmem>>) semaphore(%arg16 : memref<!tpu.dma_semaphore, #tpu.memory_space<semaphore_mem>>)
    %dma_start3A_74 = arith.constant 0 : i32
    %dma_start3A_75 = arith.constant 1 : i32
    %dma_start3A_76 = arith.constant 0 : i32
    %dma_start3A_77 = arith.constant 0 : i32
    %dma_start3A_78 = arith.constant 0 : i32
    %dma_start3A_79 = tpu.memref_slice %arg10[%dma_start3A_76, %dma_start3A_77, %dma_start3A_78] : memref<2x256x16xf32, #tpu.memory_space<vmem>> -> memref<1x128x16xf32, #tpu.memory_space<vmem>>
    %dma_start3A_80 = tpu.memref_squeeze %dma_start3A_79 : memref<1x128x16xf32, #tpu.memory_space<vmem>> -> memref<128x16xf32, #tpu.memory_space<vmem>>
    %dma_start3A_81 = arith.constant 0 : i32
    %dma_start3A_82 = tpu.memref_slice %arg9[%dma_start3A_74, %dma_start3A_75, %dma_start3A_81] : memref<2x3x128xi32, #tpu.memory_space<vmem>> -> memref<1x1x128xi32, #tpu.memory_space<vmem>>
    %dma_start3A_83 = tpu.memref_squeeze %dma_start3A_82 : memref<1x1x128xi32, #tpu.memory_space<vmem>> -> memref<128xi32, #tpu.memory_space<vmem>>
    %dma_start3A_84 = arith.constant 0 : i32
    %dma_start3A_85 = arith.constant 0 : i32
    %dma_start3A_86 = tpu.memref_slice %arg5[%dma_start3A_84, %dma_start3A_85] : memref<1000x16xf32, #tpu.memory_space<hbm>> -> memref<1000x16xf32, #tpu.memory_space<hbm>>
    tpu.enqueue_indirect_dma source(%dma_start3A_86 : memref<1000x16xf32, #tpu.memory_space<hbm>>) target(%dma_start3A_80 : memref<128x16xf32, #tpu.memory_space<vmem>>) offsets(%dma_start3A_83 : memref<128xi32, #tpu.memory_space<vmem>>) semaphore(%arg16 : memref<!tpu.dma_semaphore, #tpu.memory_space<semaphore_mem>>)
    %dma_start3A_87 = arith.constant 0 : i32
    %dma_start3A_88 = arith.constant 2 : i32
    %dma_start3A_89 = arith.constant 0 : i32
    %dma_start3A_90 = arith.constant 128 : i32
    %dma_start3A_91 = arith.constant 0 : i32
    %dma_start3A_92 = tpu.memref_slice %arg10[%dma_start3A_89, %dma_start3A_90, %dma_start3A_91] : memref<2x256x16xf32, #tpu.memory_space<vmem>> -> memref<1x128x16xf32, #tpu.memory_space<vmem>>
    %dma_start3A_93 = tpu.memref_squeeze %dma_start3A_92 : memref<1x128x16xf32, #tpu.memory_space<vmem>> -> memref<128x16xf32, #tpu.memory_space<vmem>>
    %dma_start3A_94 = arith.constant 0 : i32
    %dma_start3A_95 = tpu.memref_slice %arg9[%dma_start3A_87, %dma_start3A_88, %dma_start3A_94] : memref<2x3x128xi32, #tpu.memory_space<vmem>> -> memref<1x1x128xi32, #tpu.memory_space<vmem>>
    %dma_start3A_96 = tpu.memref_squeeze %dma_start3A_95 : memref<1x1x128xi32, #tpu.memory_space<vmem>> -> memref<128xi32, #tpu.memory_space<vmem>>
    %dma_start3A_97 = arith.constant 0 : i32
    %dma_start3A_98 = arith.constant 0 : i32
    %dma_start3A_99 = tpu.memref_slice %arg5[%dma_start3A_97, %dma_start3A_98] : memref<1000x16xf32, #tpu.memory_space<hbm>> -> memref<1000x16xf32, #tpu.memory_space<hbm>>
    tpu.enqueue_indirect_dma source(%dma_start3A_99 : memref<1000x16xf32, #tpu.memory_space<hbm>>) target(%dma_start3A_93 : memref<128x16xf32, #tpu.memory_space<vmem>>) offsets(%dma_start3A_96 : memref<128xi32, #tpu.memory_space<vmem>>) semaphore(%arg16 : memref<!tpu.dma_semaphore, #tpu.memory_space<semaphore_mem>>)
    %scan3A = arith.constant 0 : i32
    %scan3A_100 = arith.constant 0 : i32
    %scan3A_101 = arith.constant 25 : i32
    %scan3A_102 = arith.addi %scan3A_100, %scan3A_101 : i32
    %scan3A_103 = arith.constant 1 : i32
    scf.for %scan3A_168 = %scan3A_100 to %scan3A_102 step %scan3A_103  : i32 {
      %mul3A_169 = arith.constant 2 : i32
      %mul3A_170 = arith.muli %mul3A_169, %scan3A_168 : i32
      %mul3A_171 = arith.constant 128 : i32
      %mul3A_172 = arith.muli %mul3A_170, %mul3A_171 : i32
      %add3A_173 = arith.addi %mul3A_2, %mul3A_172 : i32
      %add3A_174 = arith.constant 128 : i32
      %add3A_175 = arith.addi %add3A_173, %add3A_174 : i32
      %dma_start3A_176 = arith.constant 1 : i32
      %dma_start3A_177 = arith.constant 0 : i32
      %dma_start3A_178 = arith.constant 0 : i32
      %dma_start3A_179 = tpu.memref_slice %arg9[%dma_start3A_176, %dma_start3A_177, %dma_start3A_178] : memref<2x3x128xi32, #tpu.memory_space<vmem>> -> memref<1x1x128xi32, #tpu.memory_space<vmem>>
      %dma_start3A_180 = tpu.memref_squeeze %dma_start3A_179 : memref<1x1x128xi32, #tpu.memory_space<vmem>> -> memref<128xi32, #tpu.memory_space<vmem>>
      %dma_start3A_181 = tpu.memref_slice %arg2[%add3A_175] : memref<204800xi32, #tpu.memory_space<hbm>> -> memref<128xi32, #tpu.memory_space<hbm>>
      %dma_start3A_182 = arith.constant 0 : i32
      %dma_start3A_183 = tpu.memref_slice %arg9[%dma_start3A_176, %dma_start3A_177, %dma_start3A_182] : memref<2x3x128xi32, #tpu.memory_space<vmem>> -> memref<1x1x128xi32, #tpu.memory_space<vmem>>
      %dma_start3A_184 = tpu.memref_squeeze %dma_start3A_183 : memref<1x1x128xi32, #tpu.memory_space<vmem>> -> memref<128xi32, #tpu.memory_space<vmem>>
      %dma_start3A_185 = tpu.memref_slice %arg2[%add3A_175] : memref<204800xi32, #tpu.memory_space<hbm>> -> memref<128xi32, #tpu.memory_space<hbm>>
      tpu.enqueue_dma source(%dma_start3A_185 : memref<128xi32, #tpu.memory_space<hbm>>) target(%dma_start3A_184 : memref<128xi32, #tpu.memory_space<vmem>>) target_semaphore(%arg15 : memref<!tpu.dma_semaphore, #tpu.memory_space<semaphore_mem>>)
      %dma_start3A_186 = arith.constant 1 : i32
      %dma_start3A_187 = arith.constant 1 : i32
      %dma_start3A_188 = arith.constant 0 : i32
      %dma_start3A_189 = tpu.memref_slice %arg9[%dma_start3A_186, %dma_start3A_187, %dma_start3A_188] : memref<2x3x128xi32, #tpu.memory_space<vmem>> -> memref<1x1x128xi32, #tpu.memory_space<vmem>>
      %dma_start3A_190 = tpu.memref_squeeze %dma_start3A_189 : memref<1x1x128xi32, #tpu.memory_space<vmem>> -> memref<128xi32, #tpu.memory_space<vmem>>
      %dma_start3A_191 = tpu.memref_slice %arg3[%add3A_175] : memref<204800xi32, #tpu.memory_space<hbm>> -> memref<128xi32, #tpu.memory_space<hbm>>
      %dma_start3A_192 = arith.constant 0 : i32
      %dma_start3A_193 = tpu.memref_slice %arg9[%dma_start3A_186, %dma_start3A_187, %dma_start3A_192] : memref<2x3x128xi32, #tpu.memory_space<vmem>> -> memref<1x1x128xi32, #tpu.memory_space<vmem>>
      %dma_start3A_194 = tpu.memref_squeeze %dma_start3A_193 : memref<1x1x128xi32, #tpu.memory_space<vmem>> -> memref<128xi32, #tpu.memory_space<vmem>>
      %dma_start3A_195 = tpu.memref_slice %arg3[%add3A_175] : memref<204800xi32, #tpu.memory_space<hbm>> -> memref<128xi32, #tpu.memory_space<hbm>>
      tpu.enqueue_dma source(%dma_start3A_195 : memref<128xi32, #tpu.memory_space<hbm>>) target(%dma_start3A_194 : memref<128xi32, #tpu.memory_space<vmem>>) target_semaphore(%arg15 : memref<!tpu.dma_semaphore, #tpu.memory_space<semaphore_mem>>)
      %dma_start3A_196 = arith.constant 1 : i32
      %dma_start3A_197 = arith.constant 2 : i32
      %dma_start3A_198 = arith.constant 0 : i32
      %dma_start3A_199 = tpu.memref_slice %arg9[%dma_start3A_196, %dma_start3A_197, %dma_start3A_198] : memref<2x3x128xi32, #tpu.memory_space<vmem>> -> memref<1x1x128xi32, #tpu.memory_space<vmem>>
      %dma_start3A_200 = tpu.memref_squeeze %dma_start3A_199 : memref<1x1x128xi32, #tpu.memory_space<vmem>> -> memref<128xi32, #tpu.memory_space<vmem>>
      %dma_start3A_201 = tpu.memref_slice %arg4[%add3A_175] : memref<204800xi32, #tpu.memory_space<hbm>> -> memref<128xi32, #tpu.memory_space<hbm>>
      %dma_start3A_202 = arith.constant 0 : i32
      %dma_start3A_203 = tpu.memref_slice %arg9[%dma_start3A_196, %dma_start3A_197, %dma_start3A_202] : memref<2x3x128xi32, #tpu.memory_space<vmem>> -> memref<1x1x128xi32, #tpu.memory_space<vmem>>
      %dma_start3A_204 = tpu.memref_squeeze %dma_start3A_203 : memref<1x1x128xi32, #tpu.memory_space<vmem>> -> memref<128xi32, #tpu.memory_space<vmem>>
      %dma_start3A_205 = tpu.memref_slice %arg4[%add3A_175] : memref<204800xi32, #tpu.memory_space<hbm>> -> memref<128xi32, #tpu.memory_space<hbm>>
      tpu.enqueue_dma source(%dma_start3A_205 : memref<128xi32, #tpu.memory_space<hbm>>) target(%dma_start3A_204 : memref<128xi32, #tpu.memory_space<vmem>>) target_semaphore(%arg15 : memref<!tpu.dma_semaphore, #tpu.memory_space<semaphore_mem>>)
      %dma_wait3A_206 = arith.constant 1 : i32
      %dma_wait3A_207 = arith.constant 0 : i32
      %dma_wait3A_208 = arith.constant 0 : i32
      %dma_wait3A_209 = tpu.memref_slice %arg9[%dma_wait3A_206, %dma_wait3A_207, %dma_wait3A_208] : memref<2x3x128xi32, #tpu.memory_space<vmem>> -> memref<1x1x128xi32, #tpu.memory_space<vmem>>
      %dma_wait3A_210 = tpu.memref_squeeze %dma_wait3A_209 : memref<1x1x128xi32, #tpu.memory_space<vmem>> -> memref<128xi32, #tpu.memory_space<vmem>>
      %dma_wait3A_211 = tpu.memref_slice %arg2[%add3A_175] : memref<204800xi32, #tpu.memory_space<hbm>> -> memref<128xi32, #tpu.memory_space<hbm>>
      %dma_wait3A_212 = arith.constant 0 : i32
      %dma_wait3A_213 = tpu.memref_slice %arg9[%dma_wait3A_206, %dma_wait3A_207, %dma_wait3A_212] : memref<2x3x128xi32, #tpu.memory_space<vmem>> -> memref<1x1x128xi32, #tpu.memory_space<vmem>>
      %dma_wait3A_214 = tpu.memref_squeeze %dma_wait3A_213 : memref<1x1x128xi32, #tpu.memory_space<vmem>> -> memref<128xi32, #tpu.memory_space<vmem>>
      %dma_wait3A_215 = tpu.memref_slice %arg2[%add3A_175] : memref<204800xi32, #tpu.memory_space<hbm>> -> memref<128xi32, #tpu.memory_space<hbm>>
      tpu.wait_dma2 semaphore(%arg15 : memref<!tpu.dma_semaphore, #tpu.memory_space<semaphore_mem>>) src(%dma_wait3A_215 : memref<128xi32, #tpu.memory_space<hbm>>) dst(%dma_wait3A_214 : memref<128xi32, #tpu.memory_space<vmem>>)
      %dma_wait3A_216 = arith.constant 1 : i32
      %dma_wait3A_217 = arith.constant 1 : i32
      %dma_wait3A_218 = arith.constant 0 : i32
      %dma_wait3A_219 = tpu.memref_slice %arg9[%dma_wait3A_216, %dma_wait3A_217, %dma_wait3A_218] : memref<2x3x128xi32, #tpu.memory_space<vmem>> -> memref<1x1x128xi32, #tpu.memory_space<vmem>>
      %dma_wait3A_220 = tpu.memref_squeeze %dma_wait3A_219 : memref<1x1x128xi32, #tpu.memory_space<vmem>> -> memref<128xi32, #tpu.memory_space<vmem>>
      %dma_wait3A_221 = tpu.memref_slice %arg3[%add3A_175] : memref<204800xi32, #tpu.memory_space<hbm>> -> memref<128xi32, #tpu.memory_space<hbm>>
      %dma_wait3A_222 = arith.constant 0 : i32
      %dma_wait3A_223 = tpu.memref_slice %arg9[%dma_wait3A_216, %dma_wait3A_217, %dma_wait3A_222] : memref<2x3x128xi32, #tpu.memory_space<vmem>> -> memref<1x1x128xi32, #tpu.memory_space<vmem>>
      %dma_wait3A_224 = tpu.memref_squeeze %dma_wait3A_223 : memref<1x1x128xi32, #tpu.memory_space<vmem>> -> memref<128xi32, #tpu.memory_space<vmem>>
      %dma_wait3A_225 = tpu.memref_slice %arg3[%add3A_175] : memref<204800xi32, #tpu.memory_space<hbm>> -> memref<128xi32, #tpu.memory_space<hbm>>
      tpu.wait_dma2 semaphore(%arg15 : memref<!tpu.dma_semaphore, #tpu.memory_space<semaphore_mem>>) src(%dma_wait3A_225 : memref<128xi32, #tpu.memory_space<hbm>>) dst(%dma_wait3A_224 : memref<128xi32, #tpu.memory_space<vmem>>)
      %dma_wait3A_226 = arith.constant 1 : i32
      %dma_wait3A_227 = arith.constant 2 : i32
      %dma_wait3A_228 = arith.constant 0 : i32
      %dma_wait3A_229 = tpu.memref_slice %arg9[%dma_wait3A_226, %dma_wait3A_227, %dma_wait3A_228] : memref<2x3x128xi32, #tpu.memory_space<vmem>> -> memref<1x1x128xi32, #tpu.memory_space<vmem>>
      %dma_wait3A_230 = tpu.memref_squeeze %dma_wait3A_229 : memref<1x1x128xi32, #tpu.memory_space<vmem>> -> memref<128xi32, #tpu.memory_space<vmem>>
      %dma_wait3A_231 = tpu.memref_slice %arg4[%add3A_175] : memref<204800xi32, #tpu.memory_space<hbm>> -> memref<128xi32, #tpu.memory_space<hbm>>
      %dma_wait3A_232 = arith.constant 0 : i32
      %dma_wait3A_233 = tpu.memref_slice %arg9[%dma_wait3A_226, %dma_wait3A_227, %dma_wait3A_232] : memref<2x3x128xi32, #tpu.memory_space<vmem>> -> memref<1x1x128xi32, #tpu.memory_space<vmem>>
      %dma_wait3A_234 = tpu.memref_squeeze %dma_wait3A_233 : memref<1x1x128xi32, #tpu.memory_space<vmem>> -> memref<128xi32, #tpu.memory_space<vmem>>
      %dma_wait3A_235 = tpu.memref_slice %arg4[%add3A_175] : memref<204800xi32, #tpu.memory_space<hbm>> -> memref<128xi32, #tpu.memory_space<hbm>>
      tpu.wait_dma2 semaphore(%arg15 : memref<!tpu.dma_semaphore, #tpu.memory_space<semaphore_mem>>) src(%dma_wait3A_235 : memref<128xi32, #tpu.memory_space<hbm>>) dst(%dma_wait3A_234 : memref<128xi32, #tpu.memory_space<vmem>>)
      %dma_start3A_236 = arith.constant 1 : i32
      %dma_start3A_237 = arith.constant 0 : i32
      %dma_start3A_238 = arith.constant 1 : i32
      %dma_start3A_239 = arith.constant 0 : i32
      %dma_start3A_240 = arith.constant 0 : i32
      %dma_start3A_241 = tpu.memref_slice %arg11[%dma_start3A_238, %dma_start3A_239, %dma_start3A_240] : memref<2x128x16xf32, #tpu.memory_space<vmem>> -> memref<1x128x16xf32, #tpu.memory_space<vmem>>
      %dma_start3A_242 = tpu.memref_squeeze %dma_start3A_241 : memref<1x128x16xf32, #tpu.memory_space<vmem>> -> memref<128x16xf32, #tpu.memory_space<vmem>>
      %dma_start3A_243 = arith.constant 0 : i32
      %dma_start3A_244 = tpu.memref_slice %arg9[%dma_start3A_236, %dma_start3A_237, %dma_start3A_243] : memref<2x3x128xi32, #tpu.memory_space<vmem>> -> memref<1x1x128xi32, #tpu.memory_space<vmem>>
      %dma_start3A_245 = tpu.memref_squeeze %dma_start3A_244 : memref<1x1x128xi32, #tpu.memory_space<vmem>> -> memref<128xi32, #tpu.memory_space<vmem>>
      %dma_start3A_246 = arith.constant 0 : i32
      %dma_start3A_247 = arith.constant 0 : i32
      %dma_start3A_248 = tpu.memref_slice %arg6[%dma_start3A_246, %dma_start3A_247] : memref<100000x16xf32, #tpu.memory_space<hbm>> -> memref<100000x16xf32, #tpu.memory_space<hbm>>
      tpu.enqueue_indirect_dma source(%dma_start3A_248 : memref<100000x16xf32, #tpu.memory_space<hbm>>) target(%dma_start3A_242 : memref<128x16xf32, #tpu.memory_space<vmem>>) offsets(%dma_start3A_245 : memref<128xi32, #tpu.memory_space<vmem>>) semaphore(%arg17 : memref<!tpu.dma_semaphore, #tpu.memory_space<semaphore_mem>>)
      %dma_start3A_249 = arith.constant 1 : i32
      %dma_start3A_250 = arith.constant 1 : i32
      %dma_start3A_251 = arith.constant 1 : i32
      %dma_start3A_252 = arith.constant 0 : i32
      %dma_start3A_253 = arith.constant 0 : i32
      %dma_start3A_254 = tpu.memref_slice %arg10[%dma_start3A_251, %dma_start3A_252, %dma_start3A_253] : memref<2x256x16xf32, #tpu.memory_space<vmem>> -> memref<1x128x16xf32, #tpu.memory_space<vmem>>
      %dma_start3A_255 = tpu.memref_squeeze %dma_start3A_254 : memref<1x128x16xf32, #tpu.memory_space<vmem>> -> memref<128x16xf32, #tpu.memory_space<vmem>>
      %dma_start3A_256 = arith.constant 0 : i32
      %dma_start3A_257 = tpu.memref_slice %arg9[%dma_start3A_249, %dma_start3A_250, %dma_start3A_256] : memref<2x3x128xi32, #tpu.memory_space<vmem>> -> memref<1x1x128xi32, #tpu.memory_space<vmem>>
      %dma_start3A_258 = tpu.memref_squeeze %dma_start3A_257 : memref<1x1x128xi32, #tpu.memory_space<vmem>> -> memref<128xi32, #tpu.memory_space<vmem>>
      %dma_start3A_259 = arith.constant 0 : i32
      %dma_start3A_260 = arith.constant 0 : i32
      %dma_start3A_261 = tpu.memref_slice %arg5[%dma_start3A_259, %dma_start3A_260] : memref<1000x16xf32, #tpu.memory_space<hbm>> -> memref<1000x16xf32, #tpu.memory_space<hbm>>
      tpu.enqueue_indirect_dma source(%dma_start3A_261 : memref<1000x16xf32, #tpu.memory_space<hbm>>) target(%dma_start3A_255 : memref<128x16xf32, #tpu.memory_space<vmem>>) offsets(%dma_start3A_258 : memref<128xi32, #tpu.memory_space<vmem>>) semaphore(%arg17 : memref<!tpu.dma_semaphore, #tpu.memory_space<semaphore_mem>>)
      %dma_start3A_262 = arith.constant 1 : i32
      %dma_start3A_263 = arith.constant 2 : i32
      %dma_start3A_264 = arith.constant 1 : i32
      %dma_start3A_265 = arith.constant 128 : i32
      %dma_start3A_266 = arith.constant 0 : i32
      %dma_start3A_267 = tpu.memref_slice %arg10[%dma_start3A_264, %dma_start3A_265, %dma_start3A_266] : memref<2x256x16xf32, #tpu.memory_space<vmem>> -> memref<1x128x16xf32, #tpu.memory_space<vmem>>
      %dma_start3A_268 = tpu.memref_squeeze %dma_start3A_267 : memref<1x128x16xf32, #tpu.memory_space<vmem>> -> memref<128x16xf32, #tpu.memory_space<vmem>>
      %dma_start3A_269 = arith.constant 0 : i32
      %dma_start3A_270 = tpu.memref_slice %arg9[%dma_start3A_262, %dma_start3A_263, %dma_start3A_269] : memref<2x3x128xi32, #tpu.memory_space<vmem>> -> memref<1x1x128xi32, #tpu.memory_space<vmem>>
      %dma_start3A_271 = tpu.memref_squeeze %dma_start3A_270 : memref<1x1x128xi32, #tpu.memory_space<vmem>> -> memref<128xi32, #tpu.memory_space<vmem>>
      %dma_start3A_272 = arith.constant 0 : i32
      %dma_start3A_273 = arith.constant 0 : i32
      %dma_start3A_274 = tpu.memref_slice %arg5[%dma_start3A_272, %dma_start3A_273] : memref<1000x16xf32, #tpu.memory_space<hbm>> -> memref<1000x16xf32, #tpu.memory_space<hbm>>
      tpu.enqueue_indirect_dma source(%dma_start3A_274 : memref<1000x16xf32, #tpu.memory_space<hbm>>) target(%dma_start3A_268 : memref<128x16xf32, #tpu.memory_space<vmem>>) offsets(%dma_start3A_271 : memref<128xi32, #tpu.memory_space<vmem>>) semaphore(%arg17 : memref<!tpu.dma_semaphore, #tpu.memory_space<semaphore_mem>>)
      %dma_wait3A_275 = arith.constant 0 : i32
      %dma_wait3A_276 = arith.constant 0 : i32
      %dma_wait3A_277 = arith.constant 0 : i32
      %dma_wait3A_278 = arith.constant 0 : i32
      %dma_wait3A_279 = arith.constant 0 : i32
      %dma_wait3A_280 = tpu.memref_slice %arg11[%dma_wait3A_277, %dma_wait3A_278, %dma_wait3A_279] : memref<2x128x16xf32, #tpu.memory_space<vmem>> -> memref<1x128x16xf32, #tpu.memory_space<vmem>>
      %dma_wait3A_281 = tpu.memref_squeeze %dma_wait3A_280 : memref<1x128x16xf32, #tpu.memory_space<vmem>> -> memref<128x16xf32, #tpu.memory_space<vmem>>
      %dma_wait3A_282 = arith.constant 0 : i32
      %dma_wait3A_283 = tpu.memref_slice %arg9[%dma_wait3A_275, %dma_wait3A_276, %dma_wait3A_282] : memref<2x3x128xi32, #tpu.memory_space<vmem>> -> memref<1x1x128xi32, #tpu.memory_space<vmem>>
      %dma_wait3A_284 = tpu.memref_squeeze %dma_wait3A_283 : memref<1x1x128xi32, #tpu.memory_space<vmem>> -> memref<128xi32, #tpu.memory_space<vmem>>
      %dma_wait3A_285 = arith.constant 0 : i32
      %dma_wait3A_286 = arith.constant 0 : i32
      %dma_wait3A_287 = tpu.memref_slice %arg6[%dma_wait3A_285, %dma_wait3A_286] : memref<100000x16xf32, #tpu.memory_space<hbm>> -> memref<100000x16xf32, #tpu.memory_space<hbm>>
      tpu.wait_indirect_dma semaphore(%arg16 : memref<!tpu.dma_semaphore, #tpu.memory_space<semaphore_mem>>) src(%dma_wait3A_287 : memref<100000x16xf32, #tpu.memory_space<hbm>>) dst(%dma_wait3A_281 : memref<128x16xf32, #tpu.memory_space<vmem>>)
      %dma_wait3A_288 = arith.constant 0 : i32
      %dma_wait3A_289 = arith.constant 1 : i32
      %dma_wait3A_290 = arith.constant 0 : i32
      %dma_wait3A_291 = arith.constant 0 : i32
      %dma_wait3A_292 = arith.constant 0 : i32
      %dma_wait3A_293 = tpu.memref_slice %arg10[%dma_wait3A_290, %dma_wait3A_291, %dma_wait3A_292] : memref<2x256x16xf32, #tpu.memory_space<vmem>> -> memref<1x128x16xf32, #tpu.memory_space<vmem>>
      %dma_wait3A_294 = tpu.memref_squeeze %dma_wait3A_293 : memref<1x128x16xf32, #tpu.memory_space<vmem>> -> memref<128x16xf32, #tpu.memory_space<vmem>>
      %dma_wait3A_295 = arith.constant 0 : i32
      %dma_wait3A_296 = tpu.memref_slice %arg9[%dma_wait3A_288, %dma_wait3A_289, %dma_wait3A_295] : memref<2x3x128xi32, #tpu.memory_space<vmem>> -> memref<1x1x128xi32, #tpu.memory_space<vmem>>
      %dma_wait3A_297 = tpu.memref_squeeze %dma_wait3A_296 : memref<1x1x128xi32, #tpu.memory_space<vmem>> -> memref<128xi32, #tpu.memory_space<vmem>>
      %dma_wait3A_298 = arith.constant 0 : i32
      %dma_wait3A_299 = arith.constant 0 : i32
      %dma_wait3A_300 = tpu.memref_slice %arg5[%dma_wait3A_298, %dma_wait3A_299] : memref<1000x16xf32, #tpu.memory_space<hbm>> -> memref<1000x16xf32, #tpu.memory_space<hbm>>
      tpu.wait_indirect_dma semaphore(%arg16 : memref<!tpu.dma_semaphore, #tpu.memory_space<semaphore_mem>>) src(%dma_wait3A_300 : memref<1000x16xf32, #tpu.memory_space<hbm>>) dst(%dma_wait3A_294 : memref<128x16xf32, #tpu.memory_space<vmem>>)
      %dma_wait3A_301 = arith.constant 0 : i32
      %dma_wait3A_302 = arith.constant 2 : i32
      %dma_wait3A_303 = arith.constant 0 : i32
      %dma_wait3A_304 = arith.constant 128 : i32
      %dma_wait3A_305 = arith.constant 0 : i32
      %dma_wait3A_306 = tpu.memref_slice %arg10[%dma_wait3A_303, %dma_wait3A_304, %dma_wait3A_305] : memref<2x256x16xf32, #tpu.memory_space<vmem>> -> memref<1x128x16xf32, #tpu.memory_space<vmem>>
      %dma_wait3A_307 = tpu.memref_squeeze %dma_wait3A_306 : memref<1x128x16xf32, #tpu.memory_space<vmem>> -> memref<128x16xf32, #tpu.memory_space<vmem>>
      %dma_wait3A_308 = arith.constant 0 : i32
      %dma_wait3A_309 = tpu.memref_slice %arg9[%dma_wait3A_301, %dma_wait3A_302, %dma_wait3A_308] : memref<2x3x128xi32, #tpu.memory_space<vmem>> -> memref<1x1x128xi32, #tpu.memory_space<vmem>>
      %dma_wait3A_310 = tpu.memref_squeeze %dma_wait3A_309 : memref<1x1x128xi32, #tpu.memory_space<vmem>> -> memref<128xi32, #tpu.memory_space<vmem>>
      %dma_wait3A_311 = arith.constant 0 : i32
      %dma_wait3A_312 = arith.constant 0 : i32
      %dma_wait3A_313 = tpu.memref_slice %arg5[%dma_wait3A_311, %dma_wait3A_312] : memref<1000x16xf32, #tpu.memory_space<hbm>> -> memref<1000x16xf32, #tpu.memory_space<hbm>>
      tpu.wait_indirect_dma semaphore(%arg16 : memref<!tpu.dma_semaphore, #tpu.memory_space<semaphore_mem>>) src(%dma_wait3A_313 : memref<1000x16xf32, #tpu.memory_space<hbm>>) dst(%dma_wait3A_307 : memref<128x16xf32, #tpu.memory_space<vmem>>)
      %gt3A = arith.constant 0 : i32
      %gt3A_314 = arith.cmpi sgt, %scan3A_168, %gt3A : i32
      %convert_element_type3A = arith.extui %gt3A_314 : i1 to i32
      %cond3A = arith.constant 0 : i32
      %cond3A_315 = arith.cmpi ne, %convert_element_type3A, %cond3A : i32
      scf.if %cond3A_315 {
        %shift_right_arithmetic3A_431 = arith.constant 3 : i32
        %shift_right_arithmetic3A_432 = arith.shrsi %add3A_173, %shift_right_arithmetic3A_431 : i32
        %shift_right_arithmetic3A_433 = arith.constant 3 : i32
        %shift_right_arithmetic3A_434 = arith.shrsi %add3A_173, %shift_right_arithmetic3A_433 : i32
        %dma_wait3A_435 = arith.constant 0 : i32
        %dma_wait3A_436 = arith.constant 0 : i32
        %dma_wait3A_437 = arith.constant 0 : i32
        %dma_wait3A_438 = tpu.memref_slice %arg12[%dma_wait3A_435, %dma_wait3A_436, %dma_wait3A_437] : memref<2x16x128xf32, #tpu.memory_space<vmem>> -> memref<1x16x128xf32, #tpu.memory_space<vmem>>
        %dma_wait3A_439 = tpu.memref_squeeze %dma_wait3A_438 : memref<1x16x128xf32, #tpu.memory_space<vmem>> -> memref<16x128xf32, #tpu.memory_space<vmem>>
        %dma_wait3A_440 = arith.constant 0 : i32
        %dma_wait3A_441 = tpu.memref_slice %arg7[%shift_right_arithmetic3A_432, %dma_wait3A_440] : memref<25600x128xf32, #tpu.memory_space<hbm>> -> memref<16x128xf32, #tpu.memory_space<hbm>>
        %dma_wait3A_442 = arith.constant 0 : i32
        %dma_wait3A_443 = tpu.memref_slice %arg7[%shift_right_arithmetic3A_432, %dma_wait3A_442] : memref<25600x128xf32, #tpu.memory_space<hbm>> -> memref<16x128xf32, #tpu.memory_space<hbm>>
        %dma_wait3A_444 = arith.constant 0 : i32
        %dma_wait3A_445 = arith.constant 0 : i32
        %dma_wait3A_446 = tpu.memref_slice %arg12[%dma_wait3A_435, %dma_wait3A_444, %dma_wait3A_445] : memref<2x16x128xf32, #tpu.memory_space<vmem>> -> memref<1x16x128xf32, #tpu.memory_space<vmem>>
        %dma_wait3A_447 = tpu.memref_squeeze %dma_wait3A_446 : memref<1x16x128xf32, #tpu.memory_space<vmem>> -> memref<16x128xf32, #tpu.memory_space<vmem>>
        tpu.wait_dma2 semaphore(%arg18 : memref<!tpu.dma_semaphore, #tpu.memory_space<semaphore_mem>>) src(%dma_wait3A_447 : memref<16x128xf32, #tpu.memory_space<vmem>>) dst(%dma_wait3A_443 : memref<16x128xf32, #tpu.memory_space<hbm>>)
        %dma_wait3A_448 = arith.constant 0 : i32
        %dma_wait3A_449 = arith.constant 0 : i32
        %dma_wait3A_450 = arith.constant 0 : i32
        %dma_wait3A_451 = tpu.memref_slice %arg13[%dma_wait3A_448, %dma_wait3A_449, %dma_wait3A_450] : memref<2x16x128xf32, #tpu.memory_space<vmem>> -> memref<1x16x128xf32, #tpu.memory_space<vmem>>
        %dma_wait3A_452 = tpu.memref_squeeze %dma_wait3A_451 : memref<1x16x128xf32, #tpu.memory_space<vmem>> -> memref<16x128xf32, #tpu.memory_space<vmem>>
        %dma_wait3A_453 = arith.constant 0 : i32
        %dma_wait3A_454 = tpu.memref_slice %arg8[%shift_right_arithmetic3A_434, %dma_wait3A_453] : memref<25600x128xf32, #tpu.memory_space<hbm>> -> memref<16x128xf32, #tpu.memory_space<hbm>>
        %dma_wait3A_455 = arith.constant 0 : i32
        %dma_wait3A_456 = tpu.memref_slice %arg8[%shift_right_arithmetic3A_434, %dma_wait3A_455] : memref<25600x128xf32, #tpu.memory_space<hbm>> -> memref<16x128xf32, #tpu.memory_space<hbm>>
        %dma_wait3A_457 = arith.constant 0 : i32
        %dma_wait3A_458 = arith.constant 0 : i32
        %dma_wait3A_459 = tpu.memref_slice %arg13[%dma_wait3A_448, %dma_wait3A_457, %dma_wait3A_458] : memref<2x16x128xf32, #tpu.memory_space<vmem>> -> memref<1x16x128xf32, #tpu.memory_space<vmem>>
        %dma_wait3A_460 = tpu.memref_squeeze %dma_wait3A_459 : memref<1x16x128xf32, #tpu.memory_space<vmem>> -> memref<16x128xf32, #tpu.memory_space<vmem>>
        tpu.wait_dma2 semaphore(%arg18 : memref<!tpu.dma_semaphore, #tpu.memory_space<semaphore_mem>>) src(%dma_wait3A_460 : memref<16x128xf32, #tpu.memory_space<vmem>>) dst(%dma_wait3A_456 : memref<16x128xf32, #tpu.memory_space<hbm>>)
      } else {
      }
      %parallel_loop3A = arith.constant 0 : i32
      %parallel_loop3A_316 = arith.constant 128 : i32
      %parallel_loop3A_317 = arith.constant 1 : i32
      scf.for %parallel_loop3A_431 = %parallel_loop3A to %parallel_loop3A_316 step %parallel_loop3A_317  : i32 {
        %parallel_loop3A_432 = arith.constant 3 : i32
        %parallel_loop3A_433 = arith.shrsi %parallel_loop3A_431, %parallel_loop3A_432 : i32
        %parallel_loop3A_434 = arith.constant 7 : i32
        %parallel_loop3A_435 = arith.andi %parallel_loop3A_431, %parallel_loop3A_434 : i32
        %parallel_loop3A_436 = arith.constant 16 : i32
        %parallel_loop3A_437 = arith.muli %parallel_loop3A_435, %parallel_loop3A_436 : i32
        %parallel_loop3A_438 = arith.constant 0 : i32
        %parallel_loop3A_439 = arith.index_cast %parallel_loop3A_438 : i32 to index
        %parallel_loop3A_440 = arith.index_cast %parallel_loop3A_431 : i32 to index
        %parallel_loop3A_441 = arith.constant 0 : index
        %parallel_loop3A_442 = tpu.vector_load %arg10[%parallel_loop3A_439, %parallel_loop3A_440, %parallel_loop3A_441] {strides = array<i32>} : memref<2x256x16xf32, #tpu.memory_space<vmem>>, vector<1x1x16xf32>,
        %parallel_loop3A_443 = vector.shape_cast %parallel_loop3A_442 : vector<1x1x16xf32> to vector<16xf32>
        %parallel_loop3A_444 = arith.constant 128 : i32
        %parallel_loop3A_445 = arith.addi %parallel_loop3A_444, %parallel_loop3A_431 : i32
        %parallel_loop3A_446 = arith.constant 0 : i32
        %parallel_loop3A_447 = arith.index_cast %parallel_loop3A_446 : i32 to index
        %parallel_loop3A_448 = arith.index_cast %parallel_loop3A_445 : i32 to index
        %parallel_loop3A_449 = arith.constant 0 : index
        %parallel_loop3A_450 = tpu.vector_load %arg10[%parallel_loop3A_447, %parallel_loop3A_448, %parallel_loop3A_449] {strides = array<i32>} : memref<2x256x16xf32, #tpu.memory_space<vmem>>, vector<1x1x16xf32>,
        %parallel_loop3A_451 = vector.shape_cast %parallel_loop3A_450 : vector<1x1x16xf32> to vector<16xf32>
        %parallel_loop3A_452 = arith.addf %parallel_loop3A_443, %parallel_loop3A_451 : vector<16xf32>
        %parallel_loop3A_453 = arith.constant 0 : i32
        %parallel_loop3A_454 = arith.index_cast %parallel_loop3A_453 : i32 to index
        %parallel_loop3A_455 = arith.index_cast %parallel_loop3A_433 : i32 to index
        %parallel_loop3A_456 = arith.index_cast %parallel_loop3A_437 : i32 to index
        %parallel_loop3A_457 = tpu.vector_load %arg12[%parallel_loop3A_454, %parallel_loop3A_455, %parallel_loop3A_456] {strides = array<i32>} : memref<2x16x128xf32, #tpu.memory_space<vmem>>, vector<1x1x16xf32>,
        %parallel_loop3A_458 = vector.shape_cast %parallel_loop3A_457 : vector<1x1x16xf32> to vector<16xf32>
        %parallel_loop3A_459 = vector.shape_cast %parallel_loop3A_452 : vector<16xf32> to vector<1x1x16xf32>
        tpu.vector_store %arg12[%parallel_loop3A_454, %parallel_loop3A_455, %parallel_loop3A_456], %parallel_loop3A_459 {strides = array<i32>} : memref<2x16x128xf32, #tpu.memory_space<vmem>>, vector<1x1x16xf32>,
        %parallel_loop3A_460 = arith.constant 0 : i32
        %parallel_loop3A_461 = arith.index_cast %parallel_loop3A_460 : i32 to index
        %parallel_loop3A_462 = arith.index_cast %parallel_loop3A_431 : i32 to index
        %parallel_loop3A_463 = arith.constant 0 : index
        %parallel_loop3A_464 = tpu.vector_load %arg11[%parallel_loop3A_461, %parallel_loop3A_462, %parallel_loop3A_463] {strides = array<i32>} : memref<2x128x16xf32, #tpu.memory_space<vmem>>, vector<1x1x16xf32>,
        %parallel_loop3A_465 = vector.shape_cast %parallel_loop3A_464 : vector<1x1x16xf32> to vector<16xf32>
        %parallel_loop3A_466 = arith.constant 0 : i32
        %parallel_loop3A_467 = arith.index_cast %parallel_loop3A_466 : i32 to index
        %parallel_loop3A_468 = arith.index_cast %parallel_loop3A_433 : i32 to index
        %parallel_loop3A_469 = arith.index_cast %parallel_loop3A_437 : i32 to index
        %parallel_loop3A_470 = tpu.vector_load %arg13[%parallel_loop3A_467, %parallel_loop3A_468, %parallel_loop3A_469] {strides = array<i32>} : memref<2x16x128xf32, #tpu.memory_space<vmem>>, vector<1x1x16xf32>,
        %parallel_loop3A_471 = vector.shape_cast %parallel_loop3A_470 : vector<1x1x16xf32> to vector<16xf32>
        %parallel_loop3A_472 = vector.shape_cast %parallel_loop3A_465 : vector<16xf32> to vector<1x1x16xf32>
        tpu.vector_store %arg13[%parallel_loop3A_467, %parallel_loop3A_468, %parallel_loop3A_469], %parallel_loop3A_472 {strides = array<i32>} : memref<2x16x128xf32, #tpu.memory_space<vmem>>, vector<1x1x16xf32>,
      } {sc.loop_unroll_factor = 4 : i64, sc.parallel_access}
      %shift_right_arithmetic3A_318 = arith.constant 3 : i32
      %shift_right_arithmetic3A_319 = arith.shrsi %add3A_173, %shift_right_arithmetic3A_318 : i32
      %shift_right_arithmetic3A_320 = arith.constant 3 : i32
      %shift_right_arithmetic3A_321 = arith.shrsi %add3A_173, %shift_right_arithmetic3A_320 : i32
      %dma_start3A_322 = arith.constant 0 : i32
      %dma_start3A_323 = arith.constant 0 : i32
      %dma_start3A_324 = arith.constant 0 : i32
      %dma_start3A_325 = tpu.memref_slice %arg12[%dma_start3A_322, %dma_start3A_323, %dma_start3A_324] : memref<2x16x128xf32, #tpu.memory_space<vmem>> -> memref<1x16x128xf32, #tpu.memory_space<vmem>>
      %dma_start3A_326 = tpu.memref_squeeze %dma_start3A_325 : memref<1x16x128xf32, #tpu.memory_space<vmem>> -> memref<16x128xf32, #tpu.memory_space<vmem>>
      %dma_start3A_327 = arith.constant 0 : i32
      %dma_start3A_328 = tpu.memref_slice %arg7[%shift_right_arithmetic3A_319, %dma_start3A_327] : memref<25600x128xf32, #tpu.memory_space<hbm>> -> memref<16x128xf32, #tpu.memory_space<hbm>>
      %dma_start3A_329 = arith.constant 0 : i32
      %dma_start3A_330 = tpu.memref_slice %arg7[%shift_right_arithmetic3A_319, %dma_start3A_329] : memref<25600x128xf32, #tpu.memory_space<hbm>> -> memref<16x128xf32, #tpu.memory_space<hbm>>
      %dma_start3A_331 = arith.constant 0 : i32
      %dma_start3A_332 = arith.constant 0 : i32
      %dma_start3A_333 = tpu.memref_slice %arg12[%dma_start3A_322, %dma_start3A_331, %dma_start3A_332] : memref<2x16x128xf32, #tpu.memory_space<vmem>> -> memref<1x16x128xf32, #tpu.memory_space<vmem>>
      %dma_start3A_334 = tpu.memref_squeeze %dma_start3A_333 : memref<1x16x128xf32, #tpu.memory_space<vmem>> -> memref<16x128xf32, #tpu.memory_space<vmem>>
      tpu.enqueue_dma source(%dma_start3A_334 : memref<16x128xf32, #tpu.memory_space<vmem>>) target(%dma_start3A_330 : memref<16x128xf32, #tpu.memory_space<hbm>>) target_semaphore(%arg18 : memref<!tpu.dma_semaphore, #tpu.memory_space<semaphore_mem>>)
      %dma_start3A_335 = arith.constant 0 : i32
      %dma_start3A_336 = arith.constant 0 : i32
      %dma_start3A_337 = arith.constant 0 : i32
      %dma_start3A_338 = tpu.memref_slice %arg13[%dma_start3A_335, %dma_start3A_336, %dma_start3A_337] : memref<2x16x128xf32, #tpu.memory_space<vmem>> -> memref<1x16x128xf32, #tpu.memory_space<vmem>>
      %dma_start3A_339 = tpu.memref_squeeze %dma_start3A_338 : memref<1x16x128xf32, #tpu.memory_space<vmem>> -> memref<16x128xf32, #tpu.memory_space<vmem>>
      %dma_start3A_340 = arith.constant 0 : i32
      %dma_start3A_341 = tpu.memref_slice %arg8[%shift_right_arithmetic3A_321, %dma_start3A_340] : memref<25600x128xf32, #tpu.memory_space<hbm>> -> memref<16x128xf32, #tpu.memory_space<hbm>>
      %dma_start3A_342 = arith.constant 0 : i32
      %dma_start3A_343 = tpu.memref_slice %arg8[%shift_right_arithmetic3A_321, %dma_start3A_342] : memref<25600x128xf32, #tpu.memory_space<hbm>> -> memref<16x128xf32, #tpu.memory_space<hbm>>
      %dma_start3A_344 = arith.constant 0 : i32
      %dma_start3A_345 = arith.constant 0 : i32
      %dma_start3A_346 = tpu.memref_slice %arg13[%dma_start3A_335, %dma_start3A_344, %dma_start3A_345] : memref<2x16x128xf32, #tpu.memory_space<vmem>> -> memref<1x16x128xf32, #tpu.memory_space<vmem>>
      %dma_start3A_347 = tpu.memref_squeeze %dma_start3A_346 : memref<1x16x128xf32, #tpu.memory_space<vmem>> -> memref<16x128xf32, #tpu.memory_space<vmem>>
      tpu.enqueue_dma source(%dma_start3A_347 : memref<16x128xf32, #tpu.memory_space<vmem>>) target(%dma_start3A_343 : memref<16x128xf32, #tpu.memory_space<hbm>>) target_semaphore(%arg18 : memref<!tpu.dma_semaphore, #tpu.memory_space<semaphore_mem>>)
      %add3A_348 = arith.constant 1 : i32
      %add3A_349 = arith.addi %scan3A_168, %add3A_348 : i32
      %lt3A = arith.constant 25 : i32
      %lt3A_350 = arith.cmpi slt, %add3A_349, %lt3A : i32
      %convert_element_type3A_351 = arith.extui %lt3A_350 : i1 to i32
      %cond3A_352 = arith.constant 0 : i32
      %cond3A_353 = arith.cmpi ne, %convert_element_type3A_351, %cond3A_352 : i32
      scf.if %cond3A_353 {
        %add3A_431 = arith.constant 256 : i32
        %add3A_432 = arith.addi %add3A_173, %add3A_431 : i32
        %dma_start3A_433 = arith.constant 0 : i32
        %dma_start3A_434 = arith.constant 0 : i32
        %dma_start3A_435 = arith.constant 0 : i32
        %dma_start3A_436 = tpu.memref_slice %arg9[%dma_start3A_433, %dma_start3A_434, %dma_start3A_435] : memref<2x3x128xi32, #tpu.memory_space<vmem>> -> memref<1x1x128xi32, #tpu.memory_space<vmem>>
        %dma_start3A_437 = tpu.memref_squeeze %dma_start3A_436 : memref<1x1x128xi32, #tpu.memory_space<vmem>> -> memref<128xi32, #tpu.memory_space<vmem>>
        %dma_start3A_438 = tpu.memref_slice %arg2[%add3A_432] : memref<204800xi32, #tpu.memory_space<hbm>> -> memref<128xi32, #tpu.memory_space<hbm>>
        %dma_start3A_439 = arith.constant 0 : i32
        %dma_start3A_440 = tpu.memref_slice %arg9[%dma_start3A_433, %dma_start3A_434, %dma_start3A_439] : memref<2x3x128xi32, #tpu.memory_space<vmem>> -> memref<1x1x128xi32, #tpu.memory_space<vmem>>
        %dma_start3A_441 = tpu.memref_squeeze %dma_start3A_440 : memref<1x1x128xi32, #tpu.memory_space<vmem>> -> memref<128xi32, #tpu.memory_space<vmem>>
        %dma_start3A_442 = tpu.memref_slice %arg2[%add3A_432] : memref<204800xi32, #tpu.memory_space<hbm>> -> memref<128xi32, #tpu.memory_space<hbm>>
        tpu.enqueue_dma source(%dma_start3A_442 : memref<128xi32, #tpu.memory_space<hbm>>) target(%dma_start3A_441 : memref<128xi32, #tpu.memory_space<vmem>>) target_semaphore(%arg14 : memref<!tpu.dma_semaphore, #tpu.memory_space<semaphore_mem>>)
        %dma_start3A_443 = arith.constant 0 : i32
        %dma_start3A_444 = arith.constant 1 : i32
        %dma_start3A_445 = arith.constant 0 : i32
        %dma_start3A_446 = tpu.memref_slice %arg9[%dma_start3A_443, %dma_start3A_444, %dma_start3A_445] : memref<2x3x128xi32, #tpu.memory_space<vmem>> -> memref<1x1x128xi32, #tpu.memory_space<vmem>>
        %dma_start3A_447 = tpu.memref_squeeze %dma_start3A_446 : memref<1x1x128xi32, #tpu.memory_space<vmem>> -> memref<128xi32, #tpu.memory_space<vmem>>
        %dma_start3A_448 = tpu.memref_slice %arg3[%add3A_432] : memref<204800xi32, #tpu.memory_space<hbm>> -> memref<128xi32, #tpu.memory_space<hbm>>
        %dma_start3A_449 = arith.constant 0 : i32
        %dma_start3A_450 = tpu.memref_slice %arg9[%dma_start3A_443, %dma_start3A_444, %dma_start3A_449] : memref<2x3x128xi32, #tpu.memory_space<vmem>> -> memref<1x1x128xi32, #tpu.memory_space<vmem>>
        %dma_start3A_451 = tpu.memref_squeeze %dma_start3A_450 : memref<1x1x128xi32, #tpu.memory_space<vmem>> -> memref<128xi32, #tpu.memory_space<vmem>>
        %dma_start3A_452 = tpu.memref_slice %arg3[%add3A_432] : memref<204800xi32, #tpu.memory_space<hbm>> -> memref<128xi32, #tpu.memory_space<hbm>>
        tpu.enqueue_dma source(%dma_start3A_452 : memref<128xi32, #tpu.memory_space<hbm>>) target(%dma_start3A_451 : memref<128xi32, #tpu.memory_space<vmem>>) target_semaphore(%arg14 : memref<!tpu.dma_semaphore, #tpu.memory_space<semaphore_mem>>)
        %dma_start3A_453 = arith.constant 0 : i32
        %dma_start3A_454 = arith.constant 2 : i32
        %dma_start3A_455 = arith.constant 0 : i32
        %dma_start3A_456 = tpu.memref_slice %arg9[%dma_start3A_453, %dma_start3A_454, %dma_start3A_455] : memref<2x3x128xi32, #tpu.memory_space<vmem>> -> memref<1x1x128xi32, #tpu.memory_space<vmem>>
        %dma_start3A_457 = tpu.memref_squeeze %dma_start3A_456 : memref<1x1x128xi32, #tpu.memory_space<vmem>> -> memref<128xi32, #tpu.memory_space<vmem>>
        %dma_start3A_458 = tpu.memref_slice %arg4[%add3A_432] : memref<204800xi32, #tpu.memory_space<hbm>> -> memref<128xi32, #tpu.memory_space<hbm>>
        %dma_start3A_459 = arith.constant 0 : i32
        %dma_start3A_460 = tpu.memref_slice %arg9[%dma_start3A_453, %dma_start3A_454, %dma_start3A_459] : memref<2x3x128xi32, #tpu.memory_space<vmem>> -> memref<1x1x128xi32, #tpu.memory_space<vmem>>
        %dma_start3A_461 = tpu.memref_squeeze %dma_start3A_460 : memref<1x1x128xi32, #tpu.memory_space<vmem>> -> memref<128xi32, #tpu.memory_space<vmem>>
        %dma_start3A_462 = tpu.memref_slice %arg4[%add3A_432] : memref<204800xi32, #tpu.memory_space<hbm>> -> memref<128xi32, #tpu.memory_space<hbm>>
        tpu.enqueue_dma source(%dma_start3A_462 : memref<128xi32, #tpu.memory_space<hbm>>) target(%dma_start3A_461 : memref<128xi32, #tpu.memory_space<vmem>>) target_semaphore(%arg14 : memref<!tpu.dma_semaphore, #tpu.memory_space<semaphore_mem>>)
        %dma_wait3A_463 = arith.constant 0 : i32
        %dma_wait3A_464 = arith.constant 0 : i32
        %dma_wait3A_465 = arith.constant 0 : i32
        %dma_wait3A_466 = tpu.memref_slice %arg9[%dma_wait3A_463, %dma_wait3A_464, %dma_wait3A_465] : memref<2x3x128xi32, #tpu.memory_space<vmem>> -> memref<1x1x128xi32, #tpu.memory_space<vmem>>
        %dma_wait3A_467 = tpu.memref_squeeze %dma_wait3A_466 : memref<1x1x128xi32, #tpu.memory_space<vmem>> -> memref<128xi32, #tpu.memory_space<vmem>>
        %dma_wait3A_468 = tpu.memref_slice %arg2[%add3A_432] : memref<204800xi32, #tpu.memory_space<hbm>> -> memref<128xi32, #tpu.memory_space<hbm>>
        %dma_wait3A_469 = arith.constant 0 : i32
        %dma_wait3A_470 = tpu.memref_slice %arg9[%dma_wait3A_463, %dma_wait3A_464, %dma_wait3A_469] : memref<2x3x128xi32, #tpu.memory_space<vmem>> -> memref<1x1x128xi32, #tpu.memory_space<vmem>>
        %dma_wait3A_471 = tpu.memref_squeeze %dma_wait3A_470 : memref<1x1x128xi32, #tpu.memory_space<vmem>> -> memref<128xi32, #tpu.memory_space<vmem>>
        %dma_wait3A_472 = tpu.memref_slice %arg2[%add3A_432] : memref<204800xi32, #tpu.memory_space<hbm>> -> memref<128xi32, #tpu.memory_space<hbm>>
        tpu.wait_dma2 semaphore(%arg14 : memref<!tpu.dma_semaphore, #tpu.memory_space<semaphore_mem>>) src(%dma_wait3A_472 : memref<128xi32, #tpu.memory_space<hbm>>) dst(%dma_wait3A_471 : memref<128xi32, #tpu.memory_space<vmem>>)
        %dma_wait3A_473 = arith.constant 0 : i32
        %dma_wait3A_474 = arith.constant 1 : i32
        %dma_wait3A_475 = arith.constant 0 : i32
        %dma_wait3A_476 = tpu.memref_slice %arg9[%dma_wait3A_473, %dma_wait3A_474, %dma_wait3A_475] : memref<2x3x128xi32, #tpu.memory_space<vmem>> -> memref<1x1x128xi32, #tpu.memory_space<vmem>>
        %dma_wait3A_477 = tpu.memref_squeeze %dma_wait3A_476 : memref<1x1x128xi32, #tpu.memory_space<vmem>> -> memref<128xi32, #tpu.memory_space<vmem>>
        %dma_wait3A_478 = tpu.memref_slice %arg3[%add3A_432] : memref<204800xi32, #tpu.memory_space<hbm>> -> memref<128xi32, #tpu.memory_space<hbm>>
        %dma_wait3A_479 = arith.constant 0 : i32
        %dma_wait3A_480 = tpu.memref_slice %arg9[%dma_wait3A_473, %dma_wait3A_474, %dma_wait3A_479] : memref<2x3x128xi32, #tpu.memory_space<vmem>> -> memref<1x1x128xi32, #tpu.memory_space<vmem>>
        %dma_wait3A_481 = tpu.memref_squeeze %dma_wait3A_480 : memref<1x1x128xi32, #tpu.memory_space<vmem>> -> memref<128xi32, #tpu.memory_space<vmem>>
        %dma_wait3A_482 = tpu.memref_slice %arg3[%add3A_432] : memref<204800xi32, #tpu.memory_space<hbm>> -> memref<128xi32, #tpu.memory_space<hbm>>
        tpu.wait_dma2 semaphore(%arg14 : memref<!tpu.dma_semaphore, #tpu.memory_space<semaphore_mem>>) src(%dma_wait3A_482 : memref<128xi32, #tpu.memory_space<hbm>>) dst(%dma_wait3A_481 : memref<128xi32, #tpu.memory_space<vmem>>)
        %dma_wait3A_483 = arith.constant 0 : i32
        %dma_wait3A_484 = arith.constant 2 : i32
        %dma_wait3A_485 = arith.constant 0 : i32
        %dma_wait3A_486 = tpu.memref_slice %arg9[%dma_wait3A_483, %dma_wait3A_484, %dma_wait3A_485] : memref<2x3x128xi32, #tpu.memory_space<vmem>> -> memref<1x1x128xi32, #tpu.memory_space<vmem>>
        %dma_wait3A_487 = tpu.memref_squeeze %dma_wait3A_486 : memref<1x1x128xi32, #tpu.memory_space<vmem>> -> memref<128xi32, #tpu.memory_space<vmem>>
        %dma_wait3A_488 = tpu.memref_slice %arg4[%add3A_432] : memref<204800xi32, #tpu.memory_space<hbm>> -> memref<128xi32, #tpu.memory_space<hbm>>
        %dma_wait3A_489 = arith.constant 0 : i32
        %dma_wait3A_490 = tpu.memref_slice %arg9[%dma_wait3A_483, %dma_wait3A_484, %dma_wait3A_489] : memref<2x3x128xi32, #tpu.memory_space<vmem>> -> memref<1x1x128xi32, #tpu.memory_space<vmem>>
        %dma_wait3A_491 = tpu.memref_squeeze %dma_wait3A_490 : memref<1x1x128xi32, #tpu.memory_space<vmem>> -> memref<128xi32, #tpu.memory_space<vmem>>
        %dma_wait3A_492 = tpu.memref_slice %arg4[%add3A_432] : memref<204800xi32, #tpu.memory_space<hbm>> -> memref<128xi32, #tpu.memory_space<hbm>>
        tpu.wait_dma2 semaphore(%arg14 : memref<!tpu.dma_semaphore, #tpu.memory_space<semaphore_mem>>) src(%dma_wait3A_492 : memref<128xi32, #tpu.memory_space<hbm>>) dst(%dma_wait3A_491 : memref<128xi32, #tpu.memory_space<vmem>>)
        %dma_start3A_493 = arith.constant 0 : i32
        %dma_start3A_494 = arith.constant 0 : i32
        %dma_start3A_495 = arith.constant 0 : i32
        %dma_start3A_496 = arith.constant 0 : i32
        %dma_start3A_497 = arith.constant 0 : i32
        %dma_start3A_498 = tpu.memref_slice %arg11[%dma_start3A_495, %dma_start3A_496, %dma_start3A_497] : memref<2x128x16xf32, #tpu.memory_space<vmem>> -> memref<1x128x16xf32, #tpu.memory_space<vmem>>
        %dma_start3A_499 = tpu.memref_squeeze %dma_start3A_498 : memref<1x128x16xf32, #tpu.memory_space<vmem>> -> memref<128x16xf32, #tpu.memory_space<vmem>>
        %dma_start3A_500 = arith.constant 0 : i32
        %dma_start3A_501 = tpu.memref_slice %arg9[%dma_start3A_493, %dma_start3A_494, %dma_start3A_500] : memref<2x3x128xi32, #tpu.memory_space<vmem>> -> memref<1x1x128xi32, #tpu.memory_space<vmem>>
        %dma_start3A_502 = tpu.memref_squeeze %dma_start3A_501 : memref<1x1x128xi32, #tpu.memory_space<vmem>> -> memref<128xi32, #tpu.memory_space<vmem>>
        %dma_start3A_503 = arith.constant 0 : i32
        %dma_start3A_504 = arith.constant 0 : i32
        %dma_start3A_505 = tpu.memref_slice %arg6[%dma_start3A_503, %dma_start3A_504] : memref<100000x16xf32, #tpu.memory_space<hbm>> -> memref<100000x16xf32, #tpu.memory_space<hbm>>
        tpu.enqueue_indirect_dma source(%dma_start3A_505 : memref<100000x16xf32, #tpu.memory_space<hbm>>) target(%dma_start3A_499 : memref<128x16xf32, #tpu.memory_space<vmem>>) offsets(%dma_start3A_502 : memref<128xi32, #tpu.memory_space<vmem>>) semaphore(%arg16 : memref<!tpu.dma_semaphore, #tpu.memory_space<semaphore_mem>>)
        %dma_start3A_506 = arith.constant 0 : i32
        %dma_start3A_507 = arith.constant 1 : i32
        %dma_start3A_508 = arith.constant 0 : i32
        %dma_start3A_509 = arith.constant 0 : i32
        %dma_start3A_510 = arith.constant 0 : i32
        %dma_start3A_511 = tpu.memref_slice %arg10[%dma_start3A_508, %dma_start3A_509, %dma_start3A_510] : memref<2x256x16xf32, #tpu.memory_space<vmem>> -> memref<1x128x16xf32, #tpu.memory_space<vmem>>
        %dma_start3A_512 = tpu.memref_squeeze %dma_start3A_511 : memref<1x128x16xf32, #tpu.memory_space<vmem>> -> memref<128x16xf32, #tpu.memory_space<vmem>>
        %dma_start3A_513 = arith.constant 0 : i32
        %dma_start3A_514 = tpu.memref_slice %arg9[%dma_start3A_506, %dma_start3A_507, %dma_start3A_513] : memref<2x3x128xi32, #tpu.memory_space<vmem>> -> memref<1x1x128xi32, #tpu.memory_space<vmem>>
        %dma_start3A_515 = tpu.memref_squeeze %dma_start3A_514 : memref<1x1x128xi32, #tpu.memory_space<vmem>> -> memref<128xi32, #tpu.memory_space<vmem>>
        %dma_start3A_516 = arith.constant 0 : i32
        %dma_start3A_517 = arith.constant 0 : i32
        %dma_start3A_518 = tpu.memref_slice %arg5[%dma_start3A_516, %dma_start3A_517] : memref<1000x16xf32, #tpu.memory_space<hbm>> -> memref<1000x16xf32, #tpu.memory_space<hbm>>
        tpu.enqueue_indirect_dma source(%dma_start3A_518 : memref<1000x16xf32, #tpu.memory_space<hbm>>) target(%dma_start3A_512 : memref<128x16xf32, #tpu.memory_space<vmem>>) offsets(%dma_start3A_515 : memref<128xi32, #tpu.memory_space<vmem>>) semaphore(%arg16 : memref<!tpu.dma_semaphore, #tpu.memory_space<semaphore_mem>>)
        %dma_start3A_519 = arith.constant 0 : i32
        %dma_start3A_520 = arith.constant 2 : i32
        %dma_start3A_521 = arith.constant 0 : i32
        %dma_start3A_522 = arith.constant 128 : i32
        %dma_start3A_523 = arith.constant 0 : i32
        %dma_start3A_524 = tpu.memref_slice %arg10[%dma_start3A_521, %dma_start3A_522, %dma_start3A_523] : memref<2x256x16xf32, #tpu.memory_space<vmem>> -> memref<1x128x16xf32, #tpu.memory_space<vmem>>
        %dma_start3A_525 = tpu.memref_squeeze %dma_start3A_524 : memref<1x128x16xf32, #tpu.memory_space<vmem>> -> memref<128x16xf32, #tpu.memory_space<vmem>>
        %dma_start3A_526 = arith.constant 0 : i32
        %dma_start3A_527 = tpu.memref_slice %arg9[%dma_start3A_519, %dma_start3A_520, %dma_start3A_526] : memref<2x3x128xi32, #tpu.memory_space<vmem>> -> memref<1x1x128xi32, #tpu.memory_space<vmem>>
        %dma_start3A_528 = tpu.memref_squeeze %dma_start3A_527 : memref<1x1x128xi32, #tpu.memory_space<vmem>> -> memref<128xi32, #tpu.memory_space<vmem>>
        %dma_start3A_529 = arith.constant 0 : i32
        %dma_start3A_530 = arith.constant 0 : i32
        %dma_start3A_531 = tpu.memref_slice %arg5[%dma_start3A_529, %dma_start3A_530] : memref<1000x16xf32, #tpu.memory_space<hbm>> -> memref<1000x16xf32, #tpu.memory_space<hbm>>
        tpu.enqueue_indirect_dma source(%dma_start3A_531 : memref<1000x16xf32, #tpu.memory_space<hbm>>) target(%dma_start3A_525 : memref<128x16xf32, #tpu.memory_space<vmem>>) offsets(%dma_start3A_528 : memref<128xi32, #tpu.memory_space<vmem>>) semaphore(%arg16 : memref<!tpu.dma_semaphore, #tpu.memory_space<semaphore_mem>>)
      } else {
      }
      %dma_wait3A_354 = arith.constant 1 : i32
      %dma_wait3A_355 = arith.constant 0 : i32
      %dma_wait3A_356 = arith.constant 1 : i32
      %dma_wait3A_357 = arith.constant 0 : i32
      %dma_wait3A_358 = arith.constant 0 : i32
      %dma_wait3A_359 = tpu.memref_slice %arg11[%dma_wait3A_356, %dma_wait3A_357, %dma_wait3A_358] : memref<2x128x16xf32, #tpu.memory_space<vmem>> -> memref<1x128x16xf32, #tpu.memory_space<vmem>>
      %dma_wait3A_360 = tpu.memref_squeeze %dma_wait3A_359 : memref<1x128x16xf32, #tpu.memory_space<vmem>> -> memref<128x16xf32, #tpu.memory_space<vmem>>
      %dma_wait3A_361 = arith.constant 0 : i32
      %dma_wait3A_362 = tpu.memref_slice %arg9[%dma_wait3A_354, %dma_wait3A_355, %dma_wait3A_361] : memref<2x3x128xi32, #tpu.memory_space<vmem>> -> memref<1x1x128xi32, #tpu.memory_space<vmem>>
      %dma_wait3A_363 = tpu.memref_squeeze %dma_wait3A_362 : memref<1x1x128xi32, #tpu.memory_space<vmem>> -> memref<128xi32, #tpu.memory_space<vmem>>
      %dma_wait3A_364 = arith.constant 0 : i32
      %dma_wait3A_365 = arith.constant 0 : i32
      %dma_wait3A_366 = tpu.memref_slice %arg6[%dma_wait3A_364, %dma_wait3A_365] : memref<100000x16xf32, #tpu.memory_space<hbm>> -> memref<100000x16xf32, #tpu.memory_space<hbm>>
      tpu.wait_indirect_dma semaphore(%arg17 : memref<!tpu.dma_semaphore, #tpu.memory_space<semaphore_mem>>) src(%dma_wait3A_366 : memref<100000x16xf32, #tpu.memory_space<hbm>>) dst(%dma_wait3A_360 : memref<128x16xf32, #tpu.memory_space<vmem>>)
      %dma_wait3A_367 = arith.constant 1 : i32
      %dma_wait3A_368 = arith.constant 1 : i32
      %dma_wait3A_369 = arith.constant 1 : i32
      %dma_wait3A_370 = arith.constant 0 : i32
      %dma_wait3A_371 = arith.constant 0 : i32
      %dma_wait3A_372 = tpu.memref_slice %arg10[%dma_wait3A_369, %dma_wait3A_370, %dma_wait3A_371] : memref<2x256x16xf32, #tpu.memory_space<vmem>> -> memref<1x128x16xf32, #tpu.memory_space<vmem>>
      %dma_wait3A_373 = tpu.memref_squeeze %dma_wait3A_372 : memref<1x128x16xf32, #tpu.memory_space<vmem>> -> memref<128x16xf32, #tpu.memory_space<vmem>>
      %dma_wait3A_374 = arith.constant 0 : i32
      %dma_wait3A_375 = tpu.memref_slice %arg9[%dma_wait3A_367, %dma_wait3A_368, %dma_wait3A_374] : memref<2x3x128xi32, #tpu.memory_space<vmem>> -> memref<1x1x128xi32, #tpu.memory_space<vmem>>
      %dma_wait3A_376 = tpu.memref_squeeze %dma_wait3A_375 : memref<1x1x128xi32, #tpu.memory_space<vmem>> -> memref<128xi32, #tpu.memory_space<vmem>>
      %dma_wait3A_377 = arith.constant 0 : i32
      %dma_wait3A_378 = arith.constant 0 : i32
      %dma_wait3A_379 = tpu.memref_slice %arg5[%dma_wait3A_377, %dma_wait3A_378] : memref<1000x16xf32, #tpu.memory_space<hbm>> -> memref<1000x16xf32, #tpu.memory_space<hbm>>
      tpu.wait_indirect_dma semaphore(%arg17 : memref<!tpu.dma_semaphore, #tpu.memory_space<semaphore_mem>>) src(%dma_wait3A_379 : memref<1000x16xf32, #tpu.memory_space<hbm>>) dst(%dma_wait3A_373 : memref<128x16xf32, #tpu.memory_space<vmem>>)
      %dma_wait3A_380 = arith.constant 1 : i32
      %dma_wait3A_381 = arith.constant 2 : i32
      %dma_wait3A_382 = arith.constant 1 : i32
      %dma_wait3A_383 = arith.constant 128 : i32
      %dma_wait3A_384 = arith.constant 0 : i32
      %dma_wait3A_385 = tpu.memref_slice %arg10[%dma_wait3A_382, %dma_wait3A_383, %dma_wait3A_384] : memref<2x256x16xf32, #tpu.memory_space<vmem>> -> memref<1x128x16xf32, #tpu.memory_space<vmem>>
      %dma_wait3A_386 = tpu.memref_squeeze %dma_wait3A_385 : memref<1x128x16xf32, #tpu.memory_space<vmem>> -> memref<128x16xf32, #tpu.memory_space<vmem>>
      %dma_wait3A_387 = arith.constant 0 : i32
      %dma_wait3A_388 = tpu.memref_slice %arg9[%dma_wait3A_380, %dma_wait3A_381, %dma_wait3A_387] : memref<2x3x128xi32, #tpu.memory_space<vmem>> -> memref<1x1x128xi32, #tpu.memory_space<vmem>>
      %dma_wait3A_389 = tpu.memref_squeeze %dma_wait3A_388 : memref<1x1x128xi32, #tpu.memory_space<vmem>> -> memref<128xi32, #tpu.memory_space<vmem>>
      %dma_wait3A_390 = arith.constant 0 : i32
      %dma_wait3A_391 = arith.constant 0 : i32
      %dma_wait3A_392 = tpu.memref_slice %arg5[%dma_wait3A_390, %dma_wait3A_391] : memref<1000x16xf32, #tpu.memory_space<hbm>> -> memref<1000x16xf32, #tpu.memory_space<hbm>>
      tpu.wait_indirect_dma semaphore(%arg17 : memref<!tpu.dma_semaphore, #tpu.memory_space<semaphore_mem>>) src(%dma_wait3A_392 : memref<1000x16xf32, #tpu.memory_space<hbm>>) dst(%dma_wait3A_386 : memref<128x16xf32, #tpu.memory_space<vmem>>)
      %gt3A_393 = arith.constant 0 : i32
      %gt3A_394 = arith.cmpi sgt, %scan3A_168, %gt3A_393 : i32
      %convert_element_type3A_395 = arith.extui %gt3A_394 : i1 to i32
      %cond3A_396 = arith.constant 0 : i32
      %cond3A_397 = arith.cmpi ne, %convert_element_type3A_395, %cond3A_396 : i32
      scf.if %cond3A_397 {
        %shift_right_arithmetic3A_431 = arith.constant 3 : i32
        %shift_right_arithmetic3A_432 = arith.shrsi %add3A_175, %shift_right_arithmetic3A_431 : i32
        %shift_right_arithmetic3A_433 = arith.constant 3 : i32
        %shift_right_arithmetic3A_434 = arith.shrsi %add3A_175, %shift_right_arithmetic3A_433 : i32
        %dma_wait3A_435 = arith.constant 1 : i32
        %dma_wait3A_436 = arith.constant 0 : i32
        %dma_wait3A_437 = arith.constant 0 : i32
        %dma_wait3A_438 = tpu.memref_slice %arg12[%dma_wait3A_435, %dma_wait3A_436, %dma_wait3A_437] : memref<2x16x128xf32, #tpu.memory_space<vmem>> -> memref<1x16x128xf32, #tpu.memory_space<vmem>>
        %dma_wait3A_439 = tpu.memref_squeeze %dma_wait3A_438 : memref<1x16x128xf32, #tpu.memory_space<vmem>> -> memref<16x128xf32, #tpu.memory_space<vmem>>
        %dma_wait3A_440 = arith.constant 0 : i32
        %dma_wait3A_441 = tpu.memref_slice %arg7[%shift_right_arithmetic3A_432, %dma_wait3A_440] : memref<25600x128xf32, #tpu.memory_space<hbm>> -> memref<16x128xf32, #tpu.memory_space<hbm>>
        %dma_wait3A_442 = arith.constant 0 : i32
        %dma_wait3A_443 = tpu.memref_slice %arg7[%shift_right_arithmetic3A_432, %dma_wait3A_442] : memref<25600x128xf32, #tpu.memory_space<hbm>> -> memref<16x128xf32, #tpu.memory_space<hbm>>
        %dma_wait3A_444 = arith.constant 0 : i32
        %dma_wait3A_445 = arith.constant 0 : i32
        %dma_wait3A_446 = tpu.memref_slice %arg12[%dma_wait3A_435, %dma_wait3A_444, %dma_wait3A_445] : memref<2x16x128xf32, #tpu.memory_space<vmem>> -> memref<1x16x128xf32, #tpu.memory_space<vmem>>
        %dma_wait3A_447 = tpu.memref_squeeze %dma_wait3A_446 : memref<1x16x128xf32, #tpu.memory_space<vmem>> -> memref<16x128xf32, #tpu.memory_space<vmem>>
        tpu.wait_dma2 semaphore(%arg19 : memref<!tpu.dma_semaphore, #tpu.memory_space<semaphore_mem>>) src(%dma_wait3A_447 : memref<16x128xf32, #tpu.memory_space<vmem>>) dst(%dma_wait3A_443 : memref<16x128xf32, #tpu.memory_space<hbm>>)
        %dma_wait3A_448 = arith.constant 1 : i32
        %dma_wait3A_449 = arith.constant 0 : i32
        %dma_wait3A_450 = arith.constant 0 : i32
        %dma_wait3A_451 = tpu.memref_slice %arg13[%dma_wait3A_448, %dma_wait3A_449, %dma_wait3A_450] : memref<2x16x128xf32, #tpu.memory_space<vmem>> -> memref<1x16x128xf32, #tpu.memory_space<vmem>>
        %dma_wait3A_452 = tpu.memref_squeeze %dma_wait3A_451 : memref<1x16x128xf32, #tpu.memory_space<vmem>> -> memref<16x128xf32, #tpu.memory_space<vmem>>
        %dma_wait3A_453 = arith.constant 0 : i32
        %dma_wait3A_454 = tpu.memref_slice %arg8[%shift_right_arithmetic3A_434, %dma_wait3A_453] : memref<25600x128xf32, #tpu.memory_space<hbm>> -> memref<16x128xf32, #tpu.memory_space<hbm>>
        %dma_wait3A_455 = arith.constant 0 : i32
        %dma_wait3A_456 = tpu.memref_slice %arg8[%shift_right_arithmetic3A_434, %dma_wait3A_455] : memref<25600x128xf32, #tpu.memory_space<hbm>> -> memref<16x128xf32, #tpu.memory_space<hbm>>
        %dma_wait3A_457 = arith.constant 0 : i32
        %dma_wait3A_458 = arith.constant 0 : i32
        %dma_wait3A_459 = tpu.memref_slice %arg13[%dma_wait3A_448, %dma_wait3A_457, %dma_wait3A_458] : memref<2x16x128xf32, #tpu.memory_space<vmem>> -> memref<1x16x128xf32, #tpu.memory_space<vmem>>
        %dma_wait3A_460 = tpu.memref_squeeze %dma_wait3A_459 : memref<1x16x128xf32, #tpu.memory_space<vmem>> -> memref<16x128xf32, #tpu.memory_space<vmem>>
        tpu.wait_dma2 semaphore(%arg19 : memref<!tpu.dma_semaphore, #tpu.memory_space<semaphore_mem>>) src(%dma_wait3A_460 : memref<16x128xf32, #tpu.memory_space<vmem>>) dst(%dma_wait3A_456 : memref<16x128xf32, #tpu.memory_space<hbm>>)
      } else {
      }
      %parallel_loop3A_398 = arith.constant 0 : i32
      %parallel_loop3A_399 = arith.constant 128 : i32
      %parallel_loop3A_400 = arith.constant 1 : i32
      scf.for %parallel_loop3A_431 = %parallel_loop3A_398 to %parallel_loop3A_399 step %parallel_loop3A_400  : i32 {
        %parallel_loop3A_432 = arith.constant 3 : i32
        %parallel_loop3A_433 = arith.shrsi %parallel_loop3A_431, %parallel_loop3A_432 : i32
        %parallel_loop3A_434 = arith.constant 7 : i32
        %parallel_loop3A_435 = arith.andi %parallel_loop3A_431, %parallel_loop3A_434 : i32
        %parallel_loop3A_436 = arith.constant 16 : i32
        %parallel_loop3A_437 = arith.muli %parallel_loop3A_435, %parallel_loop3A_436 : i32
        %parallel_loop3A_438 = arith.constant 1 : i32
        %parallel_loop3A_439 = arith.index_cast %parallel_loop3A_438 : i32 to index
        %parallel_loop3A_440 = arith.index_cast %parallel_loop3A_431 : i32 to index
        %parallel_loop3A_441 = arith.constant 0 : index
        %parallel_loop3A_442 = tpu.vector_load %arg10[%parallel_loop3A_439, %parallel_loop3A_440, %parallel_loop3A_441] {strides = array<i32>} : memref<2x256x16xf32, #tpu.memory_space<vmem>>, vector<1x1x16xf32>,
        %parallel_loop3A_443 = vector.shape_cast %parallel_loop3A_442 : vector<1x1x16xf32> to vector<16xf32>
        %parallel_loop3A_444 = arith.constant 128 : i32
        %parallel_loop3A_445 = arith.addi %parallel_loop3A_444, %parallel_loop3A_431 : i32
        %parallel_loop3A_446 = arith.constant 1 : i32
        %parallel_loop3A_447 = arith.index_cast %parallel_loop3A_446 : i32 to index
        %parallel_loop3A_448 = arith.index_cast %parallel_loop3A_445 : i32 to index
        %parallel_loop3A_449 = arith.constant 0 : index
        %parallel_loop3A_450 = tpu.vector_load %arg10[%parallel_loop3A_447, %parallel_loop3A_448, %parallel_loop3A_449] {strides = array<i32>} : memref<2x256x16xf32, #tpu.memory_space<vmem>>, vector<1x1x16xf32>,
        %parallel_loop3A_451 = vector.shape_cast %parallel_loop3A_450 : vector<1x1x16xf32> to vector<16xf32>
        %parallel_loop3A_452 = arith.addf %parallel_loop3A_443, %parallel_loop3A_451 : vector<16xf32>
        %parallel_loop3A_453 = arith.constant 1 : i32
        %parallel_loop3A_454 = arith.index_cast %parallel_loop3A_453 : i32 to index
        %parallel_loop3A_455 = arith.index_cast %parallel_loop3A_433 : i32 to index
        %parallel_loop3A_456 = arith.index_cast %parallel_loop3A_437 : i32 to index
        %parallel_loop3A_457 = tpu.vector_load %arg12[%parallel_loop3A_454, %parallel_loop3A_455, %parallel_loop3A_456] {strides = array<i32>} : memref<2x16x128xf32, #tpu.memory_space<vmem>>, vector<1x1x16xf32>,
        %parallel_loop3A_458 = vector.shape_cast %parallel_loop3A_457 : vector<1x1x16xf32> to vector<16xf32>
        %parallel_loop3A_459 = vector.shape_cast %parallel_loop3A_452 : vector<16xf32> to vector<1x1x16xf32>
        tpu.vector_store %arg12[%parallel_loop3A_454, %parallel_loop3A_455, %parallel_loop3A_456], %parallel_loop3A_459 {strides = array<i32>} : memref<2x16x128xf32, #tpu.memory_space<vmem>>, vector<1x1x16xf32>,
        %parallel_loop3A_460 = arith.constant 1 : i32
        %parallel_loop3A_461 = arith.index_cast %parallel_loop3A_460 : i32 to index
        %parallel_loop3A_462 = arith.index_cast %parallel_loop3A_431 : i32 to index
        %parallel_loop3A_463 = arith.constant 0 : index
        %parallel_loop3A_464 = tpu.vector_load %arg11[%parallel_loop3A_461, %parallel_loop3A_462, %parallel_loop3A_463] {strides = array<i32>} : memref<2x128x16xf32, #tpu.memory_space<vmem>>, vector<1x1x16xf32>,
        %parallel_loop3A_465 = vector.shape_cast %parallel_loop3A_464 : vector<1x1x16xf32> to vector<16xf32>
        %parallel_loop3A_466 = arith.constant 1 : i32
        %parallel_loop3A_467 = arith.index_cast %parallel_loop3A_466 : i32 to index
        %parallel_loop3A_468 = arith.index_cast %parallel_loop3A_433 : i32 to index
        %parallel_loop3A_469 = arith.index_cast %parallel_loop3A_437 : i32 to index
        %parallel_loop3A_470 = tpu.vector_load %arg13[%parallel_loop3A_467, %parallel_loop3A_468, %parallel_loop3A_469] {strides = array<i32>} : memref<2x16x128xf32, #tpu.memory_space<vmem>>, vector<1x1x16xf32>,
        %parallel_loop3A_471 = vector.shape_cast %parallel_loop3A_470 : vector<1x1x16xf32> to vector<16xf32>
        %parallel_loop3A_472 = vector.shape_cast %parallel_loop3A_465 : vector<16xf32> to vector<1x1x16xf32>
        tpu.vector_store %arg13[%parallel_loop3A_467, %parallel_loop3A_468, %parallel_loop3A_469], %parallel_loop3A_472 {strides = array<i32>} : memref<2x16x128xf32, #tpu.memory_space<vmem>>, vector<1x1x16xf32>,
      } {sc.loop_unroll_factor = 4 : i64, sc.parallel_access}
      %shift_right_arithmetic3A_401 = arith.constant 3 : i32
      %shift_right_arithmetic3A_402 = arith.shrsi %add3A_175, %shift_right_arithmetic3A_401 : i32
      %shift_right_arithmetic3A_403 = arith.constant 3 : i32
      %shift_right_arithmetic3A_404 = arith.shrsi %add3A_175, %shift_right_arithmetic3A_403 : i32
      %dma_start3A_405 = arith.constant 1 : i32
      %dma_start3A_406 = arith.constant 0 : i32
      %dma_start3A_407 = arith.constant 0 : i32
      %dma_start3A_408 = tpu.memref_slice %arg12[%dma_start3A_405, %dma_start3A_406, %dma_start3A_407] : memref<2x16x128xf32, #tpu.memory_space<vmem>> -> memref<1x16x128xf32, #tpu.memory_space<vmem>>
      %dma_start3A_409 = tpu.memref_squeeze %dma_start3A_408 : memref<1x16x128xf32, #tpu.memory_space<vmem>> -> memref<16x128xf32, #tpu.memory_space<vmem>>
      %dma_start3A_410 = arith.constant 0 : i32
      %dma_start3A_411 = tpu.memref_slice %arg7[%shift_right_arithmetic3A_402, %dma_start3A_410] : memref<25600x128xf32, #tpu.memory_space<hbm>> -> memref<16x128xf32, #tpu.memory_space<hbm>>
      %dma_start3A_412 = arith.constant 0 : i32
      %dma_start3A_413 = tpu.memref_slice %arg7[%shift_right_arithmetic3A_402, %dma_start3A_412] : memref<25600x128xf32, #tpu.memory_space<hbm>> -> memref<16x128xf32, #tpu.memory_space<hbm>>
      %dma_start3A_414 = arith.constant 0 : i32
      %dma_start3A_415 = arith.constant 0 : i32
      %dma_start3A_416 = tpu.memref_slice %arg12[%dma_start3A_405, %dma_start3A_414, %dma_start3A_415] : memref<2x16x128xf32, #tpu.memory_space<vmem>> -> memref<1x16x128xf32, #tpu.memory_space<vmem>>
      %dma_start3A_417 = tpu.memref_squeeze %dma_start3A_416 : memref<1x16x128xf32, #tpu.memory_space<vmem>> -> memref<16x128xf32, #tpu.memory_space<vmem>>
      tpu.enqueue_dma source(%dma_start3A_417 : memref<16x128xf32, #tpu.memory_space<vmem>>) target(%dma_start3A_413 : memref<16x128xf32, #tpu.memory_space<hbm>>) target_semaphore(%arg19 : memref<!tpu.dma_semaphore, #tpu.memory_space<semaphore_mem>>)
      %dma_start3A_418 = arith.constant 1 : i32
      %dma_start3A_419 = arith.constant 0 : i32
      %dma_start3A_420 = arith.constant 0 : i32
      %dma_start3A_421 = tpu.memref_slice %arg13[%dma_start3A_418, %dma_start3A_419, %dma_start3A_420] : memref<2x16x128xf32, #tpu.memory_space<vmem>> -> memref<1x16x128xf32, #tpu.memory_space<vmem>>
      %dma_start3A_422 = tpu.memref_squeeze %dma_start3A_421 : memref<1x16x128xf32, #tpu.memory_space<vmem>> -> memref<16x128xf32, #tpu.memory_space<vmem>>
      %dma_start3A_423 = arith.constant 0 : i32
      %dma_start3A_424 = tpu.memref_slice %arg8[%shift_right_arithmetic3A_404, %dma_start3A_423] : memref<25600x128xf32, #tpu.memory_space<hbm>> -> memref<16x128xf32, #tpu.memory_space<hbm>>
      %dma_start3A_425 = arith.constant 0 : i32
      %dma_start3A_426 = tpu.memref_slice %arg8[%shift_right_arithmetic3A_404, %dma_start3A_425] : memref<25600x128xf32, #tpu.memory_space<hbm>> -> memref<16x128xf32, #tpu.memory_space<hbm>>
      %dma_start3A_427 = arith.constant 0 : i32
      %dma_start3A_428 = arith.constant 0 : i32
      %dma_start3A_429 = tpu.memref_slice %arg13[%dma_start3A_418, %dma_start3A_427, %dma_start3A_428] : memref<2x16x128xf32, #tpu.memory_space<vmem>> -> memref<1x16x128xf32, #tpu.memory_space<vmem>>
      %dma_start3A_430 = tpu.memref_squeeze %dma_start3A_429 : memref<1x16x128xf32, #tpu.memory_space<vmem>> -> memref<16x128xf32, #tpu.memory_space<vmem>>
      tpu.enqueue_dma source(%dma_start3A_430 : memref<16x128xf32, #tpu.memory_space<vmem>>) target(%dma_start3A_426 : memref<16x128xf32, #tpu.memory_space<hbm>>) target_semaphore(%arg19 : memref<!tpu.dma_semaphore, #tpu.memory_space<semaphore_mem>>)
    }
    %scan3A_104 = arith.constant 25 : i32
    %add3A_105 = arith.constant 6144 : i32
    %add3A_106 = arith.addi %mul3A_2, %add3A_105 : i32
    %shift_right_arithmetic3A = arith.constant 3 : i32
    %shift_right_arithmetic3A_107 = arith.shrsi %add3A_106, %shift_right_arithmetic3A : i32
    %shift_right_arithmetic3A_108 = arith.constant 3 : i32
    %shift_right_arithmetic3A_109 = arith.shrsi %add3A_106, %shift_right_arithmetic3A_108 : i32
    %dma_wait3A_110 = arith.constant 0 : i32
    %dma_wait3A_111 = arith.constant 0 : i32
    %dma_wait3A_112 = arith.constant 0 : i32
    %dma_wait3A_113 = tpu.memref_slice %arg12[%dma_wait3A_110, %dma_wait3A_111, %dma_wait3A_112] : memref<2x16x128xf32, #tpu.memory_space<vmem>> -> memref<1x16x128xf32, #tpu.memory_space<vmem>>
    %dma_wait3A_114 = tpu.memref_squeeze %dma_wait3A_113 : memref<1x16x128xf32, #tpu.memory_space<vmem>> -> memref<16x128xf32, #tpu.memory_space<vmem>>
    %dma_wait3A_115 = arith.constant 0 : i32
    %dma_wait3A_116 = tpu.memref_slice %arg7[%shift_right_arithmetic3A_107, %dma_wait3A_115] : memref<25600x128xf32, #tpu.memory_space<hbm>> -> memref<16x128xf32, #tpu.memory_space<hbm>>
    %dma_wait3A_117 = arith.constant 0 : i32
    %dma_wait3A_118 = tpu.memref_slice %arg7[%shift_right_arithmetic3A_107, %dma_wait3A_117] : memref<25600x128xf32, #tpu.memory_space<hbm>> -> memref<16x128xf32, #tpu.memory_space<hbm>>
    %dma_wait3A_119 = arith.constant 0 : i32
    %dma_wait3A_120 = arith.constant 0 : i32
    %dma_wait3A_121 = tpu.memref_slice %arg12[%dma_wait3A_110, %dma_wait3A_119, %dma_wait3A_120] : memref<2x16x128xf32, #tpu.memory_space<vmem>> -> memref<1x16x128xf32, #tpu.memory_space<vmem>>
    %dma_wait3A_122 = tpu.memref_squeeze %dma_wait3A_121 : memref<1x16x128xf32, #tpu.memory_space<vmem>> -> memref<16x128xf32, #tpu.memory_space<vmem>>
    tpu.wait_dma2 semaphore(%arg18 : memref<!tpu.dma_semaphore, #tpu.memory_space<semaphore_mem>>) src(%dma_wait3A_122 : memref<16x128xf32, #tpu.memory_space<vmem>>) dst(%dma_wait3A_118 : memref<16x128xf32, #tpu.memory_space<hbm>>)
    %dma_wait3A_123 = arith.constant 0 : i32
    %dma_wait3A_124 = arith.constant 0 : i32
    %dma_wait3A_125 = arith.constant 0 : i32
    %dma_wait3A_126 = tpu.memref_slice %arg13[%dma_wait3A_123, %dma_wait3A_124, %dma_wait3A_125] : memref<2x16x128xf32, #tpu.memory_space<vmem>> -> memref<1x16x128xf32, #tpu.memory_space<vmem>>
    %dma_wait3A_127 = tpu.memref_squeeze %dma_wait3A_126 : memref<1x16x128xf32, #tpu.memory_space<vmem>> -> memref<16x128xf32, #tpu.memory_space<vmem>>
    %dma_wait3A_128 = arith.constant 0 : i32
    %dma_wait3A_129 = tpu.memref_slice %arg8[%shift_right_arithmetic3A_109, %dma_wait3A_128] : memref<25600x128xf32, #tpu.memory_space<hbm>> -> memref<16x128xf32, #tpu.memory_space<hbm>>
    %dma_wait3A_130 = arith.constant 0 : i32
    %dma_wait3A_131 = tpu.memref_slice %arg8[%shift_right_arithmetic3A_109, %dma_wait3A_130] : memref<25600x128xf32, #tpu.memory_space<hbm>> -> memref<16x128xf32, #tpu.memory_space<hbm>>
    %dma_wait3A_132 = arith.constant 0 : i32
    %dma_wait3A_133 = arith.constant 0 : i32
    %dma_wait3A_134 = tpu.memref_slice %arg13[%dma_wait3A_123, %dma_wait3A_132, %dma_wait3A_133] : memref<2x16x128xf32, #tpu.memory_space<vmem>> -> memref<1x16x128xf32, #tpu.memory_space<vmem>>
    %dma_wait3A_135 = tpu.memref_squeeze %dma_wait3A_134 : memref<1x16x128xf32, #tpu.memory_space<vmem>> -> memref<16x128xf32, #tpu.memory_space<vmem>>
    tpu.wait_dma2 semaphore(%arg18 : memref<!tpu.dma_semaphore, #tpu.memory_space<semaphore_mem>>) src(%dma_wait3A_135 : memref<16x128xf32, #tpu.memory_space<vmem>>) dst(%dma_wait3A_131 : memref<16x128xf32, #tpu.memory_space<hbm>>)
    %add3A_136 = arith.constant 128 : i32
    %add3A_137 = arith.addi %add3A_106, %add3A_136 : i32
    %shift_right_arithmetic3A_138 = arith.constant 3 : i32
    %shift_right_arithmetic3A_139 = arith.shrsi %add3A_137, %shift_right_arithmetic3A_138 : i32
    %shift_right_arithmetic3A_140 = arith.constant 3 : i32
    %shift_right_arithmetic3A_141 = arith.shrsi %add3A_137, %shift_right_arithmetic3A_140 : i32
    %dma_wait3A_142 = arith.constant 1 : i32
    %dma_wait3A_143 = arith.constant 0 : i32
    %dma_wait3A_144 = arith.constant 0 : i32
    %dma_wait3A_145 = tpu.memref_slice %arg12[%dma_wait3A_142, %dma_wait3A_143, %dma_wait3A_144] : memref<2x16x128xf32, #tpu.memory_space<vmem>> -> memref<1x16x128xf32, #tpu.memory_space<vmem>>
    %dma_wait3A_146 = tpu.memref_squeeze %dma_wait3A_145 : memref<1x16x128xf32, #tpu.memory_space<vmem>> -> memref<16x128xf32, #tpu.memory_space<vmem>>
    %dma_wait3A_147 = arith.constant 0 : i32
    %dma_wait3A_148 = tpu.memref_slice %arg7[%shift_right_arithmetic3A_139, %dma_wait3A_147] : memref<25600x128xf32, #tpu.memory_space<hbm>> -> memref<16x128xf32, #tpu.memory_space<hbm>>
    %dma_wait3A_149 = arith.constant 0 : i32
    %dma_wait3A_150 = tpu.memref_slice %arg7[%shift_right_arithmetic3A_139, %dma_wait3A_149] : memref<25600x128xf32, #tpu.memory_space<hbm>> -> memref<16x128xf32, #tpu.memory_space<hbm>>
    %dma_wait3A_151 = arith.constant 0 : i32
    %dma_wait3A_152 = arith.constant 0 : i32
    %dma_wait3A_153 = tpu.memref_slice %arg12[%dma_wait3A_142, %dma_wait3A_151, %dma_wait3A_152] : memref<2x16x128xf32, #tpu.memory_space<vmem>> -> memref<1x16x128xf32, #tpu.memory_space<vmem>>
    %dma_wait3A_154 = tpu.memref_squeeze %dma_wait3A_153 : memref<1x16x128xf32, #tpu.memory_space<vmem>> -> memref<16x128xf32, #tpu.memory_space<vmem>>
    tpu.wait_dma2 semaphore(%arg19 : memref<!tpu.dma_semaphore, #tpu.memory_space<semaphore_mem>>) src(%dma_wait3A_154 : memref<16x128xf32, #tpu.memory_space<vmem>>) dst(%dma_wait3A_150 : memref<16x128xf32, #tpu.memory_space<hbm>>)
    %dma_wait3A_155 = arith.constant 1 : i32
    %dma_wait3A_156 = arith.constant 0 : i32
    %dma_wait3A_157 = arith.constant 0 : i32
    %dma_wait3A_158 = tpu.memref_slice %arg13[%dma_wait3A_155, %dma_wait3A_156, %dma_wait3A_157] : memref<2x16x128xf32, #tpu.memory_space<vmem>> -> memref<1x16x128xf32, #tpu.memory_space<vmem>>
    %dma_wait3A_159 = tpu.memref_squeeze %dma_wait3A_158 : memref<1x16x128xf32, #tpu.memory_space<vmem>> -> memref<16x128xf32, #tpu.memory_space<vmem>>
    %dma_wait3A_160 = arith.constant 0 : i32
    %dma_wait3A_161 = tpu.memref_slice %arg8[%shift_right_arithmetic3A_141, %dma_wait3A_160] : memref<25600x128xf32, #tpu.memory_space<hbm>> -> memref<16x128xf32, #tpu.memory_space<hbm>>
    %dma_wait3A_162 = arith.constant 0 : i32
    %dma_wait3A_163 = tpu.memref_slice %arg8[%shift_right_arithmetic3A_141, %dma_wait3A_162] : memref<25600x128xf32, #tpu.memory_space<hbm>> -> memref<16x128xf32, #tpu.memory_space<hbm>>
    %dma_wait3A_164 = arith.constant 0 : i32
    %dma_wait3A_165 = arith.constant 0 : i32
    %dma_wait3A_166 = tpu.memref_slice %arg13[%dma_wait3A_155, %dma_wait3A_164, %dma_wait3A_165] : memref<2x16x128xf32, #tpu.memory_space<vmem>> -> memref<1x16x128xf32, #tpu.memory_space<vmem>>
    %dma_wait3A_167 = tpu.memref_squeeze %dma_wait3A_166 : memref<1x16x128xf32, #tpu.memory_space<vmem>> -> memref<16x128xf32, #tpu.memory_space<vmem>>
    tpu.wait_dma2 semaphore(%arg19 : memref<!tpu.dma_semaphore, #tpu.memory_space<semaphore_mem>>) src(%dma_wait3A_167 : memref<16x128xf32, #tpu.memory_space<vmem>>) dst(%dma_wait3A_163 : memref<16x128xf32, #tpu.memory_space<hbm>>)
    return
  }
}

#map = affine_map<(d0, d1) -> (0, 0)>
module attributes {stable_mosaic.version = 14 : i64} {
  func.func @transpose_kernel(%arg0: i32, %arg1: i32, %arg2: memref<25600x128xf32, #tpu.memory_space<hbm>>, %arg3: memref<25600x128xf32, #tpu.memory_space<hbm>>, %arg4: memref<2x16x128xf32, #tpu.memory_space<vmem>>, %arg5: memref<16x128xf32, #tpu.memory_space<vmem>>, %arg6: memref<16x128xf32, #tpu.memory_space<vmem>>, %arg7: memref<!tpu.dma_semaphore, #tpu.memory_space<semaphore_mem>>, %arg8: memref<!tpu.dma_semaphore, #tpu.memory_space<semaphore_mem>>, %arg9: memref<!tpu.dma_semaphore, #tpu.memory_space<semaphore_mem>>, %arg10: memref<!tpu.dma_semaphore, #tpu.memory_space<semaphore_mem>>) attributes {dimension_semantics = [#tpu.dimension_semantics<core_parallel>, #tpu.dimension_semantics<subcore_parallel>], iteration_bounds = array<i64: 2, 16>, scalar_prefetch = 0 : i64, scratch_operands = 7 : i64, tpu.core_type = #tpu.core_type<sc_vector_subcore>, window_params = [{transform_indices = #map}, {transform_indices = #map}]} {
    %mul3A = arith.constant 2 : i32
    %mul3A_0 = arith.muli %arg1, %mul3A : i32
    %add3A = arith.addi %mul3A_0, %arg0 : i32
    %mul3A_1 = arith.constant 50 : i32
    %mul3A_2 = arith.muli %add3A, %mul3A_1 : i32
    %mul3A_3 = arith.constant 16 : i32
    %mul3A_4 = arith.muli %mul3A_2, %mul3A_3 : i32
    %multiple_of3A = tpu.assume_multiple %mul3A_4, 8 : i32
    %dma_start3A = arith.constant 0 : i32
    %dma_start3A_5 = arith.constant 0 : i32
    %dma_start3A_6 = arith.constant 0 : i32
    %dma_start3A_7 = tpu.memref_slice %arg4[%dma_start3A, %dma_start3A_5, %dma_start3A_6] : memref<2x16x128xf32, #tpu.memory_space<vmem>> -> memref<1x16x128xf32, #tpu.memory_space<vmem>>
    %dma_start3A_8 = tpu.memref_squeeze %dma_start3A_7 : memref<1x16x128xf32, #tpu.memory_space<vmem>> -> memref<16x128xf32, #tpu.memory_space<vmem>>
    %dma_start3A_9 = arith.constant 0 : i32
    %dma_start3A_10 = tpu.memref_slice %arg2[%multiple_of3A, %dma_start3A_9] : memref<25600x128xf32, #tpu.memory_space<hbm>> -> memref<16x128xf32, #tpu.memory_space<hbm>>
    %dma_start3A_11 = arith.constant 0 : i32
    %dma_start3A_12 = arith.constant 0 : i32
    %dma_start3A_13 = tpu.memref_slice %arg4[%dma_start3A, %dma_start3A_11, %dma_start3A_12] : memref<2x16x128xf32, #tpu.memory_space<vmem>> -> memref<1x16x128xf32, #tpu.memory_space<vmem>>
    %dma_start3A_14 = tpu.memref_squeeze %dma_start3A_13 : memref<1x16x128xf32, #tpu.memory_space<vmem>> -> memref<16x128xf32, #tpu.memory_space<vmem>>
    %dma_start3A_15 = arith.constant 0 : i32
    %dma_start3A_16 = tpu.memref_slice %arg2[%multiple_of3A, %dma_start3A_15] : memref<25600x128xf32, #tpu.memory_space<hbm>> -> memref<16x128xf32, #tpu.memory_space<hbm>>
    tpu.enqueue_dma source(%dma_start3A_16 : memref<16x128xf32, #tpu.memory_space<hbm>>) target(%dma_start3A_14 : memref<16x128xf32, #tpu.memory_space<vmem>>) target_semaphore(%arg7 : memref<!tpu.dma_semaphore, #tpu.memory_space<semaphore_mem>>)
    %scan3A = arith.constant 0 : i32
    %scan3A_17 = arith.constant 0 : i32
    %scan3A_18 = arith.constant 25 : i32
    %scan3A_19 = arith.addi %scan3A_17, %scan3A_18 : i32
    %scan3A_20 = arith.constant 1 : i32
    scf.for %scan3A_114 = %scan3A_17 to %scan3A_19 step %scan3A_20  : i32 {
      %mul3A_115 = arith.constant 2 : i32
      %mul3A_116 = arith.muli %mul3A_115, %scan3A_114 : i32
      %add3A_117 = arith.addi %mul3A_2, %mul3A_116 : i32
      %add3A_118 = arith.constant 1 : i32
      %add3A_119 = arith.addi %add3A_117, %add3A_118 : i32
      %mul3A_120 = arith.constant 16 : i32
      %mul3A_121 = arith.muli %add3A_119, %mul3A_120 : i32
      %multiple_of3A_122 = tpu.assume_multiple %mul3A_121, 8 : i32
      %dma_start3A_123 = arith.constant 1 : i32
      %dma_start3A_124 = arith.constant 0 : i32
      %dma_start3A_125 = arith.constant 0 : i32
      %dma_start3A_126 = tpu.memref_slice %arg4[%dma_start3A_123, %dma_start3A_124, %dma_start3A_125] : memref<2x16x128xf32, #tpu.memory_space<vmem>> -> memref<1x16x128xf32, #tpu.memory_space<vmem>>
      %dma_start3A_127 = tpu.memref_squeeze %dma_start3A_126 : memref<1x16x128xf32, #tpu.memory_space<vmem>> -> memref<16x128xf32, #tpu.memory_space<vmem>>
      %dma_start3A_128 = arith.constant 0 : i32
      %dma_start3A_129 = tpu.memref_slice %arg2[%multiple_of3A_122, %dma_start3A_128] : memref<25600x128xf32, #tpu.memory_space<hbm>> -> memref<16x128xf32, #tpu.memory_space<hbm>>
      %dma_start3A_130 = arith.constant 0 : i32
      %dma_start3A_131 = arith.constant 0 : i32
      %dma_start3A_132 = tpu.memref_slice %arg4[%dma_start3A_123, %dma_start3A_130, %dma_start3A_131] : memref<2x16x128xf32, #tpu.memory_space<vmem>> -> memref<1x16x128xf32, #tpu.memory_space<vmem>>
      %dma_start3A_133 = tpu.memref_squeeze %dma_start3A_132 : memref<1x16x128xf32, #tpu.memory_space<vmem>> -> memref<16x128xf32, #tpu.memory_space<vmem>>
      %dma_start3A_134 = arith.constant 0 : i32
      %dma_start3A_135 = tpu.memref_slice %arg2[%multiple_of3A_122, %dma_start3A_134] : memref<25600x128xf32, #tpu.memory_space<hbm>> -> memref<16x128xf32, #tpu.memory_space<hbm>>
      tpu.enqueue_dma source(%dma_start3A_135 : memref<16x128xf32, #tpu.memory_space<hbm>>) target(%dma_start3A_133 : memref<16x128xf32, #tpu.memory_space<vmem>>) target_semaphore(%arg8 : memref<!tpu.dma_semaphore, #tpu.memory_space<semaphore_mem>>)
      %mul3A_136 = arith.constant 16 : i32
      %mul3A_137 = arith.muli %add3A_117, %mul3A_136 : i32
      %multiple_of3A_138 = tpu.assume_multiple %mul3A_137, 8 : i32
      %dma_wait3A_139 = arith.constant 0 : i32
      %dma_wait3A_140 = arith.constant 0 : i32
      %dma_wait3A_141 = arith.constant 0 : i32
      %dma_wait3A_142 = tpu.memref_slice %arg4[%dma_wait3A_139, %dma_wait3A_140, %dma_wait3A_141] : memref<2x16x128xf32, #tpu.memory_space<vmem>> -> memref<1x16x128xf32, #tpu.memory_space<vmem>>
      %dma_wait3A_143 = tpu.memref_squeeze %dma_wait3A_142 : memref<1x16x128xf32, #tpu.memory_space<vmem>> -> memref<16x128xf32, #tpu.memory_space<vmem>>
      %dma_wait3A_144 = arith.constant 0 : i32
      %dma_wait3A_145 = tpu.memref_slice %arg2[%multiple_of3A_138, %dma_wait3A_144] : memref<25600x128xf32, #tpu.memory_space<hbm>> -> memref<16x128xf32, #tpu.memory_space<hbm>>
      %dma_wait3A_146 = arith.constant 0 : i32
      %dma_wait3A_147 = arith.constant 0 : i32
      %dma_wait3A_148 = tpu.memref_slice %arg4[%dma_wait3A_139, %dma_wait3A_146, %dma_wait3A_147] : memref<2x16x128xf32, #tpu.memory_space<vmem>> -> memref<1x16x128xf32, #tpu.memory_space<vmem>>
      %dma_wait3A_149 = tpu.memref_squeeze %dma_wait3A_148 : memref<1x16x128xf32, #tpu.memory_space<vmem>> -> memref<16x128xf32, #tpu.memory_space<vmem>>
      %dma_wait3A_150 = arith.constant 0 : i32
      %dma_wait3A_151 = tpu.memref_slice %arg2[%multiple_of3A_138, %dma_wait3A_150] : memref<25600x128xf32, #tpu.memory_space<hbm>> -> memref<16x128xf32, #tpu.memory_space<hbm>>
      tpu.wait_dma2 semaphore(%arg7 : memref<!tpu.dma_semaphore, #tpu.memory_space<semaphore_mem>>) src(%dma_wait3A_151 : memref<16x128xf32, #tpu.memory_space<hbm>>) dst(%dma_wait3A_149 : memref<16x128xf32, #tpu.memory_space<vmem>>)
      %gt3A = arith.constant 0 : i32
      %gt3A_152 = arith.cmpi sgt, %scan3A_114, %gt3A : i32
      %convert_element_type3A = arith.extui %gt3A_152 : i1 to i32
      %cond3A = arith.constant 0 : i32
      %cond3A_153 = arith.cmpi ne, %convert_element_type3A, %cond3A : i32
      scf.if %cond3A_153 {
        %shift_right_arithmetic3A_274 = arith.constant 3 : i32
        %shift_right_arithmetic3A_275 = arith.shrsi %add3A_117, %shift_right_arithmetic3A_274 : i32
        %and3A_276 = arith.constant 7 : i32
        %and3A_277 = arith.andi %add3A_117, %and3A_276 : i32
        %mul3A_278 = arith.constant 2 : i32
        %mul3A_279 = arith.muli %shift_right_arithmetic3A_275, %mul3A_278 : i32
        %add3A_280 = arith.constant 0 : i32
        %add3A_281 = arith.addi %mul3A_279, %add3A_280 : i32
        %mul3A_282 = arith.constant 64 : i32
        %mul3A_283 = arith.muli %add3A_281, %mul3A_282 : i32
        %mul3A_284 = arith.constant 8 : i32
        %mul3A_285 = arith.muli %and3A_277, %mul3A_284 : i32
        %add3A_286 = arith.addi %mul3A_283, %mul3A_285 : i32
        %multiple_of3A_287 = tpu.assume_multiple %add3A_286, 8 : i32
        %mul3A_288 = arith.constant 2 : i32
        %mul3A_289 = arith.muli %shift_right_arithmetic3A_275, %mul3A_288 : i32
        %add3A_290 = arith.constant 1 : i32
        %add3A_291 = arith.addi %mul3A_289, %add3A_290 : i32
        %mul3A_292 = arith.constant 64 : i32
        %mul3A_293 = arith.muli %add3A_291, %mul3A_292 : i32
        %mul3A_294 = arith.constant 8 : i32
        %mul3A_295 = arith.muli %and3A_277, %mul3A_294 : i32
        %add3A_296 = arith.addi %mul3A_293, %mul3A_295 : i32
        %multiple_of3A_297 = tpu.assume_multiple %add3A_296, 8 : i32
        %dma_wait3A_298 = arith.constant 0 : i32
        %dma_wait3A_299 = arith.constant 0 : i32
        %dma_wait3A_300 = tpu.memref_slice %arg5[%dma_wait3A_298, %dma_wait3A_299] : memref<16x128xf32, #tpu.memory_space<vmem>> -> memref<8x128xf32, #tpu.memory_space<vmem>>
        %dma_wait3A_301 = arith.constant 0 : i32
        %dma_wait3A_302 = tpu.memref_slice %arg3[%multiple_of3A_287, %dma_wait3A_301] : memref<25600x128xf32, #tpu.memory_space<hbm>> -> memref<8x128xf32, #tpu.memory_space<hbm>>
        %dma_wait3A_303 = arith.constant 0 : i32
        %dma_wait3A_304 = tpu.memref_slice %arg3[%multiple_of3A_287, %dma_wait3A_303] : memref<25600x128xf32, #tpu.memory_space<hbm>> -> memref<8x128xf32, #tpu.memory_space<hbm>>
        %dma_wait3A_305 = arith.constant 0 : i32
        %dma_wait3A_306 = arith.constant 0 : i32
        %dma_wait3A_307 = tpu.memref_slice %arg5[%dma_wait3A_305, %dma_wait3A_306] : memref<16x128xf32, #tpu.memory_space<vmem>> -> memref<8x128xf32, #tpu.memory_space<vmem>>
        tpu.wait_dma2 semaphore(%arg9 : memref<!tpu.dma_semaphore, #tpu.memory_space<semaphore_mem>>) src(%dma_wait3A_307 : memref<8x128xf32, #tpu.memory_space<vmem>>) dst(%dma_wait3A_304 : memref<8x128xf32, #tpu.memory_space<hbm>>)
        %dma_wait3A_308 = arith.constant 8 : i32
        %dma_wait3A_309 = arith.constant 0 : i32
        %dma_wait3A_310 = tpu.memref_slice %arg5[%dma_wait3A_308, %dma_wait3A_309] : memref<16x128xf32, #tpu.memory_space<vmem>> -> memref<8x128xf32, #tpu.memory_space<vmem>>
        %dma_wait3A_311 = arith.constant 0 : i32
        %dma_wait3A_312 = tpu.memref_slice %arg3[%multiple_of3A_297, %dma_wait3A_311] : memref<25600x128xf32, #tpu.memory_space<hbm>> -> memref<8x128xf32, #tpu.memory_space<hbm>>
        %dma_wait3A_313 = arith.constant 0 : i32
        %dma_wait3A_314 = tpu.memref_slice %arg3[%multiple_of3A_297, %dma_wait3A_313] : memref<25600x128xf32, #tpu.memory_space<hbm>> -> memref<8x128xf32, #tpu.memory_space<hbm>>
        %dma_wait3A_315 = arith.constant 8 : i32
        %dma_wait3A_316 = arith.constant 0 : i32
        %dma_wait3A_317 = tpu.memref_slice %arg5[%dma_wait3A_315, %dma_wait3A_316] : memref<16x128xf32, #tpu.memory_space<vmem>> -> memref<8x128xf32, #tpu.memory_space<vmem>>
        tpu.wait_dma2 semaphore(%arg9 : memref<!tpu.dma_semaphore, #tpu.memory_space<semaphore_mem>>) src(%dma_wait3A_317 : memref<8x128xf32, #tpu.memory_space<vmem>>) dst(%dma_wait3A_314 : memref<8x128xf32, #tpu.memory_space<hbm>>)
      } else {
      }
      %parallel_loop3A = arith.constant 0 : i32
      %parallel_loop3A_154 = arith.constant 128 : i32
      %parallel_loop3A_155 = arith.constant 1 : i32
      scf.for %parallel_loop3A_274 = %parallel_loop3A to %parallel_loop3A_154 step %parallel_loop3A_155  : i32 {
        %parallel_loop3A_275 = arith.constant 4 : i32
        %parallel_loop3A_276 = arith.shrsi %parallel_loop3A_274, %parallel_loop3A_275 : i32
        %parallel_loop3A_277 = arith.constant 15 : i32
        %parallel_loop3A_278 = arith.andi %parallel_loop3A_274, %parallel_loop3A_277 : i32
        %parallel_loop3A_279 = tpu.iota {dimensions = array<i32: 0>} : vector<16xi32>
        %parallel_loop3A_280 = arith.constant 16 : i32
        %parallel_loop3A_281 = vector.broadcast %parallel_loop3A_280 : i32 to vector<16xi32>
        %parallel_loop3A_282 = arith.muli %parallel_loop3A_279, %parallel_loop3A_281 : vector<16xi32>
        %parallel_loop3A_283 = arith.constant 16 : i32
        %parallel_loop3A_284 = arith.muli %parallel_loop3A_276, %parallel_loop3A_283 : i32
        %parallel_loop3A_285 = arith.constant 16 : i32
        %parallel_loop3A_286 = arith.muli %parallel_loop3A_284, %parallel_loop3A_285 : i32
        %parallel_loop3A_287 = arith.addi %parallel_loop3A_286, %parallel_loop3A_278 : i32
        %parallel_loop3A_288 = vector.broadcast %parallel_loop3A_287 : i32 to vector<16xi32>
        %parallel_loop3A_289 = arith.addi %parallel_loop3A_282, %parallel_loop3A_288 : vector<16xi32>
        %parallel_loop3A_290 = arith.constant 7 : i32
        %parallel_loop3A_291 = vector.broadcast %parallel_loop3A_290 : i32 to vector<16xi32>
        %parallel_loop3A_292 = arith.shrsi %parallel_loop3A_289, %parallel_loop3A_291 : vector<16xi32>
        %parallel_loop3A_293 = arith.constant 127 : i32
        %parallel_loop3A_294 = vector.broadcast %parallel_loop3A_293 : i32 to vector<16xi32>
        %parallel_loop3A_295 = arith.andi %parallel_loop3A_289, %parallel_loop3A_294 : vector<16xi32>
        %parallel_loop3A_296 = arith.constant 0 : i32
        %parallel_loop3A_297 = arith.constant 0 : i32
        %parallel_loop3A_298 = arith.constant 0 : i32
        %parallel_loop3A_299 = tpu.memref_slice %arg4[%parallel_loop3A_296, %parallel_loop3A_297, %parallel_loop3A_298] : memref<2x16x128xf32, #tpu.memory_space<vmem>> -> memref<1x16x128xf32, #tpu.memory_space<vmem>>
        %parallel_loop3A_300 = tpu.memref_squeeze %parallel_loop3A_299 : memref<1x16x128xf32, #tpu.memory_space<vmem>> -> memref<16x128xf32, #tpu.memory_space<vmem>>
        %parallel_loop3A_301 = tpu.vector_load_idx %parallel_loop3A_300[%parallel_loop3A_292, %parallel_loop3A_295] : memref<16x128xf32, #tpu.memory_space<vmem>>[vector<16xi32>, vector<16xi32>], vector<16xf32>,
        %parallel_loop3A_302 = arith.constant 16 : i32
        %parallel_loop3A_303 = arith.muli %parallel_loop3A_276, %parallel_loop3A_302 : i32
        %parallel_loop3A_304 = arith.index_cast %parallel_loop3A_278 : i32 to index
        %parallel_loop3A_305 = arith.index_cast %parallel_loop3A_303 : i32 to index
        %parallel_loop3A_306 = tpu.vector_load %arg5[%parallel_loop3A_304, %parallel_loop3A_305] {strides = array<i32>} : memref<16x128xf32, #tpu.memory_space<vmem>>, vector<16xf32>,
        tpu.vector_store %arg5[%parallel_loop3A_304, %parallel_loop3A_305], %parallel_loop3A_301 {strides = array<i32>} : memref<16x128xf32, #tpu.memory_space<vmem>>, vector<16xf32>,
      } {sc.loop_unroll_factor = 4 : i64, sc.parallel_access}
      %shift_right_arithmetic3A_156 = arith.constant 3 : i32
      %shift_right_arithmetic3A_157 = arith.shrsi %add3A_117, %shift_right_arithmetic3A_156 : i32
      %and3A_158 = arith.constant 7 : i32
      %and3A_159 = arith.andi %add3A_117, %and3A_158 : i32
      %mul3A_160 = arith.constant 2 : i32
      %mul3A_161 = arith.muli %shift_right_arithmetic3A_157, %mul3A_160 : i32
      %add3A_162 = arith.constant 0 : i32
      %add3A_163 = arith.addi %mul3A_161, %add3A_162 : i32
      %mul3A_164 = arith.constant 64 : i32
      %mul3A_165 = arith.muli %add3A_163, %mul3A_164 : i32
      %mul3A_166 = arith.constant 8 : i32
      %mul3A_167 = arith.muli %and3A_159, %mul3A_166 : i32
      %add3A_168 = arith.addi %mul3A_165, %mul3A_167 : i32
      %multiple_of3A_169 = tpu.assume_multiple %add3A_168, 8 : i32
      %mul3A_170 = arith.constant 2 : i32
      %mul3A_171 = arith.muli %shift_right_arithmetic3A_157, %mul3A_170 : i32
      %add3A_172 = arith.constant 1 : i32
      %add3A_173 = arith.addi %mul3A_171, %add3A_172 : i32
      %mul3A_174 = arith.constant 64 : i32
      %mul3A_175 = arith.muli %add3A_173, %mul3A_174 : i32
      %mul3A_176 = arith.constant 8 : i32
      %mul3A_177 = arith.muli %and3A_159, %mul3A_176 : i32
      %add3A_178 = arith.addi %mul3A_175, %mul3A_177 : i32
      %multiple_of3A_179 = tpu.assume_multiple %add3A_178, 8 : i32
      %dma_start3A_180 = arith.constant 0 : i32
      %dma_start3A_181 = arith.constant 0 : i32
      %dma_start3A_182 = tpu.memref_slice %arg5[%dma_start3A_180, %dma_start3A_181] : memref<16x128xf32, #tpu.memory_space<vmem>> -> memref<8x128xf32, #tpu.memory_space<vmem>>
      %dma_start3A_183 = arith.constant 0 : i32
      %dma_start3A_184 = tpu.memref_slice %arg3[%multiple_of3A_169, %dma_start3A_183] : memref<25600x128xf32, #tpu.memory_space<hbm>> -> memref<8x128xf32, #tpu.memory_space<hbm>>
      %dma_start3A_185 = arith.constant 0 : i32
      %dma_start3A_186 = tpu.memref_slice %arg3[%multiple_of3A_169, %dma_start3A_185] : memref<25600x128xf32, #tpu.memory_space<hbm>> -> memref<8x128xf32, #tpu.memory_space<hbm>>
      %dma_start3A_187 = arith.constant 0 : i32
      %dma_start3A_188 = arith.constant 0 : i32
      %dma_start3A_189 = tpu.memref_slice %arg5[%dma_start3A_187, %dma_start3A_188] : memref<16x128xf32, #tpu.memory_space<vmem>> -> memref<8x128xf32, #tpu.memory_space<vmem>>
      tpu.enqueue_dma source(%dma_start3A_189 : memref<8x128xf32, #tpu.memory_space<vmem>>) target(%dma_start3A_186 : memref<8x128xf32, #tpu.memory_space<hbm>>) target_semaphore(%arg9 : memref<!tpu.dma_semaphore, #tpu.memory_space<semaphore_mem>>)
      %dma_start3A_190 = arith.constant 8 : i32
      %dma_start3A_191 = arith.constant 0 : i32
      %dma_start3A_192 = tpu.memref_slice %arg5[%dma_start3A_190, %dma_start3A_191] : memref<16x128xf32, #tpu.memory_space<vmem>> -> memref<8x128xf32, #tpu.memory_space<vmem>>
      %dma_start3A_193 = arith.constant 0 : i32
      %dma_start3A_194 = tpu.memref_slice %arg3[%multiple_of3A_179, %dma_start3A_193] : memref<25600x128xf32, #tpu.memory_space<hbm>> -> memref<8x128xf32, #tpu.memory_space<hbm>>
      %dma_start3A_195 = arith.constant 0 : i32
      %dma_start3A_196 = tpu.memref_slice %arg3[%multiple_of3A_179, %dma_start3A_195] : memref<25600x128xf32, #tpu.memory_space<hbm>> -> memref<8x128xf32, #tpu.memory_space<hbm>>
      %dma_start3A_197 = arith.constant 8 : i32
      %dma_start3A_198 = arith.constant 0 : i32
      %dma_start3A_199 = tpu.memref_slice %arg5[%dma_start3A_197, %dma_start3A_198] : memref<16x128xf32, #tpu.memory_space<vmem>> -> memref<8x128xf32, #tpu.memory_space<vmem>>
      tpu.enqueue_dma source(%dma_start3A_199 : memref<8x128xf32, #tpu.memory_space<vmem>>) target(%dma_start3A_196 : memref<8x128xf32, #tpu.memory_space<hbm>>) target_semaphore(%arg9 : memref<!tpu.dma_semaphore, #tpu.memory_space<semaphore_mem>>)
      %add3A_200 = arith.constant 1 : i32
      %add3A_201 = arith.addi %scan3A_114, %add3A_200 : i32
      %lt3A = arith.constant 25 : i32
      %lt3A_202 = arith.cmpi slt, %add3A_201, %lt3A : i32
      %convert_element_type3A_203 = arith.extui %lt3A_202 : i1 to i32
      %cond3A_204 = arith.constant 0 : i32
      %cond3A_205 = arith.cmpi ne, %convert_element_type3A_203, %cond3A_204 : i32
      scf.if %cond3A_205 {
        %add3A_274 = arith.constant 2 : i32
        %add3A_275 = arith.addi %add3A_117, %add3A_274 : i32
        %mul3A_276 = arith.constant 16 : i32
        %mul3A_277 = arith.muli %add3A_275, %mul3A_276 : i32
        %multiple_of3A_278 = tpu.assume_multiple %mul3A_277, 8 : i32
        %dma_start3A_279 = arith.constant 0 : i32
        %dma_start3A_280 = arith.constant 0 : i32
        %dma_start3A_281 = arith.constant 0 : i32
        %dma_start3A_282 = tpu.memref_slice %arg4[%dma_start3A_279, %dma_start3A_280, %dma_start3A_281] : memref<2x16x128xf32, #tpu.memory_space<vmem>> -> memref<1x16x128xf32, #tpu.memory_space<vmem>>
        %dma_start3A_283 = tpu.memref_squeeze %dma_start3A_282 : memref<1x16x128xf32, #tpu.memory_space<vmem>> -> memref<16x128xf32, #tpu.memory_space<vmem>>
        %dma_start3A_284 = arith.constant 0 : i32
        %dma_start3A_285 = tpu.memref_slice %arg2[%multiple_of3A_278, %dma_start3A_284] : memref<25600x128xf32, #tpu.memory_space<hbm>> -> memref<16x128xf32, #tpu.memory_space<hbm>>
        %dma_start3A_286 = arith.constant 0 : i32
        %dma_start3A_287 = arith.constant 0 : i32
        %dma_start3A_288 = tpu.memref_slice %arg4[%dma_start3A_279, %dma_start3A_286, %dma_start3A_287] : memref<2x16x128xf32, #tpu.memory_space<vmem>> -> memref<1x16x128xf32, #tpu.memory_space<vmem>>
        %dma_start3A_289 = tpu.memref_squeeze %dma_start3A_288 : memref<1x16x128xf32, #tpu.memory_space<vmem>> -> memref<16x128xf32, #tpu.memory_space<vmem>>
        %dma_start3A_290 = arith.constant 0 : i32
        %dma_start3A_291 = tpu.memref_slice %arg2[%multiple_of3A_278, %dma_start3A_290] : memref<25600x128xf32, #tpu.memory_space<hbm>> -> memref<16x128xf32, #tpu.memory_space<hbm>>
        tpu.enqueue_dma source(%dma_start3A_291 : memref<16x128xf32, #tpu.memory_space<hbm>>) target(%dma_start3A_289 : memref<16x128xf32, #tpu.memory_space<vmem>>) target_semaphore(%arg7 : memref<!tpu.dma_semaphore, #tpu.memory_space<semaphore_mem>>)
      } else {
      }
      %mul3A_206 = arith.constant 16 : i32
      %mul3A_207 = arith.muli %add3A_119, %mul3A_206 : i32
      %multiple_of3A_208 = tpu.assume_multiple %mul3A_207, 8 : i32
      %dma_wait3A_209 = arith.constant 1 : i32
      %dma_wait3A_210 = arith.constant 0 : i32
      %dma_wait3A_211 = arith.constant 0 : i32
      %dma_wait3A_212 = tpu.memref_slice %arg4[%dma_wait3A_209, %dma_wait3A_210, %dma_wait3A_211] : memref<2x16x128xf32, #tpu.memory_space<vmem>> -> memref<1x16x128xf32, #tpu.memory_space<vmem>>
      %dma_wait3A_213 = tpu.memref_squeeze %dma_wait3A_212 : memref<1x16x128xf32, #tpu.memory_space<vmem>> -> memref<16x128xf32, #tpu.memory_space<vmem>>
      %dma_wait3A_214 = arith.constant 0 : i32
      %dma_wait3A_215 = tpu.memref_slice %arg2[%multiple_of3A_208, %dma_wait3A_214] : memref<25600x128xf32, #tpu.memory_space<hbm>> -> memref<16x128xf32, #tpu.memory_space<hbm>>
      %dma_wait3A_216 = arith.constant 0 : i32
      %dma_wait3A_217 = arith.constant 0 : i32
      %dma_wait3A_218 = tpu.memref_slice %arg4[%dma_wait3A_209, %dma_wait3A_216, %dma_wait3A_217] : memref<2x16x128xf32, #tpu.memory_space<vmem>> -> memref<1x16x128xf32, #tpu.memory_space<vmem>>
      %dma_wait3A_219 = tpu.memref_squeeze %dma_wait3A_218 : memref<1x16x128xf32, #tpu.memory_space<vmem>> -> memref<16x128xf32, #tpu.memory_space<vmem>>
      %dma_wait3A_220 = arith.constant 0 : i32
      %dma_wait3A_221 = tpu.memref_slice %arg2[%multiple_of3A_208, %dma_wait3A_220] : memref<25600x128xf32, #tpu.memory_space<hbm>> -> memref<16x128xf32, #tpu.memory_space<hbm>>
      tpu.wait_dma2 semaphore(%arg8 : memref<!tpu.dma_semaphore, #tpu.memory_space<semaphore_mem>>) src(%dma_wait3A_221 : memref<16x128xf32, #tpu.memory_space<hbm>>) dst(%dma_wait3A_219 : memref<16x128xf32, #tpu.memory_space<vmem>>)
      %gt3A_222 = arith.constant 0 : i32
      %gt3A_223 = arith.cmpi sgt, %scan3A_114, %gt3A_222 : i32
      %convert_element_type3A_224 = arith.extui %gt3A_223 : i1 to i32
      %cond3A_225 = arith.constant 0 : i32
      %cond3A_226 = arith.cmpi ne, %convert_element_type3A_224, %cond3A_225 : i32
      scf.if %cond3A_226 {
        %shift_right_arithmetic3A_274 = arith.constant 3 : i32
        %shift_right_arithmetic3A_275 = arith.shrsi %add3A_119, %shift_right_arithmetic3A_274 : i32
        %and3A_276 = arith.constant 7 : i32
        %and3A_277 = arith.andi %add3A_119, %and3A_276 : i32
        %mul3A_278 = arith.constant 2 : i32
        %mul3A_279 = arith.muli %shift_right_arithmetic3A_275, %mul3A_278 : i32
        %add3A_280 = arith.constant 0 : i32
        %add3A_281 = arith.addi %mul3A_279, %add3A_280 : i32
        %mul3A_282 = arith.constant 64 : i32
        %mul3A_283 = arith.muli %add3A_281, %mul3A_282 : i32
        %mul3A_284 = arith.constant 8 : i32
        %mul3A_285 = arith.muli %and3A_277, %mul3A_284 : i32
        %add3A_286 = arith.addi %mul3A_283, %mul3A_285 : i32
        %multiple_of3A_287 = tpu.assume_multiple %add3A_286, 8 : i32
        %mul3A_288 = arith.constant 2 : i32
        %mul3A_289 = arith.muli %shift_right_arithmetic3A_275, %mul3A_288 : i32
        %add3A_290 = arith.constant 1 : i32
        %add3A_291 = arith.addi %mul3A_289, %add3A_290 : i32
        %mul3A_292 = arith.constant 64 : i32
        %mul3A_293 = arith.muli %add3A_291, %mul3A_292 : i32
        %mul3A_294 = arith.constant 8 : i32
        %mul3A_295 = arith.muli %and3A_277, %mul3A_294 : i32
        %add3A_296 = arith.addi %mul3A_293, %mul3A_295 : i32
        %multiple_of3A_297 = tpu.assume_multiple %add3A_296, 8 : i32
        %dma_wait3A_298 = arith.constant 0 : i32
        %dma_wait3A_299 = arith.constant 0 : i32
        %dma_wait3A_300 = tpu.memref_slice %arg6[%dma_wait3A_298, %dma_wait3A_299] : memref<16x128xf32, #tpu.memory_space<vmem>> -> memref<8x128xf32, #tpu.memory_space<vmem>>
        %dma_wait3A_301 = arith.constant 0 : i32
        %dma_wait3A_302 = tpu.memref_slice %arg3[%multiple_of3A_287, %dma_wait3A_301] : memref<25600x128xf32, #tpu.memory_space<hbm>> -> memref<8x128xf32, #tpu.memory_space<hbm>>
        %dma_wait3A_303 = arith.constant 0 : i32
        %dma_wait3A_304 = tpu.memref_slice %arg3[%multiple_of3A_287, %dma_wait3A_303] : memref<25600x128xf32, #tpu.memory_space<hbm>> -> memref<8x128xf32, #tpu.memory_space<hbm>>
        %dma_wait3A_305 = arith.constant 0 : i32
        %dma_wait3A_306 = arith.constant 0 : i32
        %dma_wait3A_307 = tpu.memref_slice %arg6[%dma_wait3A_305, %dma_wait3A_306] : memref<16x128xf32, #tpu.memory_space<vmem>> -> memref<8x128xf32, #tpu.memory_space<vmem>>
        tpu.wait_dma2 semaphore(%arg10 : memref<!tpu.dma_semaphore, #tpu.memory_space<semaphore_mem>>) src(%dma_wait3A_307 : memref<8x128xf32, #tpu.memory_space<vmem>>) dst(%dma_wait3A_304 : memref<8x128xf32, #tpu.memory_space<hbm>>)
        %dma_wait3A_308 = arith.constant 8 : i32
        %dma_wait3A_309 = arith.constant 0 : i32
        %dma_wait3A_310 = tpu.memref_slice %arg6[%dma_wait3A_308, %dma_wait3A_309] : memref<16x128xf32, #tpu.memory_space<vmem>> -> memref<8x128xf32, #tpu.memory_space<vmem>>
        %dma_wait3A_311 = arith.constant 0 : i32
        %dma_wait3A_312 = tpu.memref_slice %arg3[%multiple_of3A_297, %dma_wait3A_311] : memref<25600x128xf32, #tpu.memory_space<hbm>> -> memref<8x128xf32, #tpu.memory_space<hbm>>
        %dma_wait3A_313 = arith.constant 0 : i32
        %dma_wait3A_314 = tpu.memref_slice %arg3[%multiple_of3A_297, %dma_wait3A_313] : memref<25600x128xf32, #tpu.memory_space<hbm>> -> memref<8x128xf32, #tpu.memory_space<hbm>>
        %dma_wait3A_315 = arith.constant 8 : i32
        %dma_wait3A_316 = arith.constant 0 : i32
        %dma_wait3A_317 = tpu.memref_slice %arg6[%dma_wait3A_315, %dma_wait3A_316] : memref<16x128xf32, #tpu.memory_space<vmem>> -> memref<8x128xf32, #tpu.memory_space<vmem>>
        tpu.wait_dma2 semaphore(%arg10 : memref<!tpu.dma_semaphore, #tpu.memory_space<semaphore_mem>>) src(%dma_wait3A_317 : memref<8x128xf32, #tpu.memory_space<vmem>>) dst(%dma_wait3A_314 : memref<8x128xf32, #tpu.memory_space<hbm>>)
      } else {
      }
      %parallel_loop3A_227 = arith.constant 0 : i32
      %parallel_loop3A_228 = arith.constant 128 : i32
      %parallel_loop3A_229 = arith.constant 1 : i32
      scf.for %parallel_loop3A_274 = %parallel_loop3A_227 to %parallel_loop3A_228 step %parallel_loop3A_229  : i32 {
        %parallel_loop3A_275 = arith.constant 4 : i32
        %parallel_loop3A_276 = arith.shrsi %parallel_loop3A_274, %parallel_loop3A_275 : i32
        %parallel_loop3A_277 = arith.constant 15 : i32
        %parallel_loop3A_278 = arith.andi %parallel_loop3A_274, %parallel_loop3A_277 : i32
        %parallel_loop3A_279 = tpu.iota {dimensions = array<i32: 0>} : vector<16xi32>
        %parallel_loop3A_280 = arith.constant 16 : i32
        %parallel_loop3A_281 = vector.broadcast %parallel_loop3A_280 : i32 to vector<16xi32>
        %parallel_loop3A_282 = arith.muli %parallel_loop3A_279, %parallel_loop3A_281 : vector<16xi32>
        %parallel_loop3A_283 = arith.constant 16 : i32
        %parallel_loop3A_284 = arith.muli %parallel_loop3A_276, %parallel_loop3A_283 : i32
        %parallel_loop3A_285 = arith.constant 16 : i32
        %parallel_loop3A_286 = arith.muli %parallel_loop3A_284, %parallel_loop3A_285 : i32
        %parallel_loop3A_287 = arith.addi %parallel_loop3A_286, %parallel_loop3A_278 : i32
        %parallel_loop3A_288 = vector.broadcast %parallel_loop3A_287 : i32 to vector<16xi32>
        %parallel_loop3A_289 = arith.addi %parallel_loop3A_282, %parallel_loop3A_288 : vector<16xi32>
        %parallel_loop3A_290 = arith.constant 7 : i32
        %parallel_loop3A_291 = vector.broadcast %parallel_loop3A_290 : i32 to vector<16xi32>
        %parallel_loop3A_292 = arith.shrsi %parallel_loop3A_289, %parallel_loop3A_291 : vector<16xi32>
        %parallel_loop3A_293 = arith.constant 127 : i32
        %parallel_loop3A_294 = vector.broadcast %parallel_loop3A_293 : i32 to vector<16xi32>
        %parallel_loop3A_295 = arith.andi %parallel_loop3A_289, %parallel_loop3A_294 : vector<16xi32>
        %parallel_loop3A_296 = arith.constant 1 : i32
        %parallel_loop3A_297 = arith.constant 0 : i32
        %parallel_loop3A_298 = arith.constant 0 : i32
        %parallel_loop3A_299 = tpu.memref_slice %arg4[%parallel_loop3A_296, %parallel_loop3A_297, %parallel_loop3A_298] : memref<2x16x128xf32, #tpu.memory_space<vmem>> -> memref<1x16x128xf32, #tpu.memory_space<vmem>>
        %parallel_loop3A_300 = tpu.memref_squeeze %parallel_loop3A_299 : memref<1x16x128xf32, #tpu.memory_space<vmem>> -> memref<16x128xf32, #tpu.memory_space<vmem>>
        %parallel_loop3A_301 = tpu.vector_load_idx %parallel_loop3A_300[%parallel_loop3A_292, %parallel_loop3A_295] : memref<16x128xf32, #tpu.memory_space<vmem>>[vector<16xi32>, vector<16xi32>], vector<16xf32>,
        %parallel_loop3A_302 = arith.constant 16 : i32
        %parallel_loop3A_303 = arith.muli %parallel_loop3A_276, %parallel_loop3A_302 : i32
        %parallel_loop3A_304 = arith.index_cast %parallel_loop3A_278 : i32 to index
        %parallel_loop3A_305 = arith.index_cast %parallel_loop3A_303 : i32 to index
        %parallel_loop3A_306 = tpu.vector_load %arg6[%parallel_loop3A_304, %parallel_loop3A_305] {strides = array<i32>} : memref<16x128xf32, #tpu.memory_space<vmem>>, vector<16xf32>,
        tpu.vector_store %arg6[%parallel_loop3A_304, %parallel_loop3A_305], %parallel_loop3A_301 {strides = array<i32>} : memref<16x128xf32, #tpu.memory_space<vmem>>, vector<16xf32>,
      } {sc.loop_unroll_factor = 4 : i64, sc.parallel_access}
      %shift_right_arithmetic3A_230 = arith.constant 3 : i32
      %shift_right_arithmetic3A_231 = arith.shrsi %add3A_119, %shift_right_arithmetic3A_230 : i32
      %and3A_232 = arith.constant 7 : i32
      %and3A_233 = arith.andi %add3A_119, %and3A_232 : i32
      %mul3A_234 = arith.constant 2 : i32
      %mul3A_235 = arith.muli %shift_right_arithmetic3A_231, %mul3A_234 : i32
      %add3A_236 = arith.constant 0 : i32
      %add3A_237 = arith.addi %mul3A_235, %add3A_236 : i32
      %mul3A_238 = arith.constant 64 : i32
      %mul3A_239 = arith.muli %add3A_237, %mul3A_238 : i32
      %mul3A_240 = arith.constant 8 : i32
      %mul3A_241 = arith.muli %and3A_233, %mul3A_240 : i32
      %add3A_242 = arith.addi %mul3A_239, %mul3A_241 : i32
      %multiple_of3A_243 = tpu.assume_multiple %add3A_242, 8 : i32
      %mul3A_244 = arith.constant 2 : i32
      %mul3A_245 = arith.muli %shift_right_arithmetic3A_231, %mul3A_244 : i32
      %add3A_246 = arith.constant 1 : i32
      %add3A_247 = arith.addi %mul3A_245, %add3A_246 : i32
      %mul3A_248 = arith.constant 64 : i32
      %mul3A_249 = arith.muli %add3A_247, %mul3A_248 : i32
      %mul3A_250 = arith.constant 8 : i32
      %mul3A_251 = arith.muli %and3A_233, %mul3A_250 : i32
      %add3A_252 = arith.addi %mul3A_249, %mul3A_251 : i32
      %multiple_of3A_253 = tpu.assume_multiple %add3A_252, 8 : i32
      %dma_start3A_254 = arith.constant 0 : i32
      %dma_start3A_255 = arith.constant 0 : i32
      %dma_start3A_256 = tpu.memref_slice %arg6[%dma_start3A_254, %dma_start3A_255] : memref<16x128xf32, #tpu.memory_space<vmem>> -> memref<8x128xf32, #tpu.memory_space<vmem>>
      %dma_start3A_257 = arith.constant 0 : i32
      %dma_start3A_258 = tpu.memref_slice %arg3[%multiple_of3A_243, %dma_start3A_257] : memref<25600x128xf32, #tpu.memory_space<hbm>> -> memref<8x128xf32, #tpu.memory_space<hbm>>
      %dma_start3A_259 = arith.constant 0 : i32
      %dma_start3A_260 = tpu.memref_slice %arg3[%multiple_of3A_243, %dma_start3A_259] : memref<25600x128xf32, #tpu.memory_space<hbm>> -> memref<8x128xf32, #tpu.memory_space<hbm>>
      %dma_start3A_261 = arith.constant 0 : i32
      %dma_start3A_262 = arith.constant 0 : i32
      %dma_start3A_263 = tpu.memref_slice %arg6[%dma_start3A_261, %dma_start3A_262] : memref<16x128xf32, #tpu.memory_space<vmem>> -> memref<8x128xf32, #tpu.memory_space<vmem>>
      tpu.enqueue_dma source(%dma_start3A_263 : memref<8x128xf32, #tpu.memory_space<vmem>>) target(%dma_start3A_260 : memref<8x128xf32, #tpu.memory_space<hbm>>) target_semaphore(%arg10 : memref<!tpu.dma_semaphore, #tpu.memory_space<semaphore_mem>>)
      %dma_start3A_264 = arith.constant 8 : i32
      %dma_start3A_265 = arith.constant 0 : i32
      %dma_start3A_266 = tpu.memref_slice %arg6[%dma_start3A_264, %dma_start3A_265] : memref<16x128xf32, #tpu.memory_space<vmem>> -> memref<8x128xf32, #tpu.memory_space<vmem>>
      %dma_start3A_267 = arith.constant 0 : i32
      %dma_start3A_268 = tpu.memref_slice %arg3[%multiple_of3A_253, %dma_start3A_267] : memref<25600x128xf32, #tpu.memory_space<hbm>> -> memref<8x128xf32, #tpu.memory_space<hbm>>
      %dma_start3A_269 = arith.constant 0 : i32
      %dma_start3A_270 = tpu.memref_slice %arg3[%multiple_of3A_253, %dma_start3A_269] : memref<25600x128xf32, #tpu.memory_space<hbm>> -> memref<8x128xf32, #tpu.memory_space<hbm>>
      %dma_start3A_271 = arith.constant 8 : i32
      %dma_start3A_272 = arith.constant 0 : i32
      %dma_start3A_273 = tpu.memref_slice %arg6[%dma_start3A_271, %dma_start3A_272] : memref<16x128xf32, #tpu.memory_space<vmem>> -> memref<8x128xf32, #tpu.memory_space<vmem>>
      tpu.enqueue_dma source(%dma_start3A_273 : memref<8x128xf32, #tpu.memory_space<vmem>>) target(%dma_start3A_270 : memref<8x128xf32, #tpu.memory_space<hbm>>) target_semaphore(%arg10 : memref<!tpu.dma_semaphore, #tpu.memory_space<semaphore_mem>>)
    }
    %scan3A_21 = arith.constant 25 : i32
    %add3A_22 = arith.constant 50 : i32
    %add3A_23 = arith.addi %mul3A_2, %add3A_22 : i32
    %sub3A = arith.constant 2 : i32
    %sub3A_24 = arith.subi %add3A_23, %sub3A : i32
    %shift_right_arithmetic3A = arith.constant 3 : i32
    %shift_right_arithmetic3A_25 = arith.shrsi %sub3A_24, %shift_right_arithmetic3A : i32
    %and3A = arith.constant 7 : i32
    %and3A_26 = arith.andi %sub3A_24, %and3A : i32
    %mul3A_27 = arith.constant 2 : i32
    %mul3A_28 = arith.muli %shift_right_arithmetic3A_25, %mul3A_27 : i32
    %add3A_29 = arith.constant 0 : i32
    %add3A_30 = arith.addi %mul3A_28, %add3A_29 : i32
    %mul3A_31 = arith.constant 64 : i32
    %mul3A_32 = arith.muli %add3A_30, %mul3A_31 : i32
    %mul3A_33 = arith.constant 8 : i32
    %mul3A_34 = arith.muli %and3A_26, %mul3A_33 : i32
    %add3A_35 = arith.addi %mul3A_32, %mul3A_34 : i32
    %multiple_of3A_36 = tpu.assume_multiple %add3A_35, 8 : i32
    %mul3A_37 = arith.constant 2 : i32
    %mul3A_38 = arith.muli %shift_right_arithmetic3A_25, %mul3A_37 : i32
    %add3A_39 = arith.constant 1 : i32
    %add3A_40 = arith.addi %mul3A_38, %add3A_39 : i32
    %mul3A_41 = arith.constant 64 : i32
    %mul3A_42 = arith.muli %add3A_40, %mul3A_41 : i32
    %mul3A_43 = arith.constant 8 : i32
    %mul3A_44 = arith.muli %and3A_26, %mul3A_43 : i32
    %add3A_45 = arith.addi %mul3A_42, %mul3A_44 : i32
    %multiple_of3A_46 = tpu.assume_multiple %add3A_45, 8 : i32
    %dma_wait3A = arith.constant 0 : i32
    %dma_wait3A_47 = arith.constant 0 : i32
    %dma_wait3A_48 = tpu.memref_slice %arg5[%dma_wait3A, %dma_wait3A_47] : memref<16x128xf32, #tpu.memory_space<vmem>> -> memref<8x128xf32, #tpu.memory_space<vmem>>
    %dma_wait3A_49 = arith.constant 0 : i32
    %dma_wait3A_50 = tpu.memref_slice %arg3[%multiple_of3A_36, %dma_wait3A_49] : memref<25600x128xf32, #tpu.memory_space<hbm>> -> memref<8x128xf32, #tpu.memory_space<hbm>>
    %dma_wait3A_51 = arith.constant 0 : i32
    %dma_wait3A_52 = tpu.memref_slice %arg3[%multiple_of3A_36, %dma_wait3A_51] : memref<25600x128xf32, #tpu.memory_space<hbm>> -> memref<8x128xf32, #tpu.memory_space<hbm>>
    %dma_wait3A_53 = arith.constant 0 : i32
    %dma_wait3A_54 = arith.constant 0 : i32
    %dma_wait3A_55 = tpu.memref_slice %arg5[%dma_wait3A_53, %dma_wait3A_54] : memref<16x128xf32, #tpu.memory_space<vmem>> -> memref<8x128xf32, #tpu.memory_space<vmem>>
    tpu.wait_dma2 semaphore(%arg9 : memref<!tpu.dma_semaphore, #tpu.memory_space<semaphore_mem>>) src(%dma_wait3A_55 : memref<8x128xf32, #tpu.memory_space<vmem>>) dst(%dma_wait3A_52 : memref<8x128xf32, #tpu.memory_space<hbm>>)
    %dma_wait3A_56 = arith.constant 8 : i32
    %dma_wait3A_57 = arith.constant 0 : i32
    %dma_wait3A_58 = tpu.memref_slice %arg5[%dma_wait3A_56, %dma_wait3A_57] : memref<16x128xf32, #tpu.memory_space<vmem>> -> memref<8x128xf32, #tpu.memory_space<vmem>>
    %dma_wait3A_59 = arith.constant 0 : i32
    %dma_wait3A_60 = tpu.memref_slice %arg3[%multiple_of3A_46, %dma_wait3A_59] : memref<25600x128xf32, #tpu.memory_space<hbm>> -> memref<8x128xf32, #tpu.memory_space<hbm>>
    %dma_wait3A_61 = arith.constant 0 : i32
    %dma_wait3A_62 = tpu.memref_slice %arg3[%multiple_of3A_46, %dma_wait3A_61] : memref<25600x128xf32, #tpu.memory_space<hbm>> -> memref<8x128xf32, #tpu.memory_space<hbm>>
    %dma_wait3A_63 = arith.constant 8 : i32
    %dma_wait3A_64 = arith.constant 0 : i32
    %dma_wait3A_65 = tpu.memref_slice %arg5[%dma_wait3A_63, %dma_wait3A_64] : memref<16x128xf32, #tpu.memory_space<vmem>> -> memref<8x128xf32, #tpu.memory_space<vmem>>
    tpu.wait_dma2 semaphore(%arg9 : memref<!tpu.dma_semaphore, #tpu.memory_space<semaphore_mem>>) src(%dma_wait3A_65 : memref<8x128xf32, #tpu.memory_space<vmem>>) dst(%dma_wait3A_62 : memref<8x128xf32, #tpu.memory_space<hbm>>)
    %add3A_66 = arith.constant 50 : i32
    %add3A_67 = arith.addi %mul3A_2, %add3A_66 : i32
    %sub3A_68 = arith.constant 1 : i32
    %sub3A_69 = arith.subi %add3A_67, %sub3A_68 : i32
    %shift_right_arithmetic3A_70 = arith.constant 3 : i32
    %shift_right_arithmetic3A_71 = arith.shrsi %sub3A_69, %shift_right_arithmetic3A_70 : i32
    %and3A_72 = arith.constant 7 : i32
    %and3A_73 = arith.andi %sub3A_69, %and3A_72 : i32
    %mul3A_74 = arith.constant 2 : i32
    %mul3A_75 = arith.muli %shift_right_arithmetic3A_71, %mul3A_74 : i32
    %add3A_76 = arith.constant 0 : i32
    %add3A_77 = arith.addi %mul3A_75, %add3A_76 : i32
    %mul3A_78 = arith.constant 64 : i32
    %mul3A_79 = arith.muli %add3A_77, %mul3A_78 : i32
    %mul3A_80 = arith.constant 8 : i32
    %mul3A_81 = arith.muli %and3A_73, %mul3A_80 : i32
    %add3A_82 = arith.addi %mul3A_79, %mul3A_81 : i32
    %multiple_of3A_83 = tpu.assume_multiple %add3A_82, 8 : i32
    %mul3A_84 = arith.constant 2 : i32
    %mul3A_85 = arith.muli %shift_right_arithmetic3A_71, %mul3A_84 : i32
    %add3A_86 = arith.constant 1 : i32
    %add3A_87 = arith.addi %mul3A_85, %add3A_86 : i32
    %mul3A_88 = arith.constant 64 : i32
    %mul3A_89 = arith.muli %add3A_87, %mul3A_88 : i32
    %mul3A_90 = arith.constant 8 : i32
    %mul3A_91 = arith.muli %and3A_73, %mul3A_90 : i32
    %add3A_92 = arith.addi %mul3A_89, %mul3A_91 : i32
    %multiple_of3A_93 = tpu.assume_multiple %add3A_92, 8 : i32
    %dma_wait3A_94 = arith.constant 0 : i32
    %dma_wait3A_95 = arith.constant 0 : i32
    %dma_wait3A_96 = tpu.memref_slice %arg6[%dma_wait3A_94, %dma_wait3A_95] : memref<16x128xf32, #tpu.memory_space<vmem>> -> memref<8x128xf32, #tpu.memory_space<vmem>>
    %dma_wait3A_97 = arith.constant 0 : i32
    %dma_wait3A_98 = tpu.memref_slice %arg3[%multiple_of3A_83, %dma_wait3A_97] : memref<25600x128xf32, #tpu.memory_space<hbm>> -> memref<8x128xf32, #tpu.memory_space<hbm>>
    %dma_wait3A_99 = arith.constant 0 : i32
    %dma_wait3A_100 = tpu.memref_slice %arg3[%multiple_of3A_83, %dma_wait3A_99] : memref<25600x128xf32, #tpu.memory_space<hbm>> -> memref<8x128xf32, #tpu.memory_space<hbm>>
    %dma_wait3A_101 = arith.constant 0 : i32
    %dma_wait3A_102 = arith.constant 0 : i32
    %dma_wait3A_103 = tpu.memref_slice %arg6[%dma_wait3A_101, %dma_wait3A_102] : memref<16x128xf32, #tpu.memory_space<vmem>> -> memref<8x128xf32, #tpu.memory_space<vmem>>
    tpu.wait_dma2 semaphore(%arg10 : memref<!tpu.dma_semaphore, #tpu.memory_space<semaphore_mem>>) src(%dma_wait3A_103 : memref<8x128xf32, #tpu.memory_space<vmem>>) dst(%dma_wait3A_100 : memref<8x128xf32, #tpu.memory_space<hbm>>)
    %dma_wait3A_104 = arith.constant 8 : i32
    %dma_wait3A_105 = arith.constant 0 : i32
    %dma_wait3A_106 = tpu.memref_slice %arg6[%dma_wait3A_104, %dma_wait3A_105] : memref<16x128xf32, #tpu.memory_space<vmem>> -> memref<8x128xf32, #tpu.memory_space<vmem>>
    %dma_wait3A_107 = arith.constant 0 : i32
    %dma_wait3A_108 = tpu.memref_slice %arg3[%multiple_of3A_93, %dma_wait3A_107] : memref<25600x128xf32, #tpu.memory_space<hbm>> -> memref<8x128xf32, #tpu.memory_space<hbm>>
    %dma_wait3A_109 = arith.constant 0 : i32
    %dma_wait3A_110 = tpu.memref_slice %arg3[%multiple_of3A_93, %dma_wait3A_109] : memref<25600x128xf32, #tpu.memory_space<hbm>> -> memref<8x128xf32, #tpu.memory_space<hbm>>
    %dma_wait3A_111 = arith.constant 8 : i32
    %dma_wait3A_112 = arith.constant 0 : i32
    %dma_wait3A_113 = tpu.memref_slice %arg6[%dma_wait3A_111, %dma_wait3A_112] : memref<16x128xf32, #tpu.memory_space<vmem>> -> memref<8x128xf32, #tpu.memory_space<vmem>>
    tpu.wait_dma2 semaphore(%arg10 : memref<!tpu.dma_semaphore, #tpu.memory_space<semaphore_mem>>) src(%dma_wait3A_113 : memref<8x128xf32, #tpu.memory_space<vmem>>) dst(%dma_wait3A_110 : memref<8x128xf32, #tpu.memory_space<hbm>>)
    return
  }
}

</mosaic_0001>

<sc_bundles>
// kernel: kernel.11.cloned.1.call-start
scs
__scs_entry_jumppad:
0x0: {  	(pc) =	sbr.rel $0x88, $3  }
0x1: {  	(tag) =	ssettag $0x0;
	lr =	simm.s32 $0x1  }
0x2: {  	[smem:$0x3F9C] =	sst lr;
	_ =	strace $0xD0000000  }
0x3: {  	_ = 	snop  }
0x4: {  	_ = 	snop  }
0x5: {  	_ = 	snop  }
0x6: {  	_ = 	snop  }
0x7: {  	_ = 	snop  }
__scs_overlays_trampoline_lowered:
0x8: {  	[smem:$0x3FAB] =	sst s0  }
0x9: {  	[smem:$0x3FAC] =	sst s1  }
0xa: {  	[smem:$0x3FAD] =	sst s2  }
0xb: {  	[smem:$0x3FAE] =	sst s3  }
0xc: {  	[smem:$0x3FAF] =	sst s4  }
0xd: {  	[smem:$0x3FB0] =	sst s5  }
0xe: {  	[smem:$0x3FB1] =	sst s6  }
0xf: {  	[smem:$0x3FB2] =	sst s7  }
0x10: {  	[smem:$0x3FB3] =	sst s8  }
0x11: {  	[smem:$0x3FB4] =	sst s9;
	s0 =	simm.s32 @!p0 $0x0  }
0x12: {  	s1 =	sld [smem:$0x3F9A];
	s0 =	simm.s32 @p0 $0x1  }
0x13: {  	[smem:$0x3FB5] =	sst s0;
	s0 =	simm.s32 @!p1 $0x0  }
0x14: {  	s2 =	sld [smem:$0x3F99];
	s0 =	simm.s32 @p1 $0x1  }
0x15: {  	[smem:$0x3FB6] =	sst s0;
	s0 =	simm.s32 @!p2 $0x0  }
0x16: {  	s3 =	sld [smem:$0x3FDB];
	s0 =	simm.s32 @p2 $0x1  }
0x17: {  	s4 =	simm.s32 $0x1BF5;
	[smem:$0x3FB8] =	sst s0  }
0x18: {  	s0 =	sld [smem:$0x3F9B];
	_ =	swait.ge [sflag:s4], $0x0  }
0x19: {  	s7 =	sld [smem:$0x3F9C]  }
0x1a: {  	s8 =	sadd.s32 $0xFFFFE003, lr  }
0x1b: {  	s9 =	sadd.s32 $0xFFFFFEF7, lr;
	s5 =	simm.s32 $0xFFFFFFFF;
	p2 =	slt.u32 s8, $0xFFFFF086  }
0x1c: {  	p1 =	slt.u32 s9, $0xF7A;
	s5 =	simm.s32 @!p2 $0x0  }
0x1d: {  	s5 =	simm.s32 @p1 $0x1;
	p0 =	seq.s32 s7, s2  }
0x1e: {  	s7 =	smul.u32 @!p0 $0xF7A, s2;
	p2 =	seq.s32 @!p0 s5, $0x0  }
0x1f: {  	s9 =	smul.u32 $0xF7A, s1;
	s8 =	simm.s32 @!p0 $0x1BF5;
	p2 =	por !p2, p0  }
0x20: {  	[sflag:s8] =	ssyncset.s32 @!p0 $0xFFFFF086;
	s6 =	sadd.s32 @!p0 s3, s7;
	s7 =	simm.s32 @!p0 $0x108  }
0x21: {  	s3 =	sadd.s32 s3, s9;
	s6 =	sadd.s32 @!p0 $0x88, s6;
	s7 =	simm.s32 @p2 $0x1082  }
0x22: {  	[simem:s7], [sflag:s8] =	dma.local @!p0 [hbm:s6], $0xF7A  }
0x23: {  	s9 =	sor.u32 $0xD0000000, s2;
	s6 =	simm.s32 $0x108;
	_ =	swait.ge @!p0 [sflag:s8], $0x0  }
0x24: {  	s3 =	sadd.s32 $0x88, s3;
	s6 =	simm.s32 @!p1 $0x1082;
	[sflag:s4] =	ssyncset.s32 $0xFFFFF086  }
0x25: {  	[simem:s6], [sflag:s4] =	dma.local [hbm:s3], $0xF7A  }
0x26: {  	[smem:$0x3F9C] =	sst s1;
	(tag) =	ssettag s2;
	_ =	strace s9  }
0x27: {  	s1 =	sld [smem:$0x3FAC]  }
0x28: {  	s2 =	sld [smem:$0x3FAD]  }
0x29: {  	s4 =	sld [smem:$0x3FAF]  }
0x2a: {  	p0 =	seq.s32 s5, $0x0;
	s5 =	sld [smem:$0x3FB0]  }
0x2b: {  	s6 =	sld [smem:$0x3FB1]  }
0x2c: {  	s7 =	sld [smem:$0x3FB2]  }
0x2d: {  	s3 =	simm.s32 $0x108;
	s8 =	sld [smem:$0x3FB3]  }
0x2e: {  	s3 =	simm.s32 @!p0 $0x1082;
	s9 =	sld [smem:$0x3FB4]  }
0x2f: {  	lr =	sadd.s32 s0, s3;
	s0 =	sld [smem:$0x3FAB]  }
0x30: {  	s3 =	sld [smem:$0x3FAE]  }
0x31: {  	[smem:$0x3FB7] =	sst s10  }
0x32: {  	s10 =	sld [smem:$0x3FB5];
	_ =	sdelay $0x3  }
0x33: {  	p0 =	seq.s32 s10, $0x1;
	s10 =	sld [smem:$0x3FB7];
	_ =	sdelay $0x3  }
0x34: {  	[smem:$0x3FB7] =	sst s10  }
0x35: {  	s10 =	sld [smem:$0x3FB6];
	_ =	sdelay $0x3  }
0x36: {  	p1 =	seq.s32 s10, $0x1;
	s10 =	sld [smem:$0x3FB7];
	_ =	sdelay $0x3  }
0x37: {  	[smem:$0x3FB7] =	sst s10  }
0x38: {  	s10 =	sld [smem:$0x3FB8]  }
0x39: {  	_ = 	snop;
	(pc) =	sbr.ind lr, $3  }
0x3a: {  	_ = 	snop  }
0x3b: {  	_ = 	snop  }
0x3c: {  	p2 =	seq.s32 s10, $0x1;
	s10 =	sld [smem:$0x3FB7]  }
0x3d: {  	_ =	shalt  }
0x3e: {  	_ =	shalt  }
0x3f: {  	_ =	shalt  }
0x40: {  	_ =	shalt  }
0x41: {  	_ =	shalt  }
0x42: {  	_ =	shalt  }
0x43: {  	_ =	shalt  }
0x44: {  	_ =	shalt  }
0x45: {  	_ =	shalt  }
0x46: {  	_ =	shalt  }
0x47: {  	_ =	shalt  }
0x48: {  	_ =	shalt  }
0x49: {  	_ =	shalt  }
0x4a: {  	_ =	shalt  }
0x4b: {  	_ =	shalt  }
0x4c: {  	_ =	shalt  }
0x4d: {  	_ =	shalt  }
0x4e: {  	_ =	shalt  }
0x4f: {  	_ =	shalt  }
0x50: {  	_ =	shalt  }
0x51: {  	_ =	shalt  }
0x52: {  	_ =	shalt  }
0x53: {  	_ =	shalt  }
0x54: {  	_ =	shalt  }
0x55: {  	_ =	shalt  }
0x56: {  	_ =	shalt  }
0x57: {  	_ =	shalt  }
0x58: {  	_ =	shalt  }
0x59: {  	_ =	shalt  }
0x5a: {  	_ =	shalt  }
0x5b: {  	_ =	shalt  }
0x5c: {  	_ =	shalt  }
0x5d: {  	_ =	shalt  }
0x5e: {  	_ =	shalt  }
0x5f: {  	_ =	shalt  }
0x60: {  	_ =	shalt  }
0x61: {  	_ =	shalt  }
0x62: {  	_ =	shalt  }
0x63: {  	_ =	shalt  }
0x64: {  	_ =	shalt  }
0x65: {  	_ =	shalt  }
0x66: {  	_ =	shalt  }
0x67: {  	_ =	shalt  }
0x68: {  	_ =	shalt  }
0x69: {  	_ =	shalt  }
0x6a: {  	_ =	shalt  }
0x6b: {  	_ =	shalt  }
0x6c: {  	_ =	shalt  }
0x6d: {  	_ =	shalt  }
0x6e: {  	_ =	shalt  }
0x6f: {  	_ =	shalt  }
0x70: {  	_ =	shalt  }
0x71: {  	_ =	shalt  }
0x72: {  	_ =	shalt  }
0x73: {  	_ =	shalt  }
0x74: {  	_ =	shalt  }
0x75: {  	_ =	shalt  }
0x76: {  	_ =	shalt  }
0x77: {  	_ =	shalt  }
0x78: {  	_ =	shalt  }
0x79: {  	_ =	shalt  }
0x7a: {  	_ =	shalt  }
0x7b: {  	_ =	shalt  }
0x7c: {  	_ =	shalt  }
0x7d: {  	_ =	shalt  }
0x7e: {  	_ =	shalt  }
0x7f: {  	_ =	shalt  }
0x80: {  	_ =	shalt  }
0x81: {  	_ =	shalt  }
0x82: {  	_ =	shalt  }
0x83: {  	_ =	shalt  }
0x84: {  	_ =	shalt  }
0x85: {  	_ =	shalt  }
0x86: {  	_ =	shalt  }
0x87: {  	_ =	shalt  }
.Lfunc_end0:
.L_simem_size_0:
called_computation.2_lowered:
.L_overlay_start_0:
0x88: {  	s2 =	sld [smem:$0x3FD9]  }
0x89: {  	s3 =	sld [smem:$0x3FFE];
	_ =	sdelay $0x1  }
0x8a: {  	s1 =	srdreg.scid  }
0x8b: {  	s0 =	sand.u32 $0x1, s1  }
0x8c: {  	s17 =	sshll.u32 s0, $0xA;
	s2 =	sadd.s32 s3, s2  }
0x8d: {  	s2 =	sadd.s32 s2, s17  }
0x8e: {  	[smem:$0x3FC3] =	sst s2  }
0x8f: {  	_ = 	snop  }
0x90: {  	s2 =	sld [smem:$0x3FD0];
	(tm) =	ssettm $0x1  }
0x91: {  	s18 =	sld [smem:$0x3FFB];
	_ =	sdelay $0x3  }
0x92: {  	_ =	strace s18  }
0x93: {  	s3 =	sld [smem:$0x3FFC];
	_ =	sdelay $0x3  }
0x94: {  	_ =	strace s3  }
0x95: {  	s3 =	sld [smem:$0x3FFD];
	_ =	sdelay $0x3  }
0x96: {  	_ =	strace s3  }
0x97: {  	_ =	strace $0x8FFFFFFF  }
0x98: {  	s19 =	sld [smem:$0x3FDB];
	_ =	sdelay $0x1  }
0x99: {  	s4 =	simm.s32 $_scs_section_size  }
0x9a: {  	s5 =	simm.s32 $_size__tile_overlayer_lowered;
	s6 =	simm.s32 $_tile_overlayer_lowered  }
0x9b: {  	s22 =	simm.s32 $0x1BFF;
	s21 =	sshll.u32 s6, $0x1;
	s3 =	sadd.s32 s4, s19  }
0x9c: {  	s7 =	simm.s32 $0x0;
	s20 =	sshll.u32 s5, $0x1;
	s5 =	sadd.s32 s21, s3  }
0x9d: {  	[timem:s7], [sflag:s22] =	dma.local [hbm:s5], s20  }
0x9e: {  	_ =	swait.ge [sflag:s22], s20  }
0x9f: {  	s4 =	ssub.s32 $0x0, s20;
	[sflag:s22] =	ssyncset.done $0x0  }
0xa0: {  	[sflag:s22] =	ssyncadd.s32 s4;
	_ =	sdelay $0x1  }
0xa1: {  	s23 =	simm.s32 $0x1B8B  }
0xa2: {  	_ =	swait.ge [sflag:s23], $0x1  }
0xa3: {  	[sflag:s23] =	ssyncset.done $0x0  }
0xa4: {  	s25 =	simm.s32 $0x1B8E;
	s24 =	sld [smem:$0x3FFE];
	[sflag:s23] =	ssyncadd.s32 $0xFFFFFFFF  }
0xa5: {  	s26 =	simm.s32 $execute0_lowered;
	[smem:$0x3FD2] =	sst s25  }
0xa6: {  	s5 =	sshll.u32 s26, $0x1;
	_ =	strace $0x8000004C;
	[dreg:$0x1] =	wrdreg $0xFFFFFFFF  }
0xa7: {  	s28 =	simm.s32 $_size_execute0_lowered;
	s3 =	sadd.s32 s3, s5;
	[dreg:$0x0] =	wrdreg $0x0  }
0xa8: {  	s5 =	sshll.u32 s28, $0x1;
	[dreg:$0x2] =	wrdreg s3  }
0xa9: {  	[dreg:$0x3] =	wrdreg s5  }
0xaa: {  	[dreg:$0x4] =	wrdreg $0xC0  }
0xab: {  	_ =	task [dreg:s7], $0x5FFFF  }
0xac: {  	[dreg:$0x1] =	wrdreg $0xFFFFFFFF  }
0xad: {  	[dreg:$0x0] =	wrdreg $0x60  }
0xae: {  	[dreg:$0x2] =	wrdreg s24  }
0xaf: {  	[dreg:$0x3] =	wrdreg s2  }
0xb0: {  	[dreg:$0x4] =	wrdreg $0x9  }
0xb1: {  	_ =	task.clear_ibuf [dreg:s7], $0x5FFFF;
	_ =	strace $0x9000004C  }
0xb2: {  	s29 =	simm.s32 $0x9;
	_ =	strace $0x8000004E  }
0xb3: {  	_ =	swait.ge [sflag:s29], $0x1  }
0xb4: {  	[sflag:s29] =	ssyncadd.s32 $0xFFFFFFFF  }
0xb5: {  	_ =	strace $0x9000004E  }
0xb6: {  	_ =	sfence  }
0xb7: {  	s30 =	sld [smem:$0x0];
	_ =	sdelay $0x2  }
0xb8: {  	s31 =	sshll.u32 s1, $0xD;
	s1 =	sshrl.u32 s1, $0x2  }
0xb9: {  	s3 =	sand.u32 $0x4000, s31;
	s1 =	sadd.s32 s1, s30  }
0xba: {  	s0 =	sor.u32 s3, s0;
	s1 =	sshll.u32 s1, $0x11  }
0xbb: {  	s0 =	sor.u32 s1, s0  }
0xbc: {  	s0 =	sadd.s32 $0x8F2B, s0  }
0xbd: {  	[sflag:s0] =	ssyncadd.remote.s32 $0x1  }
0xbe: {  	_ =	sfence.sel $0xFFFF  }
0xbf: {  	[dreg:$0x0] =	wrdreg $0xFFFFFFFF;
	(pc) =	sbr.abs _section_cstart, $3  }
0xc0: {  	[dreg:$0x1] =	wrdreg $0xFFFFFFFF  }
0xc1: {  	_ =	task.clear_ibuf [dreg:s7], $0x2FFFF;
	_ =	strace $0x9FFFFFFF  }
0xc2: {  	(tm) =	ssettm $0x7FFFFFFF  }
0xc3: {  	_ =	shalt  }
tec
execute0_lowered:
.L_overlay_start_1:
0x0: {  	(tag) =	ssettag $0x1  }
0x1: {  	s0 =	rddreg [dreg:$0x0]  }
0x2: {  	s2 =	rddreg [dreg:$0x1]  }
0x3: {  	s1 =	srdreg.scid;
	s3 =	stileid.u32  }
0x4: {  	s10 =	simm.s32 $0x800;
	s11 =	simm.s32 $0x1;
	s13 =	simm.s32 $0x1400  }
0x5: {  	s14 =	simm.s32 $0x2;
	s15 =	simm.s32 $0x4;
	s16 =	simm.s32 $0x1800  }
0x6: {  	s17 =	simm.s32 $0x1C00;
	s1 =	sand.u32 $0x1, s1;
	s4 =	sshll.u32 s3, $0x1  }
0x7: {  	s3 =	simm.s32 $0x0;
	s5 =	ssub.s32 $0x2, s1;
	s1 =	sor.u32 s1, s4  }
0x8: {  	[smem:$0x7FF] =	sst s3;
	s4 =	sadd.s32 $0x78C00, s0;
	s7 =	smul.u32 $0x3200, s1  }
0x9: {  	s0 =	sadd.s32 $0x78E00, s0;
	s6 =	sshrl.u32 s5, $0x1;
	_ =	strace $0x8000004D  }
0xa: {  	[dreg:$0x4] =	wrdreg s0;
	s9 =	ssub.s32 s5, s6;
	s30 =	sadd.s32 s4, s7  }
0xb: {  	v0 =	vlaneseq.u32;
	s5 =	smul.u32 $0x32, s1;
	s31 =	smax.u32 s9, $0x1;
	[dreg:$0x3] =	wrdreg s30  }
0xc: {  	v0 =	vmul.u32 $0x10, v0;
	s1 =	simm.s32 $0x0;
	s7 =	sadd.s32 $0x400, s2;
	[dreg:$0x5] =	wrdreg s31  }
.LBB2_1:
0xd: {  	[dreg:$0x6] =	wrdreg s1  }
0xe: {  	s0 =	rddreg [dreg:$0x3];
	s20 =	simm.s32 $0x0  }
0xf: {  	[tilespmem:s3], [sflag:$0x1] =	stream.linear.gather [hbm4b:s0+s3], $0x800, $0x38;
	[tilespmem:$0x2000] =	vst v63  }
.LBB2_2:
0x10: {  	s0 =	sshll.u32 s20, $0x1  }
0x11: {  	s22 =	sadd.s32 s5, s0  }
0x12: {  	s21 =	sor.u32 $0x1, s22  }
0x13: {  	s1 =	sshll.u32 s21, $0x8  }
0x14: {  	s0 =	sand.u32 $0x1FFFFF00, s1  }
0x15: {  	p0 =	seq.s32 s20, $0x0;
	s0 =	sadd.s32 s4, s0  }
0x16: {  	[tilespmem:s10], [sflag:$0x2] =	stream.linear.gather [hbm4b:s0+s3], $0x800, $0x38;
	[tilespmem:$0x2000] =	vst v63  }
0x17: {  	s23 =	simm.s32 $0x0;
	s1 =	simm.s32 $0x0;
	_ =	swait.ge [sflag:s11], $0x800  }
0x18: {  	s23 =	sand.u32 $0x700, s23;
	s24 =	sand.u32 $0xC, s1;
	[sflag:s11] =	ssyncset.done $0x0  }
0x19: {  	s0 =	simm.s32 @!p0 $0x3;
	s29 =	sor.u32 $0x3, s24;
	[sflag:s11] =	ssyncadd.s32 $0xFFFFF800  }
0x1a: {  	s26 =	sor.u32 $0x1, s24;
	s25 =	sor.u32 s29, s23;
	_ =	swait.ge @!p0 [sflag:s0], $0x400  }
0x1b: {  	s8 =	sor.u32 $0x2, s24;
	s6 =	sor.u32 s26, s23;
	v1 =	vor.u32 s25, v0;
	[sflag:s0] =	ssyncset.done @!p0 $0x0  }
0x1c: {  	s28 =	sor.u32 s24, s23;
	s31 =	sshll.u32 s26, $0x7;
	v2 =	vor.u32 s6, v0;
	[sflag:s0] =	ssyncadd.s32 @!p0 $0xFFFFFC00  }
0x1d: {  	s9 =	sor.u32 s8, s23;
	s23 =	simm.s32 $0x4;
	_ =	swait.ge @!p0 [sflag:s0], $0x400  }
0x1e: {  	s29 =	sshll.u32 s29, $0x7;
	v4 =	vor.u32 s9, v0;
	s30 =	sand.u32 $0xC, s23;
	[sflag:s0] =	ssyncset.done @!p0 $0x0  }
0x1f: {  	v5 =	vor.u32 s28, v0;
	s6 =	sshll.u32 s8, $0x7;
	s12 =	sor.u32 $0x1, s30;
	[sflag:s0] =	ssyncadd.s32 @!p0 $0xFFFFFC00  }
0x20: {  	s25 =	sor.u32 $0x3, s30;
	s0 =	sshll.u32 s24, $0x7;
	s24 =	simm.s32 $0x40;
	v8 =	vld.idx.msk [tilespmem:v1+s3+$0x0], $0xffff  }
0x21: {  	s18 =	sor.u32 $0x2, s30;
	s26 =	sshll.u32 s12, $0x7;
	s28 =	sand.u32 $0x700, s24;
	v3 =	vld.idx.msk [tilespmem:v2+s3+$0x0], $0xffff  }
0x22: {  	s9 =	sor.u32 s12, s28;
	s19 =	sor.u32 s25, s28;
	s8 =	sor.u32 s30, s28  }
0x23: {  	v2 =	vld.idx.msk [tilespmem:v4+s3+$0x0], $0xffff;
	s12 =	sor.u32 s18, s28;
	s28 =	sshll.u32 s18, $0x7;
	s18 =	sand.u32 $0x70, s1;
	v7 =	vor.u32 s19, v0  }
0x24: {  	v5 =	vld.idx.msk [tilespmem:v5+s3+$0x0], $0xffff;
	s30 =	sshll.u32 s30, $0x7;
	v4 =	vor.u32 s9, v0;
	s1 =	sor.u32 s18, s31;
	s19 =	sor.u32 s18, s29  }
0x25: {  	v1 =	vor.u32 s8, v0;
	v6 =	vor.u32 s12, v0;
	s31 =	sor.u32 s18, s0;
	s0 =	sor.u32 s18, s6;
	s29 =	simm.s32 $0x4;
	[tilespmem:s19+$0x1000] =	vst v8  }
.LBB2_3:
0x26: {  	s23 =	sadd.s32 $0x4, s23;
	[tilespmem:s1+$0x1000] =	vst v3;
	s1 =	smov.u32 s25;
	s6 =	smov.u32 s26  }
0x27: {  	s8 =	smov.u32 s28;
	s9 =	smov.u32 s30;
	s24 =	sadd.s32 $0x40, s24  }
0x28: {  	s12 =	sand.u32 $0xC, s23;
	p1 =	slt.u32 s23, $0x7C;
	v8 =	vld.idx.msk [tilespmem:v7+s3+$0x0], $0xffff;
	[tilespmem:s0+$0x1000] =	vst v2;
	s0 =	sand.u32 $0x700, s24  }
0x29: {  	s18 =	sor.u32 $0x1, s12;
	s25 =	sor.u32 $0x3, s12;
	v3 =	vld.idx.msk [tilespmem:v4+s3+$0x0], $0xffff;
	[tilespmem:s31+$0x1000] =	vst v5;
	s28 =	sor.u32 $0x2, s12  }
.Ltmp0:
0x2a: {  	s19 =	sor.u32 s18, s0;
	s30 =	sor.u32 s25, s0;
	v2 =	vld.idx.msk [tilespmem:v6+s3+$0x0], $0xffff;
	(pc) =	sbr.rel @p1 .LBB2_3-.Ltmp0, $4  }
0x2b: {  	s31 =	sor.u32 s12, s0;
	s26 =	sshll.u32 s18, $0x7;
	s0 =	sor.u32 s28, s0;
	v4 =	vor.u32 s19, v0;
	v7 =	vor.u32 s30, v0;
	v5 =	vld.idx.msk [tilespmem:v1+s3+$0x0], $0xffff  }
0x2c: {  	s28 =	sshll.u32 s28, $0x7;
	s18 =	sshll.u32 s1, $0x7;
	v1 =	vor.u32 s31, v0;
	v6 =	vor.u32 s0, v0;
	s0 =	sand.u32 $0x70, s29  }
0x2d: {  	s30 =	sshll.u32 s12, $0x7;
	s1 =	sor.u32 s0, s6;
	s6 =	sor.u32 s0, s18  }
0x2e: {  	s29 =	smov.u32 s23;
	s31 =	sor.u32 s0, s9;
	s0 =	sor.u32 s0, s8;
	[tilespmem:s6+$0x1000] =	vst v8  }
0x2f: {  	_ =	sdelay $0x3  }
0x30: {  	v7 =	vld.idx.msk [tilespmem:v7+s3+$0x0], $0xffff  }
0x31: {  	v4 =	vld.idx.msk [tilespmem:v4+s3+$0x0], $0xffff  }
0x32: {  	[tilespmem:s1+$0x1000] =	vst v3;
	v3 =	vld.idx.msk [tilespmem:v6+s3+$0x0], $0xffff  }
0x33: {  	[tilespmem:s0+$0x1000] =	vst v2;
	v1 =	vld.idx.msk [tilespmem:v1+s3+$0x0], $0xffff;
	s24 =	sand.u32 $0x70, s29;
	s25 =	sshll.u32 s25, $0x7  }
0x34: {  	s8 =	sshll.u32 s22, $0x7;
	[tilespmem:s31+$0x1000] =	vst v5;
	s0 =	sor.u32 s24, s25  }
0x35: {  	p1 =	sne.s32 s20, $0x18;
	s6 =	sor.u32 s24, s26;
	[tilespmem:s0+$0x1000] =	vst v7;
	s0 =	sshll.u32 s22, $0x8  }
0x36: {  	s9 =	sor.u32 s24, s28;
	s28 =	sand.u32 $0x300, s8;
	[tilespmem:s6+$0x1000] =	vst v4;
	s22 =	sand.u32 $0x7FFFF800, s0  }
.Ltmp1:
0x37: {  	s1 =	sor.u32 s24, s30;
	[tilespmem:s9+$0x1000] =	vst v3;
	s6 =	sor.u32 s28, s22;
	(pc) =	sbr.rel @p1 .LBB2_6-.Ltmp1, $4  }
0x38: {  	s30 =	simm.s32 $0x1000;
	[tilespmem:s1+$0x1000] =	vst v1;
	s29 =	sadd.s32 s2, s6  }
0x39: {  	[hbm4b:s29+s3] =	stream.linear.scatter [tilespmem:s30], [sflag:$0x3], $0x400, $0x38;
	[tilespmem:$0x2000] =	vst v63  }
0x3a: {  	s31 =	sadd.s32 s6, s7  }
0x3b: {  	[hbm4b:s31+s3] =	stream.linear.scatter [tilespmem:s13], [sflag:$0x3], $0x400, $0x38;
	[tilespmem:$0x2000] =	vst v63  }
.Ltmp2:
0x3c: {  	(pc) =	sbr.rel .LBB2_7-.Ltmp2, $4  }
0x3d: {  	_ = 	snop  }
0x3e: {  	_ =	swait.ge [sflag:s14], $0x800  }
0x3f: {  	[sflag:s14] =	ssyncset.done $0x0  }
0x40: {  	[sflag:s14] =	ssyncadd.s32 $0xFFFFF800  }
.LBB2_6:
0x41: {  	s1 =	rddreg [dreg:$0x4]  }
.Ltmp3:
0x42: {  	s0 =	sadd.s32 s0, s1;
	(pc) =	sbr.rel @p0 .LBB2_8-.Ltmp3, $4  }
0x43: {  	[tilespmem:s3], [sflag:$0x1] =	stream.linear.gather [hbm4b:s0+s3], $0x800, $0x38;
	[tilespmem:$0x2000] =	vst v63  }
0x44: {  	_ =	swait.ge [sflag:s14], $0x800  }
0x45: {  	[sflag:s14] =	ssyncset.done $0x0  }
0x46: {  	[sflag:s14] =	ssyncadd.s32 $0xFFFFF800  }
.LBB2_7:
0x47: {  	_ =	swait.ge [sflag:s15], $0x400  }
0x48: {  	[sflag:s15] =	ssyncset.done $0x0  }
0x49: {  	[sflag:s15] =	ssyncadd.s32 $0xFFFFFC00  }
0x4a: {  	_ =	swait.ge [sflag:s15], $0x400  }
0x4b: {  	[sflag:s15] =	ssyncset.done $0x0  }
0x4c: {  	[sflag:s15] =	ssyncadd.s32 $0xFFFFFC00  }
.LBB2_8:
0x4d: {  	s0 =	simm.s32 $0x0  }
0x4e: {  	s1 =	simm.s32 $0x0;
	s6 =	sand.u32 $0xC, s0  }
0x4f: {  	s1 =	sand.u32 $0x700, s1;
	s8 =	sor.u32 $0x3, s6  }
0x50: {  	s12 =	sor.u32 $0x1, s6;
	s9 =	sor.u32 s8, s1  }
0x51: {  	s25 =	sor.u32 s12, s1;
	v1 =	vor.u32 s9, v0  }
0x52: {  	s18 =	sor.u32 $0x2, s6;
	v2 =	vor.u32 s25, v0  }
0x53: {  	s20 =	sadd.s32 $0x1, s20;
	s19 =	sor.u32 s6, s1;
	s1 =	sor.u32 s18, s1  }
0x54: {  	s23 =	simm.s32 $0x4;
	s24 =	simm.s32 $0x40;
	s0 =	sand.u32 $0x70, s0;
	v4 =	vor.u32 s1, v0  }
0x55: {  	s6 =	sshll.u32 s6, $0x7;
	s12 =	sshll.u32 s12, $0x7;
	v5 =	vor.u32 s19, v0;
	s8 =	sshll.u32 s8, $0x7  }
0x56: {  	s9 =	sshll.u32 s18, $0x7;
	s1 =	sand.u32 $0xC, s23;
	s18 =	sand.u32 $0x700, s24;
	v8 =	vld.idx.msk [tilespmem:v1+s10+$0x0], $0xffff  }
0x57: {  	s8 =	sor.u32 s0, s8;
	s26 =	sor.u32 $0x1, s1;
	s25 =	sor.u32 $0x3, s1;
	v3 =	vld.idx.msk [tilespmem:v2+s10+$0x0], $0xffff  }
0x58: {  	s28 =	sor.u32 $0x2, s1;
	s31 =	sor.u32 s1, s18;
	s30 =	sor.u32 s25, s18  }
0x59: {  	s29 =	sor.u32 s26, s18;
	s26 =	sshll.u32 s26, $0x7;
	s18 =	sor.u32 s28, s18;
	v7 =	vor.u32 s30, v0;
	v2 =	vld.idx.msk [tilespmem:v4+s10+$0x0], $0xffff  }
0x5a: {  	s28 =	sshll.u32 s28, $0x7;
	s30 =	sshll.u32 s1, $0x7;
	s1 =	sor.u32 s0, s12;
	v5 =	vld.idx.msk [tilespmem:v5+s10+$0x0], $0xffff;
	v4 =	vor.u32 s29, v0  }
0x5b: {  	v6 =	vor.u32 s18, v0;
	v1 =	vor.u32 s31, v0;
	s31 =	sor.u32 s0, s6;
	s0 =	sor.u32 s0, s9;
	s29 =	simm.s32 $0x4;
	[tilespmem:s8+$0x1800] =	vst v8  }
.LBB2_9:
0x5c: {  	s23 =	sadd.s32 $0x4, s23;
	[tilespmem:s1+$0x1800] =	vst v3;
	s1 =	smov.u32 s25;
	s6 =	smov.u32 s26  }
0x5d: {  	s8 =	smov.u32 s28;
	s9 =	smov.u32 s30;
	s24 =	sadd.s32 $0x40, s24  }
0x5e: {  	s12 =	sand.u32 $0xC, s23;
	p0 =	slt.u32 s23, $0x7C;
	v8 =	vld.idx.msk [tilespmem:v7+s10+$0x0], $0xffff;
	[tilespmem:s0+$0x1800] =	vst v2;
	s0 =	sand.u32 $0x700, s24  }
0x5f: {  	s18 =	sor.u32 $0x1, s12;
	s25 =	sor.u32 $0x3, s12;
	v3 =	vld.idx.msk [tilespmem:v4+s10+$0x0], $0xffff;
	[tilespmem:s31+$0x1800] =	vst v5;
	s28 =	sor.u32 $0x2, s12  }
.Ltmp4:
0x60: {  	s19 =	sor.u32 s18, s0;
	s30 =	sor.u32 s25, s0;
	v2 =	vld.idx.msk [tilespmem:v6+s10+$0x0], $0xffff;
	(pc) =	sbr.rel @p0 .LBB2_9-.Ltmp4, $4  }
0x61: {  	s31 =	sor.u32 s12, s0;
	s26 =	sshll.u32 s18, $0x7;
	s0 =	sor.u32 s28, s0;
	v4 =	vor.u32 s19, v0;
	v7 =	vor.u32 s30, v0;
	v5 =	vld.idx.msk [tilespmem:v1+s10+$0x0], $0xffff  }
0x62: {  	s28 =	sshll.u32 s28, $0x7;
	s18 =	sshll.u32 s1, $0x7;
	v1 =	vor.u32 s31, v0;
	v6 =	vor.u32 s0, v0;
	s0 =	sand.u32 $0x70, s29  }
0x63: {  	s30 =	sshll.u32 s12, $0x7;
	s1 =	sor.u32 s0, s6;
	s6 =	sor.u32 s0, s18  }
0x64: {  	s29 =	smov.u32 s23;
	s31 =	sor.u32 s0, s9;
	s0 =	sor.u32 s0, s8;
	[tilespmem:s6+$0x1800] =	vst v8  }
0x65: {  	_ =	sdelay $0x3  }
0x66: {  	v7 =	vld.idx.msk [tilespmem:v7+s10+$0x0], $0xffff  }
0x67: {  	v4 =	vld.idx.msk [tilespmem:v4+s10+$0x0], $0xffff  }
0x68: {  	[tilespmem:s1+$0x1800] =	vst v3;
	v3 =	vld.idx.msk [tilespmem:v6+s10+$0x0], $0xffff  }
0x69: {  	[tilespmem:s0+$0x1800] =	vst v2;
	v1 =	vld.idx.msk [tilespmem:v1+s10+$0x0], $0xffff;
	s24 =	sand.u32 $0x70, s29;
	s25 =	sshll.u32 s25, $0x7  }
0x6a: {  	[tilespmem:s31+$0x1800] =	vst v5;
	s1 =	sor.u32 s24, s25  }
0x6b: {  	s29 =	sshll.u32 s21, $0x7;
	s6 =	sor.u32 s24, s26;
	[tilespmem:s1+$0x1800] =	vst v7  }
0x6c: {  	p0 =	sne.s32 s20, $0x19;
	s8 =	sor.u32 s24, s28;
	[tilespmem:s6+$0x1800] =	vst v4;
	s1 =	sand.u32 $0x380, s29  }
.Ltmp5:
0x6d: {  	s0 =	sor.u32 s24, s30;
	[tilespmem:s8+$0x1800] =	vst v3;
	s1 =	sor.u32 s22, s1;
	(pc) =	sbr.rel @p0 .LBB2_2-.Ltmp5, $4  }
0x6e: {  	[tilespmem:s0+$0x1800] =	vst v1;
	s30 =	sadd.s32 s2, s1  }
0x6f: {  	[hbm4b:s30+s3] =	stream.linear.scatter [tilespmem:s16], [sflag:$0x4], $0x400, $0x38;
	[tilespmem:$0x2000] =	vst v63  }
0x70: {  	s31 =	sadd.s32 s1, s7  }
0x71: {  	[hbm4b:s31+s3] =	stream.linear.scatter [tilespmem:s17], [sflag:$0x4], $0x400, $0x38;
	[tilespmem:$0x2000] =	vst v63  }
0x72: {  	s0 =	simm.s32 $0x3  }
0x73: {  	_ =	swait.ge [sflag:s0], $0x400  }
0x74: {  	[sflag:s0] =	ssyncset.done $0x0  }
0x75: {  	[sflag:s0] =	ssyncadd.s32 $0xFFFFFC00  }
0x76: {  	_ =	swait.ge [sflag:s0], $0x400  }
0x77: {  	[sflag:s0] =	ssyncset.done $0x0  }
0x78: {  	[sflag:s0] =	ssyncadd.s32 $0xFFFFFC00  }
0x79: {  	_ =	swait.ge [sflag:s15], $0x400  }
0x7a: {  	[sflag:s15] =	ssyncset.done $0x0  }
0x7b: {  	[sflag:s15] =	ssyncadd.s32 $0xFFFFFC00  }
0x7c: {  	_ =	swait.ge [sflag:s15], $0x400  }
0x7d: {  	s1 =	rddreg [dreg:$0x6]  }
0x7e: {  	s31 =	rddreg [dreg:$0x5];
	s1 =	sadd.s32 $0x1, s1  }
0x7f: {  	p0 =	sne.s32 s1, s31  }
.Ltmp6:
0x80: {  	_ = 	snop;
	(pc) =	sbr.rel @p0 .LBB2_1-.Ltmp6, $3  }
0x81: {  	_ =	sdelay $0x1  }
0x82: {  	[sflag:s15] =	ssyncset.done $0x0  }
0x83: {  	[sflag:s15] =	ssyncadd.s32 $0xFFFFFC00  }
0x84: {  	_ =	sfence.sel $0x180000  }
0x85: {  	[bflag:$0x0] =	sbarrier.arrive $0xFFFF  }
0x86: {  	_ =	strace $0x9000004D  }
0x87: {  	s0 =	stileid.u32;
	[bflag:$0x2] =	sbarrier.arrive $0xFFFF  }
0x88: {  	p0 =	sne.s32 s0, $0x0;
	s0 =	rddreg [dreg:$0x2]  }
0x89: {  	s0 =	sadd.s32 @!p0 $0x100000, s0  }
0x8a: {  	[sflag:s0] =	ssyncadd.tile.s32 @!p0 $0x1;
	_ =	shalt  }
.Lfunc_end2:
_tile_overlayer_lowered:
.L_overlay_start_2:
0x8b: {  	(tag) =	ssettag $0x2  }
0x8c: {  	s0 =	rddreg [dreg:$0x0];
	s2 =	stileid.u32  }
0x8d: {  	s1 =	rddreg [dreg:$0x1];
	p0 =	sne.s32 s2, $0x0  }
0x8e: {  	s3 =	rddreg [dreg:$0x2];
	[bflag:$0x3] =	sbarrier.arrive $0xFFFF;
	s2 =	simm.s32 @!p0 $0x1C05  }
0x8f: {  	[timem:s3], [sflag:s2] =	dma.local @!p0 [hbm:s0], s1  }
0x90: {  	s0 =	simm.s32 @!p0 $0x5  }
0x91: {  	_ =	swait.ge @!p0 [sflag:s0], s1  }
0x92: {  	s1 =	ssub.s32 @!p0 $0x0, s1;
	[sflag:s0] =	ssyncset.done @!p0 $0x0  }
0x93: {  	[sflag:s0] =	ssyncadd.s32 @!p0 s1  }
0x94: {  	[bflag:$0x3] =	sbarrier.arrive $0xFFFF  }
0x95: {  	_ =	shalt  }

// kernel: kernel.5.cloned.1.call-start
scs
__scs_entry_jumppad:
0x0: {  	(pc) =	sbr.rel $0x88, $3  }
0x1: {  	(tag) =	ssettag $0x0;
	lr =	simm.s32 $0x1  }
0x2: {  	[smem:$0x3F9C] =	sst lr;
	_ =	strace $0xD0000000  }
0x3: {  	_ = 	snop  }
0x4: {  	_ = 	snop  }
0x5: {  	_ = 	snop  }
0x6: {  	_ = 	snop  }
0x7: {  	_ = 	snop  }
__scs_overlays_trampoline_lowered:
0x8: {  	[smem:$0x3FAB] =	sst s0  }
0x9: {  	[smem:$0x3FAC] =	sst s1  }
0xa: {  	[smem:$0x3FAD] =	sst s2  }
0xb: {  	[smem:$0x3FAE] =	sst s3  }
0xc: {  	[smem:$0x3FAF] =	sst s4  }
0xd: {  	[smem:$0x3FB0] =	sst s5  }
0xe: {  	[smem:$0x3FB1] =	sst s6  }
0xf: {  	[smem:$0x3FB2] =	sst s7  }
0x10: {  	[smem:$0x3FB3] =	sst s8  }
0x11: {  	[smem:$0x3FB4] =	sst s9;
	s0 =	simm.s32 @!p0 $0x0  }
0x12: {  	s1 =	sld [smem:$0x3F9A];
	s0 =	simm.s32 @p0 $0x1  }
0x13: {  	[smem:$0x3FB5] =	sst s0;
	s0 =	simm.s32 @!p1 $0x0  }
0x14: {  	s2 =	sld [smem:$0x3F99];
	s0 =	simm.s32 @p1 $0x1  }
0x15: {  	[smem:$0x3FB6] =	sst s0;
	s0 =	simm.s32 @!p2 $0x0  }
0x16: {  	s3 =	sld [smem:$0x3FDB];
	s0 =	simm.s32 @p2 $0x1  }
0x17: {  	s4 =	simm.s32 $0x1BF5;
	[smem:$0x3FB8] =	sst s0  }
0x18: {  	s0 =	sld [smem:$0x3F9B];
	_ =	swait.ge [sflag:s4], $0x0  }
0x19: {  	s7 =	sld [smem:$0x3F9C]  }
0x1a: {  	s8 =	sadd.s32 $0xFFFFE003, lr  }
0x1b: {  	s9 =	sadd.s32 $0xFFFFFEF7, lr;
	s5 =	simm.s32 $0xFFFFFFFF;
	p2 =	slt.u32 s8, $0xFFFFF086  }
0x1c: {  	p1 =	slt.u32 s9, $0xF7A;
	s5 =	simm.s32 @!p2 $0x0  }
0x1d: {  	s5 =	simm.s32 @p1 $0x1;
	p0 =	seq.s32 s7, s2  }
0x1e: {  	s7 =	smul.u32 @!p0 $0xF7A, s2;
	p2 =	seq.s32 @!p0 s5, $0x0  }
0x1f: {  	s9 =	smul.u32 $0xF7A, s1;
	s8 =	simm.s32 @!p0 $0x1BF5;
	p2 =	por !p2, p0  }
0x20: {  	[sflag:s8] =	ssyncset.s32 @!p0 $0xFFFFF086;
	s6 =	sadd.s32 @!p0 s3, s7;
	s7 =	simm.s32 @!p0 $0x108  }
0x21: {  	s3 =	sadd.s32 s3, s9;
	s6 =	sadd.s32 @!p0 $0x88, s6;
	s7 =	simm.s32 @p2 $0x1082  }
0x22: {  	[simem:s7], [sflag:s8] =	dma.local @!p0 [hbm:s6], $0xF7A  }
0x23: {  	s9 =	sor.u32 $0xD0000000, s2;
	s6 =	simm.s32 $0x108;
	_ =	swait.ge @!p0 [sflag:s8], $0x0  }
0x24: {  	s3 =	sadd.s32 $0x88, s3;
	s6 =	simm.s32 @!p1 $0x1082;
	[sflag:s4] =	ssyncset.s32 $0xFFFFF086  }
0x25: {  	[simem:s6], [sflag:s4] =	dma.local [hbm:s3], $0xF7A  }
0x26: {  	[smem:$0x3F9C] =	sst s1;
	(tag) =	ssettag s2;
	_ =	strace s9  }
0x27: {  	s1 =	sld [smem:$0x3FAC]  }
0x28: {  	s2 =	sld [smem:$0x3FAD]  }
0x29: {  	s4 =	sld [smem:$0x3FAF]  }
0x2a: {  	p0 =	seq.s32 s5, $0x0;
	s5 =	sld [smem:$0x3FB0]  }
0x2b: {  	s6 =	sld [smem:$0x3FB1]  }
0x2c: {  	s7 =	sld [smem:$0x3FB2]  }
0x2d: {  	s3 =	simm.s32 $0x108;
	s8 =	sld [smem:$0x3FB3]  }
0x2e: {  	s3 =	simm.s32 @!p0 $0x1082;
	s9 =	sld [smem:$0x3FB4]  }
0x2f: {  	lr =	sadd.s32 s0, s3;
	s0 =	sld [smem:$0x3FAB]  }
0x30: {  	s3 =	sld [smem:$0x3FAE]  }
0x31: {  	[smem:$0x3FB7] =	sst s10  }
0x32: {  	s10 =	sld [smem:$0x3FB5];
	_ =	sdelay $0x3  }
0x33: {  	p0 =	seq.s32 s10, $0x1;
	s10 =	sld [smem:$0x3FB7];
	_ =	sdelay $0x3  }
0x34: {  	[smem:$0x3FB7] =	sst s10  }
0x35: {  	s10 =	sld [smem:$0x3FB6];
	_ =	sdelay $0x3  }
0x36: {  	p1 =	seq.s32 s10, $0x1;
	s10 =	sld [smem:$0x3FB7];
	_ =	sdelay $0x3  }
0x37: {  	[smem:$0x3FB7] =	sst s10  }
0x38: {  	s10 =	sld [smem:$0x3FB8]  }
0x39: {  	_ = 	snop;
	(pc) =	sbr.ind lr, $3  }
0x3a: {  	_ = 	snop  }
0x3b: {  	_ = 	snop  }
0x3c: {  	p2 =	seq.s32 s10, $0x1;
	s10 =	sld [smem:$0x3FB7]  }
0x3d: {  	_ =	shalt  }
0x3e: {  	_ =	shalt  }
0x3f: {  	_ =	shalt  }
0x40: {  	_ =	shalt  }
0x41: {  	_ =	shalt  }
0x42: {  	_ =	shalt  }
0x43: {  	_ =	shalt  }
0x44: {  	_ =	shalt  }
0x45: {  	_ =	shalt  }
0x46: {  	_ =	shalt  }
0x47: {  	_ =	shalt  }
0x48: {  	_ =	shalt  }
0x49: {  	_ =	shalt  }
0x4a: {  	_ =	shalt  }
0x4b: {  	_ =	shalt  }
0x4c: {  	_ =	shalt  }
0x4d: {  	_ =	shalt  }
0x4e: {  	_ =	shalt  }
0x4f: {  	_ =	shalt  }
0x50: {  	_ =	shalt  }
0x51: {  	_ =	shalt  }
0x52: {  	_ =	shalt  }
0x53: {  	_ =	shalt  }
0x54: {  	_ =	shalt  }
0x55: {  	_ =	shalt  }
0x56: {  	_ =	shalt  }
0x57: {  	_ =	shalt  }
0x58: {  	_ =	shalt  }
0x59: {  	_ =	shalt  }
0x5a: {  	_ =	shalt  }
0x5b: {  	_ =	shalt  }
0x5c: {  	_ =	shalt  }
0x5d: {  	_ =	shalt  }
0x5e: {  	_ =	shalt  }
0x5f: {  	_ =	shalt  }
0x60: {  	_ =	shalt  }
0x61: {  	_ =	shalt  }
0x62: {  	_ =	shalt  }
0x63: {  	_ =	shalt  }
0x64: {  	_ =	shalt  }
0x65: {  	_ =	shalt  }
0x66: {  	_ =	shalt  }
0x67: {  	_ =	shalt  }
0x68: {  	_ =	shalt  }
0x69: {  	_ =	shalt  }
0x6a: {  	_ =	shalt  }
0x6b: {  	_ =	shalt  }
0x6c: {  	_ =	shalt  }
0x6d: {  	_ =	shalt  }
0x6e: {  	_ =	shalt  }
0x6f: {  	_ =	shalt  }
0x70: {  	_ =	shalt  }
0x71: {  	_ =	shalt  }
0x72: {  	_ =	shalt  }
0x73: {  	_ =	shalt  }
0x74: {  	_ =	shalt  }
0x75: {  	_ =	shalt  }
0x76: {  	_ =	shalt  }
0x77: {  	_ =	shalt  }
0x78: {  	_ =	shalt  }
0x79: {  	_ =	shalt  }
0x7a: {  	_ =	shalt  }
0x7b: {  	_ =	shalt  }
0x7c: {  	_ =	shalt  }
0x7d: {  	_ =	shalt  }
0x7e: {  	_ =	shalt  }
0x7f: {  	_ =	shalt  }
0x80: {  	_ =	shalt  }
0x81: {  	_ =	shalt  }
0x82: {  	_ =	shalt  }
0x83: {  	_ =	shalt  }
0x84: {  	_ =	shalt  }
0x85: {  	_ =	shalt  }
0x86: {  	_ =	shalt  }
0x87: {  	_ =	shalt  }
.Lfunc_end0:
.L_simem_size_0:
called_computation_lowered:
.L_overlay_start_0:
0x88: {  	s2 =	sld [smem:$0x3FD9]  }
0x89: {  	s3 =	sld [smem:$0x3FFE];
	_ =	sdelay $0x1  }
0x8a: {  	s1 =	srdreg.scid  }
0x8b: {  	s0 =	sand.u32 $0x1, s1  }
0x8c: {  	s17 =	sshll.u32 s0, $0xA;
	s2 =	sadd.s32 s3, s2  }
0x8d: {  	s2 =	sadd.s32 s2, s17  }
0x8e: {  	[smem:$0x3FC3] =	sst s2  }
0x8f: {  	_ = 	snop  }
0x90: {  	s2 =	sld [smem:$0x3FD0];
	(tm) =	ssettm $0x1  }
0x91: {  	s18 =	sld [smem:$0x3FFB];
	_ =	sdelay $0x3  }
0x92: {  	_ =	strace s18  }
0x93: {  	s3 =	sld [smem:$0x3FFC];
	_ =	sdelay $0x3  }
0x94: {  	_ =	strace s3  }
0x95: {  	s3 =	sld [smem:$0x3FFD];
	_ =	sdelay $0x3  }
0x96: {  	_ =	strace s3  }
0x97: {  	_ =	strace $0x8FFFFFFF  }
0x98: {  	s19 =	sld [smem:$0x3FDB];
	_ =	sdelay $0x1  }
0x99: {  	s4 =	simm.s32 $_scs_section_size  }
0x9a: {  	s5 =	simm.s32 $_size__tile_overlayer_lowered;
	s6 =	simm.s32 $_tile_overlayer_lowered  }
0x9b: {  	s22 =	simm.s32 $0x1BFF;
	s21 =	sshll.u32 s6, $0x1;
	s3 =	sadd.s32 s4, s19  }
0x9c: {  	s7 =	simm.s32 $0x0;
	s20 =	sshll.u32 s5, $0x1;
	s5 =	sadd.s32 s21, s3  }
0x9d: {  	[timem:s7], [sflag:s22] =	dma.local [hbm:s5], s20  }
0x9e: {  	_ =	swait.ge [sflag:s22], s20  }
0x9f: {  	s4 =	ssub.s32 $0x0, s20;
	[sflag:s22] =	ssyncset.done $0x0  }
0xa0: {  	[sflag:s22] =	ssyncadd.s32 s4;
	_ =	sdelay $0x1  }
0xa1: {  	s23 =	simm.s32 $0x1B8B  }
0xa2: {  	_ =	swait.ge [sflag:s23], $0x1  }
0xa3: {  	[sflag:s23] =	ssyncset.done $0x0  }
0xa4: {  	s25 =	simm.s32 $0x1B8E;
	s24 =	sld [smem:$0x3FFE];
	[sflag:s23] =	ssyncadd.s32 $0xFFFFFFFF  }
0xa5: {  	s26 =	simm.s32 $execute0_lowered;
	[smem:$0x3FD2] =	sst s25  }
0xa6: {  	s5 =	sshll.u32 s26, $0x1;
	_ =	strace $0x80000046;
	[dreg:$0x1] =	wrdreg $0xFFFFFFFF  }
0xa7: {  	s28 =	simm.s32 $_size_execute0_lowered;
	s3 =	sadd.s32 s3, s5;
	[dreg:$0x0] =	wrdreg $0x0  }
0xa8: {  	s5 =	sshll.u32 s28, $0x1;
	[dreg:$0x2] =	wrdreg s3  }
0xa9: {  	[dreg:$0x3] =	wrdreg s5  }
0xaa: {  	[dreg:$0x4] =	wrdreg $0xC0  }
0xab: {  	_ =	task [dreg:s7], $0x5FFFF  }
0xac: {  	[dreg:$0x1] =	wrdreg $0xFFFFFFFF  }
0xad: {  	[dreg:$0x0] =	wrdreg $0x60  }
0xae: {  	[dreg:$0x2] =	wrdreg s24  }
0xaf: {  	[dreg:$0x3] =	wrdreg s2  }
0xb0: {  	[dreg:$0x4] =	wrdreg $0x9  }
0xb1: {  	_ =	task.clear_ibuf [dreg:s7], $0x5FFFF;
	_ =	strace $0x90000046  }
0xb2: {  	s29 =	simm.s32 $0x9;
	_ =	strace $0x80000048  }
0xb3: {  	_ =	swait.ge [sflag:s29], $0x1  }
0xb4: {  	[sflag:s29] =	ssyncadd.s32 $0xFFFFFFFF  }
0xb5: {  	_ =	strace $0x90000048  }
0xb6: {  	_ =	sfence  }
0xb7: {  	s30 =	sld [smem:$0x0];
	_ =	sdelay $0x2  }
0xb8: {  	s31 =	sshll.u32 s1, $0xD;
	s1 =	sshrl.u32 s1, $0x2  }
0xb9: {  	s3 =	sand.u32 $0x4000, s31;
	s1 =	sadd.s32 s1, s30  }
0xba: {  	s0 =	sor.u32 s3, s0;
	s1 =	sshll.u32 s1, $0x11  }
0xbb: {  	s0 =	sor.u32 s1, s0  }
0xbc: {  	s0 =	sadd.s32 $0x8F2B, s0  }
0xbd: {  	[sflag:s0] =	ssyncadd.remote.s32 $0x1  }
0xbe: {  	_ =	sfence.sel $0xFFFF  }
0xbf: {  	[dreg:$0x0] =	wrdreg $0xFFFFFFFF;
	(pc) =	sbr.abs _section_cstart, $3  }
0xc0: {  	[dreg:$0x1] =	wrdreg $0xFFFFFFFF  }
0xc1: {  	_ =	task.clear_ibuf [dreg:s7], $0x2FFFF;
	_ =	strace $0x9FFFFFFF  }
0xc2: {  	(tm) =	ssettm $0x7FFFFFFF  }
0xc3: {  	_ =	shalt  }
tec
execute0_lowered:
.L_overlay_start_1:
0x0: {  	(tag) =	ssettag $0x1  }
0x1: {  	s0 =	rddreg [dreg:$0x0]  }
0x2: {  	s2 =	rddreg [dreg:$0x1];
	s3 =	simm.s32 $0x0  }
0x3: {  	s1 =	srdreg.scid;
	s4 =	stileid.u32;
	s15 =	simm.s32 $0x80  }
0x4: {  	s21 =	simm.s32 $0x180;
	s22 =	simm.s32 $0x200;
	s28 =	simm.s32 $0x1B00  }
0x5: {  	s29 =	simm.s32 $0x3;
	s30 =	simm.s32 $0x3300;
	s31 =	simm.s32 $0x4300  }
0x6: {  	s18 =	simm.s32 $0x4B00;
	s13 =	simm.s32 $0x0;
	s1 =	sand.u32 $0x1, s1  }
0x7: {  	s5 =	sshll.u32 s4, $0x1;
	s4 =	sadd.s32 $0xE000, s0;
	s6 =	sadd.s32 $0x1800, s0  }
0x8: {  	s8 =	sadd.s32 $0x14400, s0;
	s7 =	sor.u32 s1, s5;
	s1 =	ssub.s32 $0x2, s1  }
0x9: {  	s9 =	sadd.s32 $0x19AE00, s0;
	s7 =	smul.u32 $0x1900, s7;
	s23 =	sshrl.u32 s1, $0x1  }
0xa: {  	s10 =	sadd.s32 $0x14C00, s0;
	s5 =	sadd.s32 $0x7C00, s0;
	s0 =	ssub.s32 s1, s23  }
0xb: {  	[smem:$0x7FF] =	sst s3;
	s11 =	sshrl.u32 s7, $0x3;
	s0 =	smax.u32 s0, $0x1  }
0xc: {  	_ =	strace $0x80000047;
	s24 =	sadd.s32 s4, s11;
	[dreg:$0x6] =	wrdreg s0  }
0xd: {  	s23 =	simm.s32 $0x280;
	s25 =	sadd.s32 s5, s11;
	[dreg:$0x3] =	wrdreg s24  }
0xe: {  	s1 =	simm.s32 $0x3B00;
	s26 =	sadd.s32 s6, s11;
	[dreg:$0x4] =	wrdreg s25  }
0xf: {  	s0 =	simm.s32 $0x4;
	[dreg:$0x5] =	wrdreg s26;
	s24 =	simm.s32 $0x2  }
.LBB2_1:
0x10: {  	[dreg:$0x7] =	wrdreg s13  }
0x11: {  	s11 =	rddreg [dreg:$0x3]  }
0x12: {  	[tilespmem:s3], [sflag:$0x1] =	stream.linear.gather [hbm4b:s11+s3], $0x80, $0x38;
	[tilespmem:$0x5300] =	vst v63  }
0x13: {  	s16 =	rddreg [dreg:$0x4]  }
0x14: {  	[tilespmem:s15], [sflag:$0x1] =	stream.linear.gather [hbm4b:s16+s3], $0x80, $0x38;
	[tilespmem:$0x5300] =	vst v63  }
0x15: {  	s17 =	rddreg [dreg:$0x5];
	s12 =	simm.s32 $0x100;
	s19 =	simm.s32 $0x1  }
0x16: {  	[tilespmem:s12], [sflag:$0x1] =	stream.linear.gather [hbm4b:s17+s3], $0x80, $0x38;
	[tilespmem:$0x5300] =	vst v63  }
0x17: {  	_ =	swait.ge [sflag:s19], $0x80  }
0x18: {  	[sflag:s19] =	ssyncset.done $0x0  }
0x19: {  	[sflag:s19] =	ssyncadd.s32 $0xFFFFFF80  }
0x1a: {  	_ =	swait.ge [sflag:s19], $0x80  }
0x1b: {  	[sflag:s19] =	ssyncset.done $0x0  }
0x1c: {  	[sflag:s19] =	ssyncadd.s32 $0xFFFFFF80  }
0x1d: {  	_ =	swait.ge [sflag:s19], $0x80  }
0x1e: {  	[sflag:s19] =	ssyncset.done $0x0  }
0x1f: {  	s20 =	simm.s32 $0x2300;
	[sflag:s19] =	ssyncadd.s32 $0xFFFFFF80  }
0x20: {  	[tilespmem:s20], [sflag:$0x3] =	stream.indirect.gather [hbm4b:s9+s15], $0x10, s3, s15, $0xb8;
	[tilespmem:$0x5300] =	vst v63  }
0x21: {  	s25 =	simm.s32 $0x300  }
0x22: {  	[tilespmem:s25], [sflag:$0x3] =	stream.indirect.gather [hbm4b:s8+s15], $0x10, s15, s15, $0xb8;
	[tilespmem:$0x5300] =	vst v63  }
0x23: {  	s26 =	simm.s32 $0xB00  }
0x24: {  	[tilespmem:s26], [sflag:$0x3] =	stream.indirect.gather [hbm4b:s8+s15], $0x10, s12, s15, $0xb8;
	[tilespmem:$0x5300] =	vst v63  }
0x25: {  	s12 =	simm.s32 $0x0  }
.LBB2_2:
0x26: {  	s11 =	sshll.u32 s12, $0x8  }
0x27: {  	s13 =	sadd.s32 s7, s11  }
0x28: {  	s11 =	sor.u32 $0x80, s13  }
0x29: {  	s14 =	sshrl.u32 s11, $0x3  }
0x2a: {  	s16 =	sadd.s32 s4, s14  }
0x2b: {  	[tilespmem:s21], [sflag:$0x2] =	stream.linear.gather [hbm4b:s16+s3], $0x80, $0x38;
	[tilespmem:$0x5300] =	vst v63  }
0x2c: {  	s26 =	sadd.s32 s5, s14  }
0x2d: {  	[tilespmem:s22], [sflag:$0x2] =	stream.linear.gather [hbm4b:s26+s3], $0x80, $0x38;
	[tilespmem:$0x5300] =	vst v63  }
0x2e: {  	s14 =	sadd.s32 s6, s14  }
0x2f: {  	[tilespmem:s23], [sflag:$0x2] =	stream.linear.gather [hbm4b:s14+s3], $0x80, $0x38;
	[tilespmem:$0x5300] =	vst v63  }
0x30: {  	_ =	swait.ge [sflag:s24], $0x80  }
0x31: {  	[sflag:s24] =	ssyncset.done $0x0  }
0x32: {  	[sflag:s24] =	ssyncadd.s32 $0xFFFFFF80  }
0x33: {  	_ =	swait.ge [sflag:s24], $0x80  }
0x34: {  	[sflag:s24] =	ssyncset.done $0x0  }
0x35: {  	[sflag:s24] =	ssyncadd.s32 $0xFFFFFF80  }
0x36: {  	_ =	swait.ge [sflag:s24], $0x80  }
0x37: {  	[sflag:s24] =	ssyncset.done $0x0  }
0x38: {  	s17 =	simm.s32 $0x2B00;
	[sflag:s24] =	ssyncadd.s32 $0xFFFFFF80  }
0x39: {  	[tilespmem:s17], [sflag:$0x4] =	stream.indirect.gather [hbm4b:s9+s15], $0x10, s21, s15, $0xb8;
	[tilespmem:$0x5300] =	vst v63  }
0x3a: {  	s19 =	simm.s32 $0x1300  }
0x3b: {  	[tilespmem:s19], [sflag:$0x4] =	stream.indirect.gather [hbm4b:s8+s15], $0x10, s22, s15, $0xb8;
	[tilespmem:$0x5300] =	vst v63  }
0x3c: {  	_ = 	snop  }
0x3d: {  	[tilespmem:s28], [sflag:$0x4] =	stream.indirect.gather [hbm4b:s8+s15], $0x10, s23, s15, $0xb8;
	[tilespmem:$0x5300] =	vst v63  }
0x3e: {  	_ =	swait.ge [sflag:s29], $0x800  }
0x3f: {  	[sflag:s29] =	ssyncset.done $0x0  }
0x40: {  	[sflag:s29] =	ssyncadd.s32 $0xFFFFF800  }
0x41: {  	_ =	swait.ge [sflag:s29], $0x800  }
0x42: {  	[sflag:s29] =	ssyncset.done $0x0  }
0x43: {  	[sflag:s29] =	ssyncadd.s32 $0xFFFFF800  }
0x44: {  	_ =	swait.ge [sflag:s29], $0x800  }
0x45: {  	p0 =	seq.s32 s12, $0x0;
	[sflag:s29] =	ssyncset.done $0x0  }
0x46: {  	s14 =	simm.s32 @!p0 $0x5;
	[sflag:s29] =	ssyncadd.s32 $0xFFFFF800  }
0x47: {  	_ =	swait.ge @!p0 [sflag:s14], $0x800  }
0x48: {  	[sflag:s14] =	ssyncset.done @!p0 $0x0  }
0x49: {  	[sflag:s14] =	ssyncadd.s32 @!p0 $0xFFFFF800  }
0x4a: {  	_ =	swait.ge @!p0 [sflag:s14], $0x800  }
0x4b: {  	[sflag:s14] =	ssyncset.done @!p0 $0x0  }
0x4c: {  	s20 =	simm.s32 $0xB00;
	[sflag:s14] =	ssyncadd.s32 @!p0 $0xFFFFF800  }
0x4d: {  	v0 =	vld [tilespmem:s20+$0xFFFFF830]  }
0x4e: {  	v1 =	vld [tilespmem:s20+$0x30]  }
0x4f: {  	v2 =	vld [tilespmem:s20+$0x0]  }
0x50: {  	v3 =	vld [tilespmem:s20+$0xFFFFF810]  }
0x51: {  	v4 =	vld [tilespmem:s20+$0x10]  }
0x52: {  	v5 =	vld [tilespmem:s20+$0xFFFFF820]  }
0x53: {  	s26 =	simm.s32 $0xB40;
	v6 =	vld [tilespmem:s20+$0xFFFFF800]  }
0x54: {  	v8 =	vld [tilespmem:s26+$0xFFFFF830]  }
0x55: {  	v9 =	vld [tilespmem:s26+$0x30]  }
0x56: {  	v10 =	vld [tilespmem:s26+$0xFFFFF810]  }
0x57: {  	v11 =	vld [tilespmem:s26+$0x10]  }
0x58: {  	v0 =	vadd.f32 v1, v0;
	v1 =	vld [tilespmem:s20+$0x20]  }
0x59: {  	s25 =	simm.s32 $0x3320;
	v3 =	vadd.f32 v4, v3;
	v2 =	vadd.f32 v2, v6;
	v6 =	vld [tilespmem:s26+$0xFFFFF820]  }
0x5a: {  	v4 =	vld [tilespmem:s26+$0xFFFFF800];
	[tilespmem:s25+$0x10] =	vst v0  }
0x5b: {  	s17 =	simm.s32 $0x2320;
	[tilespmem:s25+$0xFFFFFFF0] =	vst v3;
	v3 =	vadd.f32 v9, v8;
	v8 =	vld [tilespmem:s26+$0x20]  }
0x5c: {  	v7 =	vld [tilespmem:s17+$0x10]  }
0x5d: {  	s19 =	simm.s32 $0x3360;
	v0 =	vld [tilespmem:s26+$0x0];
	[tilespmem:s25+$0xFFFFFFE0] =	vst v2;
	v5 =	vadd.f32 v1, v5  }
0x5e: {  	s14 =	simm.s32 $0x2360;
	v2 =	vld [tilespmem:s17+$0xFFFFFFF0];
	[tilespmem:s19+$0x10] =	vst v3;
	v3 =	vadd.f32 v11, v10  }
0x5f: {  	[tilespmem:s25+$0x0] =	vst v5;
	v5 =	vld [tilespmem:s14+$0x10]  }
0x60: {  	s16 =	simm.s32 $0x4;
	s20 =	simm.s32 $0x4320;
	v1 =	vld [tilespmem:s17+$0xFFFFFFE0];
	[tilespmem:s19+$0xFFFFFFF0] =	vst v3  }
0x61: {  	s26 =	simm.s32 $0x2360;
	v6 =	vadd.f32 v8, v6;
	s25 =	simm.s32 $0xB80;
	[tilespmem:s20+$0x10] =	vst v7;
	v3 =	vld [tilespmem:s17+$0x0];
	s17 =	simm.s32 $0x4320  }
.LBB2_3:
0x62: {  	v7 =	vld [tilespmem:s25+$0xFFFFF830];
	v4 =	vadd.f32 v0, v4  }
0x63: {  	s16 =	sadd.s32 $0x4, s16;
	s20 =	sadd.s32 $0x40, s20;
	v8 =	vld [tilespmem:s25+$0x30];
	[tilespmem:s19+$0x0] =	vst v6  }
0x64: {  	p1 =	slt.u32 s16, $0x7C;
	v0 =	vld [tilespmem:s25+$0x0];
	[tilespmem:s20+$0x10] =	vst v5  }
0x65: {  	v5 =	vld [tilespmem:s25+$0xFFFFF810];
	[tilespmem:s19+$0xFFFFFFE0] =	vst v4  }
0x66: {  	v6 =	vld [tilespmem:s25+$0x10];
	[tilespmem:s17+$0xFFFFFFE0] =	vst v1  }
0x67: {  	v9 =	vld [tilespmem:s25+$0xFFFFF820];
	[tilespmem:s17+$0xFFFFFFF0] =	vst v2  }
0x68: {  	v10 =	vld [tilespmem:s25+$0x20];
	v1 =	vadd.f32 v8, v7;
	[tilespmem:s17+$0x0] =	vst v3;
	s17 =	smov.u32 s20  }
.Ltmp0:
0x69: {  	s19 =	sadd.s32 $0x40, s19;
	v4 =	vld [tilespmem:s25+$0xFFFFF800];
	(pc) =	sbr.rel @p1 .LBB2_3-.Ltmp0, $4  }
0x6a: {  	s26 =	sadd.s32 $0x40, s26;
	[tilespmem:s19+$0x10] =	vst v1;
	v1 =	vld [tilespmem:s14+$0xFFFFFFE0]  }
0x6b: {  	v3 =	vadd.f32 v6, v5;
	v5 =	vld [tilespmem:s26+$0x10]  }
0x6c: {  	v2 =	vld [tilespmem:s14+$0xFFFFFFF0]  }
0x6d: {  	s25 =	sadd.s32 $0x40, s25;
	[tilespmem:s19+$0xFFFFFFF0] =	vst v3;
	v6 =	vadd.f32 v10, v9;
	v3 =	vld [tilespmem:s14+$0x0];
	s14 =	smov.u32 s26  }
0x6e: {  	_ = 	snop  }
0x6f: {  	v0 =	vadd.f32 v0, v4;
	[tilespmem:s19+$0x0] =	vst v6  }
0x70: {  	v4 =	vld [tilespmem:s14+$0xFFFFFFF0];
	[tilespmem:s17+$0xFFFFFFE0] =	vst v1  }
0x71: {  	s16 =	sadd.s32 $0x40, s20;
	[tilespmem:s19+$0xFFFFFFE0] =	vst v0;
	v1 =	vld [tilespmem:s14+$0x0]  }
0x72: {  	[tilespmem:s16+$0x10] =	vst v5;
	v0 =	vld [tilespmem:s14+$0xFFFFFFE0]  }
0x73: {  	[tilespmem:s17+$0xFFFFFFF0] =	vst v2  }
0x74: {  	[tilespmem:s17+$0x0] =	vst v3  }
0x75: {  	[tilespmem:s16+$0xFFFFFFF0] =	vst v4  }
0x76: {  	s26 =	sshll.u32 s13, $0x1;
	p1 =	seq.s32 s12, $0x18;
	[tilespmem:s16+$0x0] =	vst v1  }
0x77: {  	s13 =	sshrl.u32 @!p1 s13, $0x3;
	s17 =	sadd.s32 s2, s26;
	[tilespmem:s16+$0xFFFFFFE0] =	vst v0  }
0x78: {  	[hbm4b:s17+s3] =	stream.linear.scatter [tilespmem:s30], [sflag:$0x5], $0x800, $0x38;
	[tilespmem:$0x5300] =	vst v63  }
0x79: {  	s13 =	sadd.s32 @!p1 $0x20, s13;
	s14 =	sadd.s32 s10, s26  }
0x7a: {  	[hbm4b:s14+s3] =	stream.linear.scatter [tilespmem:s31], [sflag:$0x5], $0x800, $0x38;
	[tilespmem:$0x5300] =	vst v63  }
0x7b: {  	s16 =	simm.s32 @!p1 $0x0;
	s14 =	sadd.s32 @!p1 s4, s13  }
0x7c: {  	[tilespmem:s16], [sflag:$0x1] =	stream.linear.gather @!p1 [hbm4b:s14+s16], $0x80, $0x38;
	[tilespmem:$0x5300] =	vst v63  }
0x7d: {  	s17 =	simm.s32 @!p1 $0x80;
	s14 =	sadd.s32 @!p1 s5, s13  }
0x7e: {  	[tilespmem:s17], [sflag:$0x1] =	stream.linear.gather @!p1 [hbm4b:s14+s16], $0x80, $0x38;
	[tilespmem:$0x5300] =	vst v63  }
0x7f: {  	s13 =	sadd.s32 @!p1 s6, s13;
	s14 =	simm.s32 @!p1 $0x100  }
0x80: {  	[tilespmem:s14], [sflag:$0x1] =	stream.linear.gather @!p1 [hbm4b:s13+s16], $0x80, $0x38;
	[tilespmem:$0x5300] =	vst v63  }
0x81: {  	s13 =	simm.s32 @!p1 $0x1  }
0x82: {  	_ =	swait.ge @!p1 [sflag:s13], $0x80  }
0x83: {  	[sflag:s13] =	ssyncset.done @!p1 $0x0  }
0x84: {  	[sflag:s13] =	ssyncadd.s32 @!p1 $0xFFFFFF80  }
0x85: {  	_ =	swait.ge @!p1 [sflag:s13], $0x80  }
0x86: {  	[sflag:s13] =	ssyncset.done @!p1 $0x0  }
0x87: {  	[sflag:s13] =	ssyncadd.s32 @!p1 $0xFFFFFF80  }
0x88: {  	_ =	swait.ge @!p1 [sflag:s13], $0x80  }
0x89: {  	[sflag:s13] =	ssyncset.done @!p1 $0x0  }
0x8a: {  	[sflag:s13] =	ssyncadd.s32 @!p1 $0xFFFFFF80;
	s13 =	simm.s32 @!p1 $0x2300  }
0x8b: {  	[tilespmem:s13], [sflag:$0x3] =	stream.indirect.gather @!p1 [hbm4b:s9+s17], $0x10, s16, s17, $0xb8;
	[tilespmem:$0x5300] =	vst v63  }
0x8c: {  	s13 =	simm.s32 @!p1 $0x300  }
0x8d: {  	[tilespmem:s13], [sflag:$0x3] =	stream.indirect.gather @!p1 [hbm4b:s8+s17], $0x10, s17, s17, $0xb8;
	[tilespmem:$0x5300] =	vst v63  }
0x8e: {  	s13 =	simm.s32 @!p1 $0xB00  }
0x8f: {  	[tilespmem:s13], [sflag:$0x3] =	stream.indirect.gather @!p1 [hbm4b:s8+s17], $0x10, s14, s17, $0xb8;
	[tilespmem:$0x5300] =	vst v63  }
0x90: {  	_ =	swait.ge [sflag:s0], $0x800  }
0x91: {  	[sflag:s0] =	ssyncset.done $0x0  }
0x92: {  	[sflag:s0] =	ssyncadd.s32 $0xFFFFF800  }
0x93: {  	_ =	swait.ge [sflag:s0], $0x800  }
0x94: {  	[sflag:s0] =	ssyncset.done $0x0  }
0x95: {  	[sflag:s0] =	ssyncadd.s32 $0xFFFFF800  }
0x96: {  	_ =	swait.ge [sflag:s0], $0x800  }
0x97: {  	[sflag:s0] =	ssyncset.done $0x0  }
0x98: {  	s13 =	simm.s32 @!p0 $0x6;
	[sflag:s0] =	ssyncadd.s32 $0xFFFFF800  }
0x99: {  	_ =	swait.ge @!p0 [sflag:s13], $0x800  }
0x9a: {  	[sflag:s13] =	ssyncset.done @!p0 $0x0  }
0x9b: {  	[sflag:s13] =	ssyncadd.s32 @!p0 $0xFFFFF800  }
0x9c: {  	_ =	swait.ge @!p0 [sflag:s13], $0x800  }
0x9d: {  	[sflag:s13] =	ssyncset.done @!p0 $0x0  }
0x9e: {  	s19 =	simm.s32 $0x1B30;
	[sflag:s13] =	ssyncadd.s32 @!p0 $0xFFFFF800  }
0x9f: {  	v0 =	vld [tilespmem:s19+$0xFFFFF800]  }
0xa0: {  	v1 =	vld [tilespmem:s19+$0x0]  }
0xa1: {  	v2 =	vld [tilespmem:s19+$0xFFFFFFD0]  }
0xa2: {  	v3 =	vld [tilespmem:s19+$0xFFFFF7E0]  }
0xa3: {  	v4 =	vld [tilespmem:s19+$0xFFFFFFE0]  }
0xa4: {  	v5 =	vld [tilespmem:s19+$0xFFFFF7F0]  }
0xa5: {  	s26 =	simm.s32 $0x1B70;
	v6 =	vld [tilespmem:s19+$0xFFFFF7D0]  }
0xa6: {  	v8 =	vld [tilespmem:s26+$0xFFFFF800]  }
0xa7: {  	v9 =	vld [tilespmem:s26+$0x0]  }
0xa8: {  	v10 =	vld [tilespmem:s26+$0xFFFFF7E0]  }
0xa9: {  	v11 =	vld [tilespmem:s26+$0xFFFFFFE0]  }
0xaa: {  	v0 =	vadd.f32 v1, v0;
	v1 =	vld [tilespmem:s19+$0xFFFFFFF0]  }
0xab: {  	s20 =	simm.s32 $0x3B30;
	v3 =	vadd.f32 v4, v3;
	v2 =	vadd.f32 v2, v6;
	v6 =	vld [tilespmem:s26+$0xFFFFF7F0]  }
0xac: {  	v4 =	vld [tilespmem:s26+$0xFFFFF7D0];
	[tilespmem:s20+$0x0] =	vst v0  }
0xad: {  	s25 =	simm.s32 $0x2B30;
	[tilespmem:s20+$0xFFFFFFE0] =	vst v3;
	v3 =	vadd.f32 v9, v8;
	v8 =	vld [tilespmem:s26+$0xFFFFFFF0]  }
0xae: {  	v7 =	vld [tilespmem:s25+$0x0]  }
0xaf: {  	s14 =	simm.s32 $0x3B70;
	v0 =	vld [tilespmem:s26+$0xFFFFFFD0];
	[tilespmem:s20+$0xFFFFFFD0] =	vst v2;
	v5 =	vadd.f32 v1, v5  }
0xb0: {  	s13 =	simm.s32 $0x2B70;
	v2 =	vld [tilespmem:s25+$0xFFFFFFE0];
	[tilespmem:s14+$0x0] =	vst v3;
	v3 =	vadd.f32 v11, v10  }
0xb1: {  	[tilespmem:s20+$0xFFFFFFF0] =	vst v5;
	v5 =	vld [tilespmem:s13+$0x0]  }
0xb2: {  	s12 =	sadd.s32 $0x1, s12;
	s16 =	simm.s32 $0x4;
	s19 =	simm.s32 $0x4B30;
	v1 =	vld [tilespmem:s25+$0xFFFFFFD0];
	[tilespmem:s14+$0xFFFFFFE0] =	vst v3  }
0xb3: {  	s17 =	simm.s32 $0x4B30;
	v6 =	vadd.f32 v8, v6;
	s20 =	simm.s32 $0x1BB0;
	[tilespmem:s19+$0x0] =	vst v7;
	v3 =	vld [tilespmem:s25+$0xFFFFFFF0];
	s25 =	simm.s32 $0x2B70  }
.LBB2_5:
0xb4: {  	v7 =	vld [tilespmem:s20+$0xFFFFF800];
	v4 =	vadd.f32 v0, v4  }
0xb5: {  	s16 =	sadd.s32 $0x4, s16;
	s19 =	sadd.s32 $0x40, s19;
	v8 =	vld [tilespmem:s20+$0x0];
	[tilespmem:s14+$0xFFFFFFF0] =	vst v6  }
0xb6: {  	p0 =	slt.u32 s16, $0x7C;
	v0 =	vld [tilespmem:s20+$0xFFFFFFD0];
	[tilespmem:s19+$0x0] =	vst v5  }
0xb7: {  	v5 =	vld [tilespmem:s20+$0xFFFFF7E0];
	[tilespmem:s14+$0xFFFFFFD0] =	vst v4  }
0xb8: {  	v6 =	vld [tilespmem:s20+$0xFFFFFFE0];
	[tilespmem:s17+$0xFFFFFFD0] =	vst v1  }
0xb9: {  	v9 =	vld [tilespmem:s20+$0xFFFFF7F0];
	[tilespmem:s17+$0xFFFFFFE0] =	vst v2  }
0xba: {  	v10 =	vld [tilespmem:s20+$0xFFFFFFF0];
	v1 =	vadd.f32 v8, v7;
	[tilespmem:s17+$0xFFFFFFF0] =	vst v3;
	s17 =	smov.u32 s19  }
.Ltmp1:
0xbb: {  	s14 =	sadd.s32 $0x40, s14;
	v4 =	vld [tilespmem:s20+$0xFFFFF7D0];
	(pc) =	sbr.rel @p0 .LBB2_5-.Ltmp1, $4  }
0xbc: {  	s25 =	sadd.s32 $0x40, s25;
	[tilespmem:s14+$0x0] =	vst v1;
	v1 =	vld [tilespmem:s13+$0xFFFFFFD0]  }
0xbd: {  	v3 =	vadd.f32 v6, v5;
	v5 =	vld [tilespmem:s25+$0x0]  }
0xbe: {  	v2 =	vld [tilespmem:s13+$0xFFFFFFE0]  }
0xbf: {  	s20 =	sadd.s32 $0x40, s20;
	[tilespmem:s14+$0xFFFFFFE0] =	vst v3;
	v6 =	vadd.f32 v10, v9;
	v3 =	vld [tilespmem:s13+$0xFFFFFFF0];
	s13 =	smov.u32 s25  }
0xc0: {  	_ = 	snop  }
0xc1: {  	v0 =	vadd.f32 v0, v4;
	[tilespmem:s14+$0xFFFFFFF0] =	vst v6  }
0xc2: {  	v62 =	vld [tilespmem:s13+$0xFFFFFFE0];
	[tilespmem:s17+$0xFFFFFFD0] =	vst v1  }
0xc3: {  	s25 =	sadd.s32 $0x40, s19;
	[tilespmem:s14+$0xFFFFFFD0] =	vst v0;
	v63 =	vld [tilespmem:s13+$0xFFFFFFF0]  }
0xc4: {  	[tilespmem:s25+$0x0] =	vst v5;
	v0 =	vld [tilespmem:s13+$0xFFFFFFD0]  }
0xc5: {  	[tilespmem:s17+$0xFFFFFFE0] =	vst v2  }
0xc6: {  	[tilespmem:s17+$0xFFFFFFF0] =	vst v3  }
0xc7: {  	s11 =	sshll.u32 s11, $0x1;
	p0 =	sne.s32 s12, $0x19;
	[tilespmem:s25+$0xFFFFFFE0] =	vst v62  }
.Ltmp2:
0xc8: {  	s11 =	sand.u32 $0x1FFFFF00, s11;
	[tilespmem:s25+$0xFFFFFFF0] =	vst v63;
	(pc) =	sbr.rel @p0 .LBB2_2-.Ltmp2, $4  }
0xc9: {  	s26 =	sadd.s32 s2, s11;
	[tilespmem:s25+$0xFFFFFFD0] =	vst v0  }
0xca: {  	[hbm4b:s26+s3] =	stream.linear.scatter [tilespmem:s1], [sflag:$0x6], $0x800, $0x38;
	[tilespmem:$0x5300] =	vst v63  }
0xcb: {  	s11 =	sadd.s32 s10, s11  }
0xcc: {  	[hbm4b:s11+s3] =	stream.linear.scatter [tilespmem:s18], [sflag:$0x6], $0x800, $0x38;
	[tilespmem:$0x5300] =	vst v63  }
0xcd: {  	s11 =	simm.s32 $0x5  }
0xce: {  	_ =	swait.ge [sflag:s11], $0x800  }
0xcf: {  	[sflag:s11] =	ssyncset.done $0x0  }
0xd0: {  	[sflag:s11] =	ssyncadd.s32 $0xFFFFF800  }
0xd1: {  	_ =	swait.ge [sflag:s11], $0x800  }
0xd2: {  	[sflag:s11] =	ssyncset.done $0x0  }
0xd3: {  	s12 =	simm.s32 $0x6;
	[sflag:s11] =	ssyncadd.s32 $0xFFFFF800  }
0xd4: {  	_ =	swait.ge [sflag:s12], $0x800  }
0xd5: {  	[sflag:s12] =	ssyncset.done $0x0  }
0xd6: {  	[sflag:s12] =	ssyncadd.s32 $0xFFFFF800  }
0xd7: {  	_ =	swait.ge [sflag:s12], $0x800  }
0xd8: {  	s13 =	rddreg [dreg:$0x7]  }
0xd9: {  	s26 =	rddreg [dreg:$0x6];
	s13 =	sadd.s32 $0x1, s13  }
0xda: {  	p0 =	sne.s32 s13, s26  }
.Ltmp3:
0xdb: {  	_ = 	snop;
	(pc) =	sbr.rel @p0 .LBB2_1-.Ltmp3, $3  }
0xdc: {  	_ =	sdelay $0x1  }
0xdd: {  	[sflag:s12] =	ssyncset.done $0x0  }
0xde: {  	[sflag:s12] =	ssyncadd.s32 $0xFFFFF800  }
0xdf: {  	_ =	sfence.sel $0x180000  }
0xe0: {  	[bflag:$0x0] =	sbarrier.arrive $0xFFFF  }
0xe1: {  	_ =	strace $0x90000047  }
0xe2: {  	s0 =	stileid.u32;
	[bflag:$0x2] =	sbarrier.arrive $0xFFFF  }
0xe3: {  	p0 =	sne.s32 s0, $0x0;
	s0 =	rddreg [dreg:$0x2]  }
0xe4: {  	s0 =	sadd.s32 @!p0 $0x100000, s0  }
0xe5: {  	[sflag:s0] =	ssyncadd.tile.s32 @!p0 $0x1;
	_ =	shalt  }
.Lfunc_end2:
_tile_overlayer_lowered:
.L_overlay_start_2:
0xe6: {  	(tag) =	ssettag $0x2  }
0xe7: {  	s0 =	rddreg [dreg:$0x0];
	s2 =	stileid.u32  }
0xe8: {  	s1 =	rddreg [dreg:$0x1];
	p0 =	sne.s32 s2, $0x0  }
0xe9: {  	s3 =	rddreg [dreg:$0x2];
	[bflag:$0x3] =	sbarrier.arrive $0xFFFF;
	s2 =	simm.s32 @!p0 $0x1C07  }
0xea: {  	[timem:s3], [sflag:s2] =	dma.local @!p0 [hbm:s0], s1  }
0xeb: {  	s0 =	simm.s32 @!p0 $0x7  }
0xec: {  	_ =	swait.ge @!p0 [sflag:s0], s1  }
0xed: {  	s1 =	ssub.s32 @!p0 $0x0, s1;
	[sflag:s0] =	ssyncset.done @!p0 $0x0  }
0xee: {  	[sflag:s0] =	ssyncadd.s32 @!p0 s1  }
0xef: {  	[bflag:$0x3] =	sbarrier.arrive $0xFFFF  }
0xf0: {  	_ =	shalt  }

// kernel: kernel.8.cloned.1.call-start
scs
__scs_entry_jumppad:
0x0: {  	(pc) =	sbr.rel $0x88, $3  }
0x1: {  	(tag) =	ssettag $0x0;
	lr =	simm.s32 $0x1  }
0x2: {  	[smem:$0x3F9C] =	sst lr;
	_ =	strace $0xD0000000  }
0x3: {  	_ = 	snop  }
0x4: {  	_ = 	snop  }
0x5: {  	_ = 	snop  }
0x6: {  	_ = 	snop  }
0x7: {  	_ = 	snop  }
__scs_overlays_trampoline_lowered:
0x8: {  	[smem:$0x3FAB] =	sst s0  }
0x9: {  	[smem:$0x3FAC] =	sst s1  }
0xa: {  	[smem:$0x3FAD] =	sst s2  }
0xb: {  	[smem:$0x3FAE] =	sst s3  }
0xc: {  	[smem:$0x3FAF] =	sst s4  }
0xd: {  	[smem:$0x3FB0] =	sst s5  }
0xe: {  	[smem:$0x3FB1] =	sst s6  }
0xf: {  	[smem:$0x3FB2] =	sst s7  }
0x10: {  	[smem:$0x3FB3] =	sst s8  }
0x11: {  	[smem:$0x3FB4] =	sst s9;
	s0 =	simm.s32 @!p0 $0x0  }
0x12: {  	s1 =	sld [smem:$0x3F9A];
	s0 =	simm.s32 @p0 $0x1  }
0x13: {  	[smem:$0x3FB5] =	sst s0;
	s0 =	simm.s32 @!p1 $0x0  }
0x14: {  	s2 =	sld [smem:$0x3F99];
	s0 =	simm.s32 @p1 $0x1  }
0x15: {  	[smem:$0x3FB6] =	sst s0;
	s0 =	simm.s32 @!p2 $0x0  }
0x16: {  	s3 =	sld [smem:$0x3FDB];
	s0 =	simm.s32 @p2 $0x1  }
0x17: {  	s4 =	simm.s32 $0x1BF5;
	[smem:$0x3FB8] =	sst s0  }
0x18: {  	s0 =	sld [smem:$0x3F9B];
	_ =	swait.ge [sflag:s4], $0x0  }
0x19: {  	s7 =	sld [smem:$0x3F9C]  }
0x1a: {  	s8 =	sadd.s32 $0xFFFFE003, lr  }
0x1b: {  	s9 =	sadd.s32 $0xFFFFFEF7, lr;
	s5 =	simm.s32 $0xFFFFFFFF;
	p2 =	slt.u32 s8, $0xFFFFF086  }
0x1c: {  	p1 =	slt.u32 s9, $0xF7A;
	s5 =	simm.s32 @!p2 $0x0  }
0x1d: {  	s5 =	simm.s32 @p1 $0x1;
	p0 =	seq.s32 s7, s2  }
0x1e: {  	s7 =	smul.u32 @!p0 $0xF7A, s2;
	p2 =	seq.s32 @!p0 s5, $0x0  }
0x1f: {  	s9 =	smul.u32 $0xF7A, s1;
	s8 =	simm.s32 @!p0 $0x1BF5;
	p2 =	por !p2, p0  }
0x20: {  	[sflag:s8] =	ssyncset.s32 @!p0 $0xFFFFF086;
	s6 =	sadd.s32 @!p0 s3, s7;
	s7 =	simm.s32 @!p0 $0x108  }
0x21: {  	s3 =	sadd.s32 s3, s9;
	s6 =	sadd.s32 @!p0 $0x88, s6;
	s7 =	simm.s32 @p2 $0x1082  }
0x22: {  	[simem:s7], [sflag:s8] =	dma.local @!p0 [hbm:s6], $0xF7A  }
0x23: {  	s9 =	sor.u32 $0xD0000000, s2;
	s6 =	simm.s32 $0x108;
	_ =	swait.ge @!p0 [sflag:s8], $0x0  }
0x24: {  	s3 =	sadd.s32 $0x88, s3;
	s6 =	simm.s32 @!p1 $0x1082;
	[sflag:s4] =	ssyncset.s32 $0xFFFFF086  }
0x25: {  	[simem:s6], [sflag:s4] =	dma.local [hbm:s3], $0xF7A  }
0x26: {  	[smem:$0x3F9C] =	sst s1;
	(tag) =	ssettag s2;
	_ =	strace s9  }
0x27: {  	s1 =	sld [smem:$0x3FAC]  }
0x28: {  	s2 =	sld [smem:$0x3FAD]  }
0x29: {  	s4 =	sld [smem:$0x3FAF]  }
0x2a: {  	p0 =	seq.s32 s5, $0x0;
	s5 =	sld [smem:$0x3FB0]  }
0x2b: {  	s6 =	sld [smem:$0x3FB1]  }
0x2c: {  	s7 =	sld [smem:$0x3FB2]  }
0x2d: {  	s3 =	simm.s32 $0x108;
	s8 =	sld [smem:$0x3FB3]  }
0x2e: {  	s3 =	simm.s32 @!p0 $0x1082;
	s9 =	sld [smem:$0x3FB4]  }
0x2f: {  	lr =	sadd.s32 s0, s3;
	s0 =	sld [smem:$0x3FAB]  }
0x30: {  	s3 =	sld [smem:$0x3FAE]  }
0x31: {  	[smem:$0x3FB7] =	sst s10  }
0x32: {  	s10 =	sld [smem:$0x3FB5];
	_ =	sdelay $0x3  }
0x33: {  	p0 =	seq.s32 s10, $0x1;
	s10 =	sld [smem:$0x3FB7];
	_ =	sdelay $0x3  }
0x34: {  	[smem:$0x3FB7] =	sst s10  }
0x35: {  	s10 =	sld [smem:$0x3FB6];
	_ =	sdelay $0x3  }
0x36: {  	p1 =	seq.s32 s10, $0x1;
	s10 =	sld [smem:$0x3FB7];
	_ =	sdelay $0x3  }
0x37: {  	[smem:$0x3FB7] =	sst s10  }
0x38: {  	s10 =	sld [smem:$0x3FB8]  }
0x39: {  	_ = 	snop;
	(pc) =	sbr.ind lr, $3  }
0x3a: {  	_ = 	snop  }
0x3b: {  	_ = 	snop  }
0x3c: {  	p2 =	seq.s32 s10, $0x1;
	s10 =	sld [smem:$0x3FB7]  }
0x3d: {  	_ =	shalt  }
0x3e: {  	_ =	shalt  }
0x3f: {  	_ =	shalt  }
0x40: {  	_ =	shalt  }
0x41: {  	_ =	shalt  }
0x42: {  	_ =	shalt  }
0x43: {  	_ =	shalt  }
0x44: {  	_ =	shalt  }
0x45: {  	_ =	shalt  }
0x46: {  	_ =	shalt  }
0x47: {  	_ =	shalt  }
0x48: {  	_ =	shalt  }
0x49: {  	_ =	shalt  }
0x4a: {  	_ =	shalt  }
0x4b: {  	_ =	shalt  }
0x4c: {  	_ =	shalt  }
0x4d: {  	_ =	shalt  }
0x4e: {  	_ =	shalt  }
0x4f: {  	_ =	shalt  }
0x50: {  	_ =	shalt  }
0x51: {  	_ =	shalt  }
0x52: {  	_ =	shalt  }
0x53: {  	_ =	shalt  }
0x54: {  	_ =	shalt  }
0x55: {  	_ =	shalt  }
0x56: {  	_ =	shalt  }
0x57: {  	_ =	shalt  }
0x58: {  	_ =	shalt  }
0x59: {  	_ =	shalt  }
0x5a: {  	_ =	shalt  }
0x5b: {  	_ =	shalt  }
0x5c: {  	_ =	shalt  }
0x5d: {  	_ =	shalt  }
0x5e: {  	_ =	shalt  }
0x5f: {  	_ =	shalt  }
0x60: {  	_ =	shalt  }
0x61: {  	_ =	shalt  }
0x62: {  	_ =	shalt  }
0x63: {  	_ =	shalt  }
0x64: {  	_ =	shalt  }
0x65: {  	_ =	shalt  }
0x66: {  	_ =	shalt  }
0x67: {  	_ =	shalt  }
0x68: {  	_ =	shalt  }
0x69: {  	_ =	shalt  }
0x6a: {  	_ =	shalt  }
0x6b: {  	_ =	shalt  }
0x6c: {  	_ =	shalt  }
0x6d: {  	_ =	shalt  }
0x6e: {  	_ =	shalt  }
0x6f: {  	_ =	shalt  }
0x70: {  	_ =	shalt  }
0x71: {  	_ =	shalt  }
0x72: {  	_ =	shalt  }
0x73: {  	_ =	shalt  }
0x74: {  	_ =	shalt  }
0x75: {  	_ =	shalt  }
0x76: {  	_ =	shalt  }
0x77: {  	_ =	shalt  }
0x78: {  	_ =	shalt  }
0x79: {  	_ =	shalt  }
0x7a: {  	_ =	shalt  }
0x7b: {  	_ =	shalt  }
0x7c: {  	_ =	shalt  }
0x7d: {  	_ =	shalt  }
0x7e: {  	_ =	shalt  }
0x7f: {  	_ =	shalt  }
0x80: {  	_ =	shalt  }
0x81: {  	_ =	shalt  }
0x82: {  	_ =	shalt  }
0x83: {  	_ =	shalt  }
0x84: {  	_ =	shalt  }
0x85: {  	_ =	shalt  }
0x86: {  	_ =	shalt  }
0x87: {  	_ =	shalt  }
.Lfunc_end0:
.L_simem_size_0:
called_computation.1_lowered:
.L_overlay_start_0:
0x88: {  	s2 =	sld [smem:$0x3FD9]  }
0x89: {  	s3 =	sld [smem:$0x3FFE];
	_ =	sdelay $0x1  }
0x8a: {  	s1 =	srdreg.scid  }
0x8b: {  	s0 =	sand.u32 $0x1, s1  }
0x8c: {  	s17 =	sshll.u32 s0, $0xA;
	s2 =	sadd.s32 s3, s2  }
0x8d: {  	s2 =	sadd.s32 s2, s17  }
0x8e: {  	[smem:$0x3FC3] =	sst s2  }
0x8f: {  	_ = 	snop  }
0x90: {  	s2 =	sld [smem:$0x3FC6]  }
0x91: {  	s18 =	sld [smem:$0x3FD0];
	(tm) =	ssettm $0x1  }
0x92: {  	s4 =	sld [smem:$0x3FFB];
	_ =	sdelay $0x3  }
0x93: {  	_ =	strace s4  }
0x94: {  	s4 =	sld [smem:$0x3FFC];
	_ =	sdelay $0x3  }
0x95: {  	_ =	strace s4  }
0x96: {  	s4 =	sld [smem:$0x3FFD];
	_ =	sdelay $0x3  }
0x97: {  	_ =	strace s4  }
0x98: {  	_ =	strace $0x8FFFFFFF  }
0x99: {  	s19 =	sld [smem:$0x3FDB];
	_ =	sdelay $0x1  }
0x9a: {  	s5 =	simm.s32 $_scs_section_size  }
0x9b: {  	s6 =	simm.s32 $_size__tile_overlayer_lowered;
	s7 =	simm.s32 $_tile_overlayer_lowered  }
0x9c: {  	s22 =	simm.s32 $0x1BFF;
	s21 =	sshll.u32 s7, $0x1;
	s4 =	sadd.s32 s5, s19  }
0x9d: {  	s8 =	simm.s32 $0x0;
	s20 =	sshll.u32 s6, $0x1;
	s6 =	sadd.s32 s21, s4  }
0x9e: {  	[timem:s8], [sflag:s22] =	dma.local [hbm:s6], s20  }
0x9f: {  	_ =	swait.ge [sflag:s22], s20  }
0xa0: {  	s5 =	ssub.s32 $0x0, s20;
	[sflag:s22] =	ssyncset.done $0x0  }
0xa1: {  	[sflag:s22] =	ssyncadd.s32 s5;
	_ =	sdelay $0x1  }
0xa2: {  	s23 =	simm.s32 $0x1B8B  }
0xa3: {  	_ =	swait.ge [sflag:s23], $0x1  }
0xa4: {  	[sflag:s23] =	ssyncset.done $0x0  }
0xa5: {  	s25 =	simm.s32 $0x1B8E;
	s24 =	sld [smem:$0x3FFE];
	[sflag:s23] =	ssyncadd.s32 $0xFFFFFFFF  }
0xa6: {  	s26 =	simm.s32 $execute0_lowered;
	[smem:$0x3FD2] =	sst s25  }
0xa7: {  	s6 =	sshll.u32 s26, $0x1;
	_ =	strace $0x80000049;
	[dreg:$0x1] =	wrdreg $0xFFFFFFFF  }
0xa8: {  	s28 =	simm.s32 $_size_execute0_lowered;
	s4 =	sadd.s32 s4, s6;
	[dreg:$0x0] =	wrdreg $0x0  }
0xa9: {  	s6 =	sshll.u32 s28, $0x1;
	[dreg:$0x2] =	wrdreg s4  }
0xaa: {  	[dreg:$0x3] =	wrdreg s6  }
0xab: {  	[dreg:$0x4] =	wrdreg $0xC0  }
0xac: {  	_ =	task [dreg:s8], $0x5FFFF  }
0xad: {  	[dreg:$0x1] =	wrdreg $0xFFFFFFFF  }
0xae: {  	[dreg:$0x0] =	wrdreg $0x60  }
0xaf: {  	[dreg:$0x2] =	wrdreg s24  }
0xb0: {  	[dreg:$0x3] =	wrdreg s2  }
0xb1: {  	[dreg:$0x4] =	wrdreg s18  }
0xb2: {  	[dreg:$0x5] =	wrdreg $0x9  }
0xb3: {  	_ =	task.clear_ibuf [dreg:s8], $0x6FFFF;
	_ =	strace $0x90000049  }
0xb4: {  	s29 =	simm.s32 $0x9;
	_ =	strace $0x8000004B  }
0xb5: {  	_ =	swait.ge [sflag:s29], $0x1  }
0xb6: {  	[sflag:s29] =	ssyncadd.s32 $0xFFFFFFFF  }
0xb7: {  	_ =	strace $0x9000004B  }
0xb8: {  	_ =	sfence  }
0xb9: {  	s30 =	sld [smem:$0x0];
	_ =	sdelay $0x2  }
0xba: {  	s31 =	sshll.u32 s1, $0xD;
	s1 =	sshrl.u32 s1, $0x2  }
0xbb: {  	s3 =	sand.u32 $0x4000, s31;
	s1 =	sadd.s32 s1, s30  }
0xbc: {  	s0 =	sor.u32 s3, s0;
	s1 =	sshll.u32 s1, $0x11  }
0xbd: {  	s0 =	sor.u32 s1, s0  }
0xbe: {  	s0 =	sadd.s32 $0x8F2B, s0  }
0xbf: {  	[sflag:s0] =	ssyncadd.remote.s32 $0x1  }
0xc0: {  	_ =	sfence.sel $0xFFFF  }
0xc1: {  	[dreg:$0x0] =	wrdreg $0xFFFFFFFF;
	(pc) =	sbr.abs _section_cstart, $3  }
0xc2: {  	[dreg:$0x1] =	wrdreg $0xFFFFFFFF  }
0xc3: {  	_ =	task.clear_ibuf [dreg:s8], $0x2FFFF;
	_ =	strace $0x9FFFFFFF  }
0xc4: {  	(tm) =	ssettm $0x7FFFFFFF  }
0xc5: {  	_ =	shalt  }
tec
execute0_lowered:
.L_overlay_start_1:
0x0: {  	(tag) =	ssettag $0x1  }
0x1: {  	s0 =	rddreg [dreg:$0x0]  }
0x2: {  	s2 =	rddreg [dreg:$0x1]  }
0x3: {  	s3 =	rddreg [dreg:$0x2];
	s1 =	srdreg.scid  }
0x4: {  	s5 =	stileid.u32;
	s4 =	simm.s32 $0x0;
	s15 =	simm.s32 $0x1  }
0x5: {  	s11 =	simm.s32 $0x2;
	s28 =	simm.s32 $0xF100;
	s29 =	simm.s32 $0xF900  }
0x6: {  	s30 =	simm.s32 $0x3;
	s1 =	sand.u32 $0x1, s1;
	s5 =	sshll.u32 s5, $0x1  }
0x7: {  	v2 =	vlaneseq.u32;
	s31 =	simm.s32 $0x12100;
	[smem:$0x7FF] =	sst s4;
	s7 =	sor.u32 s1, s5  }
0x8: {  	vm0 =	vmmov $0xffff;
	v3 =	vimm.s32 $0x0;
	v4 =	vimm.s32 $0x1;
	s6 =	sadd.s32 $0xE000, s0;
	s8 =	sadd.s32 $0x78C00, s0;
	s10 =	smul.u32 $0x3200, s7  }
0x9: {  	v5 =	vimm.s32 $0x2;
	v6 =	vimm.s32 $0x3;
	v7 =	vimm.s32 $0x4;
	_ =	strace $0x8000004A;
	s1 =	ssub.s32 $0x2, s1;
	s5 =	smul.u32 $0x1900, s7  }
0xa: {  	v8 =	vimm.s32 $0x5;
	v9 =	vimm.s32 $0x6;
	v10 =	vimm.s32 $0x7;
	s9 =	sshrl.u32 s1, $0x1;
	s7 =	sadd.s32 $0x14C00, s0;
	s24 =	sadd.s32 s3, s10  }
0xb: {  	v11 =	vimm.s32 $0x8;
	v12 =	vimm.s32 $0x9;
	v13 =	vimm.s32 $0xA;
	s23 =	ssub.s32 s1, s9;
	s25 =	sadd.s32 s7, s10;
	[dreg:$0x4] =	wrdreg s24  }
0xc: {  	v14 =	vimm.s32 $0xB;
	v15 =	vimm.s32 $0xC;
	v16 =	vimm.s32 $0xD;
	s26 =	sshrl.u32 s5, $0x3;
	s0 =	smax.u32 s23, $0x1;
	[dreg:$0x5] =	wrdreg s25  }
0xd: {  	v17 =	vimm.s32 $0xE;
	v18 =	vimm.s32 $0xF;
	s12 =	simm.s32 $0x0;
	v1 =	vshrl.u32 v2, $0x3;
	s1 =	sadd.s32 s6, s26;
	[dreg:$0x7] =	wrdreg s0  }
0xe: {  	v0 =	vand.u32 $0x7, v2;
	v2 =	vor.u32 $0x8, v2;
	v1 =	vmul.u32 $0x8, v1;
	s0 =	simm.s32 $0x4;
	[dreg:$0x6] =	wrdreg s1;
	s1 =	simm.s32 $0x12900  }
.LBB2_1:
0xf: {  	[dreg:$0x8] =	wrdreg s12  }
0x10: {  	s9 =	rddreg [dreg:$0x4];
	s10 =	simm.s32 $0x10100  }
0x11: {  	[tilespmem:s10], [sflag:$0x3] =	stream.linear.gather [hbm4b:s9+s4], $0x800, $0x38;
	[tilespmem:$0x13100] =	vst v63  }
0x12: {  	s23 =	rddreg [dreg:$0x5];
	s24 =	simm.s32 $0x11100  }
0x13: {  	[tilespmem:s24], [sflag:$0x3] =	stream.linear.gather [hbm4b:s23+s4], $0x800, $0x38;
	[tilespmem:$0x13100] =	vst v63  }
0x14: {  	s25 =	rddreg [dreg:$0x6]  }
0x15: {  	[tilespmem:s4], [sflag:$0x1] =	stream.linear.gather [hbm4b:s25+s4], $0x80, $0x38;
	[tilespmem:$0x13100] =	vst v63  }
0x16: {  	_ =	swait.ge [sflag:s15], $0x80  }
0x17: {  	[sflag:s15] =	ssyncset.done $0x0  }
0x18: {  	[sflag:s15] =	ssyncadd.s32 $0xFFFFFF80  }
0x19: {  	v19 =	vld [tilespmem:$0x0];
	_ =	sdelay $0x4  }
0x1a: {  	v20 =	vshll.u32 v19, $0x1  }
0x1b: {  	v19 =	vand.u32 $0x7, v19;
	v20 =	vand.u32 $0xFFFFFFF0, v20  }
0x1c: {  	v19 =	vor.u32 v19, v20  }
0x1d: {  	v20 =	vperm.xlane v19, v0;
	_ =	sdelay $0x1  }
0x1e: {  	v19 =	vperm.xlane v19, v2;
	v20 =	vadd.s32 v1, v20;
	_ =	sdelay $0x1  }
0x1f: {  	v19 =	vadd.s32 v1, v19;
	_ =	sdelay $0x1  }
0x20: {  	s26 =	simm.s32 $0x100  }
0x21: {  	[tilespmem:s26], [sflag:$0x3] =	stream.indirect_vreg.gather [hbm4b:s2+s4], $0x80, v20, vm0, $0xb8;
	[tilespmem:$0x13100] =	vst v63  }
0x22: {  	s10 =	simm.s32 $0x900  }
0x23: {  	[tilespmem:s10], [sflag:$0x3] =	stream.indirect_vreg.gather [hbm4b:s2+s4], $0x80, v19, vm0, $0xb8;
	[tilespmem:$0x13100] =	vst v63  }
0x24: {  	v19 =	vld [tilespmem:$0x10];
	_ =	sdelay $0x4  }
0x25: {  	v20 =	vshll.u32 v19, $0x1  }
0x26: {  	v19 =	vand.u32 $0x7, v19;
	v20 =	vand.u32 $0xFFFFFFF0, v20  }
0x27: {  	v19 =	vor.u32 v19, v20  }
0x28: {  	v20 =	vperm.xlane v19, v0;
	_ =	sdelay $0x1  }
0x29: {  	v19 =	vperm.xlane v19, v2;
	v20 =	vadd.s32 v1, v20;
	_ =	sdelay $0x1  }
0x2a: {  	v19 =	vadd.s32 v1, v19;
	_ =	sdelay $0x1  }
0x2b: {  	s12 =	simm.s32 $0x1100  }
0x2c: {  	[tilespmem:s12], [sflag:$0x3] =	stream.indirect_vreg.gather [hbm4b:s2+s4], $0x80, v20, vm0, $0xb8;
	[tilespmem:$0x13100] =	vst v63  }
0x2d: {  	s13 =	simm.s32 $0x1900  }
0x2e: {  	[tilespmem:s13], [sflag:$0x3] =	stream.indirect_vreg.gather [hbm4b:s2+s4], $0x80, v19, vm0, $0xb8;
	[tilespmem:$0x13100] =	vst v63  }
0x2f: {  	v19 =	vld [tilespmem:$0x20];
	_ =	sdelay $0x4  }
0x30: {  	v20 =	vshll.u32 v19, $0x1  }
0x31: {  	v19 =	vand.u32 $0x7, v19;
	v20 =	vand.u32 $0xFFFFFFF0, v20  }
0x32: {  	v19 =	vor.u32 v19, v20  }
0x33: {  	v20 =	vperm.xlane v19, v0;
	_ =	sdelay $0x1  }
0x34: {  	v19 =	vperm.xlane v19, v2;
	v20 =	vadd.s32 v1, v20;
	_ =	sdelay $0x1  }
0x35: {  	v19 =	vadd.s32 v1, v19;
	_ =	sdelay $0x1  }
0x36: {  	s14 =	simm.s32 $0x2100  }
0x37: {  	[tilespmem:s14], [sflag:$0x3] =	stream.indirect_vreg.gather [hbm4b:s2+s4], $0x80, v20, vm0, $0xb8;
	[tilespmem:$0x13100] =	vst v63  }
0x38: {  	s16 =	simm.s32 $0x2900  }
0x39: {  	[tilespmem:s16], [sflag:$0x3] =	stream.indirect_vreg.gather [hbm4b:s2+s4], $0x80, v19, vm0, $0xb8;
	[tilespmem:$0x13100] =	vst v63  }
0x3a: {  	v19 =	vld [tilespmem:$0x30];
	_ =	sdelay $0x4  }
0x3b: {  	v20 =	vshll.u32 v19, $0x1  }
0x3c: {  	v19 =	vand.u32 $0x7, v19;
	v20 =	vand.u32 $0xFFFFFFF0, v20  }
0x3d: {  	v19 =	vor.u32 v19, v20  }
0x3e: {  	v20 =	vperm.xlane v19, v0;
	_ =	sdelay $0x1  }
0x3f: {  	v19 =	vperm.xlane v19, v2;
	v20 =	vadd.s32 v1, v20;
	_ =	sdelay $0x1  }
0x40: {  	v19 =	vadd.s32 v1, v19;
	_ =	sdelay $0x1  }
0x41: {  	s17 =	simm.s32 $0x3100  }
0x42: {  	[tilespmem:s17], [sflag:$0x3] =	stream.indirect_vreg.gather [hbm4b:s2+s4], $0x80, v20, vm0, $0xb8;
	[tilespmem:$0x13100] =	vst v63  }
0x43: {  	s18 =	simm.s32 $0x3900  }
0x44: {  	[tilespmem:s18], [sflag:$0x3] =	stream.indirect_vreg.gather [hbm4b:s2+s4], $0x80, v19, vm0, $0xb8;
	[tilespmem:$0x13100] =	vst v63  }
0x45: {  	v19 =	vld [tilespmem:$0x40];
	_ =	sdelay $0x4  }
0x46: {  	v20 =	vshll.u32 v19, $0x1  }
0x47: {  	v19 =	vand.u32 $0x7, v19;
	v20 =	vand.u32 $0xFFFFFFF0, v20  }
0x48: {  	v19 =	vor.u32 v19, v20  }
0x49: {  	v20 =	vperm.xlane v19, v0;
	_ =	sdelay $0x1  }
0x4a: {  	v19 =	vperm.xlane v19, v2;
	v20 =	vadd.s32 v1, v20;
	_ =	sdelay $0x1  }
0x4b: {  	v19 =	vadd.s32 v1, v19;
	_ =	sdelay $0x1  }
0x4c: {  	s19 =	simm.s32 $0x4100  }
0x4d: {  	[tilespmem:s19], [sflag:$0x3] =	stream.indirect_vreg.gather [hbm4b:s2+s4], $0x80, v20, vm0, $0xb8;
	[tilespmem:$0x13100] =	vst v63  }
0x4e: {  	s20 =	simm.s32 $0x4900  }
0x4f: {  	[tilespmem:s20], [sflag:$0x3] =	stream.indirect_vreg.gather [hbm4b:s2+s4], $0x80, v19, vm0, $0xb8;
	[tilespmem:$0x13100] =	vst v63  }
0x50: {  	v19 =	vld [tilespmem:$0x50];
	_ =	sdelay $0x4  }
0x51: {  	v20 =	vshll.u32 v19, $0x1  }
0x52: {  	v19 =	vand.u32 $0x7, v19;
	v20 =	vand.u32 $0xFFFFFFF0, v20  }
0x53: {  	v19 =	vor.u32 v19, v20  }
0x54: {  	v20 =	vperm.xlane v19, v0;
	_ =	sdelay $0x1  }
0x55: {  	v19 =	vperm.xlane v19, v2;
	v20 =	vadd.s32 v1, v20;
	_ =	sdelay $0x1  }
0x56: {  	v19 =	vadd.s32 v1, v19;
	_ =	sdelay $0x1  }
0x57: {  	s21 =	simm.s32 $0x5100  }
0x58: {  	[tilespmem:s21], [sflag:$0x3] =	stream.indirect_vreg.gather [hbm4b:s2+s4], $0x80, v20, vm0, $0xb8;
	[tilespmem:$0x13100] =	vst v63  }
0x59: {  	s22 =	simm.s32 $0x5900  }
0x5a: {  	[tilespmem:s22], [sflag:$0x3] =	stream.indirect_vreg.gather [hbm4b:s2+s4], $0x80, v19, vm0, $0xb8;
	[tilespmem:$0x13100] =	vst v63  }
0x5b: {  	v19 =	vld [tilespmem:$0x60];
	_ =	sdelay $0x4  }
0x5c: {  	v20 =	vshll.u32 v19, $0x1  }
0x5d: {  	v19 =	vand.u32 $0x7, v19;
	v20 =	vand.u32 $0xFFFFFFF0, v20  }
0x5e: {  	v19 =	vor.u32 v19, v20  }
0x5f: {  	v20 =	vperm.xlane v19, v0;
	_ =	sdelay $0x1  }
0x60: {  	v19 =	vperm.xlane v19, v2;
	v20 =	vadd.s32 v1, v20;
	_ =	sdelay $0x1  }
0x61: {  	v19 =	vadd.s32 v1, v19;
	_ =	sdelay $0x1  }
0x62: {  	s23 =	simm.s32 $0x6100  }
0x63: {  	[tilespmem:s23], [sflag:$0x3] =	stream.indirect_vreg.gather [hbm4b:s2+s4], $0x80, v20, vm0, $0xb8;
	[tilespmem:$0x13100] =	vst v63  }
0x64: {  	s24 =	simm.s32 $0x6900  }
0x65: {  	[tilespmem:s24], [sflag:$0x3] =	stream.indirect_vreg.gather [hbm4b:s2+s4], $0x80, v19, vm0, $0xb8;
	[tilespmem:$0x13100] =	vst v63  }
0x66: {  	v19 =	vld [tilespmem:$0x70];
	_ =	sdelay $0x4  }
0x67: {  	v20 =	vshll.u32 v19, $0x1  }
0x68: {  	v19 =	vand.u32 $0x7, v19;
	v20 =	vand.u32 $0xFFFFFFF0, v20  }
0x69: {  	v19 =	vor.u32 v19, v20  }
0x6a: {  	v20 =	vperm.xlane v19, v0;
	_ =	sdelay $0x1  }
0x6b: {  	v19 =	vperm.xlane v19, v2;
	v20 =	vadd.s32 v1, v20;
	_ =	sdelay $0x1  }
0x6c: {  	v19 =	vadd.s32 v1, v19;
	_ =	sdelay $0x1  }
0x6d: {  	s25 =	simm.s32 $0x7100  }
0x6e: {  	[tilespmem:s25], [sflag:$0x3] =	stream.indirect_vreg.gather [hbm4b:s2+s4], $0x80, v20, vm0, $0xb8;
	[tilespmem:$0x13100] =	vst v63  }
0x6f: {  	s9 =	simm.s32 $0x0;
	s26 =	simm.s32 $0x7900  }
0x70: {  	[tilespmem:s26], [sflag:$0x3] =	stream.indirect_vreg.gather [hbm4b:s2+s4], $0x80, v19, vm0, $0xb8;
	[tilespmem:$0x13100] =	vst v63  }
.LBB2_2:
0x71: {  	s10 =	sshll.u32 s9, $0x8  }
0x72: {  	s12 =	sadd.s32 s5, s10  }
0x73: {  	s13 =	sor.u32 $0x80, s12  }
0x74: {  	s10 =	sshll.u32 s13, $0x1  }
0x75: {  	s16 =	simm.s32 $0x10900;
	s14 =	sadd.s32 s3, s10  }
0x76: {  	[tilespmem:s16], [sflag:$0x4] =	stream.linear.gather [hbm4b:s14+s4], $0x800, $0x38;
	[tilespmem:$0x13100] =	vst v63  }
0x77: {  	s20 =	simm.s32 $0x11900;
	s13 =	sshrl.u32 s13, $0x3;
	s19 =	sadd.s32 s7, s10  }
0x78: {  	[tilespmem:s20], [sflag:$0x4] =	stream.linear.gather [hbm4b:s19+s4], $0x800, $0x38;
	[tilespmem:$0x13100] =	vst v63  }
0x79: {  	s21 =	simm.s32 $0x80;
	s13 =	sadd.s32 s6, s13  }
0x7a: {  	[tilespmem:s21], [sflag:$0x2] =	stream.linear.gather [hbm4b:s13+s4], $0x80, $0x38;
	[tilespmem:$0x13100] =	vst v63  }
0x7b: {  	_ =	swait.ge [sflag:s11], $0x80  }
0x7c: {  	[sflag:s11] =	ssyncset.done $0x0  }
0x7d: {  	[sflag:s11] =	ssyncadd.s32 $0xFFFFFF80  }
0x7e: {  	v19 =	vld [tilespmem:$0x80];
	_ =	sdelay $0x4  }
0x7f: {  	v20 =	vshll.u32 v19, $0x1  }
0x80: {  	v19 =	vand.u32 $0x7, v19;
	v20 =	vand.u32 $0xFFFFFFF0, v20  }
0x81: {  	v19 =	vor.u32 v19, v20  }
0x82: {  	v20 =	vperm.xlane v19, v0;
	_ =	sdelay $0x1  }
0x83: {  	v19 =	vperm.xlane v19, v2;
	v20 =	vadd.s32 v1, v20;
	_ =	sdelay $0x1  }
0x84: {  	v19 =	vadd.s32 v1, v19;
	_ =	sdelay $0x1  }
0x85: {  	s22 =	simm.s32 $0x8100  }
0x86: {  	[tilespmem:s22], [sflag:$0x4] =	stream.indirect_vreg.gather [hbm4b:s2+s4], $0x80, v20, vm0, $0xb8;
	[tilespmem:$0x13100] =	vst v63  }
0x87: {  	s23 =	simm.s32 $0x8900  }
0x88: {  	[tilespmem:s23], [sflag:$0x4] =	stream.indirect_vreg.gather [hbm4b:s2+s4], $0x80, v19, vm0, $0xb8;
	[tilespmem:$0x13100] =	vst v63  }
0x89: {  	v19 =	vld [tilespmem:$0x90];
	_ =	sdelay $0x4  }
0x8a: {  	v20 =	vshll.u32 v19, $0x1  }
0x8b: {  	v19 =	vand.u32 $0x7, v19;
	v20 =	vand.u32 $0xFFFFFFF0, v20  }
0x8c: {  	v19 =	vor.u32 v19, v20  }
0x8d: {  	v20 =	vperm.xlane v19, v0;
	_ =	sdelay $0x1  }
0x8e: {  	v19 =	vperm.xlane v19, v2;
	v20 =	vadd.s32 v1, v20;
	_ =	sdelay $0x1  }
0x8f: {  	v19 =	vadd.s32 v1, v19;
	_ =	sdelay $0x1  }
0x90: {  	s24 =	simm.s32 $0x9100  }
0x91: {  	[tilespmem:s24], [sflag:$0x4] =	stream.indirect_vreg.gather [hbm4b:s2+s4], $0x80, v20, vm0, $0xb8;
	[tilespmem:$0x13100] =	vst v63  }
0x92: {  	s25 =	simm.s32 $0x9900  }
0x93: {  	[tilespmem:s25], [sflag:$0x4] =	stream.indirect_vreg.gather [hbm4b:s2+s4], $0x80, v19, vm0, $0xb8;
	[tilespmem:$0x13100] =	vst v63  }
0x94: {  	v19 =	vld [tilespmem:$0xA0];
	_ =	sdelay $0x4  }
0x95: {  	v20 =	vshll.u32 v19, $0x1  }
0x96: {  	v19 =	vand.u32 $0x7, v19;
	v20 =	vand.u32 $0xFFFFFFF0, v20  }
0x97: {  	v19 =	vor.u32 v19, v20  }
0x98: {  	v20 =	vperm.xlane v19, v0;
	_ =	sdelay $0x1  }
0x99: {  	v19 =	vperm.xlane v19, v2;
	v20 =	vadd.s32 v1, v20;
	_ =	sdelay $0x1  }
0x9a: {  	v19 =	vadd.s32 v1, v19;
	_ =	sdelay $0x1  }
0x9b: {  	s26 =	simm.s32 $0xA100  }
0x9c: {  	[tilespmem:s26], [sflag:$0x4] =	stream.indirect_vreg.gather [hbm4b:s2+s4], $0x80, v20, vm0, $0xb8;
	[tilespmem:$0x13100] =	vst v63  }
0x9d: {  	s14 =	simm.s32 $0xA900  }
0x9e: {  	[tilespmem:s14], [sflag:$0x4] =	stream.indirect_vreg.gather [hbm4b:s2+s4], $0x80, v19, vm0, $0xb8;
	[tilespmem:$0x13100] =	vst v63  }
0x9f: {  	v19 =	vld [tilespmem:$0xB0];
	_ =	sdelay $0x4  }
0xa0: {  	v20 =	vshll.u32 v19, $0x1  }
0xa1: {  	v19 =	vand.u32 $0x7, v19;
	v20 =	vand.u32 $0xFFFFFFF0, v20  }
0xa2: {  	v19 =	vor.u32 v19, v20  }
0xa3: {  	v20 =	vperm.xlane v19, v0;
	_ =	sdelay $0x1  }
0xa4: {  	v19 =	vperm.xlane v19, v2;
	v20 =	vadd.s32 v1, v20;
	_ =	sdelay $0x1  }
0xa5: {  	v19 =	vadd.s32 v1, v19;
	_ =	sdelay $0x1  }
0xa6: {  	s16 =	simm.s32 $0xB100  }
0xa7: {  	[tilespmem:s16], [sflag:$0x4] =	stream.indirect_vreg.gather [hbm4b:s2+s4], $0x80, v20, vm0, $0xb8;
	[tilespmem:$0x13100] =	vst v63  }
0xa8: {  	s17 =	simm.s32 $0xB900  }
0xa9: {  	[tilespmem:s17], [sflag:$0x4] =	stream.indirect_vreg.gather [hbm4b:s2+s4], $0x80, v19, vm0, $0xb8;
	[tilespmem:$0x13100] =	vst v63  }
0xaa: {  	v19 =	vld [tilespmem:$0xC0];
	_ =	sdelay $0x4  }
0xab: {  	v20 =	vshll.u32 v19, $0x1  }
0xac: {  	v19 =	vand.u32 $0x7, v19;
	v20 =	vand.u32 $0xFFFFFFF0, v20  }
0xad: {  	v19 =	vor.u32 v19, v20  }
0xae: {  	v20 =	vperm.xlane v19, v0;
	_ =	sdelay $0x1  }
0xaf: {  	v19 =	vperm.xlane v19, v2;
	v20 =	vadd.s32 v1, v20;
	_ =	sdelay $0x1  }
0xb0: {  	v19 =	vadd.s32 v1, v19;
	_ =	sdelay $0x1  }
0xb1: {  	s18 =	simm.s32 $0xC100  }
0xb2: {  	[tilespmem:s18], [sflag:$0x4] =	stream.indirect_vreg.gather [hbm4b:s2+s4], $0x80, v20, vm0, $0xb8;
	[tilespmem:$0x13100] =	vst v63  }
0xb3: {  	s19 =	simm.s32 $0xC900  }
0xb4: {  	[tilespmem:s19], [sflag:$0x4] =	stream.indirect_vreg.gather [hbm4b:s2+s4], $0x80, v19, vm0, $0xb8;
	[tilespmem:$0x13100] =	vst v63  }
0xb5: {  	v19 =	vld [tilespmem:$0xD0];
	_ =	sdelay $0x4  }
0xb6: {  	v20 =	vshll.u32 v19, $0x1  }
0xb7: {  	v19 =	vand.u32 $0x7, v19;
	v20 =	vand.u32 $0xFFFFFFF0, v20  }
0xb8: {  	v19 =	vor.u32 v19, v20  }
0xb9: {  	v20 =	vperm.xlane v19, v0;
	_ =	sdelay $0x1  }
0xba: {  	v19 =	vperm.xlane v19, v2;
	v20 =	vadd.s32 v1, v20;
	_ =	sdelay $0x1  }
0xbb: {  	v19 =	vadd.s32 v1, v19;
	_ =	sdelay $0x1  }
0xbc: {  	s20 =	simm.s32 $0xD100  }
0xbd: {  	[tilespmem:s20], [sflag:$0x4] =	stream.indirect_vreg.gather [hbm4b:s2+s4], $0x80, v20, vm0, $0xb8;
	[tilespmem:$0x13100] =	vst v63  }
0xbe: {  	s21 =	simm.s32 $0xD900  }
0xbf: {  	[tilespmem:s21], [sflag:$0x4] =	stream.indirect_vreg.gather [hbm4b:s2+s4], $0x80, v19, vm0, $0xb8;
	[tilespmem:$0x13100] =	vst v63  }
0xc0: {  	v19 =	vld [tilespmem:$0xE0];
	_ =	sdelay $0x4  }
0xc1: {  	v20 =	vshll.u32 v19, $0x1  }
0xc2: {  	v19 =	vand.u32 $0x7, v19;
	v20 =	vand.u32 $0xFFFFFFF0, v20  }
0xc3: {  	v19 =	vor.u32 v19, v20  }
0xc4: {  	v20 =	vperm.xlane v19, v0;
	_ =	sdelay $0x1  }
0xc5: {  	v19 =	vperm.xlane v19, v2;
	v20 =	vadd.s32 v1, v20;
	_ =	sdelay $0x1  }
0xc6: {  	v19 =	vadd.s32 v1, v19;
	_ =	sdelay $0x1  }
0xc7: {  	s22 =	simm.s32 $0xE100  }
0xc8: {  	[tilespmem:s22], [sflag:$0x4] =	stream.indirect_vreg.gather [hbm4b:s2+s4], $0x80, v20, vm0, $0xb8;
	[tilespmem:$0x13100] =	vst v63  }
0xc9: {  	s23 =	simm.s32 $0xE900  }
0xca: {  	[tilespmem:s23], [sflag:$0x4] =	stream.indirect_vreg.gather [hbm4b:s2+s4], $0x80, v19, vm0, $0xb8;
	[tilespmem:$0x13100] =	vst v63  }
0xcb: {  	v19 =	vld [tilespmem:$0xF0];
	_ =	sdelay $0x4  }
0xcc: {  	v20 =	vshll.u32 v19, $0x1  }
0xcd: {  	v19 =	vand.u32 $0x7, v19;
	v20 =	vand.u32 $0xFFFFFFF0, v20  }
0xce: {  	v19 =	vor.u32 v19, v20  }
0xcf: {  	v20 =	vperm.xlane v19, v0;
	_ =	sdelay $0x1  }
0xd0: {  	v19 =	vperm.xlane v19, v2;
	v20 =	vadd.s32 v1, v20;
	_ =	sdelay $0x1  }
0xd1: {  	v19 =	vadd.s32 v1, v19;
	_ =	sdelay $0x2  }
0xd2: {  	[tilespmem:s28], [sflag:$0x4] =	stream.indirect_vreg.gather [hbm4b:s2+s4], $0x80, v20, vm0, $0xb8;
	[tilespmem:$0x13100] =	vst v63  }
0xd3: {  	_ = 	snop  }
0xd4: {  	[tilespmem:s29], [sflag:$0x4] =	stream.indirect_vreg.gather [hbm4b:s2+s4], $0x80, v19, vm0, $0xb8;
	[tilespmem:$0x13100] =	vst v63  }
0xd5: {  	_ =	swait.ge [sflag:s30], $0x8000  }
0xd6: {  	[sflag:s30] =	ssyncset.done $0x0  }
0xd7: {  	[sflag:s30] =	ssyncadd.s32 $0xFFFF8000  }
0xd8: {  	_ =	swait.ge [sflag:s30], $0x800  }
0xd9: {  	[sflag:s30] =	ssyncset.done $0x0  }
0xda: {  	[sflag:s30] =	ssyncadd.s32 $0xFFFFF800  }
0xdb: {  	_ =	swait.ge [sflag:s30], $0x800  }
0xdc: {  	p0 =	seq.s32 s9, $0x0;
	[sflag:s30] =	ssyncset.done $0x0  }
0xdd: {  	s13 =	simm.s32 @!p0 $0x5;
	[sflag:s30] =	ssyncadd.s32 $0xFFFFF800  }
0xde: {  	s26 =	simm.s32 $0x0;
	_ =	swait.ge @!p0 [sflag:s13], $0x800  }
0xdf: {  	s24 =	simm.s32 $0x10;
	s16 =	sand.u32 $0x780, s26;
	[sflag:s13] =	ssyncset.done @!p0 $0x0  }
0xe0: {  	s17 =	simm.s32 $0x11100;
	[sflag:s13] =	ssyncadd.s32 @!p0 $0xFFFFF800;
	s13 =	sand.u32 $0x70, s24  }
0xe1: {  	s25 =	simm.s32 $0x0;
	v19 =	vld [tilespmem:s17+$0x0];
	s18 =	sor.u32 s16, s13  }
0xe2: {  	s14 =	sand.u32 $0x7800, s25;
	s19 =	simm.s32 $0x80;
	s16 =	simm.s32 $0x10100;
	v22 =	vld [tilespmem:s18+$0x10100]  }
0xe3: {  	s19 =	sand.u32 $0x380, s19;
	s17 =	sor.u32 $0x100, s14;
	v21 =	vld [tilespmem:s16+$0x0]  }
0xe4: {  	s20 =	simm.s32 $0x0;
	s14 =	sadd.s32 s19, s17;
	v23 =	vld [tilespmem:s18+$0x11100]  }
0xe5: {  	s13 =	sand.u32 $0x300, s20;
	v20 =	vld [tilespmem:s14+$0x0]  }
0xe6: {  	s13 =	sadd.s32 s13, s17;
	v24 =	vld [tilespmem:s14+$0x10]  }
0xe7: {  	v25 =	vld [tilespmem:s13+$0x0]  }
0xe8: {  	v26 =	vld [tilespmem:s14+$0x20]  }
0xe9: {  	v27 =	vld [tilespmem:s13+$0x10]  }
0xea: {  	v28 =	vld [tilespmem:s14+$0x30]  }
0xeb: {  	v30 =	vld [tilespmem:s13+$0x20];
	v29 =	vperm.xlane v22, v3  }
0xec: {  	v31 =	vld [tilespmem:s14+$0x40]  }
0xed: {  	v32 =	vld [tilespmem:s13+$0x30];
	v20 =	vmul.f32 v20, v29;
	v29 =	vperm.xlane v22, v4  }
0xee: {  	v35 =	vld [tilespmem:s14+$0x50];
	v33 =	vperm.xlane v21, v3;
	v34 =	vperm.xlane v22, v5  }
0xef: {  	v54 =	vld [tilespmem:s14+$0x60];
	v55 =	vperm.xlane v22, v7;
	v20 =	vadd.f32 v20, v23;
	v23 =	vmul.f32 v24, v29  }
0xf0: {  	v36 =	vld [tilespmem:s14+$0x70];
	v25 =	vmul.f32 v25, v33;
	v24 =	vperm.xlane v21, v4  }
0xf1: {  	v57 =	vld [tilespmem:s14+$0x410];
	v26 =	vmul.f32 v26, v34;
	v20 =	vadd.f32 v23, v20;
	v23 =	vperm.xlane v22, v6  }
0xf2: {  	v58 =	vld [tilespmem:s13+$0x400];
	v19 =	vadd.f32 v25, v19;
	v25 =	vperm.xlane v21, v5;
	v24 =	vmul.f32 v27, v24  }
0xf3: {  	v56 =	vperm.xlane v22, v9;
	v29 =	vld [tilespmem:s13+$0x40];
	v20 =	vadd.f32 v26, v20;
	v23 =	vmul.f32 v28, v23  }
0xf4: {  	v60 =	vld [tilespmem:s14+$0x430];
	v26 =	vperm.xlane v21, v6;
	v19 =	vadd.f32 v24, v19;
	v24 =	vmul.f32 v30, v25  }
0xf5: {  	v27 =	vld [tilespmem:s13+$0x50];
	v25 =	vmul.f32 v31, v55;
	v20 =	vadd.f32 v23, v20;
	v23 =	vperm.xlane v22, v8  }
0xf6: {  	v28 =	vld [tilespmem:s13+$0x60];
	v26 =	vmul.f32 v32, v26;
	v19 =	vadd.f32 v24, v19;
	v24 =	vperm.xlane v21, v7  }
0xf7: {  	v59 =	vperm.xlane v22, v11;
	v30 =	vld [tilespmem:s14+$0x400];
	v20 =	vadd.f32 v25, v20;
	v23 =	vmul.f32 v35, v23  }
0xf8: {  	v31 =	vld [tilespmem:s13+$0x70];
	v25 =	vperm.xlane v21, v8;
	v19 =	vadd.f32 v26, v19;
	v24 =	vmul.f32 v29, v24  }
0xf9: {  	v61 =	vld [tilespmem:s13+$0x420];
	v26 =	vmul.f32 v54, v56;
	v20 =	vadd.f32 v23, v20;
	v23 =	vperm.xlane v22, v10  }
0xfa: {  	v62 =	vld [tilespmem:s14+$0x450];
	v25 =	vmul.f32 v27, v25;
	v19 =	vadd.f32 v24, v19;
	v24 =	vperm.xlane v21, v9  }
0xfb: {  	v29 =	vld [tilespmem:s14+$0x420];
	v20 =	vadd.f32 v26, v20;
	v23 =	vmul.f32 v36, v23;
	v26 =	vperm.xlane v21, v10  }
0xfc: {  	v63 =	vld [tilespmem:s13+$0x440];
	v19 =	vadd.f32 v25, v19;
	v24 =	vmul.f32 v28, v24;
	v25 =	vmul.f32 v30, v59  }
0xfd: {  	v27 =	vld [tilespmem:s13+$0x410];
	v20 =	vadd.f32 v23, v20;
	v23 =	vperm.xlane v22, v12;
	v26 =	vmul.f32 v31, v26  }
0xfe: {  	v40 =	vld [tilespmem:s14+$0x470];
	v19 =	vadd.f32 v24, v19;
	v24 =	vperm.xlane v21, v11;
	v31 =	vperm.xlane v22, v13  }
0xff: {  	v28 =	vld [tilespmem:s14+$0x440];
	v20 =	vadd.f32 v25, v20;
	v23 =	vmul.f32 v57, v23;
	v25 =	vperm.xlane v21, v12  }
0x100: {  	v30 =	vld [tilespmem:s13+$0x430];
	v19 =	vadd.f32 v26, v19;
	v24 =	vmul.f32 v58, v24;
	v26 =	vmul.f32 v29, v31  }
0x101: {  	v41 =	vld [tilespmem:s13+$0x460];
	v31 =	vperm.xlane v22, v15;
	v20 =	vadd.f32 v23, v20;
	v23 =	vperm.xlane v22, v14  }
0x102: {  	s21 =	simm.s32 $0x30;
	s22 =	simm.s32 $0x11120;
	s23 =	simm.s32 $0x20;
	v29 =	vld [tilespmem:s14+$0x460];
	v25 =	vmul.f32 v27, v25;
	v19 =	vadd.f32 v24, v19;
	v24 =	vperm.xlane v21, v13  }
0x103: {  	s19 =	sand.u32 $0x780, s23;
	s16 =	sand.u32 $0x70, s21;
	s14 =	simm.s32 $0x200;
	v27 =	vld [tilespmem:s13+$0x450];
	v20 =	vadd.f32 v26, v20;
	v23 =	vmul.f32 v60, v23;
	v26 =	vperm.xlane v21, v14  }
0x104: {  	s24 =	sand.u32 $0x7800, s14;
	v19 =	vadd.f32 v25, v19;
	v24 =	vmul.f32 v61, v24;
	v25 =	vmul.f32 v28, v31;
	v28 =	vld [tilespmem:s13+$0x470];
	s13 =	sor.u32 s19, s16;
	s16 =	simm.s32 $0x180  }
0x105: {  	s17 =	sor.u32 $0x100, s24;
	s20 =	sand.u32 $0x380, s16;
	v20 =	vadd.f32 v23, v20;
	v23 =	vperm.xlane v22, v16;
	v26 =	vmul.f32 v30, v26;
	v30 =	vld [tilespmem:s22+$0x0]  }
0x106: {  	v42 =	vperm.xlane v22, v17;
	v31 =	vperm.xlane v21, v15;
	v24 =	vadd.f32 v24, v19;
	v19 =	vld [tilespmem:s13+$0x10100];
	s20 =	sadd.s32 s20, s17  }
0x107: {  	v22 =	vperm.xlane v22, v18;
	v44 =	vld [tilespmem:s20+$0x10];
	v25 =	vadd.f32 v25, v20;
	v23 =	vmul.f32 v62, v23  }
0x108: {  	s25 =	simm.s32 $0x10120;
	s26 =	simm.s32 $0x100;
	v43 =	vperm.xlane v21, v16;
	v24 =	vadd.f32 v26, v24;
	v26 =	vmul.f32 v63, v31;
	v31 =	vld [tilespmem:s20+$0x0]  }
0x109: {  	s19 =	sand.u32 $0x300, s26;
	v29 =	vmul.f32 v29, v42;
	v20 =	vld [tilespmem:s25+$0x0];
	v22 =	vmul.f32 v40, v22;
	v23 =	vadd.f32 v23, v25  }
0x10a: {  	s17 =	sadd.s32 s19, s17;
	v25 =	vmul.f32 v27, v43;
	v27 =	vld [tilespmem:s13+$0x11100];
	v24 =	vadd.f32 v26, v24;
	v26 =	vperm.xlane v21, v17  }
0x10b: {  	v21 =	vperm.xlane v21, v18;
	v45 =	vperm.xlane v19, v3;
	v23 =	vadd.f32 v29, v23;
	v29 =	vld [tilespmem:s17+$0x0]  }
0x10c: {  	v46 =	vperm.xlane v19, v4;
	v24 =	vadd.f32 v25, v24;
	v25 =	vmul.f32 v41, v26;
	v26 =	vld [tilespmem:s20+$0x20]  }
0x10d: {  	v21 =	vmul.f32 v28, v21;
	v28 =	vld [tilespmem:s17+$0x10];
	v31 =	vmul.f32 v31, v45  }
0x10e: {  	v23 =	vadd.f32 v22, v23;
	v22 =	vadd.f32 v25, v24;
	v24 =	vperm.xlane v20, v3;
	v25 =	vld [tilespmem:s20+$0x30]  }
0x10f: {  	v47 =	vperm.xlane v19, v5;
	v32 =	vmul.f32 v44, v46;
	v27 =	vadd.f32 v31, v27;
	v31 =	vld [tilespmem:s17+$0x20]  }
0x110: {  	v21 =	vadd.f32 v21, v22;
	v22 =	vmul.f32 v29, v24;
	v24 =	vperm.xlane v20, v4;
	v29 =	vld [tilespmem:s20+$0x40]  }
0x111: {  	v48 =	vld [tilespmem:s17+$0x30];
	v49 =	vperm.xlane v19, v6;
	v27 =	vadd.f32 v32, v27;
	v26 =	vmul.f32 v26, v47  }
0x112: {  	v22 =	vadd.f32 v22, v30;
	v24 =	vmul.f32 v28, v24;
	v28 =	vperm.xlane v20, v5;
	v30 =	vld [tilespmem:s20+$0x50]  }
0x113: {  	v50 =	vperm.xlane v19, v7;
	v26 =	vadd.f32 v26, v27;
	v27 =	vld [tilespmem:s17+$0x40];
	v25 =	vmul.f32 v25, v49  }
0x114: {  	v22 =	vadd.f32 v24, v22;
	v24 =	vmul.f32 v31, v28;
	v28 =	vperm.xlane v20, v6;
	v31 =	vld [tilespmem:s20+$0x60]  }
0x115: {  	v51 =	vperm.xlane v19, v8;
	v25 =	vadd.f32 v25, v26;
	v26 =	vld [tilespmem:s17+$0x50];
	v29 =	vmul.f32 v29, v50  }
0x116: {  	v52 =	vld [tilespmem:s20+$0x70];
	v22 =	vadd.f32 v24, v22;
	v24 =	vmul.f32 v48, v28;
	v28 =	vperm.xlane v20, v7  }
0x117: {  	v53 =	vperm.xlane v19, v9;
	v25 =	vadd.f32 v29, v25;
	v29 =	vld [tilespmem:s17+$0x60];
	v30 =	vmul.f32 v30, v51  }
0x118: {  	v22 =	vadd.f32 v24, v22;
	v24 =	vmul.f32 v27, v28;
	v27 =	vperm.xlane v20, v8;
	v28 =	vld [tilespmem:s20+$0x400]  }
0x119: {  	v54 =	vperm.xlane v19, v10;
	v25 =	vadd.f32 v30, v25;
	v30 =	vld [tilespmem:s17+$0x70];
	v31 =	vmul.f32 v31, v53  }
0x11a: {  	v22 =	vadd.f32 v24, v22;
	v24 =	vmul.f32 v26, v27;
	v26 =	vperm.xlane v20, v9;
	v27 =	vld [tilespmem:s20+$0x410]  }
0x11b: {  	v55 =	vperm.xlane v19, v11;
	v32 =	vmul.f32 v52, v54;
	v25 =	vadd.f32 v31, v25;
	v31 =	vld [tilespmem:s17+$0x400]  }
0x11c: {  	v22 =	vadd.f32 v24, v22;
	v24 =	vmul.f32 v29, v26;
	v26 =	vperm.xlane v20, v10;
	v29 =	vld [tilespmem:s20+$0x420]  }
0x11d: {  	v56 =	vld [tilespmem:s17+$0x410];
	v57 =	vperm.xlane v19, v12;
	v25 =	vadd.f32 v32, v25;
	v28 =	vmul.f32 v28, v55  }
0x11e: {  	v22 =	vadd.f32 v24, v22;
	v24 =	vmul.f32 v30, v26;
	v26 =	vperm.xlane v20, v11;
	v30 =	vld [tilespmem:s20+$0x430]  }
0x11f: {  	v58 =	vperm.xlane v19, v13;
	v25 =	vadd.f32 v28, v25;
	v28 =	vld [tilespmem:s17+$0x420];
	v27 =	vmul.f32 v27, v57  }
0x120: {  	v22 =	vadd.f32 v24, v22;
	v24 =	vmul.f32 v31, v26;
	v26 =	vperm.xlane v20, v12;
	v31 =	vld [tilespmem:s20+$0x440]  }
0x121: {  	v59 =	vld [tilespmem:s17+$0x430];
	v60 =	vperm.xlane v19, v14;
	v27 =	vadd.f32 v27, v25;
	v29 =	vmul.f32 v29, v58  }
0x122: {  	v61 =	vperm.xlane v20, v13;
	v25 =	vld [tilespmem:s20+$0x450];
	v22 =	vadd.f32 v24, v22;
	v26 =	vmul.f32 v56, v26  }
0x123: {  	v24 =	vld [tilespmem:s17+$0x440];
	v27 =	vadd.f32 v29, v27;
	v29 =	vmul.f32 v30, v60;
	v30 =	vperm.xlane v19, v15  }
0x124: {  	v63 =	vperm.xlane v20, v14;
	v62 =	vadd.f32 v26, v22;
	v32 =	vmul.f32 v28, v61;
	v22 =	vld [tilespmem:s20+$0x460]  }
0x125: {  	s21 =	simm.s32 $0x10140;
	[tilespmem:s18+$0x12100] =	vst v23;
	s18 =	simm.s32 $0x12100;
	v23 =	vld [tilespmem:s17+$0x450];
	v28 =	vperm.xlane v19, v16;
	v26 =	vadd.f32 v29, v27;
	v27 =	vmul.f32 v31, v30  }
0x126: {  	s19 =	simm.s32 $0x2;
	s22 =	simm.s32 $0x11140;
	[tilespmem:s18+$0x0] =	vst v21;
	v21 =	vld [tilespmem:s20+$0x470];
	s20 =	simm.s32 $0x50;
	v30 =	vmul.f32 v59, v63;
	v31 =	vperm.xlane v20, v15;
	v29 =	vadd.f32 v32, v62  }
.LBB2_3:
0x127: {  	s23 =	sadd.s32 $0xFFFFFFF0, s20;
	s19 =	sadd.s32 $0x2, s19;
	v32 =	vld [tilespmem:s17+$0x460];
	v26 =	vadd.f32 v27, v26;
	v25 =	vmul.f32 v25, v28;
	v27 =	vperm.xlane v19, v17;
	s14 =	sadd.s32 $0x200, s14  }
0x128: {  	s24 =	sand.u32 $0x70, s20;
	s23 =	sand.u32 $0x780, s23;
	p1 =	slt.u32 s19, $0x7E;
	v28 =	vadd.f32 v30, v29;
	v24 =	vmul.f32 v24, v31;
	v29 =	vperm.xlane v20, v16;
	v30 =	vld [tilespmem:s17+$0x470]  }
0x129: {  	s16 =	sadd.s32 $0x100, s16;
	s17 =	sand.u32 $0x7800, s14;
	v31 =	vld [tilespmem:s22+$0x0];
	s24 =	sor.u32 s23, s24;
	v25 =	vadd.f32 v25, v26;
	v22 =	vmul.f32 v22, v27;
	v26 =	vperm.xlane v19, v18  }
0x12a: {  	s25 =	sand.u32 $0x380, s16;
	s23 =	sadd.s32 $0xFFFFFF80, s16;
	s17 =	sor.u32 $0x100, s17;
	v27 =	vperm.xlane v20, v17;
	v19 =	vld [tilespmem:s24+$0x10100];
	v24 =	vadd.f32 v24, v28;
	v23 =	vmul.f32 v23, v29  }
0x12b: {  	s26 =	sand.u32 $0x300, s23;
	s23 =	sadd.s32 s25, s17;
	v28 =	vperm.xlane v20, v18;
	v20 =	vld [tilespmem:s21+$0x0];
	v22 =	vadd.f32 v22, v25;
	v21 =	vmul.f32 v21, v26  }
0x12c: {  	s17 =	sadd.s32 s26, s17;
	v25 =	vld [tilespmem:s23+$0x0];
	v23 =	vadd.f32 v23, v24;
	v24 =	vmul.f32 v32, v27  }
0x12d: {  	v26 =	vld [tilespmem:s24+$0x11100];
	v27 =	vmul.f32 v30, v28;
	v21 =	vadd.f32 v21, v22  }
0x12e: {  	v22 =	vld [tilespmem:s23+$0x10];
	v23 =	vadd.f32 v24, v23  }
0x12f: {  	v24 =	vld [tilespmem:s17+$0x0];
	v28 =	vperm.xlane v19, v3;
	[tilespmem:s13+$0x12100] =	vst v21;
	s13 =	smov.u32 s24  }
0x130: {  	v21 =	vld [tilespmem:s23+$0x20];
	v23 =	vadd.f32 v27, v23  }
0x131: {  	s18 =	sadd.s32 $0x20, s18;
	v27 =	vld [tilespmem:s17+$0x10];
	v25 =	vmul.f32 v25, v28;
	v28 =	vperm.xlane v19, v4  }
0x132: {  	v29 =	vperm.xlane v20, v3;
	v30 =	vld [tilespmem:s23+$0x30];
	[tilespmem:s18+$0x0] =	vst v23  }
0x133: {  	v23 =	vld [tilespmem:s17+$0x20];
	v25 =	vadd.f32 v25, v26;
	v22 =	vmul.f32 v22, v28;
	v26 =	vperm.xlane v19, v5  }
0x134: {  	v28 =	vperm.xlane v20, v4;
	v24 =	vmul.f32 v24, v29;
	v29 =	vld [tilespmem:s23+$0x40]  }
0x135: {  	v32 =	vld [tilespmem:s17+$0x30];
	v22 =	vadd.f32 v22, v25;
	v21 =	vmul.f32 v21, v26;
	v25 =	vperm.xlane v19, v6  }
0x136: {  	v24 =	vadd.f32 v24, v31;
	v26 =	vmul.f32 v27, v28;
	v27 =	vperm.xlane v20, v5;
	v28 =	vld [tilespmem:s23+$0x50]  }
0x137: {  	v31 =	vld [tilespmem:s17+$0x40];
	v21 =	vadd.f32 v21, v22;
	v22 =	vmul.f32 v30, v25;
	v25 =	vperm.xlane v19, v7  }
0x138: {  	v24 =	vadd.f32 v26, v24;
	v23 =	vmul.f32 v23, v27;
	v26 =	vperm.xlane v20, v6;
	v27 =	vld [tilespmem:s23+$0x60]  }
0x139: {  	v30 =	vld [tilespmem:s17+$0x50];
	v21 =	vadd.f32 v22, v21;
	v22 =	vmul.f32 v29, v25;
	v25 =	vperm.xlane v19, v8  }
0x13a: {  	v23 =	vadd.f32 v23, v24;
	v24 =	vmul.f32 v32, v26;
	v26 =	vperm.xlane v20, v7;
	v29 =	vld [tilespmem:s23+$0x70]  }
0x13b: {  	v32 =	vld [tilespmem:s17+$0x60];
	v21 =	vadd.f32 v22, v21;
	v22 =	vmul.f32 v28, v25;
	v25 =	vperm.xlane v19, v9  }
0x13c: {  	v23 =	vadd.f32 v24, v23;
	v24 =	vmul.f32 v31, v26;
	v26 =	vperm.xlane v20, v8;
	v28 =	vld [tilespmem:s23+$0x400]  }
0x13d: {  	v31 =	vld [tilespmem:s17+$0x70];
	v21 =	vadd.f32 v22, v21;
	v22 =	vmul.f32 v27, v25;
	v25 =	vperm.xlane v19, v10  }
0x13e: {  	v23 =	vadd.f32 v24, v23;
	v24 =	vmul.f32 v30, v26;
	v26 =	vperm.xlane v20, v9;
	v27 =	vld [tilespmem:s23+$0x410]  }
0x13f: {  	v30 =	vld [tilespmem:s17+$0x400];
	v21 =	vadd.f32 v22, v21;
	v22 =	vmul.f32 v29, v25;
	v25 =	vperm.xlane v19, v11  }
0x140: {  	v23 =	vadd.f32 v24, v23;
	v24 =	vmul.f32 v32, v26;
	v26 =	vperm.xlane v20, v10;
	v29 =	vld [tilespmem:s23+$0x420]  }
0x141: {  	v32 =	vld [tilespmem:s17+$0x410];
	v21 =	vadd.f32 v22, v21;
	v22 =	vmul.f32 v28, v25;
	v25 =	vperm.xlane v19, v12  }
0x142: {  	v23 =	vadd.f32 v24, v23;
	v24 =	vmul.f32 v31, v26;
	v26 =	vperm.xlane v20, v11;
	v28 =	vld [tilespmem:s23+$0x430]  }
0x143: {  	v31 =	vld [tilespmem:s17+$0x420];
	v21 =	vadd.f32 v22, v21;
	v22 =	vmul.f32 v27, v25;
	v25 =	vperm.xlane v19, v13  }
0x144: {  	v23 =	vadd.f32 v24, v23;
	v24 =	vmul.f32 v30, v26;
	v26 =	vperm.xlane v20, v12;
	v27 =	vld [tilespmem:s23+$0x440]  }
0x145: {  	v30 =	vld [tilespmem:s17+$0x430];
	v21 =	vadd.f32 v22, v21;
	v22 =	vmul.f32 v29, v25;
	v29 =	vperm.xlane v19, v14  }
.Ltmp0:
0x146: {  	v23 =	vadd.f32 v24, v23;
	v26 =	vmul.f32 v32, v26;
	v32 =	vperm.xlane v20, v13;
	v25 =	vld [tilespmem:s23+$0x450];
	(pc) =	sbr.rel @p1 .LBB2_3-.Ltmp0, $4  }
0x147: {  	v24 =	vld [tilespmem:s17+$0x440];
	v21 =	vadd.f32 v22, v21;
	v28 =	vmul.f32 v28, v29;
	v29 =	vperm.xlane v19, v15  }
0x148: {  	v33 =	vadd.f32 v26, v23;
	v31 =	vmul.f32 v31, v32;
	v32 =	vperm.xlane v20, v14;
	v22 =	vld [tilespmem:s23+$0x460]  }
0x149: {  	v23 =	vld [tilespmem:s17+$0x450];
	v26 =	vadd.f32 v28, v21;
	v27 =	vmul.f32 v27, v29;
	v28 =	vperm.xlane v19, v16  }
0x14a: {  	s20 =	sadd.s32 $0x20, s20;
	s22 =	sadd.s32 $0x20, s22;
	s21 =	sadd.s32 $0x20, s21;
	v29 =	vadd.f32 v31, v33;
	v30 =	vmul.f32 v30, v32;
	v31 =	vperm.xlane v20, v15;
	v21 =	vld [tilespmem:s23+$0x470]  }
0x14b: {  	v32 =	vld [tilespmem:s17+$0x460]  }
0x14c: {  	v58 =	vperm.xlane v20, v16;
	v29 =	vadd.f32 v30, v29;
	v24 =	vmul.f32 v24, v31  }
0x14d: {  	v26 =	vadd.f32 v27, v26;
	v25 =	vmul.f32 v25, v28;
	v59 =	vperm.xlane v19, v17;
	v60 =	vld [tilespmem:s17+$0x470]  }
0x14e: {  	v61 =	vperm.xlane v20, v17;
	v24 =	vadd.f32 v24, v29;
	v23 =	vmul.f32 v23, v58  }
0x14f: {  	v19 =	vperm.xlane v19, v18;
	v25 =	vadd.f32 v25, v26;
	v22 =	vmul.f32 v22, v59  }
0x150: {  	v20 =	vperm.xlane v20, v18;
	v23 =	vadd.f32 v23, v24;
	v62 =	vmul.f32 v32, v61  }
0x151: {  	v22 =	vadd.f32 v22, v25;
	v19 =	vmul.f32 v21, v19  }
0x152: {  	p1 =	seq.s32 s9, $0x18;
	v20 =	vmul.f32 v60, v20;
	v63 =	vadd.f32 v62, v23  }
.Ltmp1:
0x153: {  	v19 =	vadd.f32 v19, v22;
	(pc) =	sbr.rel @p1 .LBB2_6-.Ltmp1, $4  }
0x154: {  	v20 =	vadd.f32 v20, v63  }
0x155: {  	s25 =	sadd.s32 $0x20, s18;
	s14 =	sshll.u32 s12, $0x1;
	[tilespmem:s13+$0x12100] =	vst v19  }
0x156: {  	s26 =	sadd.s32 s8, s14;
	[tilespmem:s25+$0x0] =	vst v20  }
0x157: {  	[hbm4b:s26+s4] =	stream.linear.scatter [tilespmem:s31], [sflag:$0x5], $0x800, $0x38;
	[tilespmem:$0x13100] =	vst v63  }
0x158: {  	s12 =	sadd.s32 $0x100, s12  }
0x159: {  	s13 =	sshll.u32 s12, $0x1  }
0x15a: {  	s16 =	simm.s32 $0x10100;
	s14 =	sadd.s32 s3, s13  }
0x15b: {  	[tilespmem:s16], [sflag:$0x3] =	stream.linear.gather [hbm4b:s14+s4], $0x800, $0x38;
	[tilespmem:$0x13100] =	vst v63  }
0x15c: {  	s23 =	simm.s32 $0x11100;
	s12 =	sshrl.u32 s12, $0x3;
	s13 =	sadd.s32 s7, s13  }
0x15d: {  	[tilespmem:s23], [sflag:$0x3] =	stream.linear.gather [hbm4b:s13+s4], $0x800, $0x38;
	[tilespmem:$0x13100] =	vst v63  }
0x15e: {  	s12 =	sadd.s32 s6, s12  }
0x15f: {  	[tilespmem:s4], [sflag:$0x1] =	stream.linear.gather [hbm4b:s12+s4], $0x80, $0x38;
	[tilespmem:$0x13100] =	vst v63  }
0x160: {  	_ =	swait.ge [sflag:s15], $0x80  }
0x161: {  	[sflag:s15] =	ssyncset.done $0x0  }
0x162: {  	[sflag:s15] =	ssyncadd.s32 $0xFFFFFF80  }
0x163: {  	v19 =	vld [tilespmem:$0x0];
	_ =	sdelay $0x4  }
0x164: {  	v20 =	vshll.u32 v19, $0x1  }
0x165: {  	v19 =	vand.u32 $0x7, v19;
	v20 =	vand.u32 $0xFFFFFFF0, v20  }
0x166: {  	v19 =	vor.u32 v19, v20  }
0x167: {  	v20 =	vperm.xlane v19, v0;
	_ =	sdelay $0x1  }
0x168: {  	v19 =	vperm.xlane v19, v2;
	v20 =	vadd.s32 v1, v20;
	_ =	sdelay $0x1  }
0x169: {  	v19 =	vadd.s32 v1, v19;
	_ =	sdelay $0x1  }
0x16a: {  	s24 =	simm.s32 $0x100  }
0x16b: {  	[tilespmem:s24], [sflag:$0x3] =	stream.indirect_vreg.gather [hbm4b:s2+s4], $0x80, v20, vm0, $0xb8;
	[tilespmem:$0x13100] =	vst v63  }
0x16c: {  	s25 =	simm.s32 $0x900  }
0x16d: {  	[tilespmem:s25], [sflag:$0x3] =	stream.indirect_vreg.gather [hbm4b:s2+s4], $0x80, v19, vm0, $0xb8;
	[tilespmem:$0x13100] =	vst v63  }
0x16e: {  	v19 =	vld [tilespmem:$0x10];
	_ =	sdelay $0x4  }
0x16f: {  	v20 =	vshll.u32 v19, $0x1  }
0x170: {  	v19 =	vand.u32 $0x7, v19;
	v20 =	vand.u32 $0xFFFFFFF0, v20  }
0x171: {  	v19 =	vor.u32 v19, v20  }
0x172: {  	v20 =	vperm.xlane v19, v0;
	_ =	sdelay $0x1  }
0x173: {  	v19 =	vperm.xlane v19, v2;
	v20 =	vadd.s32 v1, v20;
	_ =	sdelay $0x1  }
0x174: {  	v19 =	vadd.s32 v1, v19;
	_ =	sdelay $0x1  }
0x175: {  	s26 =	simm.s32 $0x1100  }
0x176: {  	[tilespmem:s26], [sflag:$0x3] =	stream.indirect_vreg.gather [hbm4b:s2+s4], $0x80, v20, vm0, $0xb8;
	[tilespmem:$0x13100] =	vst v63  }
0x177: {  	s13 =	simm.s32 $0x1900  }
0x178: {  	[tilespmem:s13], [sflag:$0x3] =	stream.indirect_vreg.gather [hbm4b:s2+s4], $0x80, v19, vm0, $0xb8;
	[tilespmem:$0x13100] =	vst v63  }
0x179: {  	v19 =	vld [tilespmem:$0x20];
	_ =	sdelay $0x4  }
0x17a: {  	v20 =	vshll.u32 v19, $0x1  }
0x17b: {  	v19 =	vand.u32 $0x7, v19;
	v20 =	vand.u32 $0xFFFFFFF0, v20  }
0x17c: {  	v19 =	vor.u32 v19, v20  }
0x17d: {  	v20 =	vperm.xlane v19, v0;
	_ =	sdelay $0x1  }
0x17e: {  	v19 =	vperm.xlane v19, v2;
	v20 =	vadd.s32 v1, v20;
	_ =	sdelay $0x1  }
0x17f: {  	v19 =	vadd.s32 v1, v19;
	_ =	sdelay $0x1  }
0x180: {  	s14 =	simm.s32 $0x2100  }
0x181: {  	[tilespmem:s14], [sflag:$0x3] =	stream.indirect_vreg.gather [hbm4b:s2+s4], $0x80, v20, vm0, $0xb8;
	[tilespmem:$0x13100] =	vst v63  }
0x182: {  	s16 =	simm.s32 $0x2900  }
0x183: {  	[tilespmem:s16], [sflag:$0x3] =	stream.indirect_vreg.gather [hbm4b:s2+s4], $0x80, v19, vm0, $0xb8;
	[tilespmem:$0x13100] =	vst v63  }
0x184: {  	v19 =	vld [tilespmem:$0x30];
	_ =	sdelay $0x4  }
0x185: {  	v20 =	vshll.u32 v19, $0x1  }
0x186: {  	v19 =	vand.u32 $0x7, v19;
	v20 =	vand.u32 $0xFFFFFFF0, v20  }
0x187: {  	v19 =	vor.u32 v19, v20  }
0x188: {  	v20 =	vperm.xlane v19, v0;
	_ =	sdelay $0x1  }
0x189: {  	v19 =	vperm.xlane v19, v2;
	v20 =	vadd.s32 v1, v20;
	_ =	sdelay $0x1  }
0x18a: {  	v19 =	vadd.s32 v1, v19;
	_ =	sdelay $0x1  }
0x18b: {  	s17 =	simm.s32 $0x3100  }
0x18c: {  	[tilespmem:s17], [sflag:$0x3] =	stream.indirect_vreg.gather [hbm4b:s2+s4], $0x80, v20, vm0, $0xb8;
	[tilespmem:$0x13100] =	vst v63  }
0x18d: {  	s18 =	simm.s32 $0x3900  }
0x18e: {  	[tilespmem:s18], [sflag:$0x3] =	stream.indirect_vreg.gather [hbm4b:s2+s4], $0x80, v19, vm0, $0xb8;
	[tilespmem:$0x13100] =	vst v63  }
0x18f: {  	v19 =	vld [tilespmem:$0x40];
	_ =	sdelay $0x4  }
0x190: {  	v20 =	vshll.u32 v19, $0x1  }
0x191: {  	v19 =	vand.u32 $0x7, v19;
	v20 =	vand.u32 $0xFFFFFFF0, v20  }
0x192: {  	v19 =	vor.u32 v19, v20  }
0x193: {  	v20 =	vperm.xlane v19, v0;
	_ =	sdelay $0x1  }
0x194: {  	v19 =	vperm.xlane v19, v2;
	v20 =	vadd.s32 v1, v20;
	_ =	sdelay $0x1  }
0x195: {  	v19 =	vadd.s32 v1, v19;
	_ =	sdelay $0x1  }
0x196: {  	s19 =	simm.s32 $0x4100  }
0x197: {  	[tilespmem:s19], [sflag:$0x3] =	stream.indirect_vreg.gather [hbm4b:s2+s4], $0x80, v20, vm0, $0xb8;
	[tilespmem:$0x13100] =	vst v63  }
0x198: {  	s20 =	simm.s32 $0x4900  }
0x199: {  	[tilespmem:s20], [sflag:$0x3] =	stream.indirect_vreg.gather [hbm4b:s2+s4], $0x80, v19, vm0, $0xb8;
	[tilespmem:$0x13100] =	vst v63  }
0x19a: {  	v19 =	vld [tilespmem:$0x50];
	_ =	sdelay $0x4  }
0x19b: {  	v20 =	vshll.u32 v19, $0x1  }
0x19c: {  	v19 =	vand.u32 $0x7, v19;
	v20 =	vand.u32 $0xFFFFFFF0, v20  }
0x19d: {  	v19 =	vor.u32 v19, v20  }
0x19e: {  	v20 =	vperm.xlane v19, v0;
	_ =	sdelay $0x1  }
0x19f: {  	v19 =	vperm.xlane v19, v2;
	v20 =	vadd.s32 v1, v20;
	_ =	sdelay $0x1  }
0x1a0: {  	v19 =	vadd.s32 v1, v19;
	_ =	sdelay $0x1  }
0x1a1: {  	s21 =	simm.s32 $0x5100  }
0x1a2: {  	[tilespmem:s21], [sflag:$0x3] =	stream.indirect_vreg.gather [hbm4b:s2+s4], $0x80, v20, vm0, $0xb8;
	[tilespmem:$0x13100] =	vst v63  }
0x1a3: {  	s22 =	simm.s32 $0x5900  }
0x1a4: {  	[tilespmem:s22], [sflag:$0x3] =	stream.indirect_vreg.gather [hbm4b:s2+s4], $0x80, v19, vm0, $0xb8;
	[tilespmem:$0x13100] =	vst v63  }
0x1a5: {  	v19 =	vld [tilespmem:$0x60];
	_ =	sdelay $0x4  }
0x1a6: {  	v20 =	vshll.u32 v19, $0x1  }
0x1a7: {  	v19 =	vand.u32 $0x7, v19;
	v20 =	vand.u32 $0xFFFFFFF0, v20  }
0x1a8: {  	v19 =	vor.u32 v19, v20  }
0x1a9: {  	v20 =	vperm.xlane v19, v0;
	_ =	sdelay $0x1  }
0x1aa: {  	v19 =	vperm.xlane v19, v2;
	v20 =	vadd.s32 v1, v20;
	_ =	sdelay $0x1  }
0x1ab: {  	v19 =	vadd.s32 v1, v19;
	_ =	sdelay $0x1  }
0x1ac: {  	s23 =	simm.s32 $0x6100  }
0x1ad: {  	[tilespmem:s23], [sflag:$0x3] =	stream.indirect_vreg.gather [hbm4b:s2+s4], $0x80, v20, vm0, $0xb8;
	[tilespmem:$0x13100] =	vst v63  }
0x1ae: {  	s24 =	simm.s32 $0x6900  }
0x1af: {  	[tilespmem:s24], [sflag:$0x3] =	stream.indirect_vreg.gather [hbm4b:s2+s4], $0x80, v19, vm0, $0xb8;
	[tilespmem:$0x13100] =	vst v63  }
0x1b0: {  	v19 =	vld [tilespmem:$0x70];
	_ =	sdelay $0x4  }
0x1b1: {  	v20 =	vshll.u32 v19, $0x1  }
0x1b2: {  	v19 =	vand.u32 $0x7, v19;
	v20 =	vand.u32 $0xFFFFFFF0, v20  }
0x1b3: {  	v19 =	vor.u32 v19, v20  }
0x1b4: {  	v20 =	vperm.xlane v19, v0;
	_ =	sdelay $0x1  }
0x1b5: {  	v19 =	vperm.xlane v19, v2;
	v20 =	vadd.s32 v1, v20;
	_ =	sdelay $0x1  }
0x1b6: {  	v19 =	vadd.s32 v1, v19;
	_ =	sdelay $0x1  }
0x1b7: {  	s25 =	simm.s32 $0x7100  }
0x1b8: {  	[tilespmem:s25], [sflag:$0x3] =	stream.indirect_vreg.gather [hbm4b:s2+s4], $0x80, v20, vm0, $0xb8;
	[tilespmem:$0x13100] =	vst v63  }
0x1b9: {  	s26 =	simm.s32 $0x7900  }
0x1ba: {  	[tilespmem:s26], [sflag:$0x3] =	stream.indirect_vreg.gather [hbm4b:s2+s4], $0x80, v19, vm0, $0xb8;
	[tilespmem:$0x13100] =	vst v63  }
.LBB2_6:
0x1bb: {  	_ =	swait.ge [sflag:s0], $0x8000  }
0x1bc: {  	[sflag:s0] =	ssyncset.done $0x0  }
0x1bd: {  	[sflag:s0] =	ssyncadd.s32 $0xFFFF8000  }
0x1be: {  	_ =	swait.ge [sflag:s0], $0x800  }
0x1bf: {  	[sflag:s0] =	ssyncset.done $0x0  }
0x1c0: {  	[sflag:s0] =	ssyncadd.s32 $0xFFFFF800  }
0x1c1: {  	_ =	swait.ge [sflag:s0], $0x800  }
0x1c2: {  	[sflag:s0] =	ssyncset.done $0x0  }
0x1c3: {  	s12 =	simm.s32 @!p0 $0x6;
	[sflag:s0] =	ssyncadd.s32 $0xFFFFF800  }
0x1c4: {  	s26 =	simm.s32 $0x10;
	_ =	swait.ge @!p0 [sflag:s12], $0x800  }
0x1c5: {  	s14 =	simm.s32 $0x0;
	s16 =	simm.s32 $0x11900;
	[sflag:s12] =	ssyncset.done @!p0 $0x0  }
0x1c6: {  	s14 =	sand.u32 $0x780, s14;
	[sflag:s12] =	ssyncadd.s32 @!p0 $0xFFFFF800;
	s12 =	sand.u32 $0x70, s26  }
0x1c7: {  	s13 =	simm.s32 $0x0;
	v19 =	vld [tilespmem:s16+$0x0];
	s17 =	sor.u32 s12, s14  }
0x1c8: {  	s18 =	simm.s32 $0x80;
	s13 =	sand.u32 $0x7800, s13;
	s14 =	simm.s32 $0x10900;
	v22 =	vld [tilespmem:s17+$0x10900]  }
0x1c9: {  	s19 =	sand.u32 $0x380, s18;
	s16 =	sor.u32 $0x100, s13;
	v21 =	vld [tilespmem:s14+$0x0]  }
0x1ca: {  	s20 =	simm.s32 $0x0;
	s13 =	sadd.s32 s19, s16;
	v23 =	vld [tilespmem:s17+$0x11900]  }
0x1cb: {  	s12 =	sand.u32 $0x300, s20;
	v20 =	vld [tilespmem:s13+$0x8000]  }
0x1cc: {  	s12 =	sadd.s32 s12, s16;
	v24 =	vld [tilespmem:s13+$0x8010]  }
0x1cd: {  	v25 =	vld [tilespmem:s12+$0x8000]  }
0x1ce: {  	v26 =	vld [tilespmem:s13+$0x8020]  }
0x1cf: {  	v27 =	vld [tilespmem:s12+$0x8010]  }
0x1d0: {  	v28 =	vld [tilespmem:s13+$0x8030]  }
0x1d1: {  	v30 =	vld [tilespmem:s12+$0x8020];
	v29 =	vperm.xlane v22, v3  }
0x1d2: {  	v31 =	vld [tilespmem:s13+$0x8040]  }
0x1d3: {  	v32 =	vld [tilespmem:s12+$0x8030];
	v20 =	vmul.f32 v20, v29;
	v29 =	vperm.xlane v22, v4  }
0x1d4: {  	v35 =	vld [tilespmem:s13+$0x8050];
	v33 =	vperm.xlane v21, v3;
	v34 =	vperm.xlane v22, v5  }
0x1d5: {  	v58 =	vld [tilespmem:s13+$0x8060];
	v59 =	vperm.xlane v22, v7;
	v20 =	vadd.f32 v20, v23;
	v23 =	vmul.f32 v24, v29  }
0x1d6: {  	v36 =	vld [tilespmem:s13+$0x8070];
	v25 =	vmul.f32 v25, v33;
	v24 =	vperm.xlane v21, v4  }
0x1d7: {  	v61 =	vld [tilespmem:s13+$0x8410];
	v26 =	vmul.f32 v26, v34;
	v20 =	vadd.f32 v23, v20;
	v23 =	vperm.xlane v22, v6  }
0x1d8: {  	v62 =	vld [tilespmem:s12+$0x8400];
	v19 =	vadd.f32 v25, v19;
	v25 =	vperm.xlane v21, v5;
	v24 =	vmul.f32 v27, v24  }
0x1d9: {  	v60 =	vperm.xlane v22, v9;
	v29 =	vld [tilespmem:s12+$0x8040];
	v20 =	vadd.f32 v26, v20;
	v23 =	vmul.f32 v28, v23  }
0x1da: {  	v40 =	vld [tilespmem:s13+$0x8430];
	v26 =	vperm.xlane v21, v6;
	v19 =	vadd.f32 v24, v19;
	v24 =	vmul.f32 v30, v25  }
0x1db: {  	v27 =	vld [tilespmem:s12+$0x8050];
	v25 =	vmul.f32 v31, v59;
	v20 =	vadd.f32 v23, v20;
	v23 =	vperm.xlane v22, v8  }
0x1dc: {  	v28 =	vld [tilespmem:s12+$0x8060];
	v26 =	vmul.f32 v32, v26;
	v19 =	vadd.f32 v24, v19;
	v24 =	vperm.xlane v21, v7  }
0x1dd: {  	v63 =	vperm.xlane v22, v11;
	v30 =	vld [tilespmem:s13+$0x8400];
	v20 =	vadd.f32 v25, v20;
	v23 =	vmul.f32 v35, v23  }
0x1de: {  	v31 =	vld [tilespmem:s12+$0x8070];
	v25 =	vperm.xlane v21, v8;
	v19 =	vadd.f32 v26, v19;
	v24 =	vmul.f32 v29, v24  }
0x1df: {  	v41 =	vld [tilespmem:s12+$0x8420];
	v26 =	vmul.f32 v58, v60;
	v20 =	vadd.f32 v23, v20;
	v23 =	vperm.xlane v22, v10  }
0x1e0: {  	v42 =	vld [tilespmem:s13+$0x8450];
	v25 =	vmul.f32 v27, v25;
	v19 =	vadd.f32 v24, v19;
	v24 =	vperm.xlane v21, v9  }
0x1e1: {  	v29 =	vld [tilespmem:s13+$0x8420];
	v20 =	vadd.f32 v26, v20;
	v23 =	vmul.f32 v36, v23;
	v26 =	vperm.xlane v21, v10  }
0x1e2: {  	v43 =	vld [tilespmem:s12+$0x8440];
	v19 =	vadd.f32 v25, v19;
	v24 =	vmul.f32 v28, v24;
	v25 =	vmul.f32 v30, v63  }
0x1e3: {  	v27 =	vld [tilespmem:s12+$0x8410];
	v20 =	vadd.f32 v23, v20;
	v23 =	vperm.xlane v22, v12;
	v26 =	vmul.f32 v31, v26  }
0x1e4: {  	v44 =	vld [tilespmem:s13+$0x8470];
	v19 =	vadd.f32 v24, v19;
	v24 =	vperm.xlane v21, v11;
	v31 =	vperm.xlane v22, v13  }
0x1e5: {  	v28 =	vld [tilespmem:s13+$0x8440];
	v20 =	vadd.f32 v25, v20;
	v23 =	vmul.f32 v61, v23;
	v25 =	vperm.xlane v21, v12  }
0x1e6: {  	v30 =	vld [tilespmem:s12+$0x8430];
	v19 =	vadd.f32 v26, v19;
	v24 =	vmul.f32 v62, v24;
	v26 =	vmul.f32 v29, v31  }
0x1e7: {  	v45 =	vld [tilespmem:s12+$0x8460];
	v31 =	vperm.xlane v22, v15;
	v20 =	vadd.f32 v23, v20;
	v23 =	vperm.xlane v22, v14  }
0x1e8: {  	s21 =	simm.s32 $0x30;
	s22 =	simm.s32 $0x11920;
	s23 =	simm.s32 $0x20;
	v29 =	vld [tilespmem:s13+$0x8460];
	v25 =	vmul.f32 v27, v25;
	v19 =	vadd.f32 v24, v19;
	v24 =	vperm.xlane v21, v13  }
0x1e9: {  	s18 =	sand.u32 $0x780, s23;
	s14 =	sand.u32 $0x70, s21;
	s13 =	simm.s32 $0x200;
	v27 =	vld [tilespmem:s12+$0x8450];
	v20 =	vadd.f32 v26, v20;
	v23 =	vmul.f32 v40, v23;
	v26 =	vperm.xlane v21, v14  }
0x1ea: {  	s24 =	sand.u32 $0x7800, s13;
	v19 =	vadd.f32 v25, v19;
	v24 =	vmul.f32 v41, v24;
	v25 =	vmul.f32 v28, v31;
	v28 =	vld [tilespmem:s12+$0x8470];
	s12 =	sor.u32 s14, s18;
	s14 =	simm.s32 $0x180  }
0x1eb: {  	s16 =	sor.u32 $0x100, s24;
	s19 =	sand.u32 $0x380, s14;
	v20 =	vadd.f32 v23, v20;
	v23 =	vperm.xlane v22, v16;
	v26 =	vmul.f32 v30, v26;
	v30 =	vld [tilespmem:s22+$0x0]  }
0x1ec: {  	v46 =	vperm.xlane v22, v17;
	v31 =	vperm.xlane v21, v15;
	v24 =	vadd.f32 v24, v19;
	v19 =	vld [tilespmem:s12+$0x10900];
	s19 =	sadd.s32 s19, s16  }
0x1ed: {  	v22 =	vperm.xlane v22, v18;
	v48 =	vld [tilespmem:s19+$0x8010];
	v25 =	vadd.f32 v25, v20;
	v23 =	vmul.f32 v42, v23  }
0x1ee: {  	s25 =	simm.s32 $0x10920;
	s26 =	simm.s32 $0x100;
	v47 =	vperm.xlane v21, v16;
	v24 =	vadd.f32 v26, v24;
	v26 =	vmul.f32 v43, v31;
	v31 =	vld [tilespmem:s19+$0x8000]  }
0x1ef: {  	s18 =	sand.u32 $0x300, s26;
	v29 =	vmul.f32 v29, v46;
	v20 =	vld [tilespmem:s25+$0x0];
	v22 =	vmul.f32 v44, v22;
	v23 =	vadd.f32 v23, v25  }
0x1f0: {  	s16 =	sadd.s32 s18, s16;
	v25 =	vmul.f32 v27, v47;
	v27 =	vld [tilespmem:s12+$0x11900];
	v24 =	vadd.f32 v26, v24;
	v26 =	vperm.xlane v21, v17  }
0x1f1: {  	v21 =	vperm.xlane v21, v18;
	v49 =	vperm.xlane v19, v3;
	v23 =	vadd.f32 v29, v23;
	v29 =	vld [tilespmem:s16+$0x8000]  }
0x1f2: {  	v50 =	vperm.xlane v19, v4;
	v24 =	vadd.f32 v25, v24;
	v25 =	vmul.f32 v45, v26;
	v26 =	vld [tilespmem:s19+$0x8020]  }
0x1f3: {  	v21 =	vmul.f32 v28, v21;
	v28 =	vld [tilespmem:s16+$0x8010];
	v31 =	vmul.f32 v31, v49  }
0x1f4: {  	v22 =	vadd.f32 v22, v23;
	v23 =	vadd.f32 v25, v24;
	v24 =	vperm.xlane v20, v3;
	v25 =	vld [tilespmem:s19+$0x8030]  }
0x1f5: {  	v51 =	vperm.xlane v19, v5;
	v32 =	vmul.f32 v48, v50;
	v27 =	vadd.f32 v31, v27;
	v31 =	vld [tilespmem:s16+$0x8020]  }
0x1f6: {  	v52 =	vadd.f32 v21, v23;
	v23 =	vperm.xlane v20, v4;
	v21 =	vmul.f32 v29, v24;
	v24 =	vld [tilespmem:s19+$0x8040]  }
0x1f7: {  	v53 =	vperm.xlane v19, v6;
	v27 =	vadd.f32 v32, v27;
	v29 =	vld [tilespmem:s16+$0x8030];
	v26 =	vmul.f32 v26, v51  }
0x1f8: {  	v23 =	vmul.f32 v28, v23;
	v28 =	vperm.xlane v20, v5;
	v21 =	vadd.f32 v21, v30;
	v30 =	vld [tilespmem:s19+$0x8050]  }
0x1f9: {  	v54 =	vperm.xlane v19, v7;
	v26 =	vadd.f32 v26, v27;
	v27 =	vld [tilespmem:s16+$0x8040];
	v25 =	vmul.f32 v25, v53  }
0x1fa: {  	v21 =	vadd.f32 v23, v21;
	v23 =	vmul.f32 v31, v28;
	v28 =	vperm.xlane v20, v6;
	v31 =	vld [tilespmem:s19+$0x8060]  }
0x1fb: {  	v55 =	vperm.xlane v19, v8;
	v25 =	vadd.f32 v25, v26;
	v26 =	vld [tilespmem:s16+$0x8050];
	v24 =	vmul.f32 v24, v54  }
0x1fc: {  	v21 =	vadd.f32 v23, v21;
	v23 =	vmul.f32 v29, v28;
	v28 =	vperm.xlane v20, v7;
	v29 =	vld [tilespmem:s19+$0x8070]  }
0x1fd: {  	v56 =	vperm.xlane v19, v9;
	v24 =	vadd.f32 v24, v25;
	v25 =	vld [tilespmem:s16+$0x8060];
	v30 =	vmul.f32 v30, v55  }
0x1fe: {  	v21 =	vadd.f32 v23, v21;
	v23 =	vmul.f32 v27, v28;
	v27 =	vperm.xlane v20, v8;
	v28 =	vld [tilespmem:s19+$0x8400]  }
0x1ff: {  	v57 =	vperm.xlane v19, v10;
	v24 =	vadd.f32 v30, v24;
	v30 =	vld [tilespmem:s16+$0x8070];
	v31 =	vmul.f32 v31, v56  }
0x200: {  	v21 =	vadd.f32 v23, v21;
	v23 =	vmul.f32 v26, v27;
	v26 =	vperm.xlane v20, v9;
	v27 =	vld [tilespmem:s19+$0x8410]  }
0x201: {  	v58 =	vperm.xlane v19, v11;
	v24 =	vadd.f32 v31, v24;
	v31 =	vld [tilespmem:s16+$0x8400];
	v29 =	vmul.f32 v29, v57  }
0x202: {  	v21 =	vadd.f32 v23, v21;
	v23 =	vmul.f32 v25, v26;
	v25 =	vperm.xlane v20, v10;
	v26 =	vld [tilespmem:s19+$0x8420]  }
0x203: {  	v59 =	vperm.xlane v19, v12;
	v24 =	vadd.f32 v29, v24;
	v29 =	vld [tilespmem:s16+$0x8410];
	v28 =	vmul.f32 v28, v58  }
0x204: {  	v21 =	vadd.f32 v23, v21;
	v23 =	vmul.f32 v30, v25;
	v25 =	vperm.xlane v20, v11;
	v30 =	vld [tilespmem:s19+$0x8430]  }
0x205: {  	v60 =	vperm.xlane v19, v13;
	v24 =	vadd.f32 v28, v24;
	v28 =	vld [tilespmem:s16+$0x8420];
	v27 =	vmul.f32 v27, v59  }
0x206: {  	v21 =	vadd.f32 v23, v21;
	v23 =	vmul.f32 v31, v25;
	v25 =	vperm.xlane v20, v12;
	v31 =	vld [tilespmem:s19+$0x8440]  }
0x207: {  	v61 =	vld [tilespmem:s16+$0x8430];
	v24 =	vadd.f32 v27, v24;
	v26 =	vmul.f32 v26, v60;
	v27 =	vperm.xlane v19, v14  }
0x208: {  	v21 =	vadd.f32 v23, v21;
	v23 =	vmul.f32 v29, v25;
	v29 =	vperm.xlane v20, v13;
	v25 =	vld [tilespmem:s19+$0x8450]  }
0x209: {  	v26 =	vadd.f32 v26, v24;
	v24 =	vld [tilespmem:s16+$0x8440];
	v27 =	vmul.f32 v30, v27;
	v30 =	vperm.xlane v19, v15  }
0x20a: {  	v63 =	vperm.xlane v20, v14;
	v62 =	vadd.f32 v23, v21;
	v29 =	vmul.f32 v28, v29;
	v21 =	vld [tilespmem:s19+$0x8460]  }
0x20b: {  	s9 =	sadd.s32 $0x1, s9;
	s20 =	simm.s32 $0x11940;
	[tilespmem:s17+$0x12900] =	vst v22;
	s17 =	simm.s32 $0x12900;
	v23 =	vld [tilespmem:s16+$0x8450];
	v28 =	vperm.xlane v19, v16;
	v26 =	vadd.f32 v27, v26;
	v27 =	vmul.f32 v31, v30  }
0x20c: {  	s21 =	simm.s32 $0x10940;
	s18 =	simm.s32 $0x2;
	v22 =	vld [tilespmem:s19+$0x8470];
	[tilespmem:s17+$0x0] =	vst v52;
	s19 =	simm.s32 $0x50;
	v30 =	vmul.f32 v61, v63;
	v31 =	vperm.xlane v20, v15;
	v29 =	vadd.f32 v29, v62  }
.LBB2_7:
0x20d: {  	s22 =	sadd.s32 $0xFFFFFFF0, s19;
	s18 =	sadd.s32 $0x2, s18;
	v32 =	vld [tilespmem:s16+$0x8460];
	v26 =	vadd.f32 v27, v26;
	v25 =	vmul.f32 v25, v28;
	v27 =	vperm.xlane v19, v17;
	s13 =	sadd.s32 $0x200, s13  }
0x20e: {  	s23 =	sand.u32 $0x70, s19;
	s22 =	sand.u32 $0x780, s22;
	p0 =	slt.u32 s18, $0x7E;
	v28 =	vadd.f32 v30, v29;
	v24 =	vmul.f32 v24, v31;
	v29 =	vperm.xlane v20, v16;
	v30 =	vld [tilespmem:s16+$0x8470]  }
0x20f: {  	s14 =	sadd.s32 $0x100, s14;
	s16 =	sand.u32 $0x7800, s13;
	v31 =	vld [tilespmem:s20+$0x0];
	s23 =	sor.u32 s23, s22;
	v25 =	vadd.f32 v25, v26;
	v21 =	vmul.f32 v21, v27;
	v26 =	vperm.xlane v19, v18  }
0x210: {  	s24 =	sand.u32 $0x380, s14;
	s22 =	sadd.s32 $0xFFFFFF80, s14;
	s16 =	sor.u32 $0x100, s16;
	v27 =	vperm.xlane v20, v17;
	v19 =	vld [tilespmem:s23+$0x10900];
	v24 =	vadd.f32 v24, v28;
	v23 =	vmul.f32 v23, v29  }
0x211: {  	s25 =	sand.u32 $0x300, s22;
	s22 =	sadd.s32 s24, s16;
	v28 =	vperm.xlane v20, v18;
	v20 =	vld [tilespmem:s21+$0x0];
	v21 =	vadd.f32 v21, v25;
	v22 =	vmul.f32 v22, v26  }
0x212: {  	s16 =	sadd.s32 s25, s16;
	v25 =	vld [tilespmem:s22+$0x8000];
	v23 =	vadd.f32 v23, v24;
	v24 =	vmul.f32 v32, v27  }
0x213: {  	v26 =	vld [tilespmem:s23+$0x11900];
	v27 =	vmul.f32 v30, v28;
	v21 =	vadd.f32 v22, v21  }
0x214: {  	v22 =	vld [tilespmem:s22+$0x8010];
	v23 =	vadd.f32 v24, v23  }
0x215: {  	v24 =	vld [tilespmem:s16+$0x8000];
	v28 =	vperm.xlane v19, v3;
	[tilespmem:s12+$0x12900] =	vst v21;
	s12 =	smov.u32 s23  }
0x216: {  	v21 =	vld [tilespmem:s22+$0x8020];
	v23 =	vadd.f32 v27, v23  }
0x217: {  	s17 =	sadd.s32 $0x20, s17;
	v27 =	vld [tilespmem:s16+$0x8010];
	v25 =	vmul.f32 v25, v28;
	v28 =	vperm.xlane v19, v4  }
0x218: {  	v29 =	vperm.xlane v20, v3;
	v30 =	vld [tilespmem:s22+$0x8030];
	[tilespmem:s17+$0x0] =	vst v23  }
0x219: {  	v23 =	vld [tilespmem:s16+$0x8020];
	v25 =	vadd.f32 v25, v26;
	v22 =	vmul.f32 v22, v28;
	v26 =	vperm.xlane v19, v5  }
0x21a: {  	v28 =	vperm.xlane v20, v4;
	v24 =	vmul.f32 v24, v29;
	v29 =	vld [tilespmem:s22+$0x8040]  }
0x21b: {  	v32 =	vld [tilespmem:s16+$0x8030];
	v22 =	vadd.f32 v22, v25;
	v21 =	vmul.f32 v21, v26;
	v25 =	vperm.xlane v19, v6  }
0x21c: {  	v24 =	vadd.f32 v24, v31;
	v26 =	vmul.f32 v27, v28;
	v27 =	vperm.xlane v20, v5;
	v28 =	vld [tilespmem:s22+$0x8050]  }
0x21d: {  	v31 =	vld [tilespmem:s16+$0x8040];
	v21 =	vadd.f32 v21, v22;
	v22 =	vmul.f32 v30, v25;
	v25 =	vperm.xlane v19, v7  }
0x21e: {  	v24 =	vadd.f32 v26, v24;
	v23 =	vmul.f32 v23, v27;
	v26 =	vperm.xlane v20, v6;
	v27 =	vld [tilespmem:s22+$0x8060]  }
0x21f: {  	v30 =	vld [tilespmem:s16+$0x8050];
	v21 =	vadd.f32 v22, v21;
	v22 =	vmul.f32 v29, v25;
	v25 =	vperm.xlane v19, v8  }
0x220: {  	v23 =	vadd.f32 v23, v24;
	v24 =	vmul.f32 v32, v26;
	v26 =	vperm.xlane v20, v7;
	v29 =	vld [tilespmem:s22+$0x8070]  }
0x221: {  	v32 =	vld [tilespmem:s16+$0x8060];
	v21 =	vadd.f32 v22, v21;
	v22 =	vmul.f32 v28, v25;
	v25 =	vperm.xlane v19, v9  }
0x222: {  	v23 =	vadd.f32 v24, v23;
	v24 =	vmul.f32 v31, v26;
	v26 =	vperm.xlane v20, v8;
	v28 =	vld [tilespmem:s22+$0x8400]  }
0x223: {  	v31 =	vld [tilespmem:s16+$0x8070];
	v21 =	vadd.f32 v22, v21;
	v22 =	vmul.f32 v27, v25;
	v25 =	vperm.xlane v19, v10  }
0x224: {  	v23 =	vadd.f32 v24, v23;
	v24 =	vmul.f32 v30, v26;
	v26 =	vperm.xlane v20, v9;
	v27 =	vld [tilespmem:s22+$0x8410]  }
0x225: {  	v30 =	vld [tilespmem:s16+$0x8400];
	v21 =	vadd.f32 v22, v21;
	v22 =	vmul.f32 v29, v25;
	v25 =	vperm.xlane v19, v11  }
0x226: {  	v23 =	vadd.f32 v24, v23;
	v24 =	vmul.f32 v32, v26;
	v26 =	vperm.xlane v20, v10;
	v29 =	vld [tilespmem:s22+$0x8420]  }
0x227: {  	v32 =	vld [tilespmem:s16+$0x8410];
	v21 =	vadd.f32 v22, v21;
	v22 =	vmul.f32 v28, v25;
	v25 =	vperm.xlane v19, v12  }
0x228: {  	v23 =	vadd.f32 v24, v23;
	v24 =	vmul.f32 v31, v26;
	v26 =	vperm.xlane v20, v11;
	v28 =	vld [tilespmem:s22+$0x8430]  }
0x229: {  	v31 =	vld [tilespmem:s16+$0x8420];
	v21 =	vadd.f32 v22, v21;
	v22 =	vmul.f32 v27, v25;
	v25 =	vperm.xlane v19, v13  }
0x22a: {  	v23 =	vadd.f32 v24, v23;
	v24 =	vmul.f32 v30, v26;
	v26 =	vperm.xlane v20, v12;
	v27 =	vld [tilespmem:s22+$0x8440]  }
0x22b: {  	v30 =	vld [tilespmem:s16+$0x8430];
	v21 =	vadd.f32 v22, v21;
	v22 =	vmul.f32 v29, v25;
	v29 =	vperm.xlane v19, v14  }
.Ltmp2:
0x22c: {  	v23 =	vadd.f32 v24, v23;
	v26 =	vmul.f32 v32, v26;
	v32 =	vperm.xlane v20, v13;
	v25 =	vld [tilespmem:s22+$0x8450];
	(pc) =	sbr.rel @p0 .LBB2_7-.Ltmp2, $4  }
0x22d: {  	v24 =	vld [tilespmem:s16+$0x8440];
	v22 =	vadd.f32 v22, v21;
	v28 =	vmul.f32 v28, v29;
	v29 =	vperm.xlane v19, v15  }
0x22e: {  	v33 =	vadd.f32 v26, v23;
	v31 =	vmul.f32 v31, v32;
	v32 =	vperm.xlane v20, v14;
	v21 =	vld [tilespmem:s22+$0x8460]  }
0x22f: {  	v23 =	vld [tilespmem:s16+$0x8450];
	v26 =	vadd.f32 v28, v22;
	v27 =	vmul.f32 v27, v29;
	v28 =	vperm.xlane v19, v16  }
0x230: {  	s19 =	sadd.s32 $0x20, s19;
	s20 =	sadd.s32 $0x20, s20;
	s21 =	sadd.s32 $0x20, s21;
	v29 =	vadd.f32 v31, v33;
	v30 =	vmul.f32 v30, v32;
	v31 =	vperm.xlane v20, v15;
	v22 =	vld [tilespmem:s22+$0x8470]  }
0x231: {  	v32 =	vld [tilespmem:s16+$0x8460]  }
0x232: {  	v58 =	vperm.xlane v20, v16;
	v29 =	vadd.f32 v30, v29;
	v24 =	vmul.f32 v24, v31  }
0x233: {  	v26 =	vadd.f32 v27, v26;
	v25 =	vmul.f32 v25, v28;
	v59 =	vperm.xlane v19, v17;
	v60 =	vld [tilespmem:s16+$0x8470]  }
0x234: {  	v61 =	vperm.xlane v20, v17;
	v24 =	vadd.f32 v24, v29;
	v23 =	vmul.f32 v23, v58  }
0x235: {  	v19 =	vperm.xlane v19, v18;
	v25 =	vadd.f32 v25, v26;
	v21 =	vmul.f32 v21, v59  }
0x236: {  	v20 =	vperm.xlane v20, v18;
	v23 =	vadd.f32 v23, v24;
	v62 =	vmul.f32 v32, v61  }
0x237: {  	v21 =	vadd.f32 v21, v25;
	v19 =	vmul.f32 v22, v19  }
0x238: {  	p0 =	sne.s32 s9, $0x19;
	v20 =	vmul.f32 v60, v20;
	v63 =	vadd.f32 v62, v23  }
.Ltmp3:
0x239: {  	v19 =	vadd.f32 v19, v21;
	(pc) =	sbr.rel @p0 .LBB2_2-.Ltmp3, $4  }
0x23a: {  	v20 =	vadd.f32 v20, v63  }
0x23b: {  	s26 =	sadd.s32 $0x20, s17;
	[tilespmem:s12+$0x12900] =	vst v19  }
0x23c: {  	s10 =	sadd.s32 s8, s10;
	[tilespmem:s26+$0x0] =	vst v20  }
0x23d: {  	[hbm4b:s10+s4] =	stream.linear.scatter [tilespmem:s1], [sflag:$0x6], $0x800, $0x38;
	[tilespmem:$0x13100] =	vst v63  }
0x23e: {  	s9 =	simm.s32 $0x5  }
0x23f: {  	_ =	swait.ge [sflag:s9], $0x800  }
0x240: {  	[sflag:s9] =	ssyncset.done $0x0  }
0x241: {  	s10 =	simm.s32 $0x6;
	[sflag:s9] =	ssyncadd.s32 $0xFFFFF800  }
0x242: {  	_ =	swait.ge [sflag:s10], $0x800  }
0x243: {  	s12 =	rddreg [dreg:$0x8]  }
0x244: {  	s26 =	rddreg [dreg:$0x7];
	s12 =	sadd.s32 $0x1, s12  }
0x245: {  	p0 =	sne.s32 s12, s26  }
.Ltmp4:
0x246: {  	_ = 	snop;
	(pc) =	sbr.rel @p0 .LBB2_1-.Ltmp4, $3  }
0x247: {  	_ =	sdelay $0x1  }
0x248: {  	[sflag:s10] =	ssyncset.done $0x0  }
0x249: {  	[sflag:s10] =	ssyncadd.s32 $0xFFFFF800  }
0x24a: {  	_ =	sfence.sel $0x180000  }
0x24b: {  	[bflag:$0x0] =	sbarrier.arrive $0xFFFF  }
0x24c: {  	_ =	strace $0x9000004A  }
0x24d: {  	s0 =	stileid.u32;
	[bflag:$0x2] =	sbarrier.arrive $0xFFFF  }
0x24e: {  	p0 =	sne.s32 s0, $0x0;
	s0 =	rddreg [dreg:$0x3]  }
0x24f: {  	s0 =	sadd.s32 @!p0 $0x100000, s0  }
0x250: {  	[sflag:s0] =	ssyncadd.tile.s32 @!p0 $0x1;
	_ =	shalt  }
.Lfunc_end2:
_tile_overlayer_lowered:
.L_overlay_start_2:
0x251: {  	(tag) =	ssettag $0x2  }
0x252: {  	s0 =	rddreg [dreg:$0x0];
	s2 =	stileid.u32  }
0x253: {  	s1 =	rddreg [dreg:$0x1];
	p0 =	sne.s32 s2, $0x0  }
0x254: {  	s3 =	rddreg [dreg:$0x2];
	[bflag:$0x3] =	sbarrier.arrive $0xFFFF;
	s2 =	simm.s32 @!p0 $0x1C07  }
0x255: {  	[timem:s3], [sflag:s2] =	dma.local @!p0 [hbm:s0], s1  }
0x256: {  	s0 =	simm.s32 @!p0 $0x7  }
0x257: {  	_ =	swait.ge @!p0 [sflag:s0], s1  }
0x258: {  	s1 =	ssub.s32 @!p0 $0x0, s1;
	[sflag:s0] =	ssyncset.done @!p0 $0x0  }
0x259: {  	[sflag:s0] =	ssyncadd.s32 @!p0 s1  }
0x25a: {  	[bflag:$0x3] =	sbarrier.arrive $0xFFFF  }
0x25b: {  	_ =	shalt  }

</sc_bundles>
